<compile_context>
chip_gen: v7x
topology: tpu7x:2x2x1
jax: 0.10.2.dev20260603
libtpu: 0.0.44.dev20260713+nightly
codegen_flags: <defaults>
</compile_context>

<pallas_src>
import functools

import jax
import jax.numpy as jnp
from jax import lax
from jax.experimental import pallas as pl
from jax.experimental.pallas import tpu as pltpu
from jax.experimental.pallas import tpu_sc as plsc

E = 320000
KEY_DIM = 128
OUT_DIM = 128
S = 10000
QDIM = 80
S_PAD = QDIM * 128
B_EDGE = 2560
N_BLOCKS = E // B_EDGE
SPLITS = (34, 34, 34, 23)
N_CORES = 2
N_SUB = 16
N_TILES = N_CORES * N_SUB
CH = 80
ROWS_PER_SUB = S_PAD // N_SUB
NBUF = 4


def _emb_body(keys_ref, vals_ref, idx_ref, dprev_ref, embW_ref, embb_ref,
              swk_ref, swq_ref, q_ref, sb_ref, y_ref, d_ref):
    i = pl.program_id(0)
    c = jnp.sum(q_ref[...] * swq_ref[...]) + sb_ref[0, 0]
    keys = keys_ref[...]
    scores = jnp.dot(keys, swk_ref[...],
                     preferred_element_type=jnp.float32) + c
    p = jnp.exp(scores)
    emb = jnp.dot(vals_ref[...], embW_ref[...],
                  preferred_element_type=jnp.float32) + embb_ref[...]
    y_ref[...] = jnp.maximum(emb, 0.0) * p
    scores_r = lax.dot_general(swk_ref[...].reshape(1, KEY_DIM), keys,
                               (((1,), (1,)), ((), ())),
                               preferred_element_type=jnp.float32) + c
    p_r = jnp.exp(scores_r)
    idx = idx_ref[0]
    qf = (idx // 128).astype(jnp.float32)
    rf = (idx % 128).astype(jnp.float32)
    iq = lax.broadcasted_iota(jnp.int32, (QDIM, 1), 0).astype(jnp.float32)
    ir = lax.broadcasted_iota(jnp.int32, (128, 1), 0).astype(jnp.float32)
    qh = jnp.where(qf == iq, p_r, 0.0)
    rh = jnp.where(rf == ir, 1.0, 0.0)
    contrib = lax.dot_general(qh, rh, (((1,), (1,)), ((), ())),
                              preferred_element_type=jnp.float32)

    @pl.when(i == 0)
    def _():
        d_ref[...] = dprev_ref[...]

    d_ref[...] += contrib


def _make_rows(keys, values, idxd, dprev, blk0, nblk, emb_W, emb_b, score_W,
               score_b, query):
    swk = score_W[:KEY_DIM]
    swq = score_W[KEY_DIM:, 0][None, :]
    n_edges = nblk * B_EDGE
    return pl.pallas_call(
        _emb_body,
        grid=(nblk,),
        in_specs=[
            pl.BlockSpec((B_EDGE, KEY_DIM), lambda i: (i + blk0, 0)),
            pl.BlockSpec((B_EDGE, KEY_DIM), lambda i: (i + blk0, 0)),
            pl.BlockSpec((1, 1, B_EDGE), lambda i: (i + blk0, 0, 0)),
            pl.BlockSpec((QDIM, 128), lambda i: (0, 0)),
            pl.BlockSpec((KEY_DIM, OUT_DIM), lambda i: (0, 0)),
            pl.BlockSpec((1, OUT_DIM), lambda i: (0, 0)),
            pl.BlockSpec((KEY_DIM, 1), lambda i: (0, 0)),
            pl.BlockSpec((1, swq.shape[1]), lambda i: (0, 0)),
            pl.BlockSpec((1, swq.shape[1]), lambda i: (0, 0)),
            pl.BlockSpec((1, 1), lambda i: (0, 0)),
        ],
        out_specs=[
            pl.BlockSpec((B_EDGE, OUT_DIM), lambda i: (i, 0)),
            pl.BlockSpec((QDIM, 128), lambda i: (0, 0)),
        ],
        out_shape=[
            jax.ShapeDtypeStruct((n_edges, OUT_DIM), jnp.float32),
            jax.ShapeDtypeStruct((QDIM, 128), jnp.float32),
        ],
        input_output_aliases={3: 1},
    )(keys, values, idxd, dprev, emb_W, emb_b[None, :], swk, swq,
      query[None, :], score_b.reshape(1, 1))


def _sc_zero_init(bufs, acc_s, s):
    zv = jnp.zeros((16,), jnp.float32)

    def zstep(j, carry):
        bufs[0, j // 8, pl.ds((j % 8) * 16, 16)] = zv
        return carry

    lax.fori_loop(0, CH * 8, zstep, 0)
    for k in range(ROWS_PER_SUB // CH):
        pltpu.sync_copy(bufs.at[0],
                        acc_s.at[pl.ds(s * ROWS_PER_SUB + k * CH, CH)])


def _sc_body(n_chunk, e0, first, y_hbm, idx_hbm, init_hbm, out_hbm,
             i0, i1, i2, i3, bufs, acc_s, *sems):
    c = lax.axis_index("c")
    s = lax.axis_index("s")
    wid = c * N_SUB + s
    base = wid * (n_chunk * CH)
    ibase = e0 + base
    idx_bufs = (i0, i1, i2, i3)
    if first:
        _sc_zero_init(bufs, acc_s, s)
    else:
        pltpu.sync_copy(init_hbm.at[c, pl.ds(s * ROWS_PER_SUB, ROWS_PER_SUB)],
                        acc_s.at[pl.ds(s * ROWS_PER_SUB, ROWS_PER_SUB)])
    plsc.subcore_barrier()

    def gather_rows(j, b):
        return pltpu.make_async_copy(
            y_hbm.at[pl.ds(base + j * CH, CH)], bufs.at[b], sems[b])

    def gather_idx(j, b):
        return pltpu.make_async_copy(
            idx_hbm.at[pl.ds(ibase + j * CH, CH)], idx_bufs[b],
            sems[NBUF + b])

    def consume(j, b):
        gather_rows(j, b).wait()
        gather_idx(j, b).wait()
        pltpu.sync_copy(bufs.at[b], acc_s.at[idx_bufs[b]], add=True)

    for b in range(NBUF):
        gather_rows(b, b).start()
        gather_idx(b, b).start()

    def step(jj, carry):
        for b in range(NBUF):
            j = jj * NBUF + b
            consume(j, b)

            @pl.when(j + NBUF < n_chunk)
            def _():
                gather_rows(j + NBUF, b).start()
                gather_idx(j + NBUF, b).start()

        return carry

    lax.fori_loop(0, n_chunk // NBUF, step, 0)
    for b in range(n_chunk % NBUF):
        consume((n_chunk // NBUF) * NBUF + b, b)

    plsc.subcore_barrier()
    pltpu.sync_copy(acc_s.at[pl.ds(s * ROWS_PER_SUB, ROWS_PER_SUB)],
                    out_hbm.at[c, pl.ds(s * ROWS_PER_SUB, ROWS_PER_SUB)])


def _sc_aggregate(rows, idx32, init, e0):
    n_chunk = rows.shape[0] // (N_TILES * CH)
    first = init is None
    if first:
        init = jnp.zeros((1, 1), jnp.float32)
    mesh = plsc.VectorSubcoreMesh(core_axis_name="c", subcore_axis_name="s")
    k = functools.partial(
        pl.kernel,
        mesh=mesh,
        out_type=jax.ShapeDtypeStruct((N_CORES, S_PAD, OUT_DIM), jnp.float32),
        scratch_types=[
            pltpu.VMEM((CH,), jnp.int32),
            pltpu.VMEM((CH,), jnp.int32),
            pltpu.VMEM((CH,), jnp.int32),
            pltpu.VMEM((CH,), jnp.int32),
            pltpu.VMEM((NBUF, CH, OUT_DIM), jnp.float32),
            pltpu.VMEM_SHARED((S_PAD, OUT_DIM), jnp.float32),
        ] + [pltpu.SemaphoreType.DMA] * (2 * NBUF),
    )(functools.partial(_sc_body, n_chunk, e0, first))
    return k(rows, idx32, init)


def _combine_body(pa_ref, den_ref, out_ref):
    a = pa_ref[0] + pa_ref[1]
    out_ref[...] = a[:S] / (den_ref[...] + 1e-16)


def _combine(pa, den_col):
    return pl.pallas_call(
        _combine_body,
        out_shape=jax.ShapeDtypeStruct((S, OUT_DIM), jnp.float32),
    )(pa, den_col)


def kernel(keys, values, query, index, size, emb_W, emb_b, score_W, score_b):
    idx32 = index.astype(jnp.int32)
    idxd = idx32.reshape(N_BLOCKS, 1, B_EDGE)
    dmat = jnp.zeros((QDIM, 128), jnp.float32)
    part = None
    blk0 = 0
    for nblk in SPLITS:
        rows, dmat = _make_rows(keys, values, idxd, dmat, blk0, nblk,
                                emb_W, emb_b, score_W, score_b, query)
        part = _sc_aggregate(rows, idx32, part, blk0 * B_EDGE)
        blk0 += nblk
    den_col = dmat.reshape(-1)[:S, None]
    return _combine(part, den_col)

# --- scband reference (transcript-rebuilt; emitter-appended) ---
"""Pipeline reference for scband-attention-aggregation-5059471475157 (READ-ONLY COPY).

The authoritative reference and input builder live on the scoring server;
editing this copy changes nothing except your own understanding.
"""

import jax, jax.numpy as jnp
import numpy as np

E = 320000
KEY_DIM = 128
VALUE_DIM = 128
QUERY_DIM = 64
OUT_DIM = 128
NUM_SEGMENTS = 10000


def setup_inputs(seed: int = 0) -> dict:
    key = jax.random.key(seed)
    k1, k2, k3, k4, k5, k6, k7, k8 = jax.random.split(key, 8)
    keys = jax.random.normal(k1, (E, KEY_DIM), dtype=jnp.float32)
    values = jax.random.normal(k2, (E, VALUE_DIM), dtype=jnp.float32)
    query = jax.random.normal(k3, (QUERY_DIM,), dtype=jnp.float32)
    index = jnp.sort(jax.random.randint(k4, (E,), 0, NUM_SEGMENTS, dtype=jnp.int64))
    # learned params: embedding MLP (1 layer, Linear+ReLU) and score MLP (Linear -> 1, Identity)
    emb_W = jax.random.normal(k5, (VALUE_DIM, OUT_DIM), dtype=jnp.float32) * (1.0 / np.sqrt(VALUE_DIM))
    emb_b = jax.random.normal(k6, (OUT_DIM,), dtype=jnp.float32) * 0.01
    score_W = jax.random.normal(k7, (KEY_DIM + QUERY_DIM, 1), dtype=jnp.float32) * (1.0 / np.sqrt(KEY_DIM + QUERY_DIM))
    score_b = jax.random.normal(k8, (1,), dtype=jnp.float32) * 0.01
    return {
        "keys": keys,
        "values": values,
        "query": query,
        "index": index,
        "size": NUM_SEGMENTS,
        "emb_W": emb_W,
        "emb_b": emb_b,
        "score_W": score_W,
        "score_b": score_b,
    }


def gnn_softmax(src, index, num_segments):
    # numerically-stable segment softmax (as in torch_geometric.utils.softmax)
    seg_max = jax.ops.segment_max(src, index, num_segments=num_segments)
    seg_max = jnp.where(jnp.isfinite(seg_max), seg_max, 0.0)
    out = jnp.exp(src - seg_max[index])
    denom = jax.ops.segment_sum(out, index, num_segments=num_segments)
    return out / (denom[index] + 1e-16)


def reference(keys, values, query, index, size, emb_W, emb_b, score_W, score_b):
    size_zero = (jnp.asarray(size) - jnp.asarray(size)).astype(index.dtype)
    index = index + size_zero
    # embedding_module: MLP(value_dim -> output_dim), 1 layer, ReLU activation, bias=True
    values = jax.nn.relu(values @ emb_W + emb_b)
    # scores: concat(keys, broadcast query) -> linear -> 1 (last_activation=Identity)
    q = jnp.broadcast_to(query[None, :], (keys.shape[0], query.shape[0]))
    scores = jnp.concatenate([keys, q], axis=-1) @ score_W + score_b  # [E, 1]
    weights = gnn_softmax(scores.squeeze(-1), index, NUM_SEGMENTS)  # [E]
    # scatter_add over index with dim_size = size
    out = jax.ops.segment_sum(values * weights[:, None], index, num_segments=NUM_SEGMENTS)
    return out

if __name__ == "__main__":
    import jax
    _d = setup_inputs()
    print(jax.jit(kernel)(*tuple(_d.values())))

</pallas_src>

<mosaic_0001>
#map = affine_map<(d0, d1) -> (0, 0)>
#map1 = affine_map<(d0, d1) -> (0)>
#map2 = affine_map<(d0, d1) -> (0, 0, 0)>
module attributes {stable_mosaic.version = 14 : i64} {
  func.func @_sc_body(%arg0: i32, %arg1: i32, %arg2: memref<87040x128xf32, #tpu.memory_space<hbm>>, %arg3: memref<320000xi32, #tpu.memory_space<hbm>>, %arg4: memref<2x10240x128xf32, #tpu.memory_space<hbm>>, %arg5: memref<2x10240x128xf32, #tpu.memory_space<hbm>>, %arg6: memref<80xi32, #tpu.memory_space<vmem>>, %arg7: memref<80xi32, #tpu.memory_space<vmem>>, %arg8: memref<80xi32, #tpu.memory_space<vmem>>, %arg9: memref<80xi32, #tpu.memory_space<vmem>>, %arg10: memref<4x80x128xf32, #tpu.memory_space<vmem>>, %arg11: memref<10240x128xf32, #tpu.memory_space<vmem_shared>>, %arg12: memref<!tpu.dma_semaphore, #tpu.memory_space<semaphore_mem>>, %arg13: memref<!tpu.dma_semaphore, #tpu.memory_space<semaphore_mem>>, %arg14: memref<!tpu.dma_semaphore, #tpu.memory_space<semaphore_mem>>, %arg15: memref<!tpu.dma_semaphore, #tpu.memory_space<semaphore_mem>>, %arg16: memref<!tpu.dma_semaphore, #tpu.memory_space<semaphore_mem>>, %arg17: memref<!tpu.dma_semaphore, #tpu.memory_space<semaphore_mem>>, %arg18: memref<!tpu.dma_semaphore, #tpu.memory_space<semaphore_mem>>, %arg19: memref<!tpu.dma_semaphore, #tpu.memory_space<semaphore_mem>>) attributes {dimension_semantics = [#tpu.dimension_semantics<core_parallel>, #tpu.dimension_semantics<subcore_parallel>], iteration_bounds = array<i64: 2, 16>, scalar_prefetch = 0 : i64, scratch_operands = 14 : i64, tpu.core_type = #tpu.core_type<sc_vector_subcore>, window_params = [{transform_indices = #map}, {transform_indices = #map1}, {transform_indices = #map2}, {transform_indices = #map2}]} {
    %mul3A = arith.constant 16 : i32
    %mul3A_0 = arith.muli %arg0, %mul3A : i32
    %add3A = arith.addi %mul3A_0, %arg1 : i32
    %mul3A_1 = arith.constant 2720 : i32
    %mul3A_2 = arith.muli %add3A, %mul3A_1 : i32
    %add3A_3 = arith.constant 174080 : i32
    %add3A_4 = arith.addi %add3A_3, %mul3A_2 : i32
    %mul3A_5 = arith.constant 640 : i32
    %mul3A_6 = arith.muli %arg1, %mul3A_5 : i32
    %mul3A_7 = arith.constant 640 : i32
    %mul3A_8 = arith.muli %arg1, %mul3A_7 : i32
    "tpu.region"() ({
      %run_scoped3A_132 = tpu.sem_alloc : memref<!tpu.dma_semaphore, #tpu.memory_space<semaphore_mem>>
      %dma_start3A_133 = arith.constant 0 : i32
      %dma_start3A_134 = tpu.memref_slice %arg11[%mul3A_8, %dma_start3A_133] : memref<10240x128xf32, #tpu.memory_space<vmem_shared>> -> memref<640x128xf32, #tpu.memory_space<vmem_shared>>
      %dma_start3A_135 = arith.constant 0 : i32
      %dma_start3A_136 = tpu.memref_slice %arg4[%arg0, %mul3A_6, %dma_start3A_135] : memref<2x10240x128xf32, #tpu.memory_space<hbm>> -> memref<1x640x128xf32, #tpu.memory_space<hbm>>
      %dma_start3A_137 = tpu.memref_squeeze %dma_start3A_136 : memref<1x640x128xf32, #tpu.memory_space<hbm>> -> memref<640x128xf32, #tpu.memory_space<hbm>>
      tpu.enqueue_dma source(%dma_start3A_137 : memref<640x128xf32, #tpu.memory_space<hbm>>) target(%dma_start3A_134 : memref<640x128xf32, #tpu.memory_space<vmem_shared>>) target_semaphore(%run_scoped3A_132 : memref<!tpu.dma_semaphore, #tpu.memory_space<semaphore_mem>>)
      %dma_wait3A_138 = arith.constant 0 : i32
      %dma_wait3A_139 = tpu.memref_slice %arg11[%mul3A_8, %dma_wait3A_138] : memref<10240x128xf32, #tpu.memory_space<vmem_shared>> -> memref<640x128xf32, #tpu.memory_space<vmem_shared>>
      %dma_wait3A_140 = arith.constant 0 : i32
      %dma_wait3A_141 = tpu.memref_slice %arg4[%arg0, %mul3A_6, %dma_wait3A_140] : memref<2x10240x128xf32, #tpu.memory_space<hbm>> -> memref<1x640x128xf32, #tpu.memory_space<hbm>>
      %dma_wait3A_142 = tpu.memref_squeeze %dma_wait3A_141 : memref<1x640x128xf32, #tpu.memory_space<hbm>> -> memref<640x128xf32, #tpu.memory_space<hbm>>
      tpu.wait_dma2 semaphore(%run_scoped3A_132 : memref<!tpu.dma_semaphore, #tpu.memory_space<semaphore_mem>>) src(%dma_wait3A_142 : memref<640x128xf32, #tpu.memory_space<hbm>>) dst(%dma_wait3A_139 : memref<640x128xf32, #tpu.memory_space<vmem_shared>>)
      tpu.yield
    }) : () -> ()
    %barrier3A = arith.constant 0 : index
    tpu.barrier barrier_id(%barrier3A)
    %add3A_9 = arith.constant 0 : i32
    %add3A_10 = arith.addi %mul3A_2, %add3A_9 : i32
    %dma_start3A = arith.constant 0 : i32
    %dma_start3A_11 = arith.constant 0 : i32
    %dma_start3A_12 = arith.constant 0 : i32
    %dma_start3A_13 = tpu.memref_slice %arg10[%dma_start3A, %dma_start3A_11, %dma_start3A_12] : memref<4x80x128xf32, #tpu.memory_space<vmem>> -> memref<1x80x128xf32, #tpu.memory_space<vmem>>
    %dma_start3A_14 = tpu.memref_squeeze %dma_start3A_13 : memref<1x80x128xf32, #tpu.memory_space<vmem>> -> memref<80x128xf32, #tpu.memory_space<vmem>>
    %dma_start3A_15 = arith.constant 0 : i32
    %dma_start3A_16 = tpu.memref_slice %arg2[%add3A_10, %dma_start3A_15] : memref<87040x128xf32, #tpu.memory_space<hbm>> -> memref<80x128xf32, #tpu.memory_space<hbm>>
    %dma_start3A_17 = arith.constant 0 : i32
    %dma_start3A_18 = arith.constant 0 : i32
    %dma_start3A_19 = tpu.memref_slice %arg10[%dma_start3A, %dma_start3A_17, %dma_start3A_18] : memref<4x80x128xf32, #tpu.memory_space<vmem>> -> memref<1x80x128xf32, #tpu.memory_space<vmem>>
    %dma_start3A_20 = tpu.memref_squeeze %dma_start3A_19 : memref<1x80x128xf32, #tpu.memory_space<vmem>> -> memref<80x128xf32, #tpu.memory_space<vmem>>
    %dma_start3A_21 = arith.constant 0 : i32
    %dma_start3A_22 = tpu.memref_slice %arg2[%add3A_10, %dma_start3A_21] : memref<87040x128xf32, #tpu.memory_space<hbm>> -> memref<80x128xf32, #tpu.memory_space<hbm>>
    tpu.enqueue_dma source(%dma_start3A_22 : memref<80x128xf32, #tpu.memory_space<hbm>>) target(%dma_start3A_20 : memref<80x128xf32, #tpu.memory_space<vmem>>) target_semaphore(%arg12 : memref<!tpu.dma_semaphore, #tpu.memory_space<semaphore_mem>>)
    %add3A_23 = arith.constant 0 : i32
    %add3A_24 = arith.addi %add3A_4, %add3A_23 : i32
    %dma_start3A_25 = tpu.memref_slice %arg3[%add3A_24] : memref<320000xi32, #tpu.memory_space<hbm>> -> memref<80xi32, #tpu.memory_space<hbm>>
    %dma_start3A_26 = tpu.memref_slice %arg3[%add3A_24] : memref<320000xi32, #tpu.memory_space<hbm>> -> memref<80xi32, #tpu.memory_space<hbm>>
    tpu.enqueue_dma source(%dma_start3A_26 : memref<80xi32, #tpu.memory_space<hbm>>) target(%arg6 : memref<80xi32, #tpu.memory_space<vmem>>) target_semaphore(%arg16 : memref<!tpu.dma_semaphore, #tpu.memory_space<semaphore_mem>>)
    %add3A_27 = arith.constant 80 : i32
    %add3A_28 = arith.addi %mul3A_2, %add3A_27 : i32
    %dma_start3A_29 = arith.constant 1 : i32
    %dma_start3A_30 = arith.constant 0 : i32
    %dma_start3A_31 = arith.constant 0 : i32
    %dma_start3A_32 = tpu.memref_slice %arg10[%dma_start3A_29, %dma_start3A_30, %dma_start3A_31] : memref<4x80x128xf32, #tpu.memory_space<vmem>> -> memref<1x80x128xf32, #tpu.memory_space<vmem>>
    %dma_start3A_33 = tpu.memref_squeeze %dma_start3A_32 : memref<1x80x128xf32, #tpu.memory_space<vmem>> -> memref<80x128xf32, #tpu.memory_space<vmem>>
    %dma_start3A_34 = arith.constant 0 : i32
    %dma_start3A_35 = tpu.memref_slice %arg2[%add3A_28, %dma_start3A_34] : memref<87040x128xf32, #tpu.memory_space<hbm>> -> memref<80x128xf32, #tpu.memory_space<hbm>>
    %dma_start3A_36 = arith.constant 0 : i32
    %dma_start3A_37 = arith.constant 0 : i32
    %dma_start3A_38 = tpu.memref_slice %arg10[%dma_start3A_29, %dma_start3A_36, %dma_start3A_37] : memref<4x80x128xf32, #tpu.memory_space<vmem>> -> memref<1x80x128xf32, #tpu.memory_space<vmem>>
    %dma_start3A_39 = tpu.memref_squeeze %dma_start3A_38 : memref<1x80x128xf32, #tpu.memory_space<vmem>> -> memref<80x128xf32, #tpu.memory_space<vmem>>
    %dma_start3A_40 = arith.constant 0 : i32
    %dma_start3A_41 = tpu.memref_slice %arg2[%add3A_28, %dma_start3A_40] : memref<87040x128xf32, #tpu.memory_space<hbm>> -> memref<80x128xf32, #tpu.memory_space<hbm>>
    tpu.enqueue_dma source(%dma_start3A_41 : memref<80x128xf32, #tpu.memory_space<hbm>>) target(%dma_start3A_39 : memref<80x128xf32, #tpu.memory_space<vmem>>) target_semaphore(%arg13 : memref<!tpu.dma_semaphore, #tpu.memory_space<semaphore_mem>>)
    %add3A_42 = arith.constant 80 : i32
    %add3A_43 = arith.addi %add3A_4, %add3A_42 : i32
    %dma_start3A_44 = tpu.memref_slice %arg3[%add3A_43] : memref<320000xi32, #tpu.memory_space<hbm>> -> memref<80xi32, #tpu.memory_space<hbm>>
    %dma_start3A_45 = tpu.memref_slice %arg3[%add3A_43] : memref<320000xi32, #tpu.memory_space<hbm>> -> memref<80xi32, #tpu.memory_space<hbm>>
    tpu.enqueue_dma source(%dma_start3A_45 : memref<80xi32, #tpu.memory_space<hbm>>) target(%arg7 : memref<80xi32, #tpu.memory_space<vmem>>) target_semaphore(%arg17 : memref<!tpu.dma_semaphore, #tpu.memory_space<semaphore_mem>>)
    %add3A_46 = arith.constant 160 : i32
    %add3A_47 = arith.addi %mul3A_2, %add3A_46 : i32
    %dma_start3A_48 = arith.constant 2 : i32
    %dma_start3A_49 = arith.constant 0 : i32
    %dma_start3A_50 = arith.constant 0 : i32
    %dma_start3A_51 = tpu.memref_slice %arg10[%dma_start3A_48, %dma_start3A_49, %dma_start3A_50] : memref<4x80x128xf32, #tpu.memory_space<vmem>> -> memref<1x80x128xf32, #tpu.memory_space<vmem>>
    %dma_start3A_52 = tpu.memref_squeeze %dma_start3A_51 : memref<1x80x128xf32, #tpu.memory_space<vmem>> -> memref<80x128xf32, #tpu.memory_space<vmem>>
    %dma_start3A_53 = arith.constant 0 : i32
    %dma_start3A_54 = tpu.memref_slice %arg2[%add3A_47, %dma_start3A_53] : memref<87040x128xf32, #tpu.memory_space<hbm>> -> memref<80x128xf32, #tpu.memory_space<hbm>>
    %dma_start3A_55 = arith.constant 0 : i32
    %dma_start3A_56 = arith.constant 0 : i32
    %dma_start3A_57 = tpu.memref_slice %arg10[%dma_start3A_48, %dma_start3A_55, %dma_start3A_56] : memref<4x80x128xf32, #tpu.memory_space<vmem>> -> memref<1x80x128xf32, #tpu.memory_space<vmem>>
    %dma_start3A_58 = tpu.memref_squeeze %dma_start3A_57 : memref<1x80x128xf32, #tpu.memory_space<vmem>> -> memref<80x128xf32, #tpu.memory_space<vmem>>
    %dma_start3A_59 = arith.constant 0 : i32
    %dma_start3A_60 = tpu.memref_slice %arg2[%add3A_47, %dma_start3A_59] : memref<87040x128xf32, #tpu.memory_space<hbm>> -> memref<80x128xf32, #tpu.memory_space<hbm>>
    tpu.enqueue_dma source(%dma_start3A_60 : memref<80x128xf32, #tpu.memory_space<hbm>>) target(%dma_start3A_58 : memref<80x128xf32, #tpu.memory_space<vmem>>) target_semaphore(%arg14 : memref<!tpu.dma_semaphore, #tpu.memory_space<semaphore_mem>>)
    %add3A_61 = arith.constant 160 : i32
    %add3A_62 = arith.addi %add3A_4, %add3A_61 : i32
    %dma_start3A_63 = tpu.memref_slice %arg3[%add3A_62] : memref<320000xi32, #tpu.memory_space<hbm>> -> memref<80xi32, #tpu.memory_space<hbm>>
    %dma_start3A_64 = tpu.memref_slice %arg3[%add3A_62] : memref<320000xi32, #tpu.memory_space<hbm>> -> memref<80xi32, #tpu.memory_space<hbm>>
    tpu.enqueue_dma source(%dma_start3A_64 : memref<80xi32, #tpu.memory_space<hbm>>) target(%arg8 : memref<80xi32, #tpu.memory_space<vmem>>) target_semaphore(%arg18 : memref<!tpu.dma_semaphore, #tpu.memory_space<semaphore_mem>>)
    %add3A_65 = arith.constant 240 : i32
    %add3A_66 = arith.addi %mul3A_2, %add3A_65 : i32
    %dma_start3A_67 = arith.constant 3 : i32
    %dma_start3A_68 = arith.constant 0 : i32
    %dma_start3A_69 = arith.constant 0 : i32
    %dma_start3A_70 = tpu.memref_slice %arg10[%dma_start3A_67, %dma_start3A_68, %dma_start3A_69] : memref<4x80x128xf32, #tpu.memory_space<vmem>> -> memref<1x80x128xf32, #tpu.memory_space<vmem>>
    %dma_start3A_71 = tpu.memref_squeeze %dma_start3A_70 : memref<1x80x128xf32, #tpu.memory_space<vmem>> -> memref<80x128xf32, #tpu.memory_space<vmem>>
    %dma_start3A_72 = arith.constant 0 : i32
    %dma_start3A_73 = tpu.memref_slice %arg2[%add3A_66, %dma_start3A_72] : memref<87040x128xf32, #tpu.memory_space<hbm>> -> memref<80x128xf32, #tpu.memory_space<hbm>>
    %dma_start3A_74 = arith.constant 0 : i32
    %dma_start3A_75 = arith.constant 0 : i32
    %dma_start3A_76 = tpu.memref_slice %arg10[%dma_start3A_67, %dma_start3A_74, %dma_start3A_75] : memref<4x80x128xf32, #tpu.memory_space<vmem>> -> memref<1x80x128xf32, #tpu.memory_space<vmem>>
    %dma_start3A_77 = tpu.memref_squeeze %dma_start3A_76 : memref<1x80x128xf32, #tpu.memory_space<vmem>> -> memref<80x128xf32, #tpu.memory_space<vmem>>
    %dma_start3A_78 = arith.constant 0 : i32
    %dma_start3A_79 = tpu.memref_slice %arg2[%add3A_66, %dma_start3A_78] : memref<87040x128xf32, #tpu.memory_space<hbm>> -> memref<80x128xf32, #tpu.memory_space<hbm>>
    tpu.enqueue_dma source(%dma_start3A_79 : memref<80x128xf32, #tpu.memory_space<hbm>>) target(%dma_start3A_77 : memref<80x128xf32, #tpu.memory_space<vmem>>) target_semaphore(%arg15 : memref<!tpu.dma_semaphore, #tpu.memory_space<semaphore_mem>>)
    %add3A_80 = arith.constant 240 : i32
    %add3A_81 = arith.addi %add3A_4, %add3A_80 : i32
    %dma_start3A_82 = tpu.memref_slice %arg3[%add3A_81] : memref<320000xi32, #tpu.memory_space<hbm>> -> memref<80xi32, #tpu.memory_space<hbm>>
    %dma_start3A_83 = tpu.memref_slice %arg3[%add3A_81] : memref<320000xi32, #tpu.memory_space<hbm>> -> memref<80xi32, #tpu.memory_space<hbm>>
    tpu.enqueue_dma source(%dma_start3A_83 : memref<80xi32, #tpu.memory_space<hbm>>) target(%arg9 : memref<80xi32, #tpu.memory_space<vmem>>) target_semaphore(%arg19 : memref<!tpu.dma_semaphore, #tpu.memory_space<semaphore_mem>>)
    %scan3A = arith.constant 0 : i32
    %scan3A_84 = arith.constant 0 : i32
    %scan3A_85 = arith.constant 8 : i32
    %scan3A_86 = arith.addi %scan3A_84, %scan3A_85 : i32
    %scan3A_87 = arith.constant 1 : i32
    scf.for %scan3A_132 = %scan3A_84 to %scan3A_86 step %scan3A_87  : i32 {
      %mul3A_133 = arith.constant 4 : i32
      %mul3A_134 = arith.muli %scan3A_132, %mul3A_133 : i32
      %add3A_135 = arith.constant 0 : i32
      %add3A_136 = arith.addi %mul3A_134, %add3A_135 : i32
      %mul3A_137 = arith.constant 80 : i32
      %mul3A_138 = arith.muli %add3A_136, %mul3A_137 : i32
      %add3A_139 = arith.addi %mul3A_2, %mul3A_138 : i32
      %dma_wait3A_140 = arith.constant 0 : i32
      %dma_wait3A_141 = arith.constant 0 : i32
      %dma_wait3A_142 = arith.constant 0 : i32
      %dma_wait3A_143 = tpu.memref_slice %arg10[%dma_wait3A_140, %dma_wait3A_141, %dma_wait3A_142] : memref<4x80x128xf32, #tpu.memory_space<vmem>> -> memref<1x80x128xf32, #tpu.memory_space<vmem>>
      %dma_wait3A_144 = tpu.memref_squeeze %dma_wait3A_143 : memref<1x80x128xf32, #tpu.memory_space<vmem>> -> memref<80x128xf32, #tpu.memory_space<vmem>>
      %dma_wait3A_145 = arith.constant 0 : i32
      %dma_wait3A_146 = tpu.memref_slice %arg2[%add3A_139, %dma_wait3A_145] : memref<87040x128xf32, #tpu.memory_space<hbm>> -> memref<80x128xf32, #tpu.memory_space<hbm>>
      %dma_wait3A_147 = arith.constant 0 : i32
      %dma_wait3A_148 = arith.constant 0 : i32
      %dma_wait3A_149 = tpu.memref_slice %arg10[%dma_wait3A_140, %dma_wait3A_147, %dma_wait3A_148] : memref<4x80x128xf32, #tpu.memory_space<vmem>> -> memref<1x80x128xf32, #tpu.memory_space<vmem>>
      %dma_wait3A_150 = tpu.memref_squeeze %dma_wait3A_149 : memref<1x80x128xf32, #tpu.memory_space<vmem>> -> memref<80x128xf32, #tpu.memory_space<vmem>>
      %dma_wait3A_151 = arith.constant 0 : i32
      %dma_wait3A_152 = tpu.memref_slice %arg2[%add3A_139, %dma_wait3A_151] : memref<87040x128xf32, #tpu.memory_space<hbm>> -> memref<80x128xf32, #tpu.memory_space<hbm>>
      tpu.wait_dma2 semaphore(%arg12 : memref<!tpu.dma_semaphore, #tpu.memory_space<semaphore_mem>>) src(%dma_wait3A_152 : memref<80x128xf32, #tpu.memory_space<hbm>>) dst(%dma_wait3A_150 : memref<80x128xf32, #tpu.memory_space<vmem>>)
      %mul3A_153 = arith.constant 80 : i32
      %mul3A_154 = arith.muli %add3A_136, %mul3A_153 : i32
      %add3A_155 = arith.addi %add3A_4, %mul3A_154 : i32
      %dma_wait3A_156 = tpu.memref_slice %arg3[%add3A_155] : memref<320000xi32, #tpu.memory_space<hbm>> -> memref<80xi32, #tpu.memory_space<hbm>>
      %dma_wait3A_157 = tpu.memref_slice %arg3[%add3A_155] : memref<320000xi32, #tpu.memory_space<hbm>> -> memref<80xi32, #tpu.memory_space<hbm>>
      tpu.wait_dma2 semaphore(%arg16 : memref<!tpu.dma_semaphore, #tpu.memory_space<semaphore_mem>>) src(%dma_wait3A_157 : memref<80xi32, #tpu.memory_space<hbm>>) dst(%arg6 : memref<80xi32, #tpu.memory_space<vmem>>)
      %run_scoped3A_158 = arith.constant 0 : i32
      "tpu.region"() ({
        %run_scoped3A_262 = tpu.sem_alloc : memref<!tpu.dma_semaphore, #tpu.memory_space<semaphore_mem>>
        %dma_start3A_263 = arith.constant 0 : i32
        %dma_start3A_264 = arith.constant 0 : i32
        %dma_start3A_265 = tpu.memref_slice %arg10[%run_scoped3A_158, %dma_start3A_263, %dma_start3A_264] : memref<4x80x128xf32, #tpu.memory_space<vmem>> -> memref<1x80x128xf32, #tpu.memory_space<vmem>>
        %dma_start3A_266 = tpu.memref_squeeze %dma_start3A_265 : memref<1x80x128xf32, #tpu.memory_space<vmem>> -> memref<80x128xf32, #tpu.memory_space<vmem>>
        %dma_start3A_267 = arith.constant 0 : i32
        %dma_start3A_268 = arith.constant 0 : i32
        %dma_start3A_269 = tpu.memref_slice %arg11[%dma_start3A_267, %dma_start3A_268] : memref<10240x128xf32, #tpu.memory_space<vmem_shared>> -> memref<10240x128xf32, #tpu.memory_space<vmem_shared>>
        tpu.enqueue_indirect_dma source(%dma_start3A_266 : memref<80x128xf32, #tpu.memory_space<vmem>>) target(%dma_start3A_269 : memref<10240x128xf32, #tpu.memory_space<vmem_shared>>) offsets(%arg6 : memref<80xi32, #tpu.memory_space<vmem>>) semaphore(%run_scoped3A_262 : memref<!tpu.dma_semaphore, #tpu.memory_space<semaphore_mem>>) {add = true}
        %dma_wait3A_270 = arith.constant 0 : i32
        %dma_wait3A_271 = arith.constant 0 : i32
        %dma_wait3A_272 = tpu.memref_slice %arg10[%run_scoped3A_158, %dma_wait3A_270, %dma_wait3A_271] : memref<4x80x128xf32, #tpu.memory_space<vmem>> -> memref<1x80x128xf32, #tpu.memory_space<vmem>>
        %dma_wait3A_273 = tpu.memref_squeeze %dma_wait3A_272 : memref<1x80x128xf32, #tpu.memory_space<vmem>> -> memref<80x128xf32, #tpu.memory_space<vmem>>
        %dma_wait3A_274 = arith.constant 0 : i32
        %dma_wait3A_275 = arith.constant 0 : i32
        %dma_wait3A_276 = tpu.memref_slice %arg11[%dma_wait3A_274, %dma_wait3A_275] : memref<10240x128xf32, #tpu.memory_space<vmem_shared>> -> memref<10240x128xf32, #tpu.memory_space<vmem_shared>>
        tpu.wait_indirect_dma semaphore(%run_scoped3A_262 : memref<!tpu.dma_semaphore, #tpu.memory_space<semaphore_mem>>) src(%dma_wait3A_273 : memref<80x128xf32, #tpu.memory_space<vmem>>) dst(%dma_wait3A_276 : memref<10240x128xf32, #tpu.memory_space<vmem_shared>>)
        tpu.yield
      }) : () -> ()
      %add3A_159 = arith.constant 4 : i32
      %add3A_160 = arith.addi %add3A_136, %add3A_159 : i32
      %lt3A = arith.constant 34 : i32
      %lt3A_161 = arith.cmpi slt, %add3A_160, %lt3A : i32
      %convert_element_type3A = arith.extui %lt3A_161 : i1 to i32
      %cond3A = arith.constant 0 : i32
      %cond3A_162 = arith.cmpi ne, %convert_element_type3A, %cond3A : i32
      scf.if %cond3A_162 {
        %add3A_262 = arith.constant 4 : i32
        %add3A_263 = arith.addi %add3A_136, %add3A_262 : i32
        %mul3A_264 = arith.constant 80 : i32
        %mul3A_265 = arith.muli %add3A_263, %mul3A_264 : i32
        %add3A_266 = arith.addi %mul3A_2, %mul3A_265 : i32
        %dma_start3A_267 = arith.constant 0 : i32
        %dma_start3A_268 = arith.constant 0 : i32
        %dma_start3A_269 = arith.constant 0 : i32
        %dma_start3A_270 = tpu.memref_slice %arg10[%dma_start3A_267, %dma_start3A_268, %dma_start3A_269] : memref<4x80x128xf32, #tpu.memory_space<vmem>> -> memref<1x80x128xf32, #tpu.memory_space<vmem>>
        %dma_start3A_271 = tpu.memref_squeeze %dma_start3A_270 : memref<1x80x128xf32, #tpu.memory_space<vmem>> -> memref<80x128xf32, #tpu.memory_space<vmem>>
        %dma_start3A_272 = arith.constant 0 : i32
        %dma_start3A_273 = tpu.memref_slice %arg2[%add3A_266, %dma_start3A_272] : memref<87040x128xf32, #tpu.memory_space<hbm>> -> memref<80x128xf32, #tpu.memory_space<hbm>>
        %dma_start3A_274 = arith.constant 0 : i32
        %dma_start3A_275 = arith.constant 0 : i32
        %dma_start3A_276 = tpu.memref_slice %arg10[%dma_start3A_267, %dma_start3A_274, %dma_start3A_275] : memref<4x80x128xf32, #tpu.memory_space<vmem>> -> memref<1x80x128xf32, #tpu.memory_space<vmem>>
        %dma_start3A_277 = tpu.memref_squeeze %dma_start3A_276 : memref<1x80x128xf32, #tpu.memory_space<vmem>> -> memref<80x128xf32, #tpu.memory_space<vmem>>
        %dma_start3A_278 = arith.constant 0 : i32
        %dma_start3A_279 = tpu.memref_slice %arg2[%add3A_266, %dma_start3A_278] : memref<87040x128xf32, #tpu.memory_space<hbm>> -> memref<80x128xf32, #tpu.memory_space<hbm>>
        tpu.enqueue_dma source(%dma_start3A_279 : memref<80x128xf32, #tpu.memory_space<hbm>>) target(%dma_start3A_277 : memref<80x128xf32, #tpu.memory_space<vmem>>) target_semaphore(%arg12 : memref<!tpu.dma_semaphore, #tpu.memory_space<semaphore_mem>>)
        %add3A_280 = arith.constant 4 : i32
        %add3A_281 = arith.addi %add3A_136, %add3A_280 : i32
        %mul3A_282 = arith.constant 80 : i32
        %mul3A_283 = arith.muli %add3A_281, %mul3A_282 : i32
        %add3A_284 = arith.addi %add3A_4, %mul3A_283 : i32
        %dma_start3A_285 = tpu.memref_slice %arg3[%add3A_284] : memref<320000xi32, #tpu.memory_space<hbm>> -> memref<80xi32, #tpu.memory_space<hbm>>
        %dma_start3A_286 = tpu.memref_slice %arg3[%add3A_284] : memref<320000xi32, #tpu.memory_space<hbm>> -> memref<80xi32, #tpu.memory_space<hbm>>
        tpu.enqueue_dma source(%dma_start3A_286 : memref<80xi32, #tpu.memory_space<hbm>>) target(%arg6 : memref<80xi32, #tpu.memory_space<vmem>>) target_semaphore(%arg16 : memref<!tpu.dma_semaphore, #tpu.memory_space<semaphore_mem>>)
      } else {
      }
      %mul3A_163 = arith.constant 4 : i32
      %mul3A_164 = arith.muli %scan3A_132, %mul3A_163 : i32
      %add3A_165 = arith.constant 1 : i32
      %add3A_166 = arith.addi %mul3A_164, %add3A_165 : i32
      %mul3A_167 = arith.constant 80 : i32
      %mul3A_168 = arith.muli %add3A_166, %mul3A_167 : i32
      %add3A_169 = arith.addi %mul3A_2, %mul3A_168 : i32
      %dma_wait3A_170 = arith.constant 1 : i32
      %dma_wait3A_171 = arith.constant 0 : i32
      %dma_wait3A_172 = arith.constant 0 : i32
      %dma_wait3A_173 = tpu.memref_slice %arg10[%dma_wait3A_170, %dma_wait3A_171, %dma_wait3A_172] : memref<4x80x128xf32, #tpu.memory_space<vmem>> -> memref<1x80x128xf32, #tpu.memory_space<vmem>>
      %dma_wait3A_174 = tpu.memref_squeeze %dma_wait3A_173 : memref<1x80x128xf32, #tpu.memory_space<vmem>> -> memref<80x128xf32, #tpu.memory_space<vmem>>
      %dma_wait3A_175 = arith.constant 0 : i32
      %dma_wait3A_176 = tpu.memref_slice %arg2[%add3A_169, %dma_wait3A_175] : memref<87040x128xf32, #tpu.memory_space<hbm>> -> memref<80x128xf32, #tpu.memory_space<hbm>>
      %dma_wait3A_177 = arith.constant 0 : i32
      %dma_wait3A_178 = arith.constant 0 : i32
      %dma_wait3A_179 = tpu.memref_slice %arg10[%dma_wait3A_170, %dma_wait3A_177, %dma_wait3A_178] : memref<4x80x128xf32, #tpu.memory_space<vmem>> -> memref<1x80x128xf32, #tpu.memory_space<vmem>>
      %dma_wait3A_180 = tpu.memref_squeeze %dma_wait3A_179 : memref<1x80x128xf32, #tpu.memory_space<vmem>> -> memref<80x128xf32, #tpu.memory_space<vmem>>
      %dma_wait3A_181 = arith.constant 0 : i32
      %dma_wait3A_182 = tpu.memref_slice %arg2[%add3A_169, %dma_wait3A_181] : memref<87040x128xf32, #tpu.memory_space<hbm>> -> memref<80x128xf32, #tpu.memory_space<hbm>>
      tpu.wait_dma2 semaphore(%arg13 : memref<!tpu.dma_semaphore, #tpu.memory_space<semaphore_mem>>) src(%dma_wait3A_182 : memref<80x128xf32, #tpu.memory_space<hbm>>) dst(%dma_wait3A_180 : memref<80x128xf32, #tpu.memory_space<vmem>>)
      %mul3A_183 = arith.constant 80 : i32
      %mul3A_184 = arith.muli %add3A_166, %mul3A_183 : i32
      %add3A_185 = arith.addi %add3A_4, %mul3A_184 : i32
      %dma_wait3A_186 = tpu.memref_slice %arg3[%add3A_185] : memref<320000xi32, #tpu.memory_space<hbm>> -> memref<80xi32, #tpu.memory_space<hbm>>
      %dma_wait3A_187 = tpu.memref_slice %arg3[%add3A_185] : memref<320000xi32, #tpu.memory_space<hbm>> -> memref<80xi32, #tpu.memory_space<hbm>>
      tpu.wait_dma2 semaphore(%arg17 : memref<!tpu.dma_semaphore, #tpu.memory_space<semaphore_mem>>) src(%dma_wait3A_187 : memref<80xi32, #tpu.memory_space<hbm>>) dst(%arg7 : memref<80xi32, #tpu.memory_space<vmem>>)
      %run_scoped3A_188 = arith.constant 1 : i32
      "tpu.region"() ({
        %run_scoped3A_262 = tpu.sem_alloc : memref<!tpu.dma_semaphore, #tpu.memory_space<semaphore_mem>>
        %dma_start3A_263 = arith.constant 0 : i32
        %dma_start3A_264 = arith.constant 0 : i32
        %dma_start3A_265 = tpu.memref_slice %arg10[%run_scoped3A_188, %dma_start3A_263, %dma_start3A_264] : memref<4x80x128xf32, #tpu.memory_space<vmem>> -> memref<1x80x128xf32, #tpu.memory_space<vmem>>
        %dma_start3A_266 = tpu.memref_squeeze %dma_start3A_265 : memref<1x80x128xf32, #tpu.memory_space<vmem>> -> memref<80x128xf32, #tpu.memory_space<vmem>>
        %dma_start3A_267 = arith.constant 0 : i32
        %dma_start3A_268 = arith.constant 0 : i32
        %dma_start3A_269 = tpu.memref_slice %arg11[%dma_start3A_267, %dma_start3A_268] : memref<10240x128xf32, #tpu.memory_space<vmem_shared>> -> memref<10240x128xf32, #tpu.memory_space<vmem_shared>>
        tpu.enqueue_indirect_dma source(%dma_start3A_266 : memref<80x128xf32, #tpu.memory_space<vmem>>) target(%dma_start3A_269 : memref<10240x128xf32, #tpu.memory_space<vmem_shared>>) offsets(%arg7 : memref<80xi32, #tpu.memory_space<vmem>>) semaphore(%run_scoped3A_262 : memref<!tpu.dma_semaphore, #tpu.memory_space<semaphore_mem>>) {add = true}
        %dma_wait3A_270 = arith.constant 0 : i32
        %dma_wait3A_271 = arith.constant 0 : i32
        %dma_wait3A_272 = tpu.memref_slice %arg10[%run_scoped3A_188, %dma_wait3A_270, %dma_wait3A_271] : memref<4x80x128xf32, #tpu.memory_space<vmem>> -> memref<1x80x128xf32, #tpu.memory_space<vmem>>
        %dma_wait3A_273 = tpu.memref_squeeze %dma_wait3A_272 : memref<1x80x128xf32, #tpu.memory_space<vmem>> -> memref<80x128xf32, #tpu.memory_space<vmem>>
        %dma_wait3A_274 = arith.constant 0 : i32
        %dma_wait3A_275 = arith.constant 0 : i32
        %dma_wait3A_276 = tpu.memref_slice %arg11[%dma_wait3A_274, %dma_wait3A_275] : memref<10240x128xf32, #tpu.memory_space<vmem_shared>> -> memref<10240x128xf32, #tpu.memory_space<vmem_shared>>
        tpu.wait_indirect_dma semaphore(%run_scoped3A_262 : memref<!tpu.dma_semaphore, #tpu.memory_space<semaphore_mem>>) src(%dma_wait3A_273 : memref<80x128xf32, #tpu.memory_space<vmem>>) dst(%dma_wait3A_276 : memref<10240x128xf32, #tpu.memory_space<vmem_shared>>)
        tpu.yield
      }) : () -> ()
      %add3A_189 = arith.constant 4 : i32
      %add3A_190 = arith.addi %add3A_166, %add3A_189 : i32
      %lt3A_191 = arith.constant 34 : i32
      %lt3A_192 = arith.cmpi slt, %add3A_190, %lt3A_191 : i32
      %convert_element_type3A_193 = arith.extui %lt3A_192 : i1 to i32
      %cond3A_194 = arith.constant 0 : i32
      %cond3A_195 = arith.cmpi ne, %convert_element_type3A_193, %cond3A_194 : i32
      scf.if %cond3A_195 {
        %add3A_262 = arith.constant 4 : i32
        %add3A_263 = arith.addi %add3A_166, %add3A_262 : i32
        %mul3A_264 = arith.constant 80 : i32
        %mul3A_265 = arith.muli %add3A_263, %mul3A_264 : i32
        %add3A_266 = arith.addi %mul3A_2, %mul3A_265 : i32
        %dma_start3A_267 = arith.constant 1 : i32
        %dma_start3A_268 = arith.constant 0 : i32
        %dma_start3A_269 = arith.constant 0 : i32
        %dma_start3A_270 = tpu.memref_slice %arg10[%dma_start3A_267, %dma_start3A_268, %dma_start3A_269] : memref<4x80x128xf32, #tpu.memory_space<vmem>> -> memref<1x80x128xf32, #tpu.memory_space<vmem>>
        %dma_start3A_271 = tpu.memref_squeeze %dma_start3A_270 : memref<1x80x128xf32, #tpu.memory_space<vmem>> -> memref<80x128xf32, #tpu.memory_space<vmem>>
        %dma_start3A_272 = arith.constant 0 : i32
        %dma_start3A_273 = tpu.memref_slice %arg2[%add3A_266, %dma_start3A_272] : memref<87040x128xf32, #tpu.memory_space<hbm>> -> memref<80x128xf32, #tpu.memory_space<hbm>>
        %dma_start3A_274 = arith.constant 0 : i32
        %dma_start3A_275 = arith.constant 0 : i32
        %dma_start3A_276 = tpu.memref_slice %arg10[%dma_start3A_267, %dma_start3A_274, %dma_start3A_275] : memref<4x80x128xf32, #tpu.memory_space<vmem>> -> memref<1x80x128xf32, #tpu.memory_space<vmem>>
        %dma_start3A_277 = tpu.memref_squeeze %dma_start3A_276 : memref<1x80x128xf32, #tpu.memory_space<vmem>> -> memref<80x128xf32, #tpu.memory_space<vmem>>
        %dma_start3A_278 = arith.constant 0 : i32
        %dma_start3A_279 = tpu.memref_slice %arg2[%add3A_266, %dma_start3A_278] : memref<87040x128xf32, #tpu.memory_space<hbm>> -> memref<80x128xf32, #tpu.memory_space<hbm>>
        tpu.enqueue_dma source(%dma_start3A_279 : memref<80x128xf32, #tpu.memory_space<hbm>>) target(%dma_start3A_277 : memref<80x128xf32, #tpu.memory_space<vmem>>) target_semaphore(%arg13 : memref<!tpu.dma_semaphore, #tpu.memory_space<semaphore_mem>>)
        %add3A_280 = arith.constant 4 : i32
        %add3A_281 = arith.addi %add3A_166, %add3A_280 : i32
        %mul3A_282 = arith.constant 80 : i32
        %mul3A_283 = arith.muli %add3A_281, %mul3A_282 : i32
        %add3A_284 = arith.addi %add3A_4, %mul3A_283 : i32
        %dma_start3A_285 = tpu.memref_slice %arg3[%add3A_284] : memref<320000xi32, #tpu.memory_space<hbm>> -> memref<80xi32, #tpu.memory_space<hbm>>
        %dma_start3A_286 = tpu.memref_slice %arg3[%add3A_284] : memref<320000xi32, #tpu.memory_space<hbm>> -> memref<80xi32, #tpu.memory_space<hbm>>
        tpu.enqueue_dma source(%dma_start3A_286 : memref<80xi32, #tpu.memory_space<hbm>>) target(%arg7 : memref<80xi32, #tpu.memory_space<vmem>>) target_semaphore(%arg17 : memref<!tpu.dma_semaphore, #tpu.memory_space<semaphore_mem>>)
      } else {
      }
      %mul3A_196 = arith.constant 4 : i32
      %mul3A_197 = arith.muli %scan3A_132, %mul3A_196 : i32
      %add3A_198 = arith.constant 2 : i32
      %add3A_199 = arith.addi %mul3A_197, %add3A_198 : i32
      %mul3A_200 = arith.constant 80 : i32
      %mul3A_201 = arith.muli %add3A_199, %mul3A_200 : i32
      %add3A_202 = arith.addi %mul3A_2, %mul3A_201 : i32
      %dma_wait3A_203 = arith.constant 2 : i32
      %dma_wait3A_204 = arith.constant 0 : i32
      %dma_wait3A_205 = arith.constant 0 : i32
      %dma_wait3A_206 = tpu.memref_slice %arg10[%dma_wait3A_203, %dma_wait3A_204, %dma_wait3A_205] : memref<4x80x128xf32, #tpu.memory_space<vmem>> -> memref<1x80x128xf32, #tpu.memory_space<vmem>>
      %dma_wait3A_207 = tpu.memref_squeeze %dma_wait3A_206 : memref<1x80x128xf32, #tpu.memory_space<vmem>> -> memref<80x128xf32, #tpu.memory_space<vmem>>
      %dma_wait3A_208 = arith.constant 0 : i32
      %dma_wait3A_209 = tpu.memref_slice %arg2[%add3A_202, %dma_wait3A_208] : memref<87040x128xf32, #tpu.memory_space<hbm>> -> memref<80x128xf32, #tpu.memory_space<hbm>>
      %dma_wait3A_210 = arith.constant 0 : i32
      %dma_wait3A_211 = arith.constant 0 : i32
      %dma_wait3A_212 = tpu.memref_slice %arg10[%dma_wait3A_203, %dma_wait3A_210, %dma_wait3A_211] : memref<4x80x128xf32, #tpu.memory_space<vmem>> -> memref<1x80x128xf32, #tpu.memory_space<vmem>>
      %dma_wait3A_213 = tpu.memref_squeeze %dma_wait3A_212 : memref<1x80x128xf32, #tpu.memory_space<vmem>> -> memref<80x128xf32, #tpu.memory_space<vmem>>
      %dma_wait3A_214 = arith.constant 0 : i32
      %dma_wait3A_215 = tpu.memref_slice %arg2[%add3A_202, %dma_wait3A_214] : memref<87040x128xf32, #tpu.memory_space<hbm>> -> memref<80x128xf32, #tpu.memory_space<hbm>>
      tpu.wait_dma2 semaphore(%arg14 : memref<!tpu.dma_semaphore, #tpu.memory_space<semaphore_mem>>) src(%dma_wait3A_215 : memref<80x128xf32, #tpu.memory_space<hbm>>) dst(%dma_wait3A_213 : memref<80x128xf32, #tpu.memory_space<vmem>>)
      %mul3A_216 = arith.constant 80 : i32
      %mul3A_217 = arith.muli %add3A_199, %mul3A_216 : i32
      %add3A_218 = arith.addi %add3A_4, %mul3A_217 : i32
      %dma_wait3A_219 = tpu.memref_slice %arg3[%add3A_218] : memref<320000xi32, #tpu.memory_space<hbm>> -> memref<80xi32, #tpu.memory_space<hbm>>
      %dma_wait3A_220 = tpu.memref_slice %arg3[%add3A_218] : memref<320000xi32, #tpu.memory_space<hbm>> -> memref<80xi32, #tpu.memory_space<hbm>>
      tpu.wait_dma2 semaphore(%arg18 : memref<!tpu.dma_semaphore, #tpu.memory_space<semaphore_mem>>) src(%dma_wait3A_220 : memref<80xi32, #tpu.memory_space<hbm>>) dst(%arg8 : memref<80xi32, #tpu.memory_space<vmem>>)
      %run_scoped3A_221 = arith.constant 2 : i32
      "tpu.region"() ({
        %run_scoped3A_262 = tpu.sem_alloc : memref<!tpu.dma_semaphore, #tpu.memory_space<semaphore_mem>>
        %dma_start3A_263 = arith.constant 0 : i32
        %dma_start3A_264 = arith.constant 0 : i32
        %dma_start3A_265 = tpu.memref_slice %arg10[%run_scoped3A_221, %dma_start3A_263, %dma_start3A_264] : memref<4x80x128xf32, #tpu.memory_space<vmem>> -> memref<1x80x128xf32, #tpu.memory_space<vmem>>
        %dma_start3A_266 = tpu.memref_squeeze %dma_start3A_265 : memref<1x80x128xf32, #tpu.memory_space<vmem>> -> memref<80x128xf32, #tpu.memory_space<vmem>>
        %dma_start3A_267 = arith.constant 0 : i32
        %dma_start3A_268 = arith.constant 0 : i32
        %dma_start3A_269 = tpu.memref_slice %arg11[%dma_start3A_267, %dma_start3A_268] : memref<10240x128xf32, #tpu.memory_space<vmem_shared>> -> memref<10240x128xf32, #tpu.memory_space<vmem_shared>>
        tpu.enqueue_indirect_dma source(%dma_start3A_266 : memref<80x128xf32, #tpu.memory_space<vmem>>) target(%dma_start3A_269 : memref<10240x128xf32, #tpu.memory_space<vmem_shared>>) offsets(%arg8 : memref<80xi32, #tpu.memory_space<vmem>>) semaphore(%run_scoped3A_262 : memref<!tpu.dma_semaphore, #tpu.memory_space<semaphore_mem>>) {add = true}
        %dma_wait3A_270 = arith.constant 0 : i32
        %dma_wait3A_271 = arith.constant 0 : i32
        %dma_wait3A_272 = tpu.memref_slice %arg10[%run_scoped3A_221, %dma_wait3A_270, %dma_wait3A_271] : memref<4x80x128xf32, #tpu.memory_space<vmem>> -> memref<1x80x128xf32, #tpu.memory_space<vmem>>
        %dma_wait3A_273 = tpu.memref_squeeze %dma_wait3A_272 : memref<1x80x128xf32, #tpu.memory_space<vmem>> -> memref<80x128xf32, #tpu.memory_space<vmem>>
        %dma_wait3A_274 = arith.constant 0 : i32
        %dma_wait3A_275 = arith.constant 0 : i32
        %dma_wait3A_276 = tpu.memref_slice %arg11[%dma_wait3A_274, %dma_wait3A_275] : memref<10240x128xf32, #tpu.memory_space<vmem_shared>> -> memref<10240x128xf32, #tpu.memory_space<vmem_shared>>
        tpu.wait_indirect_dma semaphore(%run_scoped3A_262 : memref<!tpu.dma_semaphore, #tpu.memory_space<semaphore_mem>>) src(%dma_wait3A_273 : memref<80x128xf32, #tpu.memory_space<vmem>>) dst(%dma_wait3A_276 : memref<10240x128xf32, #tpu.memory_space<vmem_shared>>)
        tpu.yield
      }) : () -> ()
      %add3A_222 = arith.constant 4 : i32
      %add3A_223 = arith.addi %add3A_199, %add3A_222 : i32
      %lt3A_224 = arith.constant 34 : i32
      %lt3A_225 = arith.cmpi slt, %add3A_223, %lt3A_224 : i32
      %convert_element_type3A_226 = arith.extui %lt3A_225 : i1 to i32
      %cond3A_227 = arith.constant 0 : i32
      %cond3A_228 = arith.cmpi ne, %convert_element_type3A_226, %cond3A_227 : i32
      scf.if %cond3A_228 {
        %add3A_262 = arith.constant 4 : i32
        %add3A_263 = arith.addi %add3A_199, %add3A_262 : i32
        %mul3A_264 = arith.constant 80 : i32
        %mul3A_265 = arith.muli %add3A_263, %mul3A_264 : i32
        %add3A_266 = arith.addi %mul3A_2, %mul3A_265 : i32
        %dma_start3A_267 = arith.constant 2 : i32
        %dma_start3A_268 = arith.constant 0 : i32
        %dma_start3A_269 = arith.constant 0 : i32
        %dma_start3A_270 = tpu.memref_slice %arg10[%dma_start3A_267, %dma_start3A_268, %dma_start3A_269] : memref<4x80x128xf32, #tpu.memory_space<vmem>> -> memref<1x80x128xf32, #tpu.memory_space<vmem>>
        %dma_start3A_271 = tpu.memref_squeeze %dma_start3A_270 : memref<1x80x128xf32, #tpu.memory_space<vmem>> -> memref<80x128xf32, #tpu.memory_space<vmem>>
        %dma_start3A_272 = arith.constant 0 : i32
        %dma_start3A_273 = tpu.memref_slice %arg2[%add3A_266, %dma_start3A_272] : memref<87040x128xf32, #tpu.memory_space<hbm>> -> memref<80x128xf32, #tpu.memory_space<hbm>>
        %dma_start3A_274 = arith.constant 0 : i32
        %dma_start3A_275 = arith.constant 0 : i32
        %dma_start3A_276 = tpu.memref_slice %arg10[%dma_start3A_267, %dma_start3A_274, %dma_start3A_275] : memref<4x80x128xf32, #tpu.memory_space<vmem>> -> memref<1x80x128xf32, #tpu.memory_space<vmem>>
        %dma_start3A_277 = tpu.memref_squeeze %dma_start3A_276 : memref<1x80x128xf32, #tpu.memory_space<vmem>> -> memref<80x128xf32, #tpu.memory_space<vmem>>
        %dma_start3A_278 = arith.constant 0 : i32
        %dma_start3A_279 = tpu.memref_slice %arg2[%add3A_266, %dma_start3A_278] : memref<87040x128xf32, #tpu.memory_space<hbm>> -> memref<80x128xf32, #tpu.memory_space<hbm>>
        tpu.enqueue_dma source(%dma_start3A_279 : memref<80x128xf32, #tpu.memory_space<hbm>>) target(%dma_start3A_277 : memref<80x128xf32, #tpu.memory_space<vmem>>) target_semaphore(%arg14 : memref<!tpu.dma_semaphore, #tpu.memory_space<semaphore_mem>>)
        %add3A_280 = arith.constant 4 : i32
        %add3A_281 = arith.addi %add3A_199, %add3A_280 : i32
        %mul3A_282 = arith.constant 80 : i32
        %mul3A_283 = arith.muli %add3A_281, %mul3A_282 : i32
        %add3A_284 = arith.addi %add3A_4, %mul3A_283 : i32
        %dma_start3A_285 = tpu.memref_slice %arg3[%add3A_284] : memref<320000xi32, #tpu.memory_space<hbm>> -> memref<80xi32, #tpu.memory_space<hbm>>
        %dma_start3A_286 = tpu.memref_slice %arg3[%add3A_284] : memref<320000xi32, #tpu.memory_space<hbm>> -> memref<80xi32, #tpu.memory_space<hbm>>
        tpu.enqueue_dma source(%dma_start3A_286 : memref<80xi32, #tpu.memory_space<hbm>>) target(%arg8 : memref<80xi32, #tpu.memory_space<vmem>>) target_semaphore(%arg18 : memref<!tpu.dma_semaphore, #tpu.memory_space<semaphore_mem>>)
      } else {
      }
      %mul3A_229 = arith.constant 4 : i32
      %mul3A_230 = arith.muli %scan3A_132, %mul3A_229 : i32
      %add3A_231 = arith.constant 3 : i32
      %add3A_232 = arith.addi %mul3A_230, %add3A_231 : i32
      %mul3A_233 = arith.constant 80 : i32
      %mul3A_234 = arith.muli %add3A_232, %mul3A_233 : i32
      %add3A_235 = arith.addi %mul3A_2, %mul3A_234 : i32
      %dma_wait3A_236 = arith.constant 3 : i32
      %dma_wait3A_237 = arith.constant 0 : i32
      %dma_wait3A_238 = arith.constant 0 : i32
      %dma_wait3A_239 = tpu.memref_slice %arg10[%dma_wait3A_236, %dma_wait3A_237, %dma_wait3A_238] : memref<4x80x128xf32, #tpu.memory_space<vmem>> -> memref<1x80x128xf32, #tpu.memory_space<vmem>>
      %dma_wait3A_240 = tpu.memref_squeeze %dma_wait3A_239 : memref<1x80x128xf32, #tpu.memory_space<vmem>> -> memref<80x128xf32, #tpu.memory_space<vmem>>
      %dma_wait3A_241 = arith.constant 0 : i32
      %dma_wait3A_242 = tpu.memref_slice %arg2[%add3A_235, %dma_wait3A_241] : memref<87040x128xf32, #tpu.memory_space<hbm>> -> memref<80x128xf32, #tpu.memory_space<hbm>>
      %dma_wait3A_243 = arith.constant 0 : i32
      %dma_wait3A_244 = arith.constant 0 : i32
      %dma_wait3A_245 = tpu.memref_slice %arg10[%dma_wait3A_236, %dma_wait3A_243, %dma_wait3A_244] : memref<4x80x128xf32, #tpu.memory_space<vmem>> -> memref<1x80x128xf32, #tpu.memory_space<vmem>>
      %dma_wait3A_246 = tpu.memref_squeeze %dma_wait3A_245 : memref<1x80x128xf32, #tpu.memory_space<vmem>> -> memref<80x128xf32, #tpu.memory_space<vmem>>
      %dma_wait3A_247 = arith.constant 0 : i32
      %dma_wait3A_248 = tpu.memref_slice %arg2[%add3A_235, %dma_wait3A_247] : memref<87040x128xf32, #tpu.memory_space<hbm>> -> memref<80x128xf32, #tpu.memory_space<hbm>>
      tpu.wait_dma2 semaphore(%arg15 : memref<!tpu.dma_semaphore, #tpu.memory_space<semaphore_mem>>) src(%dma_wait3A_248 : memref<80x128xf32, #tpu.memory_space<hbm>>) dst(%dma_wait3A_246 : memref<80x128xf32, #tpu.memory_space<vmem>>)
      %mul3A_249 = arith.constant 80 : i32
      %mul3A_250 = arith.muli %add3A_232, %mul3A_249 : i32
      %add3A_251 = arith.addi %add3A_4, %mul3A_250 : i32
      %dma_wait3A_252 = tpu.memref_slice %arg3[%add3A_251] : memref<320000xi32, #tpu.memory_space<hbm>> -> memref<80xi32, #tpu.memory_space<hbm>>
      %dma_wait3A_253 = tpu.memref_slice %arg3[%add3A_251] : memref<320000xi32, #tpu.memory_space<hbm>> -> memref<80xi32, #tpu.memory_space<hbm>>
      tpu.wait_dma2 semaphore(%arg19 : memref<!tpu.dma_semaphore, #tpu.memory_space<semaphore_mem>>) src(%dma_wait3A_253 : memref<80xi32, #tpu.memory_space<hbm>>) dst(%arg9 : memref<80xi32, #tpu.memory_space<vmem>>)
      %run_scoped3A_254 = arith.constant 3 : i32
      "tpu.region"() ({
        %run_scoped3A_262 = tpu.sem_alloc : memref<!tpu.dma_semaphore, #tpu.memory_space<semaphore_mem>>
        %dma_start3A_263 = arith.constant 0 : i32
        %dma_start3A_264 = arith.constant 0 : i32
        %dma_start3A_265 = tpu.memref_slice %arg10[%run_scoped3A_254, %dma_start3A_263, %dma_start3A_264] : memref<4x80x128xf32, #tpu.memory_space<vmem>> -> memref<1x80x128xf32, #tpu.memory_space<vmem>>
        %dma_start3A_266 = tpu.memref_squeeze %dma_start3A_265 : memref<1x80x128xf32, #tpu.memory_space<vmem>> -> memref<80x128xf32, #tpu.memory_space<vmem>>
        %dma_start3A_267 = arith.constant 0 : i32
        %dma_start3A_268 = arith.constant 0 : i32
        %dma_start3A_269 = tpu.memref_slice %arg11[%dma_start3A_267, %dma_start3A_268] : memref<10240x128xf32, #tpu.memory_space<vmem_shared>> -> memref<10240x128xf32, #tpu.memory_space<vmem_shared>>
        tpu.enqueue_indirect_dma source(%dma_start3A_266 : memref<80x128xf32, #tpu.memory_space<vmem>>) target(%dma_start3A_269 : memref<10240x128xf32, #tpu.memory_space<vmem_shared>>) offsets(%arg9 : memref<80xi32, #tpu.memory_space<vmem>>) semaphore(%run_scoped3A_262 : memref<!tpu.dma_semaphore, #tpu.memory_space<semaphore_mem>>) {add = true}
        %dma_wait3A_270 = arith.constant 0 : i32
        %dma_wait3A_271 = arith.constant 0 : i32
        %dma_wait3A_272 = tpu.memref_slice %arg10[%run_scoped3A_254, %dma_wait3A_270, %dma_wait3A_271] : memref<4x80x128xf32, #tpu.memory_space<vmem>> -> memref<1x80x128xf32, #tpu.memory_space<vmem>>
        %dma_wait3A_273 = tpu.memref_squeeze %dma_wait3A_272 : memref<1x80x128xf32, #tpu.memory_space<vmem>> -> memref<80x128xf32, #tpu.memory_space<vmem>>
        %dma_wait3A_274 = arith.constant 0 : i32
        %dma_wait3A_275 = arith.constant 0 : i32
        %dma_wait3A_276 = tpu.memref_slice %arg11[%dma_wait3A_274, %dma_wait3A_275] : memref<10240x128xf32, #tpu.memory_space<vmem_shared>> -> memref<10240x128xf32, #tpu.memory_space<vmem_shared>>
        tpu.wait_indirect_dma semaphore(%run_scoped3A_262 : memref<!tpu.dma_semaphore, #tpu.memory_space<semaphore_mem>>) src(%dma_wait3A_273 : memref<80x128xf32, #tpu.memory_space<vmem>>) dst(%dma_wait3A_276 : memref<10240x128xf32, #tpu.memory_space<vmem_shared>>)
        tpu.yield
      }) : () -> ()
      %add3A_255 = arith.constant 4 : i32
      %add3A_256 = arith.addi %add3A_232, %add3A_255 : i32
      %lt3A_257 = arith.constant 34 : i32
      %lt3A_258 = arith.cmpi slt, %add3A_256, %lt3A_257 : i32
      %convert_element_type3A_259 = arith.extui %lt3A_258 : i1 to i32
      %cond3A_260 = arith.constant 0 : i32
      %cond3A_261 = arith.cmpi ne, %convert_element_type3A_259, %cond3A_260 : i32
      scf.if %cond3A_261 {
        %add3A_262 = arith.constant 4 : i32
        %add3A_263 = arith.addi %add3A_232, %add3A_262 : i32
        %mul3A_264 = arith.constant 80 : i32
        %mul3A_265 = arith.muli %add3A_263, %mul3A_264 : i32
        %add3A_266 = arith.addi %mul3A_2, %mul3A_265 : i32
        %dma_start3A_267 = arith.constant 3 : i32
        %dma_start3A_268 = arith.constant 0 : i32
        %dma_start3A_269 = arith.constant 0 : i32
        %dma_start3A_270 = tpu.memref_slice %arg10[%dma_start3A_267, %dma_start3A_268, %dma_start3A_269] : memref<4x80x128xf32, #tpu.memory_space<vmem>> -> memref<1x80x128xf32, #tpu.memory_space<vmem>>
        %dma_start3A_271 = tpu.memref_squeeze %dma_start3A_270 : memref<1x80x128xf32, #tpu.memory_space<vmem>> -> memref<80x128xf32, #tpu.memory_space<vmem>>
        %dma_start3A_272 = arith.constant 0 : i32
        %dma_start3A_273 = tpu.memref_slice %arg2[%add3A_266, %dma_start3A_272] : memref<87040x128xf32, #tpu.memory_space<hbm>> -> memref<80x128xf32, #tpu.memory_space<hbm>>
        %dma_start3A_274 = arith.constant 0 : i32
        %dma_start3A_275 = arith.constant 0 : i32
        %dma_start3A_276 = tpu.memref_slice %arg10[%dma_start3A_267, %dma_start3A_274, %dma_start3A_275] : memref<4x80x128xf32, #tpu.memory_space<vmem>> -> memref<1x80x128xf32, #tpu.memory_space<vmem>>
        %dma_start3A_277 = tpu.memref_squeeze %dma_start3A_276 : memref<1x80x128xf32, #tpu.memory_space<vmem>> -> memref<80x128xf32, #tpu.memory_space<vmem>>
        %dma_start3A_278 = arith.constant 0 : i32
        %dma_start3A_279 = tpu.memref_slice %arg2[%add3A_266, %dma_start3A_278] : memref<87040x128xf32, #tpu.memory_space<hbm>> -> memref<80x128xf32, #tpu.memory_space<hbm>>
        tpu.enqueue_dma source(%dma_start3A_279 : memref<80x128xf32, #tpu.memory_space<hbm>>) target(%dma_start3A_277 : memref<80x128xf32, #tpu.memory_space<vmem>>) target_semaphore(%arg15 : memref<!tpu.dma_semaphore, #tpu.memory_space<semaphore_mem>>)
        %add3A_280 = arith.constant 4 : i32
        %add3A_281 = arith.addi %add3A_232, %add3A_280 : i32
        %mul3A_282 = arith.constant 80 : i32
        %mul3A_283 = arith.muli %add3A_281, %mul3A_282 : i32
        %add3A_284 = arith.addi %add3A_4, %mul3A_283 : i32
        %dma_start3A_285 = tpu.memref_slice %arg3[%add3A_284] : memref<320000xi32, #tpu.memory_space<hbm>> -> memref<80xi32, #tpu.memory_space<hbm>>
        %dma_start3A_286 = tpu.memref_slice %arg3[%add3A_284] : memref<320000xi32, #tpu.memory_space<hbm>> -> memref<80xi32, #tpu.memory_space<hbm>>
        tpu.enqueue_dma source(%dma_start3A_286 : memref<80xi32, #tpu.memory_space<hbm>>) target(%arg9 : memref<80xi32, #tpu.memory_space<vmem>>) target_semaphore(%arg19 : memref<!tpu.dma_semaphore, #tpu.memory_space<semaphore_mem>>)
      } else {
      }
    }
    %scan3A_88 = arith.constant 8 : i32
    %add3A_89 = arith.constant 2560 : i32
    %add3A_90 = arith.addi %mul3A_2, %add3A_89 : i32
    %dma_wait3A = arith.constant 0 : i32
    %dma_wait3A_91 = arith.constant 0 : i32
    %dma_wait3A_92 = arith.constant 0 : i32
    %dma_wait3A_93 = tpu.memref_slice %arg10[%dma_wait3A, %dma_wait3A_91, %dma_wait3A_92] : memref<4x80x128xf32, #tpu.memory_space<vmem>> -> memref<1x80x128xf32, #tpu.memory_space<vmem>>
    %dma_wait3A_94 = tpu.memref_squeeze %dma_wait3A_93 : memref<1x80x128xf32, #tpu.memory_space<vmem>> -> memref<80x128xf32, #tpu.memory_space<vmem>>
    %dma_wait3A_95 = arith.constant 0 : i32
    %dma_wait3A_96 = tpu.memref_slice %arg2[%add3A_90, %dma_wait3A_95] : memref<87040x128xf32, #tpu.memory_space<hbm>> -> memref<80x128xf32, #tpu.memory_space<hbm>>
    %dma_wait3A_97 = arith.constant 0 : i32
    %dma_wait3A_98 = arith.constant 0 : i32
    %dma_wait3A_99 = tpu.memref_slice %arg10[%dma_wait3A, %dma_wait3A_97, %dma_wait3A_98] : memref<4x80x128xf32, #tpu.memory_space<vmem>> -> memref<1x80x128xf32, #tpu.memory_space<vmem>>
    %dma_wait3A_100 = tpu.memref_squeeze %dma_wait3A_99 : memref<1x80x128xf32, #tpu.memory_space<vmem>> -> memref<80x128xf32, #tpu.memory_space<vmem>>
    %dma_wait3A_101 = arith.constant 0 : i32
    %dma_wait3A_102 = tpu.memref_slice %arg2[%add3A_90, %dma_wait3A_101] : memref<87040x128xf32, #tpu.memory_space<hbm>> -> memref<80x128xf32, #tpu.memory_space<hbm>>
    tpu.wait_dma2 semaphore(%arg12 : memref<!tpu.dma_semaphore, #tpu.memory_space<semaphore_mem>>) src(%dma_wait3A_102 : memref<80x128xf32, #tpu.memory_space<hbm>>) dst(%dma_wait3A_100 : memref<80x128xf32, #tpu.memory_space<vmem>>)
    %add3A_103 = arith.constant 2560 : i32
    %add3A_104 = arith.addi %add3A_4, %add3A_103 : i32
    %dma_wait3A_105 = tpu.memref_slice %arg3[%add3A_104] : memref<320000xi32, #tpu.memory_space<hbm>> -> memref<80xi32, #tpu.memory_space<hbm>>
    %dma_wait3A_106 = tpu.memref_slice %arg3[%add3A_104] : memref<320000xi32, #tpu.memory_space<hbm>> -> memref<80xi32, #tpu.memory_space<hbm>>
    tpu.wait_dma2 semaphore(%arg16 : memref<!tpu.dma_semaphore, #tpu.memory_space<semaphore_mem>>) src(%dma_wait3A_106 : memref<80xi32, #tpu.memory_space<hbm>>) dst(%arg6 : memref<80xi32, #tpu.memory_space<vmem>>)
    %run_scoped3A = arith.constant 0 : i32
    "tpu.region"() ({
      %run_scoped3A_132 = tpu.sem_alloc : memref<!tpu.dma_semaphore, #tpu.memory_space<semaphore_mem>>
      %dma_start3A_133 = arith.constant 0 : i32
      %dma_start3A_134 = arith.constant 0 : i32
      %dma_start3A_135 = tpu.memref_slice %arg10[%run_scoped3A, %dma_start3A_133, %dma_start3A_134] : memref<4x80x128xf32, #tpu.memory_space<vmem>> -> memref<1x80x128xf32, #tpu.memory_space<vmem>>
      %dma_start3A_136 = tpu.memref_squeeze %dma_start3A_135 : memref<1x80x128xf32, #tpu.memory_space<vmem>> -> memref<80x128xf32, #tpu.memory_space<vmem>>
      %dma_start3A_137 = arith.constant 0 : i32
      %dma_start3A_138 = arith.constant 0 : i32
      %dma_start3A_139 = tpu.memref_slice %arg11[%dma_start3A_137, %dma_start3A_138] : memref<10240x128xf32, #tpu.memory_space<vmem_shared>> -> memref<10240x128xf32, #tpu.memory_space<vmem_shared>>
      tpu.enqueue_indirect_dma source(%dma_start3A_136 : memref<80x128xf32, #tpu.memory_space<vmem>>) target(%dma_start3A_139 : memref<10240x128xf32, #tpu.memory_space<vmem_shared>>) offsets(%arg6 : memref<80xi32, #tpu.memory_space<vmem>>) semaphore(%run_scoped3A_132 : memref<!tpu.dma_semaphore, #tpu.memory_space<semaphore_mem>>) {add = true}
      %dma_wait3A_140 = arith.constant 0 : i32
      %dma_wait3A_141 = arith.constant 0 : i32
      %dma_wait3A_142 = tpu.memref_slice %arg10[%run_scoped3A, %dma_wait3A_140, %dma_wait3A_141] : memref<4x80x128xf32, #tpu.memory_space<vmem>> -> memref<1x80x128xf32, #tpu.memory_space<vmem>>
      %dma_wait3A_143 = tpu.memref_squeeze %dma_wait3A_142 : memref<1x80x128xf32, #tpu.memory_space<vmem>> -> memref<80x128xf32, #tpu.memory_space<vmem>>
      %dma_wait3A_144 = arith.constant 0 : i32
      %dma_wait3A_145 = arith.constant 0 : i32
      %dma_wait3A_146 = tpu.memref_slice %arg11[%dma_wait3A_144, %dma_wait3A_145] : memref<10240x128xf32, #tpu.memory_space<vmem_shared>> -> memref<10240x128xf32, #tpu.memory_space<vmem_shared>>
      tpu.wait_indirect_dma semaphore(%run_scoped3A_132 : memref<!tpu.dma_semaphore, #tpu.memory_space<semaphore_mem>>) src(%dma_wait3A_143 : memref<80x128xf32, #tpu.memory_space<vmem>>) dst(%dma_wait3A_146 : memref<10240x128xf32, #tpu.memory_space<vmem_shared>>)
      tpu.yield
    }) : () -> ()
    %add3A_107 = arith.constant 2640 : i32
    %add3A_108 = arith.addi %mul3A_2, %add3A_107 : i32
    %dma_wait3A_109 = arith.constant 1 : i32
    %dma_wait3A_110 = arith.constant 0 : i32
    %dma_wait3A_111 = arith.constant 0 : i32
    %dma_wait3A_112 = tpu.memref_slice %arg10[%dma_wait3A_109, %dma_wait3A_110, %dma_wait3A_111] : memref<4x80x128xf32, #tpu.memory_space<vmem>> -> memref<1x80x128xf32, #tpu.memory_space<vmem>>
    %dma_wait3A_113 = tpu.memref_squeeze %dma_wait3A_112 : memref<1x80x128xf32, #tpu.memory_space<vmem>> -> memref<80x128xf32, #tpu.memory_space<vmem>>
    %dma_wait3A_114 = arith.constant 0 : i32
    %dma_wait3A_115 = tpu.memref_slice %arg2[%add3A_108, %dma_wait3A_114] : memref<87040x128xf32, #tpu.memory_space<hbm>> -> memref<80x128xf32, #tpu.memory_space<hbm>>
    %dma_wait3A_116 = arith.constant 0 : i32
    %dma_wait3A_117 = arith.constant 0 : i32
    %dma_wait3A_118 = tpu.memref_slice %arg10[%dma_wait3A_109, %dma_wait3A_116, %dma_wait3A_117] : memref<4x80x128xf32, #tpu.memory_space<vmem>> -> memref<1x80x128xf32, #tpu.memory_space<vmem>>
    %dma_wait3A_119 = tpu.memref_squeeze %dma_wait3A_118 : memref<1x80x128xf32, #tpu.memory_space<vmem>> -> memref<80x128xf32, #tpu.memory_space<vmem>>
    %dma_wait3A_120 = arith.constant 0 : i32
    %dma_wait3A_121 = tpu.memref_slice %arg2[%add3A_108, %dma_wait3A_120] : memref<87040x128xf32, #tpu.memory_space<hbm>> -> memref<80x128xf32, #tpu.memory_space<hbm>>
    tpu.wait_dma2 semaphore(%arg13 : memref<!tpu.dma_semaphore, #tpu.memory_space<semaphore_mem>>) src(%dma_wait3A_121 : memref<80x128xf32, #tpu.memory_space<hbm>>) dst(%dma_wait3A_119 : memref<80x128xf32, #tpu.memory_space<vmem>>)
    %add3A_122 = arith.constant 2640 : i32
    %add3A_123 = arith.addi %add3A_4, %add3A_122 : i32
    %dma_wait3A_124 = tpu.memref_slice %arg3[%add3A_123] : memref<320000xi32, #tpu.memory_space<hbm>> -> memref<80xi32, #tpu.memory_space<hbm>>
    %dma_wait3A_125 = tpu.memref_slice %arg3[%add3A_123] : memref<320000xi32, #tpu.memory_space<hbm>> -> memref<80xi32, #tpu.memory_space<hbm>>
    tpu.wait_dma2 semaphore(%arg17 : memref<!tpu.dma_semaphore, #tpu.memory_space<semaphore_mem>>) src(%dma_wait3A_125 : memref<80xi32, #tpu.memory_space<hbm>>) dst(%arg7 : memref<80xi32, #tpu.memory_space<vmem>>)
    %run_scoped3A_126 = arith.constant 1 : i32
    "tpu.region"() ({
      %run_scoped3A_132 = tpu.sem_alloc : memref<!tpu.dma_semaphore, #tpu.memory_space<semaphore_mem>>
      %dma_start3A_133 = arith.constant 0 : i32
      %dma_start3A_134 = arith.constant 0 : i32
      %dma_start3A_135 = tpu.memref_slice %arg10[%run_scoped3A_126, %dma_start3A_133, %dma_start3A_134] : memref<4x80x128xf32, #tpu.memory_space<vmem>> -> memref<1x80x128xf32, #tpu.memory_space<vmem>>
      %dma_start3A_136 = tpu.memref_squeeze %dma_start3A_135 : memref<1x80x128xf32, #tpu.memory_space<vmem>> -> memref<80x128xf32, #tpu.memory_space<vmem>>
      %dma_start3A_137 = arith.constant 0 : i32
      %dma_start3A_138 = arith.constant 0 : i32
      %dma_start3A_139 = tpu.memref_slice %arg11[%dma_start3A_137, %dma_start3A_138] : memref<10240x128xf32, #tpu.memory_space<vmem_shared>> -> memref<10240x128xf32, #tpu.memory_space<vmem_shared>>
      tpu.enqueue_indirect_dma source(%dma_start3A_136 : memref<80x128xf32, #tpu.memory_space<vmem>>) target(%dma_start3A_139 : memref<10240x128xf32, #tpu.memory_space<vmem_shared>>) offsets(%arg7 : memref<80xi32, #tpu.memory_space<vmem>>) semaphore(%run_scoped3A_132 : memref<!tpu.dma_semaphore, #tpu.memory_space<semaphore_mem>>) {add = true}
      %dma_wait3A_140 = arith.constant 0 : i32
      %dma_wait3A_141 = arith.constant 0 : i32
      %dma_wait3A_142 = tpu.memref_slice %arg10[%run_scoped3A_126, %dma_wait3A_140, %dma_wait3A_141] : memref<4x80x128xf32, #tpu.memory_space<vmem>> -> memref<1x80x128xf32, #tpu.memory_space<vmem>>
      %dma_wait3A_143 = tpu.memref_squeeze %dma_wait3A_142 : memref<1x80x128xf32, #tpu.memory_space<vmem>> -> memref<80x128xf32, #tpu.memory_space<vmem>>
      %dma_wait3A_144 = arith.constant 0 : i32
      %dma_wait3A_145 = arith.constant 0 : i32
      %dma_wait3A_146 = tpu.memref_slice %arg11[%dma_wait3A_144, %dma_wait3A_145] : memref<10240x128xf32, #tpu.memory_space<vmem_shared>> -> memref<10240x128xf32, #tpu.memory_space<vmem_shared>>
      tpu.wait_indirect_dma semaphore(%run_scoped3A_132 : memref<!tpu.dma_semaphore, #tpu.memory_space<semaphore_mem>>) src(%dma_wait3A_143 : memref<80x128xf32, #tpu.memory_space<vmem>>) dst(%dma_wait3A_146 : memref<10240x128xf32, #tpu.memory_space<vmem_shared>>)
      tpu.yield
    }) : () -> ()
    %barrier3A_127 = arith.constant 0 : index
    tpu.barrier barrier_id(%barrier3A_127)
    %mul3A_128 = arith.constant 640 : i32
    %mul3A_129 = arith.muli %arg1, %mul3A_128 : i32
    %mul3A_130 = arith.constant 640 : i32
    %mul3A_131 = arith.muli %arg1, %mul3A_130 : i32
    "tpu.region"() ({
      %run_scoped3A_132 = tpu.sem_alloc : memref<!tpu.dma_semaphore, #tpu.memory_space<semaphore_mem>>
      %dma_start3A_133 = arith.constant 0 : i32
      %dma_start3A_134 = tpu.memref_slice %arg5[%arg0, %mul3A_131, %dma_start3A_133] : memref<2x10240x128xf32, #tpu.memory_space<hbm>> -> memref<1x640x128xf32, #tpu.memory_space<hbm>>
      %dma_start3A_135 = tpu.memref_squeeze %dma_start3A_134 : memref<1x640x128xf32, #tpu.memory_space<hbm>> -> memref<640x128xf32, #tpu.memory_space<hbm>>
      %dma_start3A_136 = arith.constant 0 : i32
      %dma_start3A_137 = tpu.memref_slice %arg11[%mul3A_129, %dma_start3A_136] : memref<10240x128xf32, #tpu.memory_space<vmem_shared>> -> memref<640x128xf32, #tpu.memory_space<vmem_shared>>
      tpu.enqueue_dma source(%dma_start3A_137 : memref<640x128xf32, #tpu.memory_space<vmem_shared>>) target(%dma_start3A_135 : memref<640x128xf32, #tpu.memory_space<hbm>>) target_semaphore(%run_scoped3A_132 : memref<!tpu.dma_semaphore, #tpu.memory_space<semaphore_mem>>)
      %dma_wait3A_138 = arith.constant 0 : i32
      %dma_wait3A_139 = tpu.memref_slice %arg5[%arg0, %mul3A_131, %dma_wait3A_138] : memref<2x10240x128xf32, #tpu.memory_space<hbm>> -> memref<1x640x128xf32, #tpu.memory_space<hbm>>
      %dma_wait3A_140 = tpu.memref_squeeze %dma_wait3A_139 : memref<1x640x128xf32, #tpu.memory_space<hbm>> -> memref<640x128xf32, #tpu.memory_space<hbm>>
      %dma_wait3A_141 = arith.constant 0 : i32
      %dma_wait3A_142 = tpu.memref_slice %arg11[%mul3A_129, %dma_wait3A_141] : memref<10240x128xf32, #tpu.memory_space<vmem_shared>> -> memref<640x128xf32, #tpu.memory_space<vmem_shared>>
      tpu.wait_dma2 semaphore(%run_scoped3A_132 : memref<!tpu.dma_semaphore, #tpu.memory_space<semaphore_mem>>) src(%dma_wait3A_142 : memref<640x128xf32, #tpu.memory_space<vmem_shared>>) dst(%dma_wait3A_140 : memref<640x128xf32, #tpu.memory_space<hbm>>)
      tpu.yield
    }) : () -> ()
    return
  }
}

#map = affine_map<(d0, d1) -> (0, 0)>
#map1 = affine_map<(d0, d1) -> (0)>
#map2 = affine_map<(d0, d1) -> (0, 0, 0)>
module attributes {stable_mosaic.version = 14 : i64} {
  func.func @_sc_body(%arg0: i32, %arg1: i32, %arg2: memref<58880x128xf32, #tpu.memory_space<hbm>>, %arg3: memref<320000xi32, #tpu.memory_space<hbm>>, %arg4: memref<2x10240x128xf32, #tpu.memory_space<hbm>>, %arg5: memref<2x10240x128xf32, #tpu.memory_space<hbm>>, %arg6: memref<80xi32, #tpu.memory_space<vmem>>, %arg7: memref<80xi32, #tpu.memory_space<vmem>>, %arg8: memref<80xi32, #tpu.memory_space<vmem>>, %arg9: memref<80xi32, #tpu.memory_space<vmem>>, %arg10: memref<4x80x128xf32, #tpu.memory_space<vmem>>, %arg11: memref<10240x128xf32, #tpu.memory_space<vmem_shared>>, %arg12: memref<!tpu.dma_semaphore, #tpu.memory_space<semaphore_mem>>, %arg13: memref<!tpu.dma_semaphore, #tpu.memory_space<semaphore_mem>>, %arg14: memref<!tpu.dma_semaphore, #tpu.memory_space<semaphore_mem>>, %arg15: memref<!tpu.dma_semaphore, #tpu.memory_space<semaphore_mem>>, %arg16: memref<!tpu.dma_semaphore, #tpu.memory_space<semaphore_mem>>, %arg17: memref<!tpu.dma_semaphore, #tpu.memory_space<semaphore_mem>>, %arg18: memref<!tpu.dma_semaphore, #tpu.memory_space<semaphore_mem>>, %arg19: memref<!tpu.dma_semaphore, #tpu.memory_space<semaphore_mem>>) attributes {dimension_semantics = [#tpu.dimension_semantics<core_parallel>, #tpu.dimension_semantics<subcore_parallel>], iteration_bounds = array<i64: 2, 16>, scalar_prefetch = 0 : i64, scratch_operands = 14 : i64, tpu.core_type = #tpu.core_type<sc_vector_subcore>, window_params = [{transform_indices = #map}, {transform_indices = #map1}, {transform_indices = #map2}, {transform_indices = #map2}]} {
    %mul3A = arith.constant 16 : i32
    %mul3A_0 = arith.muli %arg0, %mul3A : i32
    %add3A = arith.addi %mul3A_0, %arg1 : i32
    %mul3A_1 = arith.constant 1840 : i32
    %mul3A_2 = arith.muli %add3A, %mul3A_1 : i32
    %add3A_3 = arith.constant 261120 : i32
    %add3A_4 = arith.addi %add3A_3, %mul3A_2 : i32
    %mul3A_5 = arith.constant 640 : i32
    %mul3A_6 = arith.muli %arg1, %mul3A_5 : i32
    %mul3A_7 = arith.constant 640 : i32
    %mul3A_8 = arith.muli %arg1, %mul3A_7 : i32
    "tpu.region"() ({
      %run_scoped3A_152 = tpu.sem_alloc : memref<!tpu.dma_semaphore, #tpu.memory_space<semaphore_mem>>
      %dma_start3A_153 = arith.constant 0 : i32
      %dma_start3A_154 = tpu.memref_slice %arg11[%mul3A_8, %dma_start3A_153] : memref<10240x128xf32, #tpu.memory_space<vmem_shared>> -> memref<640x128xf32, #tpu.memory_space<vmem_shared>>
      %dma_start3A_155 = arith.constant 0 : i32
      %dma_start3A_156 = tpu.memref_slice %arg4[%arg0, %mul3A_6, %dma_start3A_155] : memref<2x10240x128xf32, #tpu.memory_space<hbm>> -> memref<1x640x128xf32, #tpu.memory_space<hbm>>
      %dma_start3A_157 = tpu.memref_squeeze %dma_start3A_156 : memref<1x640x128xf32, #tpu.memory_space<hbm>> -> memref<640x128xf32, #tpu.memory_space<hbm>>
      tpu.enqueue_dma source(%dma_start3A_157 : memref<640x128xf32, #tpu.memory_space<hbm>>) target(%dma_start3A_154 : memref<640x128xf32, #tpu.memory_space<vmem_shared>>) target_semaphore(%run_scoped3A_152 : memref<!tpu.dma_semaphore, #tpu.memory_space<semaphore_mem>>)
      %dma_wait3A_158 = arith.constant 0 : i32
      %dma_wait3A_159 = tpu.memref_slice %arg11[%mul3A_8, %dma_wait3A_158] : memref<10240x128xf32, #tpu.memory_space<vmem_shared>> -> memref<640x128xf32, #tpu.memory_space<vmem_shared>>
      %dma_wait3A_160 = arith.constant 0 : i32
      %dma_wait3A_161 = tpu.memref_slice %arg4[%arg0, %mul3A_6, %dma_wait3A_160] : memref<2x10240x128xf32, #tpu.memory_space<hbm>> -> memref<1x640x128xf32, #tpu.memory_space<hbm>>
      %dma_wait3A_162 = tpu.memref_squeeze %dma_wait3A_161 : memref<1x640x128xf32, #tpu.memory_space<hbm>> -> memref<640x128xf32, #tpu.memory_space<hbm>>
      tpu.wait_dma2 semaphore(%run_scoped3A_152 : memref<!tpu.dma_semaphore, #tpu.memory_space<semaphore_mem>>) src(%dma_wait3A_162 : memref<640x128xf32, #tpu.memory_space<hbm>>) dst(%dma_wait3A_159 : memref<640x128xf32, #tpu.memory_space<vmem_shared>>)
      tpu.yield
    }) : () -> ()
    %barrier3A = arith.constant 0 : index
    tpu.barrier barrier_id(%barrier3A)
    %add3A_9 = arith.constant 0 : i32
    %add3A_10 = arith.addi %mul3A_2, %add3A_9 : i32
    %dma_start3A = arith.constant 0 : i32
    %dma_start3A_11 = arith.constant 0 : i32
    %dma_start3A_12 = arith.constant 0 : i32
    %dma_start3A_13 = tpu.memref_slice %arg10[%dma_start3A, %dma_start3A_11, %dma_start3A_12] : memref<4x80x128xf32, #tpu.memory_space<vmem>> -> memref<1x80x128xf32, #tpu.memory_space<vmem>>
    %dma_start3A_14 = tpu.memref_squeeze %dma_start3A_13 : memref<1x80x128xf32, #tpu.memory_space<vmem>> -> memref<80x128xf32, #tpu.memory_space<vmem>>
    %dma_start3A_15 = arith.constant 0 : i32
    %dma_start3A_16 = tpu.memref_slice %arg2[%add3A_10, %dma_start3A_15] : memref<58880x128xf32, #tpu.memory_space<hbm>> -> memref<80x128xf32, #tpu.memory_space<hbm>>
    %dma_start3A_17 = arith.constant 0 : i32
    %dma_start3A_18 = arith.constant 0 : i32
    %dma_start3A_19 = tpu.memref_slice %arg10[%dma_start3A, %dma_start3A_17, %dma_start3A_18] : memref<4x80x128xf32, #tpu.memory_space<vmem>> -> memref<1x80x128xf32, #tpu.memory_space<vmem>>
    %dma_start3A_20 = tpu.memref_squeeze %dma_start3A_19 : memref<1x80x128xf32, #tpu.memory_space<vmem>> -> memref<80x128xf32, #tpu.memory_space<vmem>>
    %dma_start3A_21 = arith.constant 0 : i32
    %dma_start3A_22 = tpu.memref_slice %arg2[%add3A_10, %dma_start3A_21] : memref<58880x128xf32, #tpu.memory_space<hbm>> -> memref<80x128xf32, #tpu.memory_space<hbm>>
    tpu.enqueue_dma source(%dma_start3A_22 : memref<80x128xf32, #tpu.memory_space<hbm>>) target(%dma_start3A_20 : memref<80x128xf32, #tpu.memory_space<vmem>>) target_semaphore(%arg12 : memref<!tpu.dma_semaphore, #tpu.memory_space<semaphore_mem>>)
    %add3A_23 = arith.constant 0 : i32
    %add3A_24 = arith.addi %add3A_4, %add3A_23 : i32
    %dma_start3A_25 = tpu.memref_slice %arg3[%add3A_24] : memref<320000xi32, #tpu.memory_space<hbm>> -> memref<80xi32, #tpu.memory_space<hbm>>
    %dma_start3A_26 = tpu.memref_slice %arg3[%add3A_24] : memref<320000xi32, #tpu.memory_space<hbm>> -> memref<80xi32, #tpu.memory_space<hbm>>
    tpu.enqueue_dma source(%dma_start3A_26 : memref<80xi32, #tpu.memory_space<hbm>>) target(%arg6 : memref<80xi32, #tpu.memory_space<vmem>>) target_semaphore(%arg16 : memref<!tpu.dma_semaphore, #tpu.memory_space<semaphore_mem>>)
    %add3A_27 = arith.constant 80 : i32
    %add3A_28 = arith.addi %mul3A_2, %add3A_27 : i32
    %dma_start3A_29 = arith.constant 1 : i32
    %dma_start3A_30 = arith.constant 0 : i32
    %dma_start3A_31 = arith.constant 0 : i32
    %dma_start3A_32 = tpu.memref_slice %arg10[%dma_start3A_29, %dma_start3A_30, %dma_start3A_31] : memref<4x80x128xf32, #tpu.memory_space<vmem>> -> memref<1x80x128xf32, #tpu.memory_space<vmem>>
    %dma_start3A_33 = tpu.memref_squeeze %dma_start3A_32 : memref<1x80x128xf32, #tpu.memory_space<vmem>> -> memref<80x128xf32, #tpu.memory_space<vmem>>
    %dma_start3A_34 = arith.constant 0 : i32
    %dma_start3A_35 = tpu.memref_slice %arg2[%add3A_28, %dma_start3A_34] : memref<58880x128xf32, #tpu.memory_space<hbm>> -> memref<80x128xf32, #tpu.memory_space<hbm>>
    %dma_start3A_36 = arith.constant 0 : i32
    %dma_start3A_37 = arith.constant 0 : i32
    %dma_start3A_38 = tpu.memref_slice %arg10[%dma_start3A_29, %dma_start3A_36, %dma_start3A_37] : memref<4x80x128xf32, #tpu.memory_space<vmem>> -> memref<1x80x128xf32, #tpu.memory_space<vmem>>
    %dma_start3A_39 = tpu.memref_squeeze %dma_start3A_38 : memref<1x80x128xf32, #tpu.memory_space<vmem>> -> memref<80x128xf32, #tpu.memory_space<vmem>>
    %dma_start3A_40 = arith.constant 0 : i32
    %dma_start3A_41 = tpu.memref_slice %arg2[%add3A_28, %dma_start3A_40] : memref<58880x128xf32, #tpu.memory_space<hbm>> -> memref<80x128xf32, #tpu.memory_space<hbm>>
    tpu.enqueue_dma source(%dma_start3A_41 : memref<80x128xf32, #tpu.memory_space<hbm>>) target(%dma_start3A_39 : memref<80x128xf32, #tpu.memory_space<vmem>>) target_semaphore(%arg13 : memref<!tpu.dma_semaphore, #tpu.memory_space<semaphore_mem>>)
    %add3A_42 = arith.constant 80 : i32
    %add3A_43 = arith.addi %add3A_4, %add3A_42 : i32
    %dma_start3A_44 = tpu.memref_slice %arg3[%add3A_43] : memref<320000xi32, #tpu.memory_space<hbm>> -> memref<80xi32, #tpu.memory_space<hbm>>
    %dma_start3A_45 = tpu.memref_slice %arg3[%add3A_43] : memref<320000xi32, #tpu.memory_space<hbm>> -> memref<80xi32, #tpu.memory_space<hbm>>
    tpu.enqueue_dma source(%dma_start3A_45 : memref<80xi32, #tpu.memory_space<hbm>>) target(%arg7 : memref<80xi32, #tpu.memory_space<vmem>>) target_semaphore(%arg17 : memref<!tpu.dma_semaphore, #tpu.memory_space<semaphore_mem>>)
    %add3A_46 = arith.constant 160 : i32
    %add3A_47 = arith.addi %mul3A_2, %add3A_46 : i32
    %dma_start3A_48 = arith.constant 2 : i32
    %dma_start3A_49 = arith.constant 0 : i32
    %dma_start3A_50 = arith.constant 0 : i32
    %dma_start3A_51 = tpu.memref_slice %arg10[%dma_start3A_48, %dma_start3A_49, %dma_start3A_50] : memref<4x80x128xf32, #tpu.memory_space<vmem>> -> memref<1x80x128xf32, #tpu.memory_space<vmem>>
    %dma_start3A_52 = tpu.memref_squeeze %dma_start3A_51 : memref<1x80x128xf32, #tpu.memory_space<vmem>> -> memref<80x128xf32, #tpu.memory_space<vmem>>
    %dma_start3A_53 = arith.constant 0 : i32
    %dma_start3A_54 = tpu.memref_slice %arg2[%add3A_47, %dma_start3A_53] : memref<58880x128xf32, #tpu.memory_space<hbm>> -> memref<80x128xf32, #tpu.memory_space<hbm>>
    %dma_start3A_55 = arith.constant 0 : i32
    %dma_start3A_56 = arith.constant 0 : i32
    %dma_start3A_57 = tpu.memref_slice %arg10[%dma_start3A_48, %dma_start3A_55, %dma_start3A_56] : memref<4x80x128xf32, #tpu.memory_space<vmem>> -> memref<1x80x128xf32, #tpu.memory_space<vmem>>
    %dma_start3A_58 = tpu.memref_squeeze %dma_start3A_57 : memref<1x80x128xf32, #tpu.memory_space<vmem>> -> memref<80x128xf32, #tpu.memory_space<vmem>>
    %dma_start3A_59 = arith.constant 0 : i32
    %dma_start3A_60 = tpu.memref_slice %arg2[%add3A_47, %dma_start3A_59] : memref<58880x128xf32, #tpu.memory_space<hbm>> -> memref<80x128xf32, #tpu.memory_space<hbm>>
    tpu.enqueue_dma source(%dma_start3A_60 : memref<80x128xf32, #tpu.memory_space<hbm>>) target(%dma_start3A_58 : memref<80x128xf32, #tpu.memory_space<vmem>>) target_semaphore(%arg14 : memref<!tpu.dma_semaphore, #tpu.memory_space<semaphore_mem>>)
    %add3A_61 = arith.constant 160 : i32
    %add3A_62 = arith.addi %add3A_4, %add3A_61 : i32
    %dma_start3A_63 = tpu.memref_slice %arg3[%add3A_62] : memref<320000xi32, #tpu.memory_space<hbm>> -> memref<80xi32, #tpu.memory_space<hbm>>
    %dma_start3A_64 = tpu.memref_slice %arg3[%add3A_62] : memref<320000xi32, #tpu.memory_space<hbm>> -> memref<80xi32, #tpu.memory_space<hbm>>
    tpu.enqueue_dma source(%dma_start3A_64 : memref<80xi32, #tpu.memory_space<hbm>>) target(%arg8 : memref<80xi32, #tpu.memory_space<vmem>>) target_semaphore(%arg18 : memref<!tpu.dma_semaphore, #tpu.memory_space<semaphore_mem>>)
    %add3A_65 = arith.constant 240 : i32
    %add3A_66 = arith.addi %mul3A_2, %add3A_65 : i32
    %dma_start3A_67 = arith.constant 3 : i32
    %dma_start3A_68 = arith.constant 0 : i32
    %dma_start3A_69 = arith.constant 0 : i32
    %dma_start3A_70 = tpu.memref_slice %arg10[%dma_start3A_67, %dma_start3A_68, %dma_start3A_69] : memref<4x80x128xf32, #tpu.memory_space<vmem>> -> memref<1x80x128xf32, #tpu.memory_space<vmem>>
    %dma_start3A_71 = tpu.memref_squeeze %dma_start3A_70 : memref<1x80x128xf32, #tpu.memory_space<vmem>> -> memref<80x128xf32, #tpu.memory_space<vmem>>
    %dma_start3A_72 = arith.constant 0 : i32
    %dma_start3A_73 = tpu.memref_slice %arg2[%add3A_66, %dma_start3A_72] : memref<58880x128xf32, #tpu.memory_space<hbm>> -> memref<80x128xf32, #tpu.memory_space<hbm>>
    %dma_start3A_74 = arith.constant 0 : i32
    %dma_start3A_75 = arith.constant 0 : i32
    %dma_start3A_76 = tpu.memref_slice %arg10[%dma_start3A_67, %dma_start3A_74, %dma_start3A_75] : memref<4x80x128xf32, #tpu.memory_space<vmem>> -> memref<1x80x128xf32, #tpu.memory_space<vmem>>
    %dma_start3A_77 = tpu.memref_squeeze %dma_start3A_76 : memref<1x80x128xf32, #tpu.memory_space<vmem>> -> memref<80x128xf32, #tpu.memory_space<vmem>>
    %dma_start3A_78 = arith.constant 0 : i32
    %dma_start3A_79 = tpu.memref_slice %arg2[%add3A_66, %dma_start3A_78] : memref<58880x128xf32, #tpu.memory_space<hbm>> -> memref<80x128xf32, #tpu.memory_space<hbm>>
    tpu.enqueue_dma source(%dma_start3A_79 : memref<80x128xf32, #tpu.memory_space<hbm>>) target(%dma_start3A_77 : memref<80x128xf32, #tpu.memory_space<vmem>>) target_semaphore(%arg15 : memref<!tpu.dma_semaphore, #tpu.memory_space<semaphore_mem>>)
    %add3A_80 = arith.constant 240 : i32
    %add3A_81 = arith.addi %add3A_4, %add3A_80 : i32
    %dma_start3A_82 = tpu.memref_slice %arg3[%add3A_81] : memref<320000xi32, #tpu.memory_space<hbm>> -> memref<80xi32, #tpu.memory_space<hbm>>
    %dma_start3A_83 = tpu.memref_slice %arg3[%add3A_81] : memref<320000xi32, #tpu.memory_space<hbm>> -> memref<80xi32, #tpu.memory_space<hbm>>
    tpu.enqueue_dma source(%dma_start3A_83 : memref<80xi32, #tpu.memory_space<hbm>>) target(%arg9 : memref<80xi32, #tpu.memory_space<vmem>>) target_semaphore(%arg19 : memref<!tpu.dma_semaphore, #tpu.memory_space<semaphore_mem>>)
    %scan3A = arith.constant 0 : i32
    %scan3A_84 = arith.constant 0 : i32
    %scan3A_85 = arith.constant 5 : i32
    %scan3A_86 = arith.addi %scan3A_84, %scan3A_85 : i32
    %scan3A_87 = arith.constant 1 : i32
    scf.for %scan3A_152 = %scan3A_84 to %scan3A_86 step %scan3A_87  : i32 {
      %mul3A_153 = arith.constant 4 : i32
      %mul3A_154 = arith.muli %scan3A_152, %mul3A_153 : i32
      %add3A_155 = arith.constant 0 : i32
      %add3A_156 = arith.addi %mul3A_154, %add3A_155 : i32
      %mul3A_157 = arith.constant 80 : i32
      %mul3A_158 = arith.muli %add3A_156, %mul3A_157 : i32
      %add3A_159 = arith.addi %mul3A_2, %mul3A_158 : i32
      %dma_wait3A_160 = arith.constant 0 : i32
      %dma_wait3A_161 = arith.constant 0 : i32
      %dma_wait3A_162 = arith.constant 0 : i32
      %dma_wait3A_163 = tpu.memref_slice %arg10[%dma_wait3A_160, %dma_wait3A_161, %dma_wait3A_162] : memref<4x80x128xf32, #tpu.memory_space<vmem>> -> memref<1x80x128xf32, #tpu.memory_space<vmem>>
      %dma_wait3A_164 = tpu.memref_squeeze %dma_wait3A_163 : memref<1x80x128xf32, #tpu.memory_space<vmem>> -> memref<80x128xf32, #tpu.memory_space<vmem>>
      %dma_wait3A_165 = arith.constant 0 : i32
      %dma_wait3A_166 = tpu.memref_slice %arg2[%add3A_159, %dma_wait3A_165] : memref<58880x128xf32, #tpu.memory_space<hbm>> -> memref<80x128xf32, #tpu.memory_space<hbm>>
      %dma_wait3A_167 = arith.constant 0 : i32
      %dma_wait3A_168 = arith.constant 0 : i32
      %dma_wait3A_169 = tpu.memref_slice %arg10[%dma_wait3A_160, %dma_wait3A_167, %dma_wait3A_168] : memref<4x80x128xf32, #tpu.memory_space<vmem>> -> memref<1x80x128xf32, #tpu.memory_space<vmem>>
      %dma_wait3A_170 = tpu.memref_squeeze %dma_wait3A_169 : memref<1x80x128xf32, #tpu.memory_space<vmem>> -> memref<80x128xf32, #tpu.memory_space<vmem>>
      %dma_wait3A_171 = arith.constant 0 : i32
      %dma_wait3A_172 = tpu.memref_slice %arg2[%add3A_159, %dma_wait3A_171] : memref<58880x128xf32, #tpu.memory_space<hbm>> -> memref<80x128xf32, #tpu.memory_space<hbm>>
      tpu.wait_dma2 semaphore(%arg12 : memref<!tpu.dma_semaphore, #tpu.memory_space<semaphore_mem>>) src(%dma_wait3A_172 : memref<80x128xf32, #tpu.memory_space<hbm>>) dst(%dma_wait3A_170 : memref<80x128xf32, #tpu.memory_space<vmem>>)
      %mul3A_173 = arith.constant 80 : i32
      %mul3A_174 = arith.muli %add3A_156, %mul3A_173 : i32
      %add3A_175 = arith.addi %add3A_4, %mul3A_174 : i32
      %dma_wait3A_176 = tpu.memref_slice %arg3[%add3A_175] : memref<320000xi32, #tpu.memory_space<hbm>> -> memref<80xi32, #tpu.memory_space<hbm>>
      %dma_wait3A_177 = tpu.memref_slice %arg3[%add3A_175] : memref<320000xi32, #tpu.memory_space<hbm>> -> memref<80xi32, #tpu.memory_space<hbm>>
      tpu.wait_dma2 semaphore(%arg16 : memref<!tpu.dma_semaphore, #tpu.memory_space<semaphore_mem>>) src(%dma_wait3A_177 : memref<80xi32, #tpu.memory_space<hbm>>) dst(%arg6 : memref<80xi32, #tpu.memory_space<vmem>>)
      %run_scoped3A_178 = arith.constant 0 : i32
      "tpu.region"() ({
        %run_scoped3A_282 = tpu.sem_alloc : memref<!tpu.dma_semaphore, #tpu.memory_space<semaphore_mem>>
        %dma_start3A_283 = arith.constant 0 : i32
        %dma_start3A_284 = arith.constant 0 : i32
        %dma_start3A_285 = tpu.memref_slice %arg10[%run_scoped3A_178, %dma_start3A_283, %dma_start3A_284] : memref<4x80x128xf32, #tpu.memory_space<vmem>> -> memref<1x80x128xf32, #tpu.memory_space<vmem>>
        %dma_start3A_286 = tpu.memref_squeeze %dma_start3A_285 : memref<1x80x128xf32, #tpu.memory_space<vmem>> -> memref<80x128xf32, #tpu.memory_space<vmem>>
        %dma_start3A_287 = arith.constant 0 : i32
        %dma_start3A_288 = arith.constant 0 : i32
        %dma_start3A_289 = tpu.memref_slice %arg11[%dma_start3A_287, %dma_start3A_288] : memref<10240x128xf32, #tpu.memory_space<vmem_shared>> -> memref<10240x128xf32, #tpu.memory_space<vmem_shared>>
        tpu.enqueue_indirect_dma source(%dma_start3A_286 : memref<80x128xf32, #tpu.memory_space<vmem>>) target(%dma_start3A_289 : memref<10240x128xf32, #tpu.memory_space<vmem_shared>>) offsets(%arg6 : memref<80xi32, #tpu.memory_space<vmem>>) semaphore(%run_scoped3A_282 : memref<!tpu.dma_semaphore, #tpu.memory_space<semaphore_mem>>) {add = true}
        %dma_wait3A_290 = arith.constant 0 : i32
        %dma_wait3A_291 = arith.constant 0 : i32
        %dma_wait3A_292 = tpu.memref_slice %arg10[%run_scoped3A_178, %dma_wait3A_290, %dma_wait3A_291] : memref<4x80x128xf32, #tpu.memory_space<vmem>> -> memref<1x80x128xf32, #tpu.memory_space<vmem>>
        %dma_wait3A_293 = tpu.memref_squeeze %dma_wait3A_292 : memref<1x80x128xf32, #tpu.memory_space<vmem>> -> memref<80x128xf32, #tpu.memory_space<vmem>>
        %dma_wait3A_294 = arith.constant 0 : i32
        %dma_wait3A_295 = arith.constant 0 : i32
        %dma_wait3A_296 = tpu.memref_slice %arg11[%dma_wait3A_294, %dma_wait3A_295] : memref<10240x128xf32, #tpu.memory_space<vmem_shared>> -> memref<10240x128xf32, #tpu.memory_space<vmem_shared>>
        tpu.wait_indirect_dma semaphore(%run_scoped3A_282 : memref<!tpu.dma_semaphore, #tpu.memory_space<semaphore_mem>>) src(%dma_wait3A_293 : memref<80x128xf32, #tpu.memory_space<vmem>>) dst(%dma_wait3A_296 : memref<10240x128xf32, #tpu.memory_space<vmem_shared>>)
        tpu.yield
      }) : () -> ()
      %add3A_179 = arith.constant 4 : i32
      %add3A_180 = arith.addi %add3A_156, %add3A_179 : i32
      %lt3A = arith.constant 23 : i32
      %lt3A_181 = arith.cmpi slt, %add3A_180, %lt3A : i32
      %convert_element_type3A = arith.extui %lt3A_181 : i1 to i32
      %cond3A = arith.constant 0 : i32
      %cond3A_182 = arith.cmpi ne, %convert_element_type3A, %cond3A : i32
      scf.if %cond3A_182 {
        %add3A_282 = arith.constant 4 : i32
        %add3A_283 = arith.addi %add3A_156, %add3A_282 : i32
        %mul3A_284 = arith.constant 80 : i32
        %mul3A_285 = arith.muli %add3A_283, %mul3A_284 : i32
        %add3A_286 = arith.addi %mul3A_2, %mul3A_285 : i32
        %dma_start3A_287 = arith.constant 0 : i32
        %dma_start3A_288 = arith.constant 0 : i32
        %dma_start3A_289 = arith.constant 0 : i32
        %dma_start3A_290 = tpu.memref_slice %arg10[%dma_start3A_287, %dma_start3A_288, %dma_start3A_289] : memref<4x80x128xf32, #tpu.memory_space<vmem>> -> memref<1x80x128xf32, #tpu.memory_space<vmem>>
        %dma_start3A_291 = tpu.memref_squeeze %dma_start3A_290 : memref<1x80x128xf32, #tpu.memory_space<vmem>> -> memref<80x128xf32, #tpu.memory_space<vmem>>
        %dma_start3A_292 = arith.constant 0 : i32
        %dma_start3A_293 = tpu.memref_slice %arg2[%add3A_286, %dma_start3A_292] : memref<58880x128xf32, #tpu.memory_space<hbm>> -> memref<80x128xf32, #tpu.memory_space<hbm>>
        %dma_start3A_294 = arith.constant 0 : i32
        %dma_start3A_295 = arith.constant 0 : i32
        %dma_start3A_296 = tpu.memref_slice %arg10[%dma_start3A_287, %dma_start3A_294, %dma_start3A_295] : memref<4x80x128xf32, #tpu.memory_space<vmem>> -> memref<1x80x128xf32, #tpu.memory_space<vmem>>
        %dma_start3A_297 = tpu.memref_squeeze %dma_start3A_296 : memref<1x80x128xf32, #tpu.memory_space<vmem>> -> memref<80x128xf32, #tpu.memory_space<vmem>>
        %dma_start3A_298 = arith.constant 0 : i32
        %dma_start3A_299 = tpu.memref_slice %arg2[%add3A_286, %dma_start3A_298] : memref<58880x128xf32, #tpu.memory_space<hbm>> -> memref<80x128xf32, #tpu.memory_space<hbm>>
        tpu.enqueue_dma source(%dma_start3A_299 : memref<80x128xf32, #tpu.memory_space<hbm>>) target(%dma_start3A_297 : memref<80x128xf32, #tpu.memory_space<vmem>>) target_semaphore(%arg12 : memref<!tpu.dma_semaphore, #tpu.memory_space<semaphore_mem>>)
        %add3A_300 = arith.constant 4 : i32
        %add3A_301 = arith.addi %add3A_156, %add3A_300 : i32
        %mul3A_302 = arith.constant 80 : i32
        %mul3A_303 = arith.muli %add3A_301, %mul3A_302 : i32
        %add3A_304 = arith.addi %add3A_4, %mul3A_303 : i32
        %dma_start3A_305 = tpu.memref_slice %arg3[%add3A_304] : memref<320000xi32, #tpu.memory_space<hbm>> -> memref<80xi32, #tpu.memory_space<hbm>>
        %dma_start3A_306 = tpu.memref_slice %arg3[%add3A_304] : memref<320000xi32, #tpu.memory_space<hbm>> -> memref<80xi32, #tpu.memory_space<hbm>>
        tpu.enqueue_dma source(%dma_start3A_306 : memref<80xi32, #tpu.memory_space<hbm>>) target(%arg6 : memref<80xi32, #tpu.memory_space<vmem>>) target_semaphore(%arg16 : memref<!tpu.dma_semaphore, #tpu.memory_space<semaphore_mem>>)
      } else {
      }
      %mul3A_183 = arith.constant 4 : i32
      %mul3A_184 = arith.muli %scan3A_152, %mul3A_183 : i32
      %add3A_185 = arith.constant 1 : i32
      %add3A_186 = arith.addi %mul3A_184, %add3A_185 : i32
      %mul3A_187 = arith.constant 80 : i32
      %mul3A_188 = arith.muli %add3A_186, %mul3A_187 : i32
      %add3A_189 = arith.addi %mul3A_2, %mul3A_188 : i32
      %dma_wait3A_190 = arith.constant 1 : i32
      %dma_wait3A_191 = arith.constant 0 : i32
      %dma_wait3A_192 = arith.constant 0 : i32
      %dma_wait3A_193 = tpu.memref_slice %arg10[%dma_wait3A_190, %dma_wait3A_191, %dma_wait3A_192] : memref<4x80x128xf32, #tpu.memory_space<vmem>> -> memref<1x80x128xf32, #tpu.memory_space<vmem>>
      %dma_wait3A_194 = tpu.memref_squeeze %dma_wait3A_193 : memref<1x80x128xf32, #tpu.memory_space<vmem>> -> memref<80x128xf32, #tpu.memory_space<vmem>>
      %dma_wait3A_195 = arith.constant 0 : i32
      %dma_wait3A_196 = tpu.memref_slice %arg2[%add3A_189, %dma_wait3A_195] : memref<58880x128xf32, #tpu.memory_space<hbm>> -> memref<80x128xf32, #tpu.memory_space<hbm>>
      %dma_wait3A_197 = arith.constant 0 : i32
      %dma_wait3A_198 = arith.constant 0 : i32
      %dma_wait3A_199 = tpu.memref_slice %arg10[%dma_wait3A_190, %dma_wait3A_197, %dma_wait3A_198] : memref<4x80x128xf32, #tpu.memory_space<vmem>> -> memref<1x80x128xf32, #tpu.memory_space<vmem>>
      %dma_wait3A_200 = tpu.memref_squeeze %dma_wait3A_199 : memref<1x80x128xf32, #tpu.memory_space<vmem>> -> memref<80x128xf32, #tpu.memory_space<vmem>>
      %dma_wait3A_201 = arith.constant 0 : i32
      %dma_wait3A_202 = tpu.memref_slice %arg2[%add3A_189, %dma_wait3A_201] : memref<58880x128xf32, #tpu.memory_space<hbm>> -> memref<80x128xf32, #tpu.memory_space<hbm>>
      tpu.wait_dma2 semaphore(%arg13 : memref<!tpu.dma_semaphore, #tpu.memory_space<semaphore_mem>>) src(%dma_wait3A_202 : memref<80x128xf32, #tpu.memory_space<hbm>>) dst(%dma_wait3A_200 : memref<80x128xf32, #tpu.memory_space<vmem>>)
      %mul3A_203 = arith.constant 80 : i32
      %mul3A_204 = arith.muli %add3A_186, %mul3A_203 : i32
      %add3A_205 = arith.addi %add3A_4, %mul3A_204 : i32
      %dma_wait3A_206 = tpu.memref_slice %arg3[%add3A_205] : memref<320000xi32, #tpu.memory_space<hbm>> -> memref<80xi32, #tpu.memory_space<hbm>>
      %dma_wait3A_207 = tpu.memref_slice %arg3[%add3A_205] : memref<320000xi32, #tpu.memory_space<hbm>> -> memref<80xi32, #tpu.memory_space<hbm>>
      tpu.wait_dma2 semaphore(%arg17 : memref<!tpu.dma_semaphore, #tpu.memory_space<semaphore_mem>>) src(%dma_wait3A_207 : memref<80xi32, #tpu.memory_space<hbm>>) dst(%arg7 : memref<80xi32, #tpu.memory_space<vmem>>)
      %run_scoped3A_208 = arith.constant 1 : i32
      "tpu.region"() ({
        %run_scoped3A_282 = tpu.sem_alloc : memref<!tpu.dma_semaphore, #tpu.memory_space<semaphore_mem>>
        %dma_start3A_283 = arith.constant 0 : i32
        %dma_start3A_284 = arith.constant 0 : i32
        %dma_start3A_285 = tpu.memref_slice %arg10[%run_scoped3A_208, %dma_start3A_283, %dma_start3A_284] : memref<4x80x128xf32, #tpu.memory_space<vmem>> -> memref<1x80x128xf32, #tpu.memory_space<vmem>>
        %dma_start3A_286 = tpu.memref_squeeze %dma_start3A_285 : memref<1x80x128xf32, #tpu.memory_space<vmem>> -> memref<80x128xf32, #tpu.memory_space<vmem>>
        %dma_start3A_287 = arith.constant 0 : i32
        %dma_start3A_288 = arith.constant 0 : i32
        %dma_start3A_289 = tpu.memref_slice %arg11[%dma_start3A_287, %dma_start3A_288] : memref<10240x128xf32, #tpu.memory_space<vmem_shared>> -> memref<10240x128xf32, #tpu.memory_space<vmem_shared>>
        tpu.enqueue_indirect_dma source(%dma_start3A_286 : memref<80x128xf32, #tpu.memory_space<vmem>>) target(%dma_start3A_289 : memref<10240x128xf32, #tpu.memory_space<vmem_shared>>) offsets(%arg7 : memref<80xi32, #tpu.memory_space<vmem>>) semaphore(%run_scoped3A_282 : memref<!tpu.dma_semaphore, #tpu.memory_space<semaphore_mem>>) {add = true}
        %dma_wait3A_290 = arith.constant 0 : i32
        %dma_wait3A_291 = arith.constant 0 : i32
        %dma_wait3A_292 = tpu.memref_slice %arg10[%run_scoped3A_208, %dma_wait3A_290, %dma_wait3A_291] : memref<4x80x128xf32, #tpu.memory_space<vmem>> -> memref<1x80x128xf32, #tpu.memory_space<vmem>>
        %dma_wait3A_293 = tpu.memref_squeeze %dma_wait3A_292 : memref<1x80x128xf32, #tpu.memory_space<vmem>> -> memref<80x128xf32, #tpu.memory_space<vmem>>
        %dma_wait3A_294 = arith.constant 0 : i32
        %dma_wait3A_295 = arith.constant 0 : i32
        %dma_wait3A_296 = tpu.memref_slice %arg11[%dma_wait3A_294, %dma_wait3A_295] : memref<10240x128xf32, #tpu.memory_space<vmem_shared>> -> memref<10240x128xf32, #tpu.memory_space<vmem_shared>>
        tpu.wait_indirect_dma semaphore(%run_scoped3A_282 : memref<!tpu.dma_semaphore, #tpu.memory_space<semaphore_mem>>) src(%dma_wait3A_293 : memref<80x128xf32, #tpu.memory_space<vmem>>) dst(%dma_wait3A_296 : memref<10240x128xf32, #tpu.memory_space<vmem_shared>>)
        tpu.yield
      }) : () -> ()
      %add3A_209 = arith.constant 4 : i32
      %add3A_210 = arith.addi %add3A_186, %add3A_209 : i32
      %lt3A_211 = arith.constant 23 : i32
      %lt3A_212 = arith.cmpi slt, %add3A_210, %lt3A_211 : i32
      %convert_element_type3A_213 = arith.extui %lt3A_212 : i1 to i32
      %cond3A_214 = arith.constant 0 : i32
      %cond3A_215 = arith.cmpi ne, %convert_element_type3A_213, %cond3A_214 : i32
      scf.if %cond3A_215 {
        %add3A_282 = arith.constant 4 : i32
        %add3A_283 = arith.addi %add3A_186, %add3A_282 : i32
        %mul3A_284 = arith.constant 80 : i32
        %mul3A_285 = arith.muli %add3A_283, %mul3A_284 : i32
        %add3A_286 = arith.addi %mul3A_2, %mul3A_285 : i32
        %dma_start3A_287 = arith.constant 1 : i32
        %dma_start3A_288 = arith.constant 0 : i32
        %dma_start3A_289 = arith.constant 0 : i32
        %dma_start3A_290 = tpu.memref_slice %arg10[%dma_start3A_287, %dma_start3A_288, %dma_start3A_289] : memref<4x80x128xf32, #tpu.memory_space<vmem>> -> memref<1x80x128xf32, #tpu.memory_space<vmem>>
        %dma_start3A_291 = tpu.memref_squeeze %dma_start3A_290 : memref<1x80x128xf32, #tpu.memory_space<vmem>> -> memref<80x128xf32, #tpu.memory_space<vmem>>
        %dma_start3A_292 = arith.constant 0 : i32
        %dma_start3A_293 = tpu.memref_slice %arg2[%add3A_286, %dma_start3A_292] : memref<58880x128xf32, #tpu.memory_space<hbm>> -> memref<80x128xf32, #tpu.memory_space<hbm>>
        %dma_start3A_294 = arith.constant 0 : i32
        %dma_start3A_295 = arith.constant 0 : i32
        %dma_start3A_296 = tpu.memref_slice %arg10[%dma_start3A_287, %dma_start3A_294, %dma_start3A_295] : memref<4x80x128xf32, #tpu.memory_space<vmem>> -> memref<1x80x128xf32, #tpu.memory_space<vmem>>
        %dma_start3A_297 = tpu.memref_squeeze %dma_start3A_296 : memref<1x80x128xf32, #tpu.memory_space<vmem>> -> memref<80x128xf32, #tpu.memory_space<vmem>>
        %dma_start3A_298 = arith.constant 0 : i32
        %dma_start3A_299 = tpu.memref_slice %arg2[%add3A_286, %dma_start3A_298] : memref<58880x128xf32, #tpu.memory_space<hbm>> -> memref<80x128xf32, #tpu.memory_space<hbm>>
        tpu.enqueue_dma source(%dma_start3A_299 : memref<80x128xf32, #tpu.memory_space<hbm>>) target(%dma_start3A_297 : memref<80x128xf32, #tpu.memory_space<vmem>>) target_semaphore(%arg13 : memref<!tpu.dma_semaphore, #tpu.memory_space<semaphore_mem>>)
        %add3A_300 = arith.constant 4 : i32
        %add3A_301 = arith.addi %add3A_186, %add3A_300 : i32
        %mul3A_302 = arith.constant 80 : i32
        %mul3A_303 = arith.muli %add3A_301, %mul3A_302 : i32
        %add3A_304 = arith.addi %add3A_4, %mul3A_303 : i32
        %dma_start3A_305 = tpu.memref_slice %arg3[%add3A_304] : memref<320000xi32, #tpu.memory_space<hbm>> -> memref<80xi32, #tpu.memory_space<hbm>>
        %dma_start3A_306 = tpu.memref_slice %arg3[%add3A_304] : memref<320000xi32, #tpu.memory_space<hbm>> -> memref<80xi32, #tpu.memory_space<hbm>>
        tpu.enqueue_dma source(%dma_start3A_306 : memref<80xi32, #tpu.memory_space<hbm>>) target(%arg7 : memref<80xi32, #tpu.memory_space<vmem>>) target_semaphore(%arg17 : memref<!tpu.dma_semaphore, #tpu.memory_space<semaphore_mem>>)
      } else {
      }
      %mul3A_216 = arith.constant 4 : i32
      %mul3A_217 = arith.muli %scan3A_152, %mul3A_216 : i32
      %add3A_218 = arith.constant 2 : i32
      %add3A_219 = arith.addi %mul3A_217, %add3A_218 : i32
      %mul3A_220 = arith.constant 80 : i32
      %mul3A_221 = arith.muli %add3A_219, %mul3A_220 : i32
      %add3A_222 = arith.addi %mul3A_2, %mul3A_221 : i32
      %dma_wait3A_223 = arith.constant 2 : i32
      %dma_wait3A_224 = arith.constant 0 : i32
      %dma_wait3A_225 = arith.constant 0 : i32
      %dma_wait3A_226 = tpu.memref_slice %arg10[%dma_wait3A_223, %dma_wait3A_224, %dma_wait3A_225] : memref<4x80x128xf32, #tpu.memory_space<vmem>> -> memref<1x80x128xf32, #tpu.memory_space<vmem>>
      %dma_wait3A_227 = tpu.memref_squeeze %dma_wait3A_226 : memref<1x80x128xf32, #tpu.memory_space<vmem>> -> memref<80x128xf32, #tpu.memory_space<vmem>>
      %dma_wait3A_228 = arith.constant 0 : i32
      %dma_wait3A_229 = tpu.memref_slice %arg2[%add3A_222, %dma_wait3A_228] : memref<58880x128xf32, #tpu.memory_space<hbm>> -> memref<80x128xf32, #tpu.memory_space<hbm>>
      %dma_wait3A_230 = arith.constant 0 : i32
      %dma_wait3A_231 = arith.constant 0 : i32
      %dma_wait3A_232 = tpu.memref_slice %arg10[%dma_wait3A_223, %dma_wait3A_230, %dma_wait3A_231] : memref<4x80x128xf32, #tpu.memory_space<vmem>> -> memref<1x80x128xf32, #tpu.memory_space<vmem>>
      %dma_wait3A_233 = tpu.memref_squeeze %dma_wait3A_232 : memref<1x80x128xf32, #tpu.memory_space<vmem>> -> memref<80x128xf32, #tpu.memory_space<vmem>>
      %dma_wait3A_234 = arith.constant 0 : i32
      %dma_wait3A_235 = tpu.memref_slice %arg2[%add3A_222, %dma_wait3A_234] : memref<58880x128xf32, #tpu.memory_space<hbm>> -> memref<80x128xf32, #tpu.memory_space<hbm>>
      tpu.wait_dma2 semaphore(%arg14 : memref<!tpu.dma_semaphore, #tpu.memory_space<semaphore_mem>>) src(%dma_wait3A_235 : memref<80x128xf32, #tpu.memory_space<hbm>>) dst(%dma_wait3A_233 : memref<80x128xf32, #tpu.memory_space<vmem>>)
      %mul3A_236 = arith.constant 80 : i32
      %mul3A_237 = arith.muli %add3A_219, %mul3A_236 : i32
      %add3A_238 = arith.addi %add3A_4, %mul3A_237 : i32
      %dma_wait3A_239 = tpu.memref_slice %arg3[%add3A_238] : memref<320000xi32, #tpu.memory_space<hbm>> -> memref<80xi32, #tpu.memory_space<hbm>>
      %dma_wait3A_240 = tpu.memref_slice %arg3[%add3A_238] : memref<320000xi32, #tpu.memory_space<hbm>> -> memref<80xi32, #tpu.memory_space<hbm>>
      tpu.wait_dma2 semaphore(%arg18 : memref<!tpu.dma_semaphore, #tpu.memory_space<semaphore_mem>>) src(%dma_wait3A_240 : memref<80xi32, #tpu.memory_space<hbm>>) dst(%arg8 : memref<80xi32, #tpu.memory_space<vmem>>)
      %run_scoped3A_241 = arith.constant 2 : i32
      "tpu.region"() ({
        %run_scoped3A_282 = tpu.sem_alloc : memref<!tpu.dma_semaphore, #tpu.memory_space<semaphore_mem>>
        %dma_start3A_283 = arith.constant 0 : i32
        %dma_start3A_284 = arith.constant 0 : i32
        %dma_start3A_285 = tpu.memref_slice %arg10[%run_scoped3A_241, %dma_start3A_283, %dma_start3A_284] : memref<4x80x128xf32, #tpu.memory_space<vmem>> -> memref<1x80x128xf32, #tpu.memory_space<vmem>>
        %dma_start3A_286 = tpu.memref_squeeze %dma_start3A_285 : memref<1x80x128xf32, #tpu.memory_space<vmem>> -> memref<80x128xf32, #tpu.memory_space<vmem>>
        %dma_start3A_287 = arith.constant 0 : i32
        %dma_start3A_288 = arith.constant 0 : i32
        %dma_start3A_289 = tpu.memref_slice %arg11[%dma_start3A_287, %dma_start3A_288] : memref<10240x128xf32, #tpu.memory_space<vmem_shared>> -> memref<10240x128xf32, #tpu.memory_space<vmem_shared>>
        tpu.enqueue_indirect_dma source(%dma_start3A_286 : memref<80x128xf32, #tpu.memory_space<vmem>>) target(%dma_start3A_289 : memref<10240x128xf32, #tpu.memory_space<vmem_shared>>) offsets(%arg8 : memref<80xi32, #tpu.memory_space<vmem>>) semaphore(%run_scoped3A_282 : memref<!tpu.dma_semaphore, #tpu.memory_space<semaphore_mem>>) {add = true}
        %dma_wait3A_290 = arith.constant 0 : i32
        %dma_wait3A_291 = arith.constant 0 : i32
        %dma_wait3A_292 = tpu.memref_slice %arg10[%run_scoped3A_241, %dma_wait3A_290, %dma_wait3A_291] : memref<4x80x128xf32, #tpu.memory_space<vmem>> -> memref<1x80x128xf32, #tpu.memory_space<vmem>>
        %dma_wait3A_293 = tpu.memref_squeeze %dma_wait3A_292 : memref<1x80x128xf32, #tpu.memory_space<vmem>> -> memref<80x128xf32, #tpu.memory_space<vmem>>
        %dma_wait3A_294 = arith.constant 0 : i32
        %dma_wait3A_295 = arith.constant 0 : i32
        %dma_wait3A_296 = tpu.memref_slice %arg11[%dma_wait3A_294, %dma_wait3A_295] : memref<10240x128xf32, #tpu.memory_space<vmem_shared>> -> memref<10240x128xf32, #tpu.memory_space<vmem_shared>>
        tpu.wait_indirect_dma semaphore(%run_scoped3A_282 : memref<!tpu.dma_semaphore, #tpu.memory_space<semaphore_mem>>) src(%dma_wait3A_293 : memref<80x128xf32, #tpu.memory_space<vmem>>) dst(%dma_wait3A_296 : memref<10240x128xf32, #tpu.memory_space<vmem_shared>>)
        tpu.yield
      }) : () -> ()
      %add3A_242 = arith.constant 4 : i32
      %add3A_243 = arith.addi %add3A_219, %add3A_242 : i32
      %lt3A_244 = arith.constant 23 : i32
      %lt3A_245 = arith.cmpi slt, %add3A_243, %lt3A_244 : i32
      %convert_element_type3A_246 = arith.extui %lt3A_245 : i1 to i32
      %cond3A_247 = arith.constant 0 : i32
      %cond3A_248 = arith.cmpi ne, %convert_element_type3A_246, %cond3A_247 : i32
      scf.if %cond3A_248 {
        %add3A_282 = arith.constant 4 : i32
        %add3A_283 = arith.addi %add3A_219, %add3A_282 : i32
        %mul3A_284 = arith.constant 80 : i32
        %mul3A_285 = arith.muli %add3A_283, %mul3A_284 : i32
        %add3A_286 = arith.addi %mul3A_2, %mul3A_285 : i32
        %dma_start3A_287 = arith.constant 2 : i32
        %dma_start3A_288 = arith.constant 0 : i32
        %dma_start3A_289 = arith.constant 0 : i32
        %dma_start3A_290 = tpu.memref_slice %arg10[%dma_start3A_287, %dma_start3A_288, %dma_start3A_289] : memref<4x80x128xf32, #tpu.memory_space<vmem>> -> memref<1x80x128xf32, #tpu.memory_space<vmem>>
        %dma_start3A_291 = tpu.memref_squeeze %dma_start3A_290 : memref<1x80x128xf32, #tpu.memory_space<vmem>> -> memref<80x128xf32, #tpu.memory_space<vmem>>
        %dma_start3A_292 = arith.constant 0 : i32
        %dma_start3A_293 = tpu.memref_slice %arg2[%add3A_286, %dma_start3A_292] : memref<58880x128xf32, #tpu.memory_space<hbm>> -> memref<80x128xf32, #tpu.memory_space<hbm>>
        %dma_start3A_294 = arith.constant 0 : i32
        %dma_start3A_295 = arith.constant 0 : i32
        %dma_start3A_296 = tpu.memref_slice %arg10[%dma_start3A_287, %dma_start3A_294, %dma_start3A_295] : memref<4x80x128xf32, #tpu.memory_space<vmem>> -> memref<1x80x128xf32, #tpu.memory_space<vmem>>
        %dma_start3A_297 = tpu.memref_squeeze %dma_start3A_296 : memref<1x80x128xf32, #tpu.memory_space<vmem>> -> memref<80x128xf32, #tpu.memory_space<vmem>>
        %dma_start3A_298 = arith.constant 0 : i32
        %dma_start3A_299 = tpu.memref_slice %arg2[%add3A_286, %dma_start3A_298] : memref<58880x128xf32, #tpu.memory_space<hbm>> -> memref<80x128xf32, #tpu.memory_space<hbm>>
        tpu.enqueue_dma source(%dma_start3A_299 : memref<80x128xf32, #tpu.memory_space<hbm>>) target(%dma_start3A_297 : memref<80x128xf32, #tpu.memory_space<vmem>>) target_semaphore(%arg14 : memref<!tpu.dma_semaphore, #tpu.memory_space<semaphore_mem>>)
        %add3A_300 = arith.constant 4 : i32
        %add3A_301 = arith.addi %add3A_219, %add3A_300 : i32
        %mul3A_302 = arith.constant 80 : i32
        %mul3A_303 = arith.muli %add3A_301, %mul3A_302 : i32
        %add3A_304 = arith.addi %add3A_4, %mul3A_303 : i32
        %dma_start3A_305 = tpu.memref_slice %arg3[%add3A_304] : memref<320000xi32, #tpu.memory_space<hbm>> -> memref<80xi32, #tpu.memory_space<hbm>>
        %dma_start3A_306 = tpu.memref_slice %arg3[%add3A_304] : memref<320000xi32, #tpu.memory_space<hbm>> -> memref<80xi32, #tpu.memory_space<hbm>>
        tpu.enqueue_dma source(%dma_start3A_306 : memref<80xi32, #tpu.memory_space<hbm>>) target(%arg8 : memref<80xi32, #tpu.memory_space<vmem>>) target_semaphore(%arg18 : memref<!tpu.dma_semaphore, #tpu.memory_space<semaphore_mem>>)
      } else {
      }
      %mul3A_249 = arith.constant 4 : i32
      %mul3A_250 = arith.muli %scan3A_152, %mul3A_249 : i32
      %add3A_251 = arith.constant 3 : i32
      %add3A_252 = arith.addi %mul3A_250, %add3A_251 : i32
      %mul3A_253 = arith.constant 80 : i32
      %mul3A_254 = arith.muli %add3A_252, %mul3A_253 : i32
      %add3A_255 = arith.addi %mul3A_2, %mul3A_254 : i32
      %dma_wait3A_256 = arith.constant 3 : i32
      %dma_wait3A_257 = arith.constant 0 : i32
      %dma_wait3A_258 = arith.constant 0 : i32
      %dma_wait3A_259 = tpu.memref_slice %arg10[%dma_wait3A_256, %dma_wait3A_257, %dma_wait3A_258] : memref<4x80x128xf32, #tpu.memory_space<vmem>> -> memref<1x80x128xf32, #tpu.memory_space<vmem>>
      %dma_wait3A_260 = tpu.memref_squeeze %dma_wait3A_259 : memref<1x80x128xf32, #tpu.memory_space<vmem>> -> memref<80x128xf32, #tpu.memory_space<vmem>>
      %dma_wait3A_261 = arith.constant 0 : i32
      %dma_wait3A_262 = tpu.memref_slice %arg2[%add3A_255, %dma_wait3A_261] : memref<58880x128xf32, #tpu.memory_space<hbm>> -> memref<80x128xf32, #tpu.memory_space<hbm>>
      %dma_wait3A_263 = arith.constant 0 : i32
      %dma_wait3A_264 = arith.constant 0 : i32
      %dma_wait3A_265 = tpu.memref_slice %arg10[%dma_wait3A_256, %dma_wait3A_263, %dma_wait3A_264] : memref<4x80x128xf32, #tpu.memory_space<vmem>> -> memref<1x80x128xf32, #tpu.memory_space<vmem>>
      %dma_wait3A_266 = tpu.memref_squeeze %dma_wait3A_265 : memref<1x80x128xf32, #tpu.memory_space<vmem>> -> memref<80x128xf32, #tpu.memory_space<vmem>>
      %dma_wait3A_267 = arith.constant 0 : i32
      %dma_wait3A_268 = tpu.memref_slice %arg2[%add3A_255, %dma_wait3A_267] : memref<58880x128xf32, #tpu.memory_space<hbm>> -> memref<80x128xf32, #tpu.memory_space<hbm>>
      tpu.wait_dma2 semaphore(%arg15 : memref<!tpu.dma_semaphore, #tpu.memory_space<semaphore_mem>>) src(%dma_wait3A_268 : memref<80x128xf32, #tpu.memory_space<hbm>>) dst(%dma_wait3A_266 : memref<80x128xf32, #tpu.memory_space<vmem>>)
      %mul3A_269 = arith.constant 80 : i32
      %mul3A_270 = arith.muli %add3A_252, %mul3A_269 : i32
      %add3A_271 = arith.addi %add3A_4, %mul3A_270 : i32
      %dma_wait3A_272 = tpu.memref_slice %arg3[%add3A_271] : memref<320000xi32, #tpu.memory_space<hbm>> -> memref<80xi32, #tpu.memory_space<hbm>>
      %dma_wait3A_273 = tpu.memref_slice %arg3[%add3A_271] : memref<320000xi32, #tpu.memory_space<hbm>> -> memref<80xi32, #tpu.memory_space<hbm>>
      tpu.wait_dma2 semaphore(%arg19 : memref<!tpu.dma_semaphore, #tpu.memory_space<semaphore_mem>>) src(%dma_wait3A_273 : memref<80xi32, #tpu.memory_space<hbm>>) dst(%arg9 : memref<80xi32, #tpu.memory_space<vmem>>)
      %run_scoped3A_274 = arith.constant 3 : i32
      "tpu.region"() ({
        %run_scoped3A_282 = tpu.sem_alloc : memref<!tpu.dma_semaphore, #tpu.memory_space<semaphore_mem>>
        %dma_start3A_283 = arith.constant 0 : i32
        %dma_start3A_284 = arith.constant 0 : i32
        %dma_start3A_285 = tpu.memref_slice %arg10[%run_scoped3A_274, %dma_start3A_283, %dma_start3A_284] : memref<4x80x128xf32, #tpu.memory_space<vmem>> -> memref<1x80x128xf32, #tpu.memory_space<vmem>>
        %dma_start3A_286 = tpu.memref_squeeze %dma_start3A_285 : memref<1x80x128xf32, #tpu.memory_space<vmem>> -> memref<80x128xf32, #tpu.memory_space<vmem>>
        %dma_start3A_287 = arith.constant 0 : i32
        %dma_start3A_288 = arith.constant 0 : i32
        %dma_start3A_289 = tpu.memref_slice %arg11[%dma_start3A_287, %dma_start3A_288] : memref<10240x128xf32, #tpu.memory_space<vmem_shared>> -> memref<10240x128xf32, #tpu.memory_space<vmem_shared>>
        tpu.enqueue_indirect_dma source(%dma_start3A_286 : memref<80x128xf32, #tpu.memory_space<vmem>>) target(%dma_start3A_289 : memref<10240x128xf32, #tpu.memory_space<vmem_shared>>) offsets(%arg9 : memref<80xi32, #tpu.memory_space<vmem>>) semaphore(%run_scoped3A_282 : memref<!tpu.dma_semaphore, #tpu.memory_space<semaphore_mem>>) {add = true}
        %dma_wait3A_290 = arith.constant 0 : i32
        %dma_wait3A_291 = arith.constant 0 : i32
        %dma_wait3A_292 = tpu.memref_slice %arg10[%run_scoped3A_274, %dma_wait3A_290, %dma_wait3A_291] : memref<4x80x128xf32, #tpu.memory_space<vmem>> -> memref<1x80x128xf32, #tpu.memory_space<vmem>>
        %dma_wait3A_293 = tpu.memref_squeeze %dma_wait3A_292 : memref<1x80x128xf32, #tpu.memory_space<vmem>> -> memref<80x128xf32, #tpu.memory_space<vmem>>
        %dma_wait3A_294 = arith.constant 0 : i32
        %dma_wait3A_295 = arith.constant 0 : i32
        %dma_wait3A_296 = tpu.memref_slice %arg11[%dma_wait3A_294, %dma_wait3A_295] : memref<10240x128xf32, #tpu.memory_space<vmem_shared>> -> memref<10240x128xf32, #tpu.memory_space<vmem_shared>>
        tpu.wait_indirect_dma semaphore(%run_scoped3A_282 : memref<!tpu.dma_semaphore, #tpu.memory_space<semaphore_mem>>) src(%dma_wait3A_293 : memref<80x128xf32, #tpu.memory_space<vmem>>) dst(%dma_wait3A_296 : memref<10240x128xf32, #tpu.memory_space<vmem_shared>>)
        tpu.yield
      }) : () -> ()
      %add3A_275 = arith.constant 4 : i32
      %add3A_276 = arith.addi %add3A_252, %add3A_275 : i32
      %lt3A_277 = arith.constant 23 : i32
      %lt3A_278 = arith.cmpi slt, %add3A_276, %lt3A_277 : i32
      %convert_element_type3A_279 = arith.extui %lt3A_278 : i1 to i32
      %cond3A_280 = arith.constant 0 : i32
      %cond3A_281 = arith.cmpi ne, %convert_element_type3A_279, %cond3A_280 : i32
      scf.if %cond3A_281 {
        %add3A_282 = arith.constant 4 : i32
        %add3A_283 = arith.addi %add3A_252, %add3A_282 : i32
        %mul3A_284 = arith.constant 80 : i32
        %mul3A_285 = arith.muli %add3A_283, %mul3A_284 : i32
        %add3A_286 = arith.addi %mul3A_2, %mul3A_285 : i32
        %dma_start3A_287 = arith.constant 3 : i32
        %dma_start3A_288 = arith.constant 0 : i32
        %dma_start3A_289 = arith.constant 0 : i32
        %dma_start3A_290 = tpu.memref_slice %arg10[%dma_start3A_287, %dma_start3A_288, %dma_start3A_289] : memref<4x80x128xf32, #tpu.memory_space<vmem>> -> memref<1x80x128xf32, #tpu.memory_space<vmem>>
        %dma_start3A_291 = tpu.memref_squeeze %dma_start3A_290 : memref<1x80x128xf32, #tpu.memory_space<vmem>> -> memref<80x128xf32, #tpu.memory_space<vmem>>
        %dma_start3A_292 = arith.constant 0 : i32
        %dma_start3A_293 = tpu.memref_slice %arg2[%add3A_286, %dma_start3A_292] : memref<58880x128xf32, #tpu.memory_space<hbm>> -> memref<80x128xf32, #tpu.memory_space<hbm>>
        %dma_start3A_294 = arith.constant 0 : i32
        %dma_start3A_295 = arith.constant 0 : i32
        %dma_start3A_296 = tpu.memref_slice %arg10[%dma_start3A_287, %dma_start3A_294, %dma_start3A_295] : memref<4x80x128xf32, #tpu.memory_space<vmem>> -> memref<1x80x128xf32, #tpu.memory_space<vmem>>
        %dma_start3A_297 = tpu.memref_squeeze %dma_start3A_296 : memref<1x80x128xf32, #tpu.memory_space<vmem>> -> memref<80x128xf32, #tpu.memory_space<vmem>>
        %dma_start3A_298 = arith.constant 0 : i32
        %dma_start3A_299 = tpu.memref_slice %arg2[%add3A_286, %dma_start3A_298] : memref<58880x128xf32, #tpu.memory_space<hbm>> -> memref<80x128xf32, #tpu.memory_space<hbm>>
        tpu.enqueue_dma source(%dma_start3A_299 : memref<80x128xf32, #tpu.memory_space<hbm>>) target(%dma_start3A_297 : memref<80x128xf32, #tpu.memory_space<vmem>>) target_semaphore(%arg15 : memref<!tpu.dma_semaphore, #tpu.memory_space<semaphore_mem>>)
        %add3A_300 = arith.constant 4 : i32
        %add3A_301 = arith.addi %add3A_252, %add3A_300 : i32
        %mul3A_302 = arith.constant 80 : i32
        %mul3A_303 = arith.muli %add3A_301, %mul3A_302 : i32
        %add3A_304 = arith.addi %add3A_4, %mul3A_303 : i32
        %dma_start3A_305 = tpu.memref_slice %arg3[%add3A_304] : memref<320000xi32, #tpu.memory_space<hbm>> -> memref<80xi32, #tpu.memory_space<hbm>>
        %dma_start3A_306 = tpu.memref_slice %arg3[%add3A_304] : memref<320000xi32, #tpu.memory_space<hbm>> -> memref<80xi32, #tpu.memory_space<hbm>>
        tpu.enqueue_dma source(%dma_start3A_306 : memref<80xi32, #tpu.memory_space<hbm>>) target(%arg9 : memref<80xi32, #tpu.memory_space<vmem>>) target_semaphore(%arg19 : memref<!tpu.dma_semaphore, #tpu.memory_space<semaphore_mem>>)
      } else {
      }
    }
    %scan3A_88 = arith.constant 5 : i32
    %add3A_89 = arith.constant 1600 : i32
    %add3A_90 = arith.addi %mul3A_2, %add3A_89 : i32
    %dma_wait3A = arith.constant 0 : i32
    %dma_wait3A_91 = arith.constant 0 : i32
    %dma_wait3A_92 = arith.constant 0 : i32
    %dma_wait3A_93 = tpu.memref_slice %arg10[%dma_wait3A, %dma_wait3A_91, %dma_wait3A_92] : memref<4x80x128xf32, #tpu.memory_space<vmem>> -> memref<1x80x128xf32, #tpu.memory_space<vmem>>
    %dma_wait3A_94 = tpu.memref_squeeze %dma_wait3A_93 : memref<1x80x128xf32, #tpu.memory_space<vmem>> -> memref<80x128xf32, #tpu.memory_space<vmem>>
    %dma_wait3A_95 = arith.constant 0 : i32
    %dma_wait3A_96 = tpu.memref_slice %arg2[%add3A_90, %dma_wait3A_95] : memref<58880x128xf32, #tpu.memory_space<hbm>> -> memref<80x128xf32, #tpu.memory_space<hbm>>
    %dma_wait3A_97 = arith.constant 0 : i32
    %dma_wait3A_98 = arith.constant 0 : i32
    %dma_wait3A_99 = tpu.memref_slice %arg10[%dma_wait3A, %dma_wait3A_97, %dma_wait3A_98] : memref<4x80x128xf32, #tpu.memory_space<vmem>> -> memref<1x80x128xf32, #tpu.memory_space<vmem>>
    %dma_wait3A_100 = tpu.memref_squeeze %dma_wait3A_99 : memref<1x80x128xf32, #tpu.memory_space<vmem>> -> memref<80x128xf32, #tpu.memory_space<vmem>>
    %dma_wait3A_101 = arith.constant 0 : i32
    %dma_wait3A_102 = tpu.memref_slice %arg2[%add3A_90, %dma_wait3A_101] : memref<58880x128xf32, #tpu.memory_space<hbm>> -> memref<80x128xf32, #tpu.memory_space<hbm>>
    tpu.wait_dma2 semaphore(%arg12 : memref<!tpu.dma_semaphore, #tpu.memory_space<semaphore_mem>>) src(%dma_wait3A_102 : memref<80x128xf32, #tpu.memory_space<hbm>>) dst(%dma_wait3A_100 : memref<80x128xf32, #tpu.memory_space<vmem>>)
    %add3A_103 = arith.constant 1600 : i32
    %add3A_104 = arith.addi %add3A_4, %add3A_103 : i32
    %dma_wait3A_105 = tpu.memref_slice %arg3[%add3A_104] : memref<320000xi32, #tpu.memory_space<hbm>> -> memref<80xi32, #tpu.memory_space<hbm>>
    %dma_wait3A_106 = tpu.memref_slice %arg3[%add3A_104] : memref<320000xi32, #tpu.memory_space<hbm>> -> memref<80xi32, #tpu.memory_space<hbm>>
    tpu.wait_dma2 semaphore(%arg16 : memref<!tpu.dma_semaphore, #tpu.memory_space<semaphore_mem>>) src(%dma_wait3A_106 : memref<80xi32, #tpu.memory_space<hbm>>) dst(%arg6 : memref<80xi32, #tpu.memory_space<vmem>>)
    %run_scoped3A = arith.constant 0 : i32
    "tpu.region"() ({
      %run_scoped3A_152 = tpu.sem_alloc : memref<!tpu.dma_semaphore, #tpu.memory_space<semaphore_mem>>
      %dma_start3A_153 = arith.constant 0 : i32
      %dma_start3A_154 = arith.constant 0 : i32
      %dma_start3A_155 = tpu.memref_slice %arg10[%run_scoped3A, %dma_start3A_153, %dma_start3A_154] : memref<4x80x128xf32, #tpu.memory_space<vmem>> -> memref<1x80x128xf32, #tpu.memory_space<vmem>>
      %dma_start3A_156 = tpu.memref_squeeze %dma_start3A_155 : memref<1x80x128xf32, #tpu.memory_space<vmem>> -> memref<80x128xf32, #tpu.memory_space<vmem>>
      %dma_start3A_157 = arith.constant 0 : i32
      %dma_start3A_158 = arith.constant 0 : i32
      %dma_start3A_159 = tpu.memref_slice %arg11[%dma_start3A_157, %dma_start3A_158] : memref<10240x128xf32, #tpu.memory_space<vmem_shared>> -> memref<10240x128xf32, #tpu.memory_space<vmem_shared>>
      tpu.enqueue_indirect_dma source(%dma_start3A_156 : memref<80x128xf32, #tpu.memory_space<vmem>>) target(%dma_start3A_159 : memref<10240x128xf32, #tpu.memory_space<vmem_shared>>) offsets(%arg6 : memref<80xi32, #tpu.memory_space<vmem>>) semaphore(%run_scoped3A_152 : memref<!tpu.dma_semaphore, #tpu.memory_space<semaphore_mem>>) {add = true}
      %dma_wait3A_160 = arith.constant 0 : i32
      %dma_wait3A_161 = arith.constant 0 : i32
      %dma_wait3A_162 = tpu.memref_slice %arg10[%run_scoped3A, %dma_wait3A_160, %dma_wait3A_161] : memref<4x80x128xf32, #tpu.memory_space<vmem>> -> memref<1x80x128xf32, #tpu.memory_space<vmem>>
      %dma_wait3A_163 = tpu.memref_squeeze %dma_wait3A_162 : memref<1x80x128xf32, #tpu.memory_space<vmem>> -> memref<80x128xf32, #tpu.memory_space<vmem>>
      %dma_wait3A_164 = arith.constant 0 : i32
      %dma_wait3A_165 = arith.constant 0 : i32
      %dma_wait3A_166 = tpu.memref_slice %arg11[%dma_wait3A_164, %dma_wait3A_165] : memref<10240x128xf32, #tpu.memory_space<vmem_shared>> -> memref<10240x128xf32, #tpu.memory_space<vmem_shared>>
      tpu.wait_indirect_dma semaphore(%run_scoped3A_152 : memref<!tpu.dma_semaphore, #tpu.memory_space<semaphore_mem>>) src(%dma_wait3A_163 : memref<80x128xf32, #tpu.memory_space<vmem>>) dst(%dma_wait3A_166 : memref<10240x128xf32, #tpu.memory_space<vmem_shared>>)
      tpu.yield
    }) : () -> ()
    %add3A_107 = arith.constant 1680 : i32
    %add3A_108 = arith.addi %mul3A_2, %add3A_107 : i32
    %dma_wait3A_109 = arith.constant 1 : i32
    %dma_wait3A_110 = arith.constant 0 : i32
    %dma_wait3A_111 = arith.constant 0 : i32
    %dma_wait3A_112 = tpu.memref_slice %arg10[%dma_wait3A_109, %dma_wait3A_110, %dma_wait3A_111] : memref<4x80x128xf32, #tpu.memory_space<vmem>> -> memref<1x80x128xf32, #tpu.memory_space<vmem>>
    %dma_wait3A_113 = tpu.memref_squeeze %dma_wait3A_112 : memref<1x80x128xf32, #tpu.memory_space<vmem>> -> memref<80x128xf32, #tpu.memory_space<vmem>>
    %dma_wait3A_114 = arith.constant 0 : i32
    %dma_wait3A_115 = tpu.memref_slice %arg2[%add3A_108, %dma_wait3A_114] : memref<58880x128xf32, #tpu.memory_space<hbm>> -> memref<80x128xf32, #tpu.memory_space<hbm>>
    %dma_wait3A_116 = arith.constant 0 : i32
    %dma_wait3A_117 = arith.constant 0 : i32
    %dma_wait3A_118 = tpu.memref_slice %arg10[%dma_wait3A_109, %dma_wait3A_116, %dma_wait3A_117] : memref<4x80x128xf32, #tpu.memory_space<vmem>> -> memref<1x80x128xf32, #tpu.memory_space<vmem>>
    %dma_wait3A_119 = tpu.memref_squeeze %dma_wait3A_118 : memref<1x80x128xf32, #tpu.memory_space<vmem>> -> memref<80x128xf32, #tpu.memory_space<vmem>>
    %dma_wait3A_120 = arith.constant 0 : i32
    %dma_wait3A_121 = tpu.memref_slice %arg2[%add3A_108, %dma_wait3A_120] : memref<58880x128xf32, #tpu.memory_space<hbm>> -> memref<80x128xf32, #tpu.memory_space<hbm>>
    tpu.wait_dma2 semaphore(%arg13 : memref<!tpu.dma_semaphore, #tpu.memory_space<semaphore_mem>>) src(%dma_wait3A_121 : memref<80x128xf32, #tpu.memory_space<hbm>>) dst(%dma_wait3A_119 : memref<80x128xf32, #tpu.memory_space<vmem>>)
    %add3A_122 = arith.constant 1680 : i32
    %add3A_123 = arith.addi %add3A_4, %add3A_122 : i32
    %dma_wait3A_124 = tpu.memref_slice %arg3[%add3A_123] : memref<320000xi32, #tpu.memory_space<hbm>> -> memref<80xi32, #tpu.memory_space<hbm>>
    %dma_wait3A_125 = tpu.memref_slice %arg3[%add3A_123] : memref<320000xi32, #tpu.memory_space<hbm>> -> memref<80xi32, #tpu.memory_space<hbm>>
    tpu.wait_dma2 semaphore(%arg17 : memref<!tpu.dma_semaphore, #tpu.memory_space<semaphore_mem>>) src(%dma_wait3A_125 : memref<80xi32, #tpu.memory_space<hbm>>) dst(%arg7 : memref<80xi32, #tpu.memory_space<vmem>>)
    %run_scoped3A_126 = arith.constant 1 : i32
    "tpu.region"() ({
      %run_scoped3A_152 = tpu.sem_alloc : memref<!tpu.dma_semaphore, #tpu.memory_space<semaphore_mem>>
      %dma_start3A_153 = arith.constant 0 : i32
      %dma_start3A_154 = arith.constant 0 : i32
      %dma_start3A_155 = tpu.memref_slice %arg10[%run_scoped3A_126, %dma_start3A_153, %dma_start3A_154] : memref<4x80x128xf32, #tpu.memory_space<vmem>> -> memref<1x80x128xf32, #tpu.memory_space<vmem>>
      %dma_start3A_156 = tpu.memref_squeeze %dma_start3A_155 : memref<1x80x128xf32, #tpu.memory_space<vmem>> -> memref<80x128xf32, #tpu.memory_space<vmem>>
      %dma_start3A_157 = arith.constant 0 : i32
      %dma_start3A_158 = arith.constant 0 : i32
      %dma_start3A_159 = tpu.memref_slice %arg11[%dma_start3A_157, %dma_start3A_158] : memref<10240x128xf32, #tpu.memory_space<vmem_shared>> -> memref<10240x128xf32, #tpu.memory_space<vmem_shared>>
      tpu.enqueue_indirect_dma source(%dma_start3A_156 : memref<80x128xf32, #tpu.memory_space<vmem>>) target(%dma_start3A_159 : memref<10240x128xf32, #tpu.memory_space<vmem_shared>>) offsets(%arg7 : memref<80xi32, #tpu.memory_space<vmem>>) semaphore(%run_scoped3A_152 : memref<!tpu.dma_semaphore, #tpu.memory_space<semaphore_mem>>) {add = true}
      %dma_wait3A_160 = arith.constant 0 : i32
      %dma_wait3A_161 = arith.constant 0 : i32
      %dma_wait3A_162 = tpu.memref_slice %arg10[%run_scoped3A_126, %dma_wait3A_160, %dma_wait3A_161] : memref<4x80x128xf32, #tpu.memory_space<vmem>> -> memref<1x80x128xf32, #tpu.memory_space<vmem>>
      %dma_wait3A_163 = tpu.memref_squeeze %dma_wait3A_162 : memref<1x80x128xf32, #tpu.memory_space<vmem>> -> memref<80x128xf32, #tpu.memory_space<vmem>>
      %dma_wait3A_164 = arith.constant 0 : i32
      %dma_wait3A_165 = arith.constant 0 : i32
      %dma_wait3A_166 = tpu.memref_slice %arg11[%dma_wait3A_164, %dma_wait3A_165] : memref<10240x128xf32, #tpu.memory_space<vmem_shared>> -> memref<10240x128xf32, #tpu.memory_space<vmem_shared>>
      tpu.wait_indirect_dma semaphore(%run_scoped3A_152 : memref<!tpu.dma_semaphore, #tpu.memory_space<semaphore_mem>>) src(%dma_wait3A_163 : memref<80x128xf32, #tpu.memory_space<vmem>>) dst(%dma_wait3A_166 : memref<10240x128xf32, #tpu.memory_space<vmem_shared>>)
      tpu.yield
    }) : () -> ()
    %add3A_127 = arith.constant 1760 : i32
    %add3A_128 = arith.addi %mul3A_2, %add3A_127 : i32
    %dma_wait3A_129 = arith.constant 2 : i32
    %dma_wait3A_130 = arith.constant 0 : i32
    %dma_wait3A_131 = arith.constant 0 : i32
    %dma_wait3A_132 = tpu.memref_slice %arg10[%dma_wait3A_129, %dma_wait3A_130, %dma_wait3A_131] : memref<4x80x128xf32, #tpu.memory_space<vmem>> -> memref<1x80x128xf32, #tpu.memory_space<vmem>>
    %dma_wait3A_133 = tpu.memref_squeeze %dma_wait3A_132 : memref<1x80x128xf32, #tpu.memory_space<vmem>> -> memref<80x128xf32, #tpu.memory_space<vmem>>
    %dma_wait3A_134 = arith.constant 0 : i32
    %dma_wait3A_135 = tpu.memref_slice %arg2[%add3A_128, %dma_wait3A_134] : memref<58880x128xf32, #tpu.memory_space<hbm>> -> memref<80x128xf32, #tpu.memory_space<hbm>>
    %dma_wait3A_136 = arith.constant 0 : i32
    %dma_wait3A_137 = arith.constant 0 : i32
    %dma_wait3A_138 = tpu.memref_slice %arg10[%dma_wait3A_129, %dma_wait3A_136, %dma_wait3A_137] : memref<4x80x128xf32, #tpu.memory_space<vmem>> -> memref<1x80x128xf32, #tpu.memory_space<vmem>>
    %dma_wait3A_139 = tpu.memref_squeeze %dma_wait3A_138 : memref<1x80x128xf32, #tpu.memory_space<vmem>> -> memref<80x128xf32, #tpu.memory_space<vmem>>
    %dma_wait3A_140 = arith.constant 0 : i32
    %dma_wait3A_141 = tpu.memref_slice %arg2[%add3A_128, %dma_wait3A_140] : memref<58880x128xf32, #tpu.memory_space<hbm>> -> memref<80x128xf32, #tpu.memory_space<hbm>>
    tpu.wait_dma2 semaphore(%arg14 : memref<!tpu.dma_semaphore, #tpu.memory_space<semaphore_mem>>) src(%dma_wait3A_141 : memref<80x128xf32, #tpu.memory_space<hbm>>) dst(%dma_wait3A_139 : memref<80x128xf32, #tpu.memory_space<vmem>>)
    %add3A_142 = arith.constant 1760 : i32
    %add3A_143 = arith.addi %add3A_4, %add3A_142 : i32
    %dma_wait3A_144 = tpu.memref_slice %arg3[%add3A_143] : memref<320000xi32, #tpu.memory_space<hbm>> -> memref<80xi32, #tpu.memory_space<hbm>>
    %dma_wait3A_145 = tpu.memref_slice %arg3[%add3A_143] : memref<320000xi32, #tpu.memory_space<hbm>> -> memref<80xi32, #tpu.memory_space<hbm>>
    tpu.wait_dma2 semaphore(%arg18 : memref<!tpu.dma_semaphore, #tpu.memory_space<semaphore_mem>>) src(%dma_wait3A_145 : memref<80xi32, #tpu.memory_space<hbm>>) dst(%arg8 : memref<80xi32, #tpu.memory_space<vmem>>)
    %run_scoped3A_146 = arith.constant 2 : i32
    "tpu.region"() ({
      %run_scoped3A_152 = tpu.sem_alloc : memref<!tpu.dma_semaphore, #tpu.memory_space<semaphore_mem>>
      %dma_start3A_153 = arith.constant 0 : i32
      %dma_start3A_154 = arith.constant 0 : i32
      %dma_start3A_155 = tpu.memref_slice %arg10[%run_scoped3A_146, %dma_start3A_153, %dma_start3A_154] : memref<4x80x128xf32, #tpu.memory_space<vmem>> -> memref<1x80x128xf32, #tpu.memory_space<vmem>>
      %dma_start3A_156 = tpu.memref_squeeze %dma_start3A_155 : memref<1x80x128xf32, #tpu.memory_space<vmem>> -> memref<80x128xf32, #tpu.memory_space<vmem>>
      %dma_start3A_157 = arith.constant 0 : i32
      %dma_start3A_158 = arith.constant 0 : i32
      %dma_start3A_159 = tpu.memref_slice %arg11[%dma_start3A_157, %dma_start3A_158] : memref<10240x128xf32, #tpu.memory_space<vmem_shared>> -> memref<10240x128xf32, #tpu.memory_space<vmem_shared>>
      tpu.enqueue_indirect_dma source(%dma_start3A_156 : memref<80x128xf32, #tpu.memory_space<vmem>>) target(%dma_start3A_159 : memref<10240x128xf32, #tpu.memory_space<vmem_shared>>) offsets(%arg8 : memref<80xi32, #tpu.memory_space<vmem>>) semaphore(%run_scoped3A_152 : memref<!tpu.dma_semaphore, #tpu.memory_space<semaphore_mem>>) {add = true}
      %dma_wait3A_160 = arith.constant 0 : i32
      %dma_wait3A_161 = arith.constant 0 : i32
      %dma_wait3A_162 = tpu.memref_slice %arg10[%run_scoped3A_146, %dma_wait3A_160, %dma_wait3A_161] : memref<4x80x128xf32, #tpu.memory_space<vmem>> -> memref<1x80x128xf32, #tpu.memory_space<vmem>>
      %dma_wait3A_163 = tpu.memref_squeeze %dma_wait3A_162 : memref<1x80x128xf32, #tpu.memory_space<vmem>> -> memref<80x128xf32, #tpu.memory_space<vmem>>
      %dma_wait3A_164 = arith.constant 0 : i32
      %dma_wait3A_165 = arith.constant 0 : i32
      %dma_wait3A_166 = tpu.memref_slice %arg11[%dma_wait3A_164, %dma_wait3A_165] : memref<10240x128xf32, #tpu.memory_space<vmem_shared>> -> memref<10240x128xf32, #tpu.memory_space<vmem_shared>>
      tpu.wait_indirect_dma semaphore(%run_scoped3A_152 : memref<!tpu.dma_semaphore, #tpu.memory_space<semaphore_mem>>) src(%dma_wait3A_163 : memref<80x128xf32, #tpu.memory_space<vmem>>) dst(%dma_wait3A_166 : memref<10240x128xf32, #tpu.memory_space<vmem_shared>>)
      tpu.yield
    }) : () -> ()
    %barrier3A_147 = arith.constant 0 : index
    tpu.barrier barrier_id(%barrier3A_147)
    %mul3A_148 = arith.constant 640 : i32
    %mul3A_149 = arith.muli %arg1, %mul3A_148 : i32
    %mul3A_150 = arith.constant 640 : i32
    %mul3A_151 = arith.muli %arg1, %mul3A_150 : i32
    "tpu.region"() ({
      %run_scoped3A_152 = tpu.sem_alloc : memref<!tpu.dma_semaphore, #tpu.memory_space<semaphore_mem>>
      %dma_start3A_153 = arith.constant 0 : i32
      %dma_start3A_154 = tpu.memref_slice %arg5[%arg0, %mul3A_151, %dma_start3A_153] : memref<2x10240x128xf32, #tpu.memory_space<hbm>> -> memref<1x640x128xf32, #tpu.memory_space<hbm>>
      %dma_start3A_155 = tpu.memref_squeeze %dma_start3A_154 : memref<1x640x128xf32, #tpu.memory_space<hbm>> -> memref<640x128xf32, #tpu.memory_space<hbm>>
      %dma_start3A_156 = arith.constant 0 : i32
      %dma_start3A_157 = tpu.memref_slice %arg11[%mul3A_149, %dma_start3A_156] : memref<10240x128xf32, #tpu.memory_space<vmem_shared>> -> memref<640x128xf32, #tpu.memory_space<vmem_shared>>
      tpu.enqueue_dma source(%dma_start3A_157 : memref<640x128xf32, #tpu.memory_space<vmem_shared>>) target(%dma_start3A_155 : memref<640x128xf32, #tpu.memory_space<hbm>>) target_semaphore(%run_scoped3A_152 : memref<!tpu.dma_semaphore, #tpu.memory_space<semaphore_mem>>)
      %dma_wait3A_158 = arith.constant 0 : i32
      %dma_wait3A_159 = tpu.memref_slice %arg5[%arg0, %mul3A_151, %dma_wait3A_158] : memref<2x10240x128xf32, #tpu.memory_space<hbm>> -> memref<1x640x128xf32, #tpu.memory_space<hbm>>
      %dma_wait3A_160 = tpu.memref_squeeze %dma_wait3A_159 : memref<1x640x128xf32, #tpu.memory_space<hbm>> -> memref<640x128xf32, #tpu.memory_space<hbm>>
      %dma_wait3A_161 = arith.constant 0 : i32
      %dma_wait3A_162 = tpu.memref_slice %arg11[%mul3A_149, %dma_wait3A_161] : memref<10240x128xf32, #tpu.memory_space<vmem_shared>> -> memref<640x128xf32, #tpu.memory_space<vmem_shared>>
      tpu.wait_dma2 semaphore(%run_scoped3A_152 : memref<!tpu.dma_semaphore, #tpu.memory_space<semaphore_mem>>) src(%dma_wait3A_162 : memref<640x128xf32, #tpu.memory_space<vmem_shared>>) dst(%dma_wait3A_160 : memref<640x128xf32, #tpu.memory_space<hbm>>)
      tpu.yield
    }) : () -> ()
    return
  }
}

#map = affine_map<(d0, d1) -> (0, 0)>
#map1 = affine_map<(d0, d1) -> (0)>
#map2 = affine_map<(d0, d1) -> (0, 0, 0)>
module attributes {stable_mosaic.version = 14 : i64} {
  func.func @_sc_body(%arg0: i32, %arg1: i32, %arg2: memref<87040x128xf32, #tpu.memory_space<hbm>>, %arg3: memref<320000xi32, #tpu.memory_space<hbm>>, %arg4: memref<2x10240x128xf32, #tpu.memory_space<hbm>>, %arg5: memref<2x10240x128xf32, #tpu.memory_space<hbm>>, %arg6: memref<80xi32, #tpu.memory_space<vmem>>, %arg7: memref<80xi32, #tpu.memory_space<vmem>>, %arg8: memref<80xi32, #tpu.memory_space<vmem>>, %arg9: memref<80xi32, #tpu.memory_space<vmem>>, %arg10: memref<4x80x128xf32, #tpu.memory_space<vmem>>, %arg11: memref<10240x128xf32, #tpu.memory_space<vmem_shared>>, %arg12: memref<!tpu.dma_semaphore, #tpu.memory_space<semaphore_mem>>, %arg13: memref<!tpu.dma_semaphore, #tpu.memory_space<semaphore_mem>>, %arg14: memref<!tpu.dma_semaphore, #tpu.memory_space<semaphore_mem>>, %arg15: memref<!tpu.dma_semaphore, #tpu.memory_space<semaphore_mem>>, %arg16: memref<!tpu.dma_semaphore, #tpu.memory_space<semaphore_mem>>, %arg17: memref<!tpu.dma_semaphore, #tpu.memory_space<semaphore_mem>>, %arg18: memref<!tpu.dma_semaphore, #tpu.memory_space<semaphore_mem>>, %arg19: memref<!tpu.dma_semaphore, #tpu.memory_space<semaphore_mem>>) attributes {dimension_semantics = [#tpu.dimension_semantics<core_parallel>, #tpu.dimension_semantics<subcore_parallel>], iteration_bounds = array<i64: 2, 16>, scalar_prefetch = 0 : i64, scratch_operands = 14 : i64, tpu.core_type = #tpu.core_type<sc_vector_subcore>, window_params = [{transform_indices = #map}, {transform_indices = #map1}, {transform_indices = #map2}, {transform_indices = #map2}]} {
    %mul3A = arith.constant 16 : i32
    %mul3A_0 = arith.muli %arg0, %mul3A : i32
    %add3A = arith.addi %mul3A_0, %arg1 : i32
    %mul3A_1 = arith.constant 2720 : i32
    %mul3A_2 = arith.muli %add3A, %mul3A_1 : i32
    %add3A_3 = arith.constant 87040 : i32
    %add3A_4 = arith.addi %add3A_3, %mul3A_2 : i32
    %mul3A_5 = arith.constant 640 : i32
    %mul3A_6 = arith.muli %arg1, %mul3A_5 : i32
    %mul3A_7 = arith.constant 640 : i32
    %mul3A_8 = arith.muli %arg1, %mul3A_7 : i32
    "tpu.region"() ({
      %run_scoped3A_132 = tpu.sem_alloc : memref<!tpu.dma_semaphore, #tpu.memory_space<semaphore_mem>>
      %dma_start3A_133 = arith.constant 0 : i32
      %dma_start3A_134 = tpu.memref_slice %arg11[%mul3A_8, %dma_start3A_133] : memref<10240x128xf32, #tpu.memory_space<vmem_shared>> -> memref<640x128xf32, #tpu.memory_space<vmem_shared>>
      %dma_start3A_135 = arith.constant 0 : i32
      %dma_start3A_136 = tpu.memref_slice %arg4[%arg0, %mul3A_6, %dma_start3A_135] : memref<2x10240x128xf32, #tpu.memory_space<hbm>> -> memref<1x640x128xf32, #tpu.memory_space<hbm>>
      %dma_start3A_137 = tpu.memref_squeeze %dma_start3A_136 : memref<1x640x128xf32, #tpu.memory_space<hbm>> -> memref<640x128xf32, #tpu.memory_space<hbm>>
      tpu.enqueue_dma source(%dma_start3A_137 : memref<640x128xf32, #tpu.memory_space<hbm>>) target(%dma_start3A_134 : memref<640x128xf32, #tpu.memory_space<vmem_shared>>) target_semaphore(%run_scoped3A_132 : memref<!tpu.dma_semaphore, #tpu.memory_space<semaphore_mem>>)
      %dma_wait3A_138 = arith.constant 0 : i32
      %dma_wait3A_139 = tpu.memref_slice %arg11[%mul3A_8, %dma_wait3A_138] : memref<10240x128xf32, #tpu.memory_space<vmem_shared>> -> memref<640x128xf32, #tpu.memory_space<vmem_shared>>
      %dma_wait3A_140 = arith.constant 0 : i32
      %dma_wait3A_141 = tpu.memref_slice %arg4[%arg0, %mul3A_6, %dma_wait3A_140] : memref<2x10240x128xf32, #tpu.memory_space<hbm>> -> memref<1x640x128xf32, #tpu.memory_space<hbm>>
      %dma_wait3A_142 = tpu.memref_squeeze %dma_wait3A_141 : memref<1x640x128xf32, #tpu.memory_space<hbm>> -> memref<640x128xf32, #tpu.memory_space<hbm>>
      tpu.wait_dma2 semaphore(%run_scoped3A_132 : memref<!tpu.dma_semaphore, #tpu.memory_space<semaphore_mem>>) src(%dma_wait3A_142 : memref<640x128xf32, #tpu.memory_space<hbm>>) dst(%dma_wait3A_139 : memref<640x128xf32, #tpu.memory_space<vmem_shared>>)
      tpu.yield
    }) : () -> ()
    %barrier3A = arith.constant 0 : index
    tpu.barrier barrier_id(%barrier3A)
    %add3A_9 = arith.constant 0 : i32
    %add3A_10 = arith.addi %mul3A_2, %add3A_9 : i32
    %dma_start3A = arith.constant 0 : i32
    %dma_start3A_11 = arith.constant 0 : i32
    %dma_start3A_12 = arith.constant 0 : i32
    %dma_start3A_13 = tpu.memref_slice %arg10[%dma_start3A, %dma_start3A_11, %dma_start3A_12] : memref<4x80x128xf32, #tpu.memory_space<vmem>> -> memref<1x80x128xf32, #tpu.memory_space<vmem>>
    %dma_start3A_14 = tpu.memref_squeeze %dma_start3A_13 : memref<1x80x128xf32, #tpu.memory_space<vmem>> -> memref<80x128xf32, #tpu.memory_space<vmem>>
    %dma_start3A_15 = arith.constant 0 : i32
    %dma_start3A_16 = tpu.memref_slice %arg2[%add3A_10, %dma_start3A_15] : memref<87040x128xf32, #tpu.memory_space<hbm>> -> memref<80x128xf32, #tpu.memory_space<hbm>>
    %dma_start3A_17 = arith.constant 0 : i32
    %dma_start3A_18 = arith.constant 0 : i32
    %dma_start3A_19 = tpu.memref_slice %arg10[%dma_start3A, %dma_start3A_17, %dma_start3A_18] : memref<4x80x128xf32, #tpu.memory_space<vmem>> -> memref<1x80x128xf32, #tpu.memory_space<vmem>>
    %dma_start3A_20 = tpu.memref_squeeze %dma_start3A_19 : memref<1x80x128xf32, #tpu.memory_space<vmem>> -> memref<80x128xf32, #tpu.memory_space<vmem>>
    %dma_start3A_21 = arith.constant 0 : i32
    %dma_start3A_22 = tpu.memref_slice %arg2[%add3A_10, %dma_start3A_21] : memref<87040x128xf32, #tpu.memory_space<hbm>> -> memref<80x128xf32, #tpu.memory_space<hbm>>
    tpu.enqueue_dma source(%dma_start3A_22 : memref<80x128xf32, #tpu.memory_space<hbm>>) target(%dma_start3A_20 : memref<80x128xf32, #tpu.memory_space<vmem>>) target_semaphore(%arg12 : memref<!tpu.dma_semaphore, #tpu.memory_space<semaphore_mem>>)
    %add3A_23 = arith.constant 0 : i32
    %add3A_24 = arith.addi %add3A_4, %add3A_23 : i32
    %dma_start3A_25 = tpu.memref_slice %arg3[%add3A_24] : memref<320000xi32, #tpu.memory_space<hbm>> -> memref<80xi32, #tpu.memory_space<hbm>>
    %dma_start3A_26 = tpu.memref_slice %arg3[%add3A_24] : memref<320000xi32, #tpu.memory_space<hbm>> -> memref<80xi32, #tpu.memory_space<hbm>>
    tpu.enqueue_dma source(%dma_start3A_26 : memref<80xi32, #tpu.memory_space<hbm>>) target(%arg6 : memref<80xi32, #tpu.memory_space<vmem>>) target_semaphore(%arg16 : memref<!tpu.dma_semaphore, #tpu.memory_space<semaphore_mem>>)
    %add3A_27 = arith.constant 80 : i32
    %add3A_28 = arith.addi %mul3A_2, %add3A_27 : i32
    %dma_start3A_29 = arith.constant 1 : i32
    %dma_start3A_30 = arith.constant 0 : i32
    %dma_start3A_31 = arith.constant 0 : i32
    %dma_start3A_32 = tpu.memref_slice %arg10[%dma_start3A_29, %dma_start3A_30, %dma_start3A_31] : memref<4x80x128xf32, #tpu.memory_space<vmem>> -> memref<1x80x128xf32, #tpu.memory_space<vmem>>
    %dma_start3A_33 = tpu.memref_squeeze %dma_start3A_32 : memref<1x80x128xf32, #tpu.memory_space<vmem>> -> memref<80x128xf32, #tpu.memory_space<vmem>>
    %dma_start3A_34 = arith.constant 0 : i32
    %dma_start3A_35 = tpu.memref_slice %arg2[%add3A_28, %dma_start3A_34] : memref<87040x128xf32, #tpu.memory_space<hbm>> -> memref<80x128xf32, #tpu.memory_space<hbm>>
    %dma_start3A_36 = arith.constant 0 : i32
    %dma_start3A_37 = arith.constant 0 : i32
    %dma_start3A_38 = tpu.memref_slice %arg10[%dma_start3A_29, %dma_start3A_36, %dma_start3A_37] : memref<4x80x128xf32, #tpu.memory_space<vmem>> -> memref<1x80x128xf32, #tpu.memory_space<vmem>>
    %dma_start3A_39 = tpu.memref_squeeze %dma_start3A_38 : memref<1x80x128xf32, #tpu.memory_space<vmem>> -> memref<80x128xf32, #tpu.memory_space<vmem>>
    %dma_start3A_40 = arith.constant 0 : i32
    %dma_start3A_41 = tpu.memref_slice %arg2[%add3A_28, %dma_start3A_40] : memref<87040x128xf32, #tpu.memory_space<hbm>> -> memref<80x128xf32, #tpu.memory_space<hbm>>
    tpu.enqueue_dma source(%dma_start3A_41 : memref<80x128xf32, #tpu.memory_space<hbm>>) target(%dma_start3A_39 : memref<80x128xf32, #tpu.memory_space<vmem>>) target_semaphore(%arg13 : memref<!tpu.dma_semaphore, #tpu.memory_space<semaphore_mem>>)
    %add3A_42 = arith.constant 80 : i32
    %add3A_43 = arith.addi %add3A_4, %add3A_42 : i32
    %dma_start3A_44 = tpu.memref_slice %arg3[%add3A_43] : memref<320000xi32, #tpu.memory_space<hbm>> -> memref<80xi32, #tpu.memory_space<hbm>>
    %dma_start3A_45 = tpu.memref_slice %arg3[%add3A_43] : memref<320000xi32, #tpu.memory_space<hbm>> -> memref<80xi32, #tpu.memory_space<hbm>>
    tpu.enqueue_dma source(%dma_start3A_45 : memref<80xi32, #tpu.memory_space<hbm>>) target(%arg7 : memref<80xi32, #tpu.memory_space<vmem>>) target_semaphore(%arg17 : memref<!tpu.dma_semaphore, #tpu.memory_space<semaphore_mem>>)
    %add3A_46 = arith.constant 160 : i32
    %add3A_47 = arith.addi %mul3A_2, %add3A_46 : i32
    %dma_start3A_48 = arith.constant 2 : i32
    %dma_start3A_49 = arith.constant 0 : i32
    %dma_start3A_50 = arith.constant 0 : i32
    %dma_start3A_51 = tpu.memref_slice %arg10[%dma_start3A_48, %dma_start3A_49, %dma_start3A_50] : memref<4x80x128xf32, #tpu.memory_space<vmem>> -> memref<1x80x128xf32, #tpu.memory_space<vmem>>
    %dma_start3A_52 = tpu.memref_squeeze %dma_start3A_51 : memref<1x80x128xf32, #tpu.memory_space<vmem>> -> memref<80x128xf32, #tpu.memory_space<vmem>>
    %dma_start3A_53 = arith.constant 0 : i32
    %dma_start3A_54 = tpu.memref_slice %arg2[%add3A_47, %dma_start3A_53] : memref<87040x128xf32, #tpu.memory_space<hbm>> -> memref<80x128xf32, #tpu.memory_space<hbm>>
    %dma_start3A_55 = arith.constant 0 : i32
    %dma_start3A_56 = arith.constant 0 : i32
    %dma_start3A_57 = tpu.memref_slice %arg10[%dma_start3A_48, %dma_start3A_55, %dma_start3A_56] : memref<4x80x128xf32, #tpu.memory_space<vmem>> -> memref<1x80x128xf32, #tpu.memory_space<vmem>>
    %dma_start3A_58 = tpu.memref_squeeze %dma_start3A_57 : memref<1x80x128xf32, #tpu.memory_space<vmem>> -> memref<80x128xf32, #tpu.memory_space<vmem>>
    %dma_start3A_59 = arith.constant 0 : i32
    %dma_start3A_60 = tpu.memref_slice %arg2[%add3A_47, %dma_start3A_59] : memref<87040x128xf32, #tpu.memory_space<hbm>> -> memref<80x128xf32, #tpu.memory_space<hbm>>
    tpu.enqueue_dma source(%dma_start3A_60 : memref<80x128xf32, #tpu.memory_space<hbm>>) target(%dma_start3A_58 : memref<80x128xf32, #tpu.memory_space<vmem>>) target_semaphore(%arg14 : memref<!tpu.dma_semaphore, #tpu.memory_space<semaphore_mem>>)
    %add3A_61 = arith.constant 160 : i32
    %add3A_62 = arith.addi %add3A_4, %add3A_61 : i32
    %dma_start3A_63 = tpu.memref_slice %arg3[%add3A_62] : memref<320000xi32, #tpu.memory_space<hbm>> -> memref<80xi32, #tpu.memory_space<hbm>>
    %dma_start3A_64 = tpu.memref_slice %arg3[%add3A_62] : memref<320000xi32, #tpu.memory_space<hbm>> -> memref<80xi32, #tpu.memory_space<hbm>>
    tpu.enqueue_dma source(%dma_start3A_64 : memref<80xi32, #tpu.memory_space<hbm>>) target(%arg8 : memref<80xi32, #tpu.memory_space<vmem>>) target_semaphore(%arg18 : memref<!tpu.dma_semaphore, #tpu.memory_space<semaphore_mem>>)
    %add3A_65 = arith.constant 240 : i32
    %add3A_66 = arith.addi %mul3A_2, %add3A_65 : i32
    %dma_start3A_67 = arith.constant 3 : i32
    %dma_start3A_68 = arith.constant 0 : i32
    %dma_start3A_69 = arith.constant 0 : i32
    %dma_start3A_70 = tpu.memref_slice %arg10[%dma_start3A_67, %dma_start3A_68, %dma_start3A_69] : memref<4x80x128xf32, #tpu.memory_space<vmem>> -> memref<1x80x128xf32, #tpu.memory_space<vmem>>
    %dma_start3A_71 = tpu.memref_squeeze %dma_start3A_70 : memref<1x80x128xf32, #tpu.memory_space<vmem>> -> memref<80x128xf32, #tpu.memory_space<vmem>>
    %dma_start3A_72 = arith.constant 0 : i32
    %dma_start3A_73 = tpu.memref_slice %arg2[%add3A_66, %dma_start3A_72] : memref<87040x128xf32, #tpu.memory_space<hbm>> -> memref<80x128xf32, #tpu.memory_space<hbm>>
    %dma_start3A_74 = arith.constant 0 : i32
    %dma_start3A_75 = arith.constant 0 : i32
    %dma_start3A_76 = tpu.memref_slice %arg10[%dma_start3A_67, %dma_start3A_74, %dma_start3A_75] : memref<4x80x128xf32, #tpu.memory_space<vmem>> -> memref<1x80x128xf32, #tpu.memory_space<vmem>>
    %dma_start3A_77 = tpu.memref_squeeze %dma_start3A_76 : memref<1x80x128xf32, #tpu.memory_space<vmem>> -> memref<80x128xf32, #tpu.memory_space<vmem>>
    %dma_start3A_78 = arith.constant 0 : i32
    %dma_start3A_79 = tpu.memref_slice %arg2[%add3A_66, %dma_start3A_78] : memref<87040x128xf32, #tpu.memory_space<hbm>> -> memref<80x128xf32, #tpu.memory_space<hbm>>
    tpu.enqueue_dma source(%dma_start3A_79 : memref<80x128xf32, #tpu.memory_space<hbm>>) target(%dma_start3A_77 : memref<80x128xf32, #tpu.memory_space<vmem>>) target_semaphore(%arg15 : memref<!tpu.dma_semaphore, #tpu.memory_space<semaphore_mem>>)
    %add3A_80 = arith.constant 240 : i32
    %add3A_81 = arith.addi %add3A_4, %add3A_80 : i32
    %dma_start3A_82 = tpu.memref_slice %arg3[%add3A_81] : memref<320000xi32, #tpu.memory_space<hbm>> -> memref<80xi32, #tpu.memory_space<hbm>>
    %dma_start3A_83 = tpu.memref_slice %arg3[%add3A_81] : memref<320000xi32, #tpu.memory_space<hbm>> -> memref<80xi32, #tpu.memory_space<hbm>>
    tpu.enqueue_dma source(%dma_start3A_83 : memref<80xi32, #tpu.memory_space<hbm>>) target(%arg9 : memref<80xi32, #tpu.memory_space<vmem>>) target_semaphore(%arg19 : memref<!tpu.dma_semaphore, #tpu.memory_space<semaphore_mem>>)
    %scan3A = arith.constant 0 : i32
    %scan3A_84 = arith.constant 0 : i32
    %scan3A_85 = arith.constant 8 : i32
    %scan3A_86 = arith.addi %scan3A_84, %scan3A_85 : i32
    %scan3A_87 = arith.constant 1 : i32
    scf.for %scan3A_132 = %scan3A_84 to %scan3A_86 step %scan3A_87  : i32 {
      %mul3A_133 = arith.constant 4 : i32
      %mul3A_134 = arith.muli %scan3A_132, %mul3A_133 : i32
      %add3A_135 = arith.constant 0 : i32
      %add3A_136 = arith.addi %mul3A_134, %add3A_135 : i32
      %mul3A_137 = arith.constant 80 : i32
      %mul3A_138 = arith.muli %add3A_136, %mul3A_137 : i32
      %add3A_139 = arith.addi %mul3A_2, %mul3A_138 : i32
      %dma_wait3A_140 = arith.constant 0 : i32
      %dma_wait3A_141 = arith.constant 0 : i32
      %dma_wait3A_142 = arith.constant 0 : i32
      %dma_wait3A_143 = tpu.memref_slice %arg10[%dma_wait3A_140, %dma_wait3A_141, %dma_wait3A_142] : memref<4x80x128xf32, #tpu.memory_space<vmem>> -> memref<1x80x128xf32, #tpu.memory_space<vmem>>
      %dma_wait3A_144 = tpu.memref_squeeze %dma_wait3A_143 : memref<1x80x128xf32, #tpu.memory_space<vmem>> -> memref<80x128xf32, #tpu.memory_space<vmem>>
      %dma_wait3A_145 = arith.constant 0 : i32
      %dma_wait3A_146 = tpu.memref_slice %arg2[%add3A_139, %dma_wait3A_145] : memref<87040x128xf32, #tpu.memory_space<hbm>> -> memref<80x128xf32, #tpu.memory_space<hbm>>
      %dma_wait3A_147 = arith.constant 0 : i32
      %dma_wait3A_148 = arith.constant 0 : i32
      %dma_wait3A_149 = tpu.memref_slice %arg10[%dma_wait3A_140, %dma_wait3A_147, %dma_wait3A_148] : memref<4x80x128xf32, #tpu.memory_space<vmem>> -> memref<1x80x128xf32, #tpu.memory_space<vmem>>
      %dma_wait3A_150 = tpu.memref_squeeze %dma_wait3A_149 : memref<1x80x128xf32, #tpu.memory_space<vmem>> -> memref<80x128xf32, #tpu.memory_space<vmem>>
      %dma_wait3A_151 = arith.constant 0 : i32
      %dma_wait3A_152 = tpu.memref_slice %arg2[%add3A_139, %dma_wait3A_151] : memref<87040x128xf32, #tpu.memory_space<hbm>> -> memref<80x128xf32, #tpu.memory_space<hbm>>
      tpu.wait_dma2 semaphore(%arg12 : memref<!tpu.dma_semaphore, #tpu.memory_space<semaphore_mem>>) src(%dma_wait3A_152 : memref<80x128xf32, #tpu.memory_space<hbm>>) dst(%dma_wait3A_150 : memref<80x128xf32, #tpu.memory_space<vmem>>)
      %mul3A_153 = arith.constant 80 : i32
      %mul3A_154 = arith.muli %add3A_136, %mul3A_153 : i32
      %add3A_155 = arith.addi %add3A_4, %mul3A_154 : i32
      %dma_wait3A_156 = tpu.memref_slice %arg3[%add3A_155] : memref<320000xi32, #tpu.memory_space<hbm>> -> memref<80xi32, #tpu.memory_space<hbm>>
      %dma_wait3A_157 = tpu.memref_slice %arg3[%add3A_155] : memref<320000xi32, #tpu.memory_space<hbm>> -> memref<80xi32, #tpu.memory_space<hbm>>
      tpu.wait_dma2 semaphore(%arg16 : memref<!tpu.dma_semaphore, #tpu.memory_space<semaphore_mem>>) src(%dma_wait3A_157 : memref<80xi32, #tpu.memory_space<hbm>>) dst(%arg6 : memref<80xi32, #tpu.memory_space<vmem>>)
      %run_scoped3A_158 = arith.constant 0 : i32
      "tpu.region"() ({
        %run_scoped3A_262 = tpu.sem_alloc : memref<!tpu.dma_semaphore, #tpu.memory_space<semaphore_mem>>
        %dma_start3A_263 = arith.constant 0 : i32
        %dma_start3A_264 = arith.constant 0 : i32
        %dma_start3A_265 = tpu.memref_slice %arg10[%run_scoped3A_158, %dma_start3A_263, %dma_start3A_264] : memref<4x80x128xf32, #tpu.memory_space<vmem>> -> memref<1x80x128xf32, #tpu.memory_space<vmem>>
        %dma_start3A_266 = tpu.memref_squeeze %dma_start3A_265 : memref<1x80x128xf32, #tpu.memory_space<vmem>> -> memref<80x128xf32, #tpu.memory_space<vmem>>
        %dma_start3A_267 = arith.constant 0 : i32
        %dma_start3A_268 = arith.constant 0 : i32
        %dma_start3A_269 = tpu.memref_slice %arg11[%dma_start3A_267, %dma_start3A_268] : memref<10240x128xf32, #tpu.memory_space<vmem_shared>> -> memref<10240x128xf32, #tpu.memory_space<vmem_shared>>
        tpu.enqueue_indirect_dma source(%dma_start3A_266 : memref<80x128xf32, #tpu.memory_space<vmem>>) target(%dma_start3A_269 : memref<10240x128xf32, #tpu.memory_space<vmem_shared>>) offsets(%arg6 : memref<80xi32, #tpu.memory_space<vmem>>) semaphore(%run_scoped3A_262 : memref<!tpu.dma_semaphore, #tpu.memory_space<semaphore_mem>>) {add = true}
        %dma_wait3A_270 = arith.constant 0 : i32
        %dma_wait3A_271 = arith.constant 0 : i32
        %dma_wait3A_272 = tpu.memref_slice %arg10[%run_scoped3A_158, %dma_wait3A_270, %dma_wait3A_271] : memref<4x80x128xf32, #tpu.memory_space<vmem>> -> memref<1x80x128xf32, #tpu.memory_space<vmem>>
        %dma_wait3A_273 = tpu.memref_squeeze %dma_wait3A_272 : memref<1x80x128xf32, #tpu.memory_space<vmem>> -> memref<80x128xf32, #tpu.memory_space<vmem>>
        %dma_wait3A_274 = arith.constant 0 : i32
        %dma_wait3A_275 = arith.constant 0 : i32
        %dma_wait3A_276 = tpu.memref_slice %arg11[%dma_wait3A_274, %dma_wait3A_275] : memref<10240x128xf32, #tpu.memory_space<vmem_shared>> -> memref<10240x128xf32, #tpu.memory_space<vmem_shared>>
        tpu.wait_indirect_dma semaphore(%run_scoped3A_262 : memref<!tpu.dma_semaphore, #tpu.memory_space<semaphore_mem>>) src(%dma_wait3A_273 : memref<80x128xf32, #tpu.memory_space<vmem>>) dst(%dma_wait3A_276 : memref<10240x128xf32, #tpu.memory_space<vmem_shared>>)
        tpu.yield
      }) : () -> ()
      %add3A_159 = arith.constant 4 : i32
      %add3A_160 = arith.addi %add3A_136, %add3A_159 : i32
      %lt3A = arith.constant 34 : i32
      %lt3A_161 = arith.cmpi slt, %add3A_160, %lt3A : i32
      %convert_element_type3A = arith.extui %lt3A_161 : i1 to i32
      %cond3A = arith.constant 0 : i32
      %cond3A_162 = arith.cmpi ne, %convert_element_type3A, %cond3A : i32
      scf.if %cond3A_162 {
        %add3A_262 = arith.constant 4 : i32
        %add3A_263 = arith.addi %add3A_136, %add3A_262 : i32
        %mul3A_264 = arith.constant 80 : i32
        %mul3A_265 = arith.muli %add3A_263, %mul3A_264 : i32
        %add3A_266 = arith.addi %mul3A_2, %mul3A_265 : i32
        %dma_start3A_267 = arith.constant 0 : i32
        %dma_start3A_268 = arith.constant 0 : i32
        %dma_start3A_269 = arith.constant 0 : i32
        %dma_start3A_270 = tpu.memref_slice %arg10[%dma_start3A_267, %dma_start3A_268, %dma_start3A_269] : memref<4x80x128xf32, #tpu.memory_space<vmem>> -> memref<1x80x128xf32, #tpu.memory_space<vmem>>
        %dma_start3A_271 = tpu.memref_squeeze %dma_start3A_270 : memref<1x80x128xf32, #tpu.memory_space<vmem>> -> memref<80x128xf32, #tpu.memory_space<vmem>>
        %dma_start3A_272 = arith.constant 0 : i32
        %dma_start3A_273 = tpu.memref_slice %arg2[%add3A_266, %dma_start3A_272] : memref<87040x128xf32, #tpu.memory_space<hbm>> -> memref<80x128xf32, #tpu.memory_space<hbm>>
        %dma_start3A_274 = arith.constant 0 : i32
        %dma_start3A_275 = arith.constant 0 : i32
        %dma_start3A_276 = tpu.memref_slice %arg10[%dma_start3A_267, %dma_start3A_274, %dma_start3A_275] : memref<4x80x128xf32, #tpu.memory_space<vmem>> -> memref<1x80x128xf32, #tpu.memory_space<vmem>>
        %dma_start3A_277 = tpu.memref_squeeze %dma_start3A_276 : memref<1x80x128xf32, #tpu.memory_space<vmem>> -> memref<80x128xf32, #tpu.memory_space<vmem>>
        %dma_start3A_278 = arith.constant 0 : i32
        %dma_start3A_279 = tpu.memref_slice %arg2[%add3A_266, %dma_start3A_278] : memref<87040x128xf32, #tpu.memory_space<hbm>> -> memref<80x128xf32, #tpu.memory_space<hbm>>
        tpu.enqueue_dma source(%dma_start3A_279 : memref<80x128xf32, #tpu.memory_space<hbm>>) target(%dma_start3A_277 : memref<80x128xf32, #tpu.memory_space<vmem>>) target_semaphore(%arg12 : memref<!tpu.dma_semaphore, #tpu.memory_space<semaphore_mem>>)
        %add3A_280 = arith.constant 4 : i32
        %add3A_281 = arith.addi %add3A_136, %add3A_280 : i32
        %mul3A_282 = arith.constant 80 : i32
        %mul3A_283 = arith.muli %add3A_281, %mul3A_282 : i32
        %add3A_284 = arith.addi %add3A_4, %mul3A_283 : i32
        %dma_start3A_285 = tpu.memref_slice %arg3[%add3A_284] : memref<320000xi32, #tpu.memory_space<hbm>> -> memref<80xi32, #tpu.memory_space<hbm>>
        %dma_start3A_286 = tpu.memref_slice %arg3[%add3A_284] : memref<320000xi32, #tpu.memory_space<hbm>> -> memref<80xi32, #tpu.memory_space<hbm>>
        tpu.enqueue_dma source(%dma_start3A_286 : memref<80xi32, #tpu.memory_space<hbm>>) target(%arg6 : memref<80xi32, #tpu.memory_space<vmem>>) target_semaphore(%arg16 : memref<!tpu.dma_semaphore, #tpu.memory_space<semaphore_mem>>)
      } else {
      }
      %mul3A_163 = arith.constant 4 : i32
      %mul3A_164 = arith.muli %scan3A_132, %mul3A_163 : i32
      %add3A_165 = arith.constant 1 : i32
      %add3A_166 = arith.addi %mul3A_164, %add3A_165 : i32
      %mul3A_167 = arith.constant 80 : i32
      %mul3A_168 = arith.muli %add3A_166, %mul3A_167 : i32
      %add3A_169 = arith.addi %mul3A_2, %mul3A_168 : i32
      %dma_wait3A_170 = arith.constant 1 : i32
      %dma_wait3A_171 = arith.constant 0 : i32
      %dma_wait3A_172 = arith.constant 0 : i32
      %dma_wait3A_173 = tpu.memref_slice %arg10[%dma_wait3A_170, %dma_wait3A_171, %dma_wait3A_172] : memref<4x80x128xf32, #tpu.memory_space<vmem>> -> memref<1x80x128xf32, #tpu.memory_space<vmem>>
      %dma_wait3A_174 = tpu.memref_squeeze %dma_wait3A_173 : memref<1x80x128xf32, #tpu.memory_space<vmem>> -> memref<80x128xf32, #tpu.memory_space<vmem>>
      %dma_wait3A_175 = arith.constant 0 : i32
      %dma_wait3A_176 = tpu.memref_slice %arg2[%add3A_169, %dma_wait3A_175] : memref<87040x128xf32, #tpu.memory_space<hbm>> -> memref<80x128xf32, #tpu.memory_space<hbm>>
      %dma_wait3A_177 = arith.constant 0 : i32
      %dma_wait3A_178 = arith.constant 0 : i32
      %dma_wait3A_179 = tpu.memref_slice %arg10[%dma_wait3A_170, %dma_wait3A_177, %dma_wait3A_178] : memref<4x80x128xf32, #tpu.memory_space<vmem>> -> memref<1x80x128xf32, #tpu.memory_space<vmem>>
      %dma_wait3A_180 = tpu.memref_squeeze %dma_wait3A_179 : memref<1x80x128xf32, #tpu.memory_space<vmem>> -> memref<80x128xf32, #tpu.memory_space<vmem>>
      %dma_wait3A_181 = arith.constant 0 : i32
      %dma_wait3A_182 = tpu.memref_slice %arg2[%add3A_169, %dma_wait3A_181] : memref<87040x128xf32, #tpu.memory_space<hbm>> -> memref<80x128xf32, #tpu.memory_space<hbm>>
      tpu.wait_dma2 semaphore(%arg13 : memref<!tpu.dma_semaphore, #tpu.memory_space<semaphore_mem>>) src(%dma_wait3A_182 : memref<80x128xf32, #tpu.memory_space<hbm>>) dst(%dma_wait3A_180 : memref<80x128xf32, #tpu.memory_space<vmem>>)
      %mul3A_183 = arith.constant 80 : i32
      %mul3A_184 = arith.muli %add3A_166, %mul3A_183 : i32
      %add3A_185 = arith.addi %add3A_4, %mul3A_184 : i32
      %dma_wait3A_186 = tpu.memref_slice %arg3[%add3A_185] : memref<320000xi32, #tpu.memory_space<hbm>> -> memref<80xi32, #tpu.memory_space<hbm>>
      %dma_wait3A_187 = tpu.memref_slice %arg3[%add3A_185] : memref<320000xi32, #tpu.memory_space<hbm>> -> memref<80xi32, #tpu.memory_space<hbm>>
      tpu.wait_dma2 semaphore(%arg17 : memref<!tpu.dma_semaphore, #tpu.memory_space<semaphore_mem>>) src(%dma_wait3A_187 : memref<80xi32, #tpu.memory_space<hbm>>) dst(%arg7 : memref<80xi32, #tpu.memory_space<vmem>>)
      %run_scoped3A_188 = arith.constant 1 : i32
      "tpu.region"() ({
        %run_scoped3A_262 = tpu.sem_alloc : memref<!tpu.dma_semaphore, #tpu.memory_space<semaphore_mem>>
        %dma_start3A_263 = arith.constant 0 : i32
        %dma_start3A_264 = arith.constant 0 : i32
        %dma_start3A_265 = tpu.memref_slice %arg10[%run_scoped3A_188, %dma_start3A_263, %dma_start3A_264] : memref<4x80x128xf32, #tpu.memory_space<vmem>> -> memref<1x80x128xf32, #tpu.memory_space<vmem>>
        %dma_start3A_266 = tpu.memref_squeeze %dma_start3A_265 : memref<1x80x128xf32, #tpu.memory_space<vmem>> -> memref<80x128xf32, #tpu.memory_space<vmem>>
        %dma_start3A_267 = arith.constant 0 : i32
        %dma_start3A_268 = arith.constant 0 : i32
        %dma_start3A_269 = tpu.memref_slice %arg11[%dma_start3A_267, %dma_start3A_268] : memref<10240x128xf32, #tpu.memory_space<vmem_shared>> -> memref<10240x128xf32, #tpu.memory_space<vmem_shared>>
        tpu.enqueue_indirect_dma source(%dma_start3A_266 : memref<80x128xf32, #tpu.memory_space<vmem>>) target(%dma_start3A_269 : memref<10240x128xf32, #tpu.memory_space<vmem_shared>>) offsets(%arg7 : memref<80xi32, #tpu.memory_space<vmem>>) semaphore(%run_scoped3A_262 : memref<!tpu.dma_semaphore, #tpu.memory_space<semaphore_mem>>) {add = true}
        %dma_wait3A_270 = arith.constant 0 : i32
        %dma_wait3A_271 = arith.constant 0 : i32
        %dma_wait3A_272 = tpu.memref_slice %arg10[%run_scoped3A_188, %dma_wait3A_270, %dma_wait3A_271] : memref<4x80x128xf32, #tpu.memory_space<vmem>> -> memref<1x80x128xf32, #tpu.memory_space<vmem>>
        %dma_wait3A_273 = tpu.memref_squeeze %dma_wait3A_272 : memref<1x80x128xf32, #tpu.memory_space<vmem>> -> memref<80x128xf32, #tpu.memory_space<vmem>>
        %dma_wait3A_274 = arith.constant 0 : i32
        %dma_wait3A_275 = arith.constant 0 : i32
        %dma_wait3A_276 = tpu.memref_slice %arg11[%dma_wait3A_274, %dma_wait3A_275] : memref<10240x128xf32, #tpu.memory_space<vmem_shared>> -> memref<10240x128xf32, #tpu.memory_space<vmem_shared>>
        tpu.wait_indirect_dma semaphore(%run_scoped3A_262 : memref<!tpu.dma_semaphore, #tpu.memory_space<semaphore_mem>>) src(%dma_wait3A_273 : memref<80x128xf32, #tpu.memory_space<vmem>>) dst(%dma_wait3A_276 : memref<10240x128xf32, #tpu.memory_space<vmem_shared>>)
        tpu.yield
      }) : () -> ()
      %add3A_189 = arith.constant 4 : i32
      %add3A_190 = arith.addi %add3A_166, %add3A_189 : i32
      %lt3A_191 = arith.constant 34 : i32
      %lt3A_192 = arith.cmpi slt, %add3A_190, %lt3A_191 : i32
      %convert_element_type3A_193 = arith.extui %lt3A_192 : i1 to i32
      %cond3A_194 = arith.constant 0 : i32
      %cond3A_195 = arith.cmpi ne, %convert_element_type3A_193, %cond3A_194 : i32
      scf.if %cond3A_195 {
        %add3A_262 = arith.constant 4 : i32
        %add3A_263 = arith.addi %add3A_166, %add3A_262 : i32
        %mul3A_264 = arith.constant 80 : i32
        %mul3A_265 = arith.muli %add3A_263, %mul3A_264 : i32
        %add3A_266 = arith.addi %mul3A_2, %mul3A_265 : i32
        %dma_start3A_267 = arith.constant 1 : i32
        %dma_start3A_268 = arith.constant 0 : i32
        %dma_start3A_269 = arith.constant 0 : i32
        %dma_start3A_270 = tpu.memref_slice %arg10[%dma_start3A_267, %dma_start3A_268, %dma_start3A_269] : memref<4x80x128xf32, #tpu.memory_space<vmem>> -> memref<1x80x128xf32, #tpu.memory_space<vmem>>
        %dma_start3A_271 = tpu.memref_squeeze %dma_start3A_270 : memref<1x80x128xf32, #tpu.memory_space<vmem>> -> memref<80x128xf32, #tpu.memory_space<vmem>>
        %dma_start3A_272 = arith.constant 0 : i32
        %dma_start3A_273 = tpu.memref_slice %arg2[%add3A_266, %dma_start3A_272] : memref<87040x128xf32, #tpu.memory_space<hbm>> -> memref<80x128xf32, #tpu.memory_space<hbm>>
        %dma_start3A_274 = arith.constant 0 : i32
        %dma_start3A_275 = arith.constant 0 : i32
        %dma_start3A_276 = tpu.memref_slice %arg10[%dma_start3A_267, %dma_start3A_274, %dma_start3A_275] : memref<4x80x128xf32, #tpu.memory_space<vmem>> -> memref<1x80x128xf32, #tpu.memory_space<vmem>>
        %dma_start3A_277 = tpu.memref_squeeze %dma_start3A_276 : memref<1x80x128xf32, #tpu.memory_space<vmem>> -> memref<80x128xf32, #tpu.memory_space<vmem>>
        %dma_start3A_278 = arith.constant 0 : i32
        %dma_start3A_279 = tpu.memref_slice %arg2[%add3A_266, %dma_start3A_278] : memref<87040x128xf32, #tpu.memory_space<hbm>> -> memref<80x128xf32, #tpu.memory_space<hbm>>
        tpu.enqueue_dma source(%dma_start3A_279 : memref<80x128xf32, #tpu.memory_space<hbm>>) target(%dma_start3A_277 : memref<80x128xf32, #tpu.memory_space<vmem>>) target_semaphore(%arg13 : memref<!tpu.dma_semaphore, #tpu.memory_space<semaphore_mem>>)
        %add3A_280 = arith.constant 4 : i32
        %add3A_281 = arith.addi %add3A_166, %add3A_280 : i32
        %mul3A_282 = arith.constant 80 : i32
        %mul3A_283 = arith.muli %add3A_281, %mul3A_282 : i32
        %add3A_284 = arith.addi %add3A_4, %mul3A_283 : i32
        %dma_start3A_285 = tpu.memref_slice %arg3[%add3A_284] : memref<320000xi32, #tpu.memory_space<hbm>> -> memref<80xi32, #tpu.memory_space<hbm>>
        %dma_start3A_286 = tpu.memref_slice %arg3[%add3A_284] : memref<320000xi32, #tpu.memory_space<hbm>> -> memref<80xi32, #tpu.memory_space<hbm>>
        tpu.enqueue_dma source(%dma_start3A_286 : memref<80xi32, #tpu.memory_space<hbm>>) target(%arg7 : memref<80xi32, #tpu.memory_space<vmem>>) target_semaphore(%arg17 : memref<!tpu.dma_semaphore, #tpu.memory_space<semaphore_mem>>)
      } else {
      }
      %mul3A_196 = arith.constant 4 : i32
      %mul3A_197 = arith.muli %scan3A_132, %mul3A_196 : i32
      %add3A_198 = arith.constant 2 : i32
      %add3A_199 = arith.addi %mul3A_197, %add3A_198 : i32
      %mul3A_200 = arith.constant 80 : i32
      %mul3A_201 = arith.muli %add3A_199, %mul3A_200 : i32
      %add3A_202 = arith.addi %mul3A_2, %mul3A_201 : i32
      %dma_wait3A_203 = arith.constant 2 : i32
      %dma_wait3A_204 = arith.constant 0 : i32
      %dma_wait3A_205 = arith.constant 0 : i32
      %dma_wait3A_206 = tpu.memref_slice %arg10[%dma_wait3A_203, %dma_wait3A_204, %dma_wait3A_205] : memref<4x80x128xf32, #tpu.memory_space<vmem>> -> memref<1x80x128xf32, #tpu.memory_space<vmem>>
      %dma_wait3A_207 = tpu.memref_squeeze %dma_wait3A_206 : memref<1x80x128xf32, #tpu.memory_space<vmem>> -> memref<80x128xf32, #tpu.memory_space<vmem>>
      %dma_wait3A_208 = arith.constant 0 : i32
      %dma_wait3A_209 = tpu.memref_slice %arg2[%add3A_202, %dma_wait3A_208] : memref<87040x128xf32, #tpu.memory_space<hbm>> -> memref<80x128xf32, #tpu.memory_space<hbm>>
      %dma_wait3A_210 = arith.constant 0 : i32
      %dma_wait3A_211 = arith.constant 0 : i32
      %dma_wait3A_212 = tpu.memref_slice %arg10[%dma_wait3A_203, %dma_wait3A_210, %dma_wait3A_211] : memref<4x80x128xf32, #tpu.memory_space<vmem>> -> memref<1x80x128xf32, #tpu.memory_space<vmem>>
      %dma_wait3A_213 = tpu.memref_squeeze %dma_wait3A_212 : memref<1x80x128xf32, #tpu.memory_space<vmem>> -> memref<80x128xf32, #tpu.memory_space<vmem>>
      %dma_wait3A_214 = arith.constant 0 : i32
      %dma_wait3A_215 = tpu.memref_slice %arg2[%add3A_202, %dma_wait3A_214] : memref<87040x128xf32, #tpu.memory_space<hbm>> -> memref<80x128xf32, #tpu.memory_space<hbm>>
      tpu.wait_dma2 semaphore(%arg14 : memref<!tpu.dma_semaphore, #tpu.memory_space<semaphore_mem>>) src(%dma_wait3A_215 : memref<80x128xf32, #tpu.memory_space<hbm>>) dst(%dma_wait3A_213 : memref<80x128xf32, #tpu.memory_space<vmem>>)
      %mul3A_216 = arith.constant 80 : i32
      %mul3A_217 = arith.muli %add3A_199, %mul3A_216 : i32
      %add3A_218 = arith.addi %add3A_4, %mul3A_217 : i32
      %dma_wait3A_219 = tpu.memref_slice %arg3[%add3A_218] : memref<320000xi32, #tpu.memory_space<hbm>> -> memref<80xi32, #tpu.memory_space<hbm>>
      %dma_wait3A_220 = tpu.memref_slice %arg3[%add3A_218] : memref<320000xi32, #tpu.memory_space<hbm>> -> memref<80xi32, #tpu.memory_space<hbm>>
      tpu.wait_dma2 semaphore(%arg18 : memref<!tpu.dma_semaphore, #tpu.memory_space<semaphore_mem>>) src(%dma_wait3A_220 : memref<80xi32, #tpu.memory_space<hbm>>) dst(%arg8 : memref<80xi32, #tpu.memory_space<vmem>>)
      %run_scoped3A_221 = arith.constant 2 : i32
      "tpu.region"() ({
        %run_scoped3A_262 = tpu.sem_alloc : memref<!tpu.dma_semaphore, #tpu.memory_space<semaphore_mem>>
        %dma_start3A_263 = arith.constant 0 : i32
        %dma_start3A_264 = arith.constant 0 : i32
        %dma_start3A_265 = tpu.memref_slice %arg10[%run_scoped3A_221, %dma_start3A_263, %dma_start3A_264] : memref<4x80x128xf32, #tpu.memory_space<vmem>> -> memref<1x80x128xf32, #tpu.memory_space<vmem>>
        %dma_start3A_266 = tpu.memref_squeeze %dma_start3A_265 : memref<1x80x128xf32, #tpu.memory_space<vmem>> -> memref<80x128xf32, #tpu.memory_space<vmem>>
        %dma_start3A_267 = arith.constant 0 : i32
        %dma_start3A_268 = arith.constant 0 : i32
        %dma_start3A_269 = tpu.memref_slice %arg11[%dma_start3A_267, %dma_start3A_268] : memref<10240x128xf32, #tpu.memory_space<vmem_shared>> -> memref<10240x128xf32, #tpu.memory_space<vmem_shared>>
        tpu.enqueue_indirect_dma source(%dma_start3A_266 : memref<80x128xf32, #tpu.memory_space<vmem>>) target(%dma_start3A_269 : memref<10240x128xf32, #tpu.memory_space<vmem_shared>>) offsets(%arg8 : memref<80xi32, #tpu.memory_space<vmem>>) semaphore(%run_scoped3A_262 : memref<!tpu.dma_semaphore, #tpu.memory_space<semaphore_mem>>) {add = true}
        %dma_wait3A_270 = arith.constant 0 : i32
        %dma_wait3A_271 = arith.constant 0 : i32
        %dma_wait3A_272 = tpu.memref_slice %arg10[%run_scoped3A_221, %dma_wait3A_270, %dma_wait3A_271] : memref<4x80x128xf32, #tpu.memory_space<vmem>> -> memref<1x80x128xf32, #tpu.memory_space<vmem>>
        %dma_wait3A_273 = tpu.memref_squeeze %dma_wait3A_272 : memref<1x80x128xf32, #tpu.memory_space<vmem>> -> memref<80x128xf32, #tpu.memory_space<vmem>>
        %dma_wait3A_274 = arith.constant 0 : i32
        %dma_wait3A_275 = arith.constant 0 : i32
        %dma_wait3A_276 = tpu.memref_slice %arg11[%dma_wait3A_274, %dma_wait3A_275] : memref<10240x128xf32, #tpu.memory_space<vmem_shared>> -> memref<10240x128xf32, #tpu.memory_space<vmem_shared>>
        tpu.wait_indirect_dma semaphore(%run_scoped3A_262 : memref<!tpu.dma_semaphore, #tpu.memory_space<semaphore_mem>>) src(%dma_wait3A_273 : memref<80x128xf32, #tpu.memory_space<vmem>>) dst(%dma_wait3A_276 : memref<10240x128xf32, #tpu.memory_space<vmem_shared>>)
        tpu.yield
      }) : () -> ()
      %add3A_222 = arith.constant 4 : i32
      %add3A_223 = arith.addi %add3A_199, %add3A_222 : i32
      %lt3A_224 = arith.constant 34 : i32
      %lt3A_225 = arith.cmpi slt, %add3A_223, %lt3A_224 : i32
      %convert_element_type3A_226 = arith.extui %lt3A_225 : i1 to i32
      %cond3A_227 = arith.constant 0 : i32
      %cond3A_228 = arith.cmpi ne, %convert_element_type3A_226, %cond3A_227 : i32
      scf.if %cond3A_228 {
        %add3A_262 = arith.constant 4 : i32
        %add3A_263 = arith.addi %add3A_199, %add3A_262 : i32
        %mul3A_264 = arith.constant 80 : i32
        %mul3A_265 = arith.muli %add3A_263, %mul3A_264 : i32
        %add3A_266 = arith.addi %mul3A_2, %mul3A_265 : i32
        %dma_start3A_267 = arith.constant 2 : i32
        %dma_start3A_268 = arith.constant 0 : i32
        %dma_start3A_269 = arith.constant 0 : i32
        %dma_start3A_270 = tpu.memref_slice %arg10[%dma_start3A_267, %dma_start3A_268, %dma_start3A_269] : memref<4x80x128xf32, #tpu.memory_space<vmem>> -> memref<1x80x128xf32, #tpu.memory_space<vmem>>
        %dma_start3A_271 = tpu.memref_squeeze %dma_start3A_270 : memref<1x80x128xf32, #tpu.memory_space<vmem>> -> memref<80x128xf32, #tpu.memory_space<vmem>>
        %dma_start3A_272 = arith.constant 0 : i32
        %dma_start3A_273 = tpu.memref_slice %arg2[%add3A_266, %dma_start3A_272] : memref<87040x128xf32, #tpu.memory_space<hbm>> -> memref<80x128xf32, #tpu.memory_space<hbm>>
        %dma_start3A_274 = arith.constant 0 : i32
        %dma_start3A_275 = arith.constant 0 : i32
        %dma_start3A_276 = tpu.memref_slice %arg10[%dma_start3A_267, %dma_start3A_274, %dma_start3A_275] : memref<4x80x128xf32, #tpu.memory_space<vmem>> -> memref<1x80x128xf32, #tpu.memory_space<vmem>>
        %dma_start3A_277 = tpu.memref_squeeze %dma_start3A_276 : memref<1x80x128xf32, #tpu.memory_space<vmem>> -> memref<80x128xf32, #tpu.memory_space<vmem>>
        %dma_start3A_278 = arith.constant 0 : i32
        %dma_start3A_279 = tpu.memref_slice %arg2[%add3A_266, %dma_start3A_278] : memref<87040x128xf32, #tpu.memory_space<hbm>> -> memref<80x128xf32, #tpu.memory_space<hbm>>
        tpu.enqueue_dma source(%dma_start3A_279 : memref<80x128xf32, #tpu.memory_space<hbm>>) target(%dma_start3A_277 : memref<80x128xf32, #tpu.memory_space<vmem>>) target_semaphore(%arg14 : memref<!tpu.dma_semaphore, #tpu.memory_space<semaphore_mem>>)
        %add3A_280 = arith.constant 4 : i32
        %add3A_281 = arith.addi %add3A_199, %add3A_280 : i32
        %mul3A_282 = arith.constant 80 : i32
        %mul3A_283 = arith.muli %add3A_281, %mul3A_282 : i32
        %add3A_284 = arith.addi %add3A_4, %mul3A_283 : i32
        %dma_start3A_285 = tpu.memref_slice %arg3[%add3A_284] : memref<320000xi32, #tpu.memory_space<hbm>> -> memref<80xi32, #tpu.memory_space<hbm>>
        %dma_start3A_286 = tpu.memref_slice %arg3[%add3A_284] : memref<320000xi32, #tpu.memory_space<hbm>> -> memref<80xi32, #tpu.memory_space<hbm>>
        tpu.enqueue_dma source(%dma_start3A_286 : memref<80xi32, #tpu.memory_space<hbm>>) target(%arg8 : memref<80xi32, #tpu.memory_space<vmem>>) target_semaphore(%arg18 : memref<!tpu.dma_semaphore, #tpu.memory_space<semaphore_mem>>)
      } else {
      }
      %mul3A_229 = arith.constant 4 : i32
      %mul3A_230 = arith.muli %scan3A_132, %mul3A_229 : i32
      %add3A_231 = arith.constant 3 : i32
      %add3A_232 = arith.addi %mul3A_230, %add3A_231 : i32
      %mul3A_233 = arith.constant 80 : i32
      %mul3A_234 = arith.muli %add3A_232, %mul3A_233 : i32
      %add3A_235 = arith.addi %mul3A_2, %mul3A_234 : i32
      %dma_wait3A_236 = arith.constant 3 : i32
      %dma_wait3A_237 = arith.constant 0 : i32
      %dma_wait3A_238 = arith.constant 0 : i32
      %dma_wait3A_239 = tpu.memref_slice %arg10[%dma_wait3A_236, %dma_wait3A_237, %dma_wait3A_238] : memref<4x80x128xf32, #tpu.memory_space<vmem>> -> memref<1x80x128xf32, #tpu.memory_space<vmem>>
      %dma_wait3A_240 = tpu.memref_squeeze %dma_wait3A_239 : memref<1x80x128xf32, #tpu.memory_space<vmem>> -> memref<80x128xf32, #tpu.memory_space<vmem>>
      %dma_wait3A_241 = arith.constant 0 : i32
      %dma_wait3A_242 = tpu.memref_slice %arg2[%add3A_235, %dma_wait3A_241] : memref<87040x128xf32, #tpu.memory_space<hbm>> -> memref<80x128xf32, #tpu.memory_space<hbm>>
      %dma_wait3A_243 = arith.constant 0 : i32
      %dma_wait3A_244 = arith.constant 0 : i32
      %dma_wait3A_245 = tpu.memref_slice %arg10[%dma_wait3A_236, %dma_wait3A_243, %dma_wait3A_244] : memref<4x80x128xf32, #tpu.memory_space<vmem>> -> memref<1x80x128xf32, #tpu.memory_space<vmem>>
      %dma_wait3A_246 = tpu.memref_squeeze %dma_wait3A_245 : memref<1x80x128xf32, #tpu.memory_space<vmem>> -> memref<80x128xf32, #tpu.memory_space<vmem>>
      %dma_wait3A_247 = arith.constant 0 : i32
      %dma_wait3A_248 = tpu.memref_slice %arg2[%add3A_235, %dma_wait3A_247] : memref<87040x128xf32, #tpu.memory_space<hbm>> -> memref<80x128xf32, #tpu.memory_space<hbm>>
      tpu.wait_dma2 semaphore(%arg15 : memref<!tpu.dma_semaphore, #tpu.memory_space<semaphore_mem>>) src(%dma_wait3A_248 : memref<80x128xf32, #tpu.memory_space<hbm>>) dst(%dma_wait3A_246 : memref<80x128xf32, #tpu.memory_space<vmem>>)
      %mul3A_249 = arith.constant 80 : i32
      %mul3A_250 = arith.muli %add3A_232, %mul3A_249 : i32
      %add3A_251 = arith.addi %add3A_4, %mul3A_250 : i32
      %dma_wait3A_252 = tpu.memref_slice %arg3[%add3A_251] : memref<320000xi32, #tpu.memory_space<hbm>> -> memref<80xi32, #tpu.memory_space<hbm>>
      %dma_wait3A_253 = tpu.memref_slice %arg3[%add3A_251] : memref<320000xi32, #tpu.memory_space<hbm>> -> memref<80xi32, #tpu.memory_space<hbm>>
      tpu.wait_dma2 semaphore(%arg19 : memref<!tpu.dma_semaphore, #tpu.memory_space<semaphore_mem>>) src(%dma_wait3A_253 : memref<80xi32, #tpu.memory_space<hbm>>) dst(%arg9 : memref<80xi32, #tpu.memory_space<vmem>>)
      %run_scoped3A_254 = arith.constant 3 : i32
      "tpu.region"() ({
        %run_scoped3A_262 = tpu.sem_alloc : memref<!tpu.dma_semaphore, #tpu.memory_space<semaphore_mem>>
        %dma_start3A_263 = arith.constant 0 : i32
        %dma_start3A_264 = arith.constant 0 : i32
        %dma_start3A_265 = tpu.memref_slice %arg10[%run_scoped3A_254, %dma_start3A_263, %dma_start3A_264] : memref<4x80x128xf32, #tpu.memory_space<vmem>> -> memref<1x80x128xf32, #tpu.memory_space<vmem>>
        %dma_start3A_266 = tpu.memref_squeeze %dma_start3A_265 : memref<1x80x128xf32, #tpu.memory_space<vmem>> -> memref<80x128xf32, #tpu.memory_space<vmem>>
        %dma_start3A_267 = arith.constant 0 : i32
        %dma_start3A_268 = arith.constant 0 : i32
        %dma_start3A_269 = tpu.memref_slice %arg11[%dma_start3A_267, %dma_start3A_268] : memref<10240x128xf32, #tpu.memory_space<vmem_shared>> -> memref<10240x128xf32, #tpu.memory_space<vmem_shared>>
        tpu.enqueue_indirect_dma source(%dma_start3A_266 : memref<80x128xf32, #tpu.memory_space<vmem>>) target(%dma_start3A_269 : memref<10240x128xf32, #tpu.memory_space<vmem_shared>>) offsets(%arg9 : memref<80xi32, #tpu.memory_space<vmem>>) semaphore(%run_scoped3A_262 : memref<!tpu.dma_semaphore, #tpu.memory_space<semaphore_mem>>) {add = true}
        %dma_wait3A_270 = arith.constant 0 : i32
        %dma_wait3A_271 = arith.constant 0 : i32
        %dma_wait3A_272 = tpu.memref_slice %arg10[%run_scoped3A_254, %dma_wait3A_270, %dma_wait3A_271] : memref<4x80x128xf32, #tpu.memory_space<vmem>> -> memref<1x80x128xf32, #tpu.memory_space<vmem>>
        %dma_wait3A_273 = tpu.memref_squeeze %dma_wait3A_272 : memref<1x80x128xf32, #tpu.memory_space<vmem>> -> memref<80x128xf32, #tpu.memory_space<vmem>>
        %dma_wait3A_274 = arith.constant 0 : i32
        %dma_wait3A_275 = arith.constant 0 : i32
        %dma_wait3A_276 = tpu.memref_slice %arg11[%dma_wait3A_274, %dma_wait3A_275] : memref<10240x128xf32, #tpu.memory_space<vmem_shared>> -> memref<10240x128xf32, #tpu.memory_space<vmem_shared>>
        tpu.wait_indirect_dma semaphore(%run_scoped3A_262 : memref<!tpu.dma_semaphore, #tpu.memory_space<semaphore_mem>>) src(%dma_wait3A_273 : memref<80x128xf32, #tpu.memory_space<vmem>>) dst(%dma_wait3A_276 : memref<10240x128xf32, #tpu.memory_space<vmem_shared>>)
        tpu.yield
      }) : () -> ()
      %add3A_255 = arith.constant 4 : i32
      %add3A_256 = arith.addi %add3A_232, %add3A_255 : i32
      %lt3A_257 = arith.constant 34 : i32
      %lt3A_258 = arith.cmpi slt, %add3A_256, %lt3A_257 : i32
      %convert_element_type3A_259 = arith.extui %lt3A_258 : i1 to i32
      %cond3A_260 = arith.constant 0 : i32
      %cond3A_261 = arith.cmpi ne, %convert_element_type3A_259, %cond3A_260 : i32
      scf.if %cond3A_261 {
        %add3A_262 = arith.constant 4 : i32
        %add3A_263 = arith.addi %add3A_232, %add3A_262 : i32
        %mul3A_264 = arith.constant 80 : i32
        %mul3A_265 = arith.muli %add3A_263, %mul3A_264 : i32
        %add3A_266 = arith.addi %mul3A_2, %mul3A_265 : i32
        %dma_start3A_267 = arith.constant 3 : i32
        %dma_start3A_268 = arith.constant 0 : i32
        %dma_start3A_269 = arith.constant 0 : i32
        %dma_start3A_270 = tpu.memref_slice %arg10[%dma_start3A_267, %dma_start3A_268, %dma_start3A_269] : memref<4x80x128xf32, #tpu.memory_space<vmem>> -> memref<1x80x128xf32, #tpu.memory_space<vmem>>
        %dma_start3A_271 = tpu.memref_squeeze %dma_start3A_270 : memref<1x80x128xf32, #tpu.memory_space<vmem>> -> memref<80x128xf32, #tpu.memory_space<vmem>>
        %dma_start3A_272 = arith.constant 0 : i32
        %dma_start3A_273 = tpu.memref_slice %arg2[%add3A_266, %dma_start3A_272] : memref<87040x128xf32, #tpu.memory_space<hbm>> -> memref<80x128xf32, #tpu.memory_space<hbm>>
        %dma_start3A_274 = arith.constant 0 : i32
        %dma_start3A_275 = arith.constant 0 : i32
        %dma_start3A_276 = tpu.memref_slice %arg10[%dma_start3A_267, %dma_start3A_274, %dma_start3A_275] : memref<4x80x128xf32, #tpu.memory_space<vmem>> -> memref<1x80x128xf32, #tpu.memory_space<vmem>>
        %dma_start3A_277 = tpu.memref_squeeze %dma_start3A_276 : memref<1x80x128xf32, #tpu.memory_space<vmem>> -> memref<80x128xf32, #tpu.memory_space<vmem>>
        %dma_start3A_278 = arith.constant 0 : i32
        %dma_start3A_279 = tpu.memref_slice %arg2[%add3A_266, %dma_start3A_278] : memref<87040x128xf32, #tpu.memory_space<hbm>> -> memref<80x128xf32, #tpu.memory_space<hbm>>
        tpu.enqueue_dma source(%dma_start3A_279 : memref<80x128xf32, #tpu.memory_space<hbm>>) target(%dma_start3A_277 : memref<80x128xf32, #tpu.memory_space<vmem>>) target_semaphore(%arg15 : memref<!tpu.dma_semaphore, #tpu.memory_space<semaphore_mem>>)
        %add3A_280 = arith.constant 4 : i32
        %add3A_281 = arith.addi %add3A_232, %add3A_280 : i32
        %mul3A_282 = arith.constant 80 : i32
        %mul3A_283 = arith.muli %add3A_281, %mul3A_282 : i32
        %add3A_284 = arith.addi %add3A_4, %mul3A_283 : i32
        %dma_start3A_285 = tpu.memref_slice %arg3[%add3A_284] : memref<320000xi32, #tpu.memory_space<hbm>> -> memref<80xi32, #tpu.memory_space<hbm>>
        %dma_start3A_286 = tpu.memref_slice %arg3[%add3A_284] : memref<320000xi32, #tpu.memory_space<hbm>> -> memref<80xi32, #tpu.memory_space<hbm>>
        tpu.enqueue_dma source(%dma_start3A_286 : memref<80xi32, #tpu.memory_space<hbm>>) target(%arg9 : memref<80xi32, #tpu.memory_space<vmem>>) target_semaphore(%arg19 : memref<!tpu.dma_semaphore, #tpu.memory_space<semaphore_mem>>)
      } else {
      }
    }
    %scan3A_88 = arith.constant 8 : i32
    %add3A_89 = arith.constant 2560 : i32
    %add3A_90 = arith.addi %mul3A_2, %add3A_89 : i32
    %dma_wait3A = arith.constant 0 : i32
    %dma_wait3A_91 = arith.constant 0 : i32
    %dma_wait3A_92 = arith.constant 0 : i32
    %dma_wait3A_93 = tpu.memref_slice %arg10[%dma_wait3A, %dma_wait3A_91, %dma_wait3A_92] : memref<4x80x128xf32, #tpu.memory_space<vmem>> -> memref<1x80x128xf32, #tpu.memory_space<vmem>>
    %dma_wait3A_94 = tpu.memref_squeeze %dma_wait3A_93 : memref<1x80x128xf32, #tpu.memory_space<vmem>> -> memref<80x128xf32, #tpu.memory_space<vmem>>
    %dma_wait3A_95 = arith.constant 0 : i32
    %dma_wait3A_96 = tpu.memref_slice %arg2[%add3A_90, %dma_wait3A_95] : memref<87040x128xf32, #tpu.memory_space<hbm>> -> memref<80x128xf32, #tpu.memory_space<hbm>>
    %dma_wait3A_97 = arith.constant 0 : i32
    %dma_wait3A_98 = arith.constant 0 : i32
    %dma_wait3A_99 = tpu.memref_slice %arg10[%dma_wait3A, %dma_wait3A_97, %dma_wait3A_98] : memref<4x80x128xf32, #tpu.memory_space<vmem>> -> memref<1x80x128xf32, #tpu.memory_space<vmem>>
    %dma_wait3A_100 = tpu.memref_squeeze %dma_wait3A_99 : memref<1x80x128xf32, #tpu.memory_space<vmem>> -> memref<80x128xf32, #tpu.memory_space<vmem>>
    %dma_wait3A_101 = arith.constant 0 : i32
    %dma_wait3A_102 = tpu.memref_slice %arg2[%add3A_90, %dma_wait3A_101] : memref<87040x128xf32, #tpu.memory_space<hbm>> -> memref<80x128xf32, #tpu.memory_space<hbm>>
    tpu.wait_dma2 semaphore(%arg12 : memref<!tpu.dma_semaphore, #tpu.memory_space<semaphore_mem>>) src(%dma_wait3A_102 : memref<80x128xf32, #tpu.memory_space<hbm>>) dst(%dma_wait3A_100 : memref<80x128xf32, #tpu.memory_space<vmem>>)
    %add3A_103 = arith.constant 2560 : i32
    %add3A_104 = arith.addi %add3A_4, %add3A_103 : i32
    %dma_wait3A_105 = tpu.memref_slice %arg3[%add3A_104] : memref<320000xi32, #tpu.memory_space<hbm>> -> memref<80xi32, #tpu.memory_space<hbm>>
    %dma_wait3A_106 = tpu.memref_slice %arg3[%add3A_104] : memref<320000xi32, #tpu.memory_space<hbm>> -> memref<80xi32, #tpu.memory_space<hbm>>
    tpu.wait_dma2 semaphore(%arg16 : memref<!tpu.dma_semaphore, #tpu.memory_space<semaphore_mem>>) src(%dma_wait3A_106 : memref<80xi32, #tpu.memory_space<hbm>>) dst(%arg6 : memref<80xi32, #tpu.memory_space<vmem>>)
    %run_scoped3A = arith.constant 0 : i32
    "tpu.region"() ({
      %run_scoped3A_132 = tpu.sem_alloc : memref<!tpu.dma_semaphore, #tpu.memory_space<semaphore_mem>>
      %dma_start3A_133 = arith.constant 0 : i32
      %dma_start3A_134 = arith.constant 0 : i32
      %dma_start3A_135 = tpu.memref_slice %arg10[%run_scoped3A, %dma_start3A_133, %dma_start3A_134] : memref<4x80x128xf32, #tpu.memory_space<vmem>> -> memref<1x80x128xf32, #tpu.memory_space<vmem>>
      %dma_start3A_136 = tpu.memref_squeeze %dma_start3A_135 : memref<1x80x128xf32, #tpu.memory_space<vmem>> -> memref<80x128xf32, #tpu.memory_space<vmem>>
      %dma_start3A_137 = arith.constant 0 : i32
      %dma_start3A_138 = arith.constant 0 : i32
      %dma_start3A_139 = tpu.memref_slice %arg11[%dma_start3A_137, %dma_start3A_138] : memref<10240x128xf32, #tpu.memory_space<vmem_shared>> -> memref<10240x128xf32, #tpu.memory_space<vmem_shared>>
      tpu.enqueue_indirect_dma source(%dma_start3A_136 : memref<80x128xf32, #tpu.memory_space<vmem>>) target(%dma_start3A_139 : memref<10240x128xf32, #tpu.memory_space<vmem_shared>>) offsets(%arg6 : memref<80xi32, #tpu.memory_space<vmem>>) semaphore(%run_scoped3A_132 : memref<!tpu.dma_semaphore, #tpu.memory_space<semaphore_mem>>) {add = true}
      %dma_wait3A_140 = arith.constant 0 : i32
      %dma_wait3A_141 = arith.constant 0 : i32
      %dma_wait3A_142 = tpu.memref_slice %arg10[%run_scoped3A, %dma_wait3A_140, %dma_wait3A_141] : memref<4x80x128xf32, #tpu.memory_space<vmem>> -> memref<1x80x128xf32, #tpu.memory_space<vmem>>
      %dma_wait3A_143 = tpu.memref_squeeze %dma_wait3A_142 : memref<1x80x128xf32, #tpu.memory_space<vmem>> -> memref<80x128xf32, #tpu.memory_space<vmem>>
      %dma_wait3A_144 = arith.constant 0 : i32
      %dma_wait3A_145 = arith.constant 0 : i32
      %dma_wait3A_146 = tpu.memref_slice %arg11[%dma_wait3A_144, %dma_wait3A_145] : memref<10240x128xf32, #tpu.memory_space<vmem_shared>> -> memref<10240x128xf32, #tpu.memory_space<vmem_shared>>
      tpu.wait_indirect_dma semaphore(%run_scoped3A_132 : memref<!tpu.dma_semaphore, #tpu.memory_space<semaphore_mem>>) src(%dma_wait3A_143 : memref<80x128xf32, #tpu.memory_space<vmem>>) dst(%dma_wait3A_146 : memref<10240x128xf32, #tpu.memory_space<vmem_shared>>)
      tpu.yield
    }) : () -> ()
    %add3A_107 = arith.constant 2640 : i32
    %add3A_108 = arith.addi %mul3A_2, %add3A_107 : i32
    %dma_wait3A_109 = arith.constant 1 : i32
    %dma_wait3A_110 = arith.constant 0 : i32
    %dma_wait3A_111 = arith.constant 0 : i32
    %dma_wait3A_112 = tpu.memref_slice %arg10[%dma_wait3A_109, %dma_wait3A_110, %dma_wait3A_111] : memref<4x80x128xf32, #tpu.memory_space<vmem>> -> memref<1x80x128xf32, #tpu.memory_space<vmem>>
    %dma_wait3A_113 = tpu.memref_squeeze %dma_wait3A_112 : memref<1x80x128xf32, #tpu.memory_space<vmem>> -> memref<80x128xf32, #tpu.memory_space<vmem>>
    %dma_wait3A_114 = arith.constant 0 : i32
    %dma_wait3A_115 = tpu.memref_slice %arg2[%add3A_108, %dma_wait3A_114] : memref<87040x128xf32, #tpu.memory_space<hbm>> -> memref<80x128xf32, #tpu.memory_space<hbm>>
    %dma_wait3A_116 = arith.constant 0 : i32
    %dma_wait3A_117 = arith.constant 0 : i32
    %dma_wait3A_118 = tpu.memref_slice %arg10[%dma_wait3A_109, %dma_wait3A_116, %dma_wait3A_117] : memref<4x80x128xf32, #tpu.memory_space<vmem>> -> memref<1x80x128xf32, #tpu.memory_space<vmem>>
    %dma_wait3A_119 = tpu.memref_squeeze %dma_wait3A_118 : memref<1x80x128xf32, #tpu.memory_space<vmem>> -> memref<80x128xf32, #tpu.memory_space<vmem>>
    %dma_wait3A_120 = arith.constant 0 : i32
    %dma_wait3A_121 = tpu.memref_slice %arg2[%add3A_108, %dma_wait3A_120] : memref<87040x128xf32, #tpu.memory_space<hbm>> -> memref<80x128xf32, #tpu.memory_space<hbm>>
    tpu.wait_dma2 semaphore(%arg13 : memref<!tpu.dma_semaphore, #tpu.memory_space<semaphore_mem>>) src(%dma_wait3A_121 : memref<80x128xf32, #tpu.memory_space<hbm>>) dst(%dma_wait3A_119 : memref<80x128xf32, #tpu.memory_space<vmem>>)
    %add3A_122 = arith.constant 2640 : i32
    %add3A_123 = arith.addi %add3A_4, %add3A_122 : i32
    %dma_wait3A_124 = tpu.memref_slice %arg3[%add3A_123] : memref<320000xi32, #tpu.memory_space<hbm>> -> memref<80xi32, #tpu.memory_space<hbm>>
    %dma_wait3A_125 = tpu.memref_slice %arg3[%add3A_123] : memref<320000xi32, #tpu.memory_space<hbm>> -> memref<80xi32, #tpu.memory_space<hbm>>
    tpu.wait_dma2 semaphore(%arg17 : memref<!tpu.dma_semaphore, #tpu.memory_space<semaphore_mem>>) src(%dma_wait3A_125 : memref<80xi32, #tpu.memory_space<hbm>>) dst(%arg7 : memref<80xi32, #tpu.memory_space<vmem>>)
    %run_scoped3A_126 = arith.constant 1 : i32
    "tpu.region"() ({
      %run_scoped3A_132 = tpu.sem_alloc : memref<!tpu.dma_semaphore, #tpu.memory_space<semaphore_mem>>
      %dma_start3A_133 = arith.constant 0 : i32
      %dma_start3A_134 = arith.constant 0 : i32
      %dma_start3A_135 = tpu.memref_slice %arg10[%run_scoped3A_126, %dma_start3A_133, %dma_start3A_134] : memref<4x80x128xf32, #tpu.memory_space<vmem>> -> memref<1x80x128xf32, #tpu.memory_space<vmem>>
      %dma_start3A_136 = tpu.memref_squeeze %dma_start3A_135 : memref<1x80x128xf32, #tpu.memory_space<vmem>> -> memref<80x128xf32, #tpu.memory_space<vmem>>
      %dma_start3A_137 = arith.constant 0 : i32
      %dma_start3A_138 = arith.constant 0 : i32
      %dma_start3A_139 = tpu.memref_slice %arg11[%dma_start3A_137, %dma_start3A_138] : memref<10240x128xf32, #tpu.memory_space<vmem_shared>> -> memref<10240x128xf32, #tpu.memory_space<vmem_shared>>
      tpu.enqueue_indirect_dma source(%dma_start3A_136 : memref<80x128xf32, #tpu.memory_space<vmem>>) target(%dma_start3A_139 : memref<10240x128xf32, #tpu.memory_space<vmem_shared>>) offsets(%arg7 : memref<80xi32, #tpu.memory_space<vmem>>) semaphore(%run_scoped3A_132 : memref<!tpu.dma_semaphore, #tpu.memory_space<semaphore_mem>>) {add = true}
      %dma_wait3A_140 = arith.constant 0 : i32
      %dma_wait3A_141 = arith.constant 0 : i32
      %dma_wait3A_142 = tpu.memref_slice %arg10[%run_scoped3A_126, %dma_wait3A_140, %dma_wait3A_141] : memref<4x80x128xf32, #tpu.memory_space<vmem>> -> memref<1x80x128xf32, #tpu.memory_space<vmem>>
      %dma_wait3A_143 = tpu.memref_squeeze %dma_wait3A_142 : memref<1x80x128xf32, #tpu.memory_space<vmem>> -> memref<80x128xf32, #tpu.memory_space<vmem>>
      %dma_wait3A_144 = arith.constant 0 : i32
      %dma_wait3A_145 = arith.constant 0 : i32
      %dma_wait3A_146 = tpu.memref_slice %arg11[%dma_wait3A_144, %dma_wait3A_145] : memref<10240x128xf32, #tpu.memory_space<vmem_shared>> -> memref<10240x128xf32, #tpu.memory_space<vmem_shared>>
      tpu.wait_indirect_dma semaphore(%run_scoped3A_132 : memref<!tpu.dma_semaphore, #tpu.memory_space<semaphore_mem>>) src(%dma_wait3A_143 : memref<80x128xf32, #tpu.memory_space<vmem>>) dst(%dma_wait3A_146 : memref<10240x128xf32, #tpu.memory_space<vmem_shared>>)
      tpu.yield
    }) : () -> ()
    %barrier3A_127 = arith.constant 0 : index
    tpu.barrier barrier_id(%barrier3A_127)
    %mul3A_128 = arith.constant 640 : i32
    %mul3A_129 = arith.muli %arg1, %mul3A_128 : i32
    %mul3A_130 = arith.constant 640 : i32
    %mul3A_131 = arith.muli %arg1, %mul3A_130 : i32
    "tpu.region"() ({
      %run_scoped3A_132 = tpu.sem_alloc : memref<!tpu.dma_semaphore, #tpu.memory_space<semaphore_mem>>
      %dma_start3A_133 = arith.constant 0 : i32
      %dma_start3A_134 = tpu.memref_slice %arg5[%arg0, %mul3A_131, %dma_start3A_133] : memref<2x10240x128xf32, #tpu.memory_space<hbm>> -> memref<1x640x128xf32, #tpu.memory_space<hbm>>
      %dma_start3A_135 = tpu.memref_squeeze %dma_start3A_134 : memref<1x640x128xf32, #tpu.memory_space<hbm>> -> memref<640x128xf32, #tpu.memory_space<hbm>>
      %dma_start3A_136 = arith.constant 0 : i32
      %dma_start3A_137 = tpu.memref_slice %arg11[%mul3A_129, %dma_start3A_136] : memref<10240x128xf32, #tpu.memory_space<vmem_shared>> -> memref<640x128xf32, #tpu.memory_space<vmem_shared>>
      tpu.enqueue_dma source(%dma_start3A_137 : memref<640x128xf32, #tpu.memory_space<vmem_shared>>) target(%dma_start3A_135 : memref<640x128xf32, #tpu.memory_space<hbm>>) target_semaphore(%run_scoped3A_132 : memref<!tpu.dma_semaphore, #tpu.memory_space<semaphore_mem>>)
      %dma_wait3A_138 = arith.constant 0 : i32
      %dma_wait3A_139 = tpu.memref_slice %arg5[%arg0, %mul3A_131, %dma_wait3A_138] : memref<2x10240x128xf32, #tpu.memory_space<hbm>> -> memref<1x640x128xf32, #tpu.memory_space<hbm>>
      %dma_wait3A_140 = tpu.memref_squeeze %dma_wait3A_139 : memref<1x640x128xf32, #tpu.memory_space<hbm>> -> memref<640x128xf32, #tpu.memory_space<hbm>>
      %dma_wait3A_141 = arith.constant 0 : i32
      %dma_wait3A_142 = tpu.memref_slice %arg11[%mul3A_129, %dma_wait3A_141] : memref<10240x128xf32, #tpu.memory_space<vmem_shared>> -> memref<640x128xf32, #tpu.memory_space<vmem_shared>>
      tpu.wait_dma2 semaphore(%run_scoped3A_132 : memref<!tpu.dma_semaphore, #tpu.memory_space<semaphore_mem>>) src(%dma_wait3A_142 : memref<640x128xf32, #tpu.memory_space<vmem_shared>>) dst(%dma_wait3A_140 : memref<640x128xf32, #tpu.memory_space<hbm>>)
      tpu.yield
    }) : () -> ()
    return
  }
}

#map = affine_map<(d0, d1) -> (0, 0)>
#map1 = affine_map<(d0, d1) -> (0)>
#map2 = affine_map<(d0, d1) -> (0, 0, 0)>
module attributes {stable_mosaic.version = 14 : i64} {
  func.func @_sc_body(%arg0: i32, %arg1: i32, %arg2: memref<87040x128xf32, #tpu.memory_space<hbm>>, %arg3: memref<320000xi32, #tpu.memory_space<hbm>>, %arg4: memref<1x1xf32, #tpu.memory_space<hbm>>, %arg5: memref<2x10240x128xf32, #tpu.memory_space<hbm>>, %arg6: memref<80xi32, #tpu.memory_space<vmem>>, %arg7: memref<80xi32, #tpu.memory_space<vmem>>, %arg8: memref<80xi32, #tpu.memory_space<vmem>>, %arg9: memref<80xi32, #tpu.memory_space<vmem>>, %arg10: memref<4x80x128xf32, #tpu.memory_space<vmem>>, %arg11: memref<10240x128xf32, #tpu.memory_space<vmem_shared>>, %arg12: memref<!tpu.dma_semaphore, #tpu.memory_space<semaphore_mem>>, %arg13: memref<!tpu.dma_semaphore, #tpu.memory_space<semaphore_mem>>, %arg14: memref<!tpu.dma_semaphore, #tpu.memory_space<semaphore_mem>>, %arg15: memref<!tpu.dma_semaphore, #tpu.memory_space<semaphore_mem>>, %arg16: memref<!tpu.dma_semaphore, #tpu.memory_space<semaphore_mem>>, %arg17: memref<!tpu.dma_semaphore, #tpu.memory_space<semaphore_mem>>, %arg18: memref<!tpu.dma_semaphore, #tpu.memory_space<semaphore_mem>>, %arg19: memref<!tpu.dma_semaphore, #tpu.memory_space<semaphore_mem>>) attributes {dimension_semantics = [#tpu.dimension_semantics<core_parallel>, #tpu.dimension_semantics<subcore_parallel>], iteration_bounds = array<i64: 2, 16>, scalar_prefetch = 0 : i64, scratch_operands = 14 : i64, tpu.core_type = #tpu.core_type<sc_vector_subcore>, window_params = [{transform_indices = #map}, {transform_indices = #map1}, {transform_indices = #map}, {transform_indices = #map2}]} {
    %mul3A = arith.constant 16 : i32
    %mul3A_0 = arith.muli %arg0, %mul3A : i32
    %add3A = arith.addi %mul3A_0, %arg1 : i32
    %mul3A_1 = arith.constant 2720 : i32
    %mul3A_2 = arith.muli %add3A, %mul3A_1 : i32
    %add3A_3 = arith.constant 0 : i32
    %add3A_4 = arith.addi %add3A_3, %mul3A_2 : i32
    %broadcast_in_dim3A = arith.constant 0.000000e+00 : f32
    %broadcast_in_dim3A_5 = vector.broadcast %broadcast_in_dim3A : f32 to vector<16xf32>
    %scan3A = arith.constant 0 : i32
    %scan3A_6 = arith.constant 0 : i32
    %scan3A_7 = arith.constant 640 : i32
    %scan3A_8 = arith.addi %scan3A_6, %scan3A_7 : i32
    %scan3A_9 = arith.constant 1 : i32
    scf.for %scan3A_175 = %scan3A_6 to %scan3A_8 step %scan3A_9  : i32 {
      %jit3A = arith.constant 8 : i32
      %div3A = arith.divsi %scan3A_175, %jit3A : i32
      %sign3A = arith.constant 0 : i32
      %sign3A_176 = arith.cmpi sgt, %scan3A_175, %sign3A : i32
      %sign3A_177 = arith.extui %sign3A_176 : i1 to i32
      %sign3A_178 = arith.constant 0 : i32
      %sign3A_179 = arith.cmpi slt, %scan3A_175, %sign3A_178 : i32
      %sign3A_180 = arith.extui %sign3A_179 : i1 to i32
      %sign3A_181 = arith.subi %sign3A_177, %sign3A_180 : i32
      %sign3A_182 = arith.constant 0 : i32
      %sign3A_183 = arith.cmpi sgt, %jit3A, %sign3A_182 : i32
      %sign3A_184 = arith.extui %sign3A_183 : i1 to i32
      %sign3A_185 = arith.constant 0 : i32
      %sign3A_186 = arith.cmpi slt, %jit3A, %sign3A_185 : i32
      %sign3A_187 = arith.extui %sign3A_186 : i1 to i32
      %sign3A_188 = arith.subi %sign3A_184, %sign3A_187 : i32
      %ne3A = arith.cmpi ne, %sign3A_181, %sign3A_188 : i32
      %rem3A = arith.remsi %scan3A_175, %jit3A : i32
      %ne3A_189 = arith.constant 0 : i32
      %ne3A_190 = arith.cmpi ne, %rem3A, %ne3A_189 : i32
      %and3A = arith.andi %ne3A, %ne3A_190 : i1
      %sub3A = arith.constant 1 : i32
      %sub3A_191 = arith.subi %div3A, %sub3A : i32
      %select_n3A = arith.select %and3A, %sub3A_191, %div3A : i32
      %jit3A_192 = arith.constant 8 : i32
      %eq3A = arith.constant 0 : i32
      %eq3A_193 = arith.cmpi eq, %jit3A_192, %eq3A : i32
      %jit3A_194 = arith.constant 1 : i32
      %select_n3A_195 = arith.select %eq3A_193, %jit3A_194, %jit3A_192 : i32
      %rem3A_196 = arith.remsi %scan3A_175, %select_n3A_195 : i32
      %ne3A_197 = arith.constant 0 : i32
      %ne3A_198 = arith.cmpi ne, %rem3A_196, %ne3A_197 : i32
      %lt3A = arith.constant 0 : i32
      %lt3A_199 = arith.cmpi slt, %rem3A_196, %lt3A : i32
      %lt3A_200 = arith.constant 0 : i32
      %lt3A_201 = arith.cmpi slt, %select_n3A_195, %lt3A_200 : i32
      %ne3A_202 = arith.xori %lt3A_199, %lt3A_201 : i1
      %and3A_203 = arith.andi %ne3A_202, %ne3A_198 : i1
      %add3A_204 = arith.addi %rem3A_196, %select_n3A_195 : i32
      %select_n3A_205 = arith.select %and3A_203, %add3A_204, %rem3A_196 : i32
      %mul3A_206 = arith.constant 16 : i32
      %mul3A_207 = arith.muli %select_n3A_205, %mul3A_206 : i32
      %swap3A = arith.constant 0 : i32
      %swap3A_208 = arith.index_cast %swap3A : i32 to index
      %swap3A_209 = arith.index_cast %select_n3A : i32 to index
      %swap3A_210 = arith.index_cast %mul3A_207 : i32 to index
      %swap3A_211 = tpu.vector_load %arg10[%swap3A_208, %swap3A_209, %swap3A_210] {strides = array<i32>} : memref<4x80x128xf32, #tpu.memory_space<vmem>>, vector<1x1x16xf32>,
      %swap3A_212 = vector.shape_cast %swap3A_211 : vector<1x1x16xf32> to vector<16xf32>
      %swap3A_213 = vector.shape_cast %broadcast_in_dim3A_5 : vector<16xf32> to vector<1x1x16xf32>
      tpu.vector_store %arg10[%swap3A_208, %swap3A_209, %swap3A_210], %swap3A_213 {strides = array<i32>} : memref<4x80x128xf32, #tpu.memory_space<vmem>>, vector<1x1x16xf32>,
    }
    %scan3A_10 = arith.constant 640 : i32
    %mul3A_11 = arith.constant 640 : i32
    %mul3A_12 = arith.muli %arg1, %mul3A_11 : i32
    %add3A_13 = arith.constant 0 : i32
    %add3A_14 = arith.addi %mul3A_12, %add3A_13 : i32
    %run_scoped3A = arith.constant 0 : i32
    "tpu.region"() ({
      %run_scoped3A_175 = tpu.sem_alloc : memref<!tpu.dma_semaphore, #tpu.memory_space<semaphore_mem>>
      %dma_start3A_176 = arith.constant 0 : i32
      %dma_start3A_177 = arith.constant 0 : i32
      %dma_start3A_178 = tpu.memref_slice %arg10[%run_scoped3A, %dma_start3A_176, %dma_start3A_177] : memref<4x80x128xf32, #tpu.memory_space<vmem>> -> memref<1x80x128xf32, #tpu.memory_space<vmem>>
      %dma_start3A_179 = tpu.memref_squeeze %dma_start3A_178 : memref<1x80x128xf32, #tpu.memory_space<vmem>> -> memref<80x128xf32, #tpu.memory_space<vmem>>
      %dma_start3A_180 = arith.constant 0 : i32
      %dma_start3A_181 = tpu.memref_slice %arg11[%add3A_14, %dma_start3A_180] : memref<10240x128xf32, #tpu.memory_space<vmem_shared>> -> memref<80x128xf32, #tpu.memory_space<vmem_shared>>
      %dma_start3A_182 = arith.constant 0 : i32
      %dma_start3A_183 = tpu.memref_slice %arg11[%add3A_14, %dma_start3A_182] : memref<10240x128xf32, #tpu.memory_space<vmem_shared>> -> memref<80x128xf32, #tpu.memory_space<vmem_shared>>
      %dma_start3A_184 = arith.constant 0 : i32
      %dma_start3A_185 = arith.constant 0 : i32
      %dma_start3A_186 = tpu.memref_slice %arg10[%run_scoped3A, %dma_start3A_184, %dma_start3A_185] : memref<4x80x128xf32, #tpu.memory_space<vmem>> -> memref<1x80x128xf32, #tpu.memory_space<vmem>>
      %dma_start3A_187 = tpu.memref_squeeze %dma_start3A_186 : memref<1x80x128xf32, #tpu.memory_space<vmem>> -> memref<80x128xf32, #tpu.memory_space<vmem>>
      tpu.enqueue_dma source(%dma_start3A_187 : memref<80x128xf32, #tpu.memory_space<vmem>>) target(%dma_start3A_183 : memref<80x128xf32, #tpu.memory_space<vmem_shared>>) target_semaphore(%run_scoped3A_175 : memref<!tpu.dma_semaphore, #tpu.memory_space<semaphore_mem>>)
      %dma_wait3A_188 = arith.constant 0 : i32
      %dma_wait3A_189 = arith.constant 0 : i32
      %dma_wait3A_190 = tpu.memref_slice %arg10[%run_scoped3A, %dma_wait3A_188, %dma_wait3A_189] : memref<4x80x128xf32, #tpu.memory_space<vmem>> -> memref<1x80x128xf32, #tpu.memory_space<vmem>>
      %dma_wait3A_191 = tpu.memref_squeeze %dma_wait3A_190 : memref<1x80x128xf32, #tpu.memory_space<vmem>> -> memref<80x128xf32, #tpu.memory_space<vmem>>
      %dma_wait3A_192 = arith.constant 0 : i32
      %dma_wait3A_193 = tpu.memref_slice %arg11[%add3A_14, %dma_wait3A_192] : memref<10240x128xf32, #tpu.memory_space<vmem_shared>> -> memref<80x128xf32, #tpu.memory_space<vmem_shared>>
      %dma_wait3A_194 = arith.constant 0 : i32
      %dma_wait3A_195 = tpu.memref_slice %arg11[%add3A_14, %dma_wait3A_194] : memref<10240x128xf32, #tpu.memory_space<vmem_shared>> -> memref<80x128xf32, #tpu.memory_space<vmem_shared>>
      %dma_wait3A_196 = arith.constant 0 : i32
      %dma_wait3A_197 = arith.constant 0 : i32
      %dma_wait3A_198 = tpu.memref_slice %arg10[%run_scoped3A, %dma_wait3A_196, %dma_wait3A_197] : memref<4x80x128xf32, #tpu.memory_space<vmem>> -> memref<1x80x128xf32, #tpu.memory_space<vmem>>
      %dma_wait3A_199 = tpu.memref_squeeze %dma_wait3A_198 : memref<1x80x128xf32, #tpu.memory_space<vmem>> -> memref<80x128xf32, #tpu.memory_space<vmem>>
      tpu.wait_dma2 semaphore(%run_scoped3A_175 : memref<!tpu.dma_semaphore, #tpu.memory_space<semaphore_mem>>) src(%dma_wait3A_199 : memref<80x128xf32, #tpu.memory_space<vmem>>) dst(%dma_wait3A_195 : memref<80x128xf32, #tpu.memory_space<vmem_shared>>)
      tpu.yield
    }) : () -> ()
    %mul3A_15 = arith.constant 640 : i32
    %mul3A_16 = arith.muli %arg1, %mul3A_15 : i32
    %add3A_17 = arith.constant 80 : i32
    %add3A_18 = arith.addi %mul3A_16, %add3A_17 : i32
    %run_scoped3A_19 = arith.constant 0 : i32
    "tpu.region"() ({
      %run_scoped3A_175 = tpu.sem_alloc : memref<!tpu.dma_semaphore, #tpu.memory_space<semaphore_mem>>
      %dma_start3A_176 = arith.constant 0 : i32
      %dma_start3A_177 = arith.constant 0 : i32
      %dma_start3A_178 = tpu.memref_slice %arg10[%run_scoped3A_19, %dma_start3A_176, %dma_start3A_177] : memref<4x80x128xf32, #tpu.memory_space<vmem>> -> memref<1x80x128xf32, #tpu.memory_space<vmem>>
      %dma_start3A_179 = tpu.memref_squeeze %dma_start3A_178 : memref<1x80x128xf32, #tpu.memory_space<vmem>> -> memref<80x128xf32, #tpu.memory_space<vmem>>
      %dma_start3A_180 = arith.constant 0 : i32
      %dma_start3A_181 = tpu.memref_slice %arg11[%add3A_18, %dma_start3A_180] : memref<10240x128xf32, #tpu.memory_space<vmem_shared>> -> memref<80x128xf32, #tpu.memory_space<vmem_shared>>
      %dma_start3A_182 = arith.constant 0 : i32
      %dma_start3A_183 = tpu.memref_slice %arg11[%add3A_18, %dma_start3A_182] : memref<10240x128xf32, #tpu.memory_space<vmem_shared>> -> memref<80x128xf32, #tpu.memory_space<vmem_shared>>
      %dma_start3A_184 = arith.constant 0 : i32
      %dma_start3A_185 = arith.constant 0 : i32
      %dma_start3A_186 = tpu.memref_slice %arg10[%run_scoped3A_19, %dma_start3A_184, %dma_start3A_185] : memref<4x80x128xf32, #tpu.memory_space<vmem>> -> memref<1x80x128xf32, #tpu.memory_space<vmem>>
      %dma_start3A_187 = tpu.memref_squeeze %dma_start3A_186 : memref<1x80x128xf32, #tpu.memory_space<vmem>> -> memref<80x128xf32, #tpu.memory_space<vmem>>
      tpu.enqueue_dma source(%dma_start3A_187 : memref<80x128xf32, #tpu.memory_space<vmem>>) target(%dma_start3A_183 : memref<80x128xf32, #tpu.memory_space<vmem_shared>>) target_semaphore(%run_scoped3A_175 : memref<!tpu.dma_semaphore, #tpu.memory_space<semaphore_mem>>)
      %dma_wait3A_188 = arith.constant 0 : i32
      %dma_wait3A_189 = arith.constant 0 : i32
      %dma_wait3A_190 = tpu.memref_slice %arg10[%run_scoped3A_19, %dma_wait3A_188, %dma_wait3A_189] : memref<4x80x128xf32, #tpu.memory_space<vmem>> -> memref<1x80x128xf32, #tpu.memory_space<vmem>>
      %dma_wait3A_191 = tpu.memref_squeeze %dma_wait3A_190 : memref<1x80x128xf32, #tpu.memory_space<vmem>> -> memref<80x128xf32, #tpu.memory_space<vmem>>
      %dma_wait3A_192 = arith.constant 0 : i32
      %dma_wait3A_193 = tpu.memref_slice %arg11[%add3A_18, %dma_wait3A_192] : memref<10240x128xf32, #tpu.memory_space<vmem_shared>> -> memref<80x128xf32, #tpu.memory_space<vmem_shared>>
      %dma_wait3A_194 = arith.constant 0 : i32
      %dma_wait3A_195 = tpu.memref_slice %arg11[%add3A_18, %dma_wait3A_194] : memref<10240x128xf32, #tpu.memory_space<vmem_shared>> -> memref<80x128xf32, #tpu.memory_space<vmem_shared>>
      %dma_wait3A_196 = arith.constant 0 : i32
      %dma_wait3A_197 = arith.constant 0 : i32
      %dma_wait3A_198 = tpu.memref_slice %arg10[%run_scoped3A_19, %dma_wait3A_196, %dma_wait3A_197] : memref<4x80x128xf32, #tpu.memory_space<vmem>> -> memref<1x80x128xf32, #tpu.memory_space<vmem>>
      %dma_wait3A_199 = tpu.memref_squeeze %dma_wait3A_198 : memref<1x80x128xf32, #tpu.memory_space<vmem>> -> memref<80x128xf32, #tpu.memory_space<vmem>>
      tpu.wait_dma2 semaphore(%run_scoped3A_175 : memref<!tpu.dma_semaphore, #tpu.memory_space<semaphore_mem>>) src(%dma_wait3A_199 : memref<80x128xf32, #tpu.memory_space<vmem>>) dst(%dma_wait3A_195 : memref<80x128xf32, #tpu.memory_space<vmem_shared>>)
      tpu.yield
    }) : () -> ()
    %mul3A_20 = arith.constant 640 : i32
    %mul3A_21 = arith.muli %arg1, %mul3A_20 : i32
    %add3A_22 = arith.constant 160 : i32
    %add3A_23 = arith.addi %mul3A_21, %add3A_22 : i32
    %run_scoped3A_24 = arith.constant 0 : i32
    "tpu.region"() ({
      %run_scoped3A_175 = tpu.sem_alloc : memref<!tpu.dma_semaphore, #tpu.memory_space<semaphore_mem>>
      %dma_start3A_176 = arith.constant 0 : i32
      %dma_start3A_177 = arith.constant 0 : i32
      %dma_start3A_178 = tpu.memref_slice %arg10[%run_scoped3A_24, %dma_start3A_176, %dma_start3A_177] : memref<4x80x128xf32, #tpu.memory_space<vmem>> -> memref<1x80x128xf32, #tpu.memory_space<vmem>>
      %dma_start3A_179 = tpu.memref_squeeze %dma_start3A_178 : memref<1x80x128xf32, #tpu.memory_space<vmem>> -> memref<80x128xf32, #tpu.memory_space<vmem>>
      %dma_start3A_180 = arith.constant 0 : i32
      %dma_start3A_181 = tpu.memref_slice %arg11[%add3A_23, %dma_start3A_180] : memref<10240x128xf32, #tpu.memory_space<vmem_shared>> -> memref<80x128xf32, #tpu.memory_space<vmem_shared>>
      %dma_start3A_182 = arith.constant 0 : i32
      %dma_start3A_183 = tpu.memref_slice %arg11[%add3A_23, %dma_start3A_182] : memref<10240x128xf32, #tpu.memory_space<vmem_shared>> -> memref<80x128xf32, #tpu.memory_space<vmem_shared>>
      %dma_start3A_184 = arith.constant 0 : i32
      %dma_start3A_185 = arith.constant 0 : i32
      %dma_start3A_186 = tpu.memref_slice %arg10[%run_scoped3A_24, %dma_start3A_184, %dma_start3A_185] : memref<4x80x128xf32, #tpu.memory_space<vmem>> -> memref<1x80x128xf32, #tpu.memory_space<vmem>>
      %dma_start3A_187 = tpu.memref_squeeze %dma_start3A_186 : memref<1x80x128xf32, #tpu.memory_space<vmem>> -> memref<80x128xf32, #tpu.memory_space<vmem>>
      tpu.enqueue_dma source(%dma_start3A_187 : memref<80x128xf32, #tpu.memory_space<vmem>>) target(%dma_start3A_183 : memref<80x128xf32, #tpu.memory_space<vmem_shared>>) target_semaphore(%run_scoped3A_175 : memref<!tpu.dma_semaphore, #tpu.memory_space<semaphore_mem>>)
      %dma_wait3A_188 = arith.constant 0 : i32
      %dma_wait3A_189 = arith.constant 0 : i32
      %dma_wait3A_190 = tpu.memref_slice %arg10[%run_scoped3A_24, %dma_wait3A_188, %dma_wait3A_189] : memref<4x80x128xf32, #tpu.memory_space<vmem>> -> memref<1x80x128xf32, #tpu.memory_space<vmem>>
      %dma_wait3A_191 = tpu.memref_squeeze %dma_wait3A_190 : memref<1x80x128xf32, #tpu.memory_space<vmem>> -> memref<80x128xf32, #tpu.memory_space<vmem>>
      %dma_wait3A_192 = arith.constant 0 : i32
      %dma_wait3A_193 = tpu.memref_slice %arg11[%add3A_23, %dma_wait3A_192] : memref<10240x128xf32, #tpu.memory_space<vmem_shared>> -> memref<80x128xf32, #tpu.memory_space<vmem_shared>>
      %dma_wait3A_194 = arith.constant 0 : i32
      %dma_wait3A_195 = tpu.memref_slice %arg11[%add3A_23, %dma_wait3A_194] : memref<10240x128xf32, #tpu.memory_space<vmem_shared>> -> memref<80x128xf32, #tpu.memory_space<vmem_shared>>
      %dma_wait3A_196 = arith.constant 0 : i32
      %dma_wait3A_197 = arith.constant 0 : i32
      %dma_wait3A_198 = tpu.memref_slice %arg10[%run_scoped3A_24, %dma_wait3A_196, %dma_wait3A_197] : memref<4x80x128xf32, #tpu.memory_space<vmem>> -> memref<1x80x128xf32, #tpu.memory_space<vmem>>
      %dma_wait3A_199 = tpu.memref_squeeze %dma_wait3A_198 : memref<1x80x128xf32, #tpu.memory_space<vmem>> -> memref<80x128xf32, #tpu.memory_space<vmem>>
      tpu.wait_dma2 semaphore(%run_scoped3A_175 : memref<!tpu.dma_semaphore, #tpu.memory_space<semaphore_mem>>) src(%dma_wait3A_199 : memref<80x128xf32, #tpu.memory_space<vmem>>) dst(%dma_wait3A_195 : memref<80x128xf32, #tpu.memory_space<vmem_shared>>)
      tpu.yield
    }) : () -> ()
    %mul3A_25 = arith.constant 640 : i32
    %mul3A_26 = arith.muli %arg1, %mul3A_25 : i32
    %add3A_27 = arith.constant 240 : i32
    %add3A_28 = arith.addi %mul3A_26, %add3A_27 : i32
    %run_scoped3A_29 = arith.constant 0 : i32
    "tpu.region"() ({
      %run_scoped3A_175 = tpu.sem_alloc : memref<!tpu.dma_semaphore, #tpu.memory_space<semaphore_mem>>
      %dma_start3A_176 = arith.constant 0 : i32
      %dma_start3A_177 = arith.constant 0 : i32
      %dma_start3A_178 = tpu.memref_slice %arg10[%run_scoped3A_29, %dma_start3A_176, %dma_start3A_177] : memref<4x80x128xf32, #tpu.memory_space<vmem>> -> memref<1x80x128xf32, #tpu.memory_space<vmem>>
      %dma_start3A_179 = tpu.memref_squeeze %dma_start3A_178 : memref<1x80x128xf32, #tpu.memory_space<vmem>> -> memref<80x128xf32, #tpu.memory_space<vmem>>
      %dma_start3A_180 = arith.constant 0 : i32
      %dma_start3A_181 = tpu.memref_slice %arg11[%add3A_28, %dma_start3A_180] : memref<10240x128xf32, #tpu.memory_space<vmem_shared>> -> memref<80x128xf32, #tpu.memory_space<vmem_shared>>
      %dma_start3A_182 = arith.constant 0 : i32
      %dma_start3A_183 = tpu.memref_slice %arg11[%add3A_28, %dma_start3A_182] : memref<10240x128xf32, #tpu.memory_space<vmem_shared>> -> memref<80x128xf32, #tpu.memory_space<vmem_shared>>
      %dma_start3A_184 = arith.constant 0 : i32
      %dma_start3A_185 = arith.constant 0 : i32
      %dma_start3A_186 = tpu.memref_slice %arg10[%run_scoped3A_29, %dma_start3A_184, %dma_start3A_185] : memref<4x80x128xf32, #tpu.memory_space<vmem>> -> memref<1x80x128xf32, #tpu.memory_space<vmem>>
      %dma_start3A_187 = tpu.memref_squeeze %dma_start3A_186 : memref<1x80x128xf32, #tpu.memory_space<vmem>> -> memref<80x128xf32, #tpu.memory_space<vmem>>
      tpu.enqueue_dma source(%dma_start3A_187 : memref<80x128xf32, #tpu.memory_space<vmem>>) target(%dma_start3A_183 : memref<80x128xf32, #tpu.memory_space<vmem_shared>>) target_semaphore(%run_scoped3A_175 : memref<!tpu.dma_semaphore, #tpu.memory_space<semaphore_mem>>)
      %dma_wait3A_188 = arith.constant 0 : i32
      %dma_wait3A_189 = arith.constant 0 : i32
      %dma_wait3A_190 = tpu.memref_slice %arg10[%run_scoped3A_29, %dma_wait3A_188, %dma_wait3A_189] : memref<4x80x128xf32, #tpu.memory_space<vmem>> -> memref<1x80x128xf32, #tpu.memory_space<vmem>>
      %dma_wait3A_191 = tpu.memref_squeeze %dma_wait3A_190 : memref<1x80x128xf32, #tpu.memory_space<vmem>> -> memref<80x128xf32, #tpu.memory_space<vmem>>
      %dma_wait3A_192 = arith.constant 0 : i32
      %dma_wait3A_193 = tpu.memref_slice %arg11[%add3A_28, %dma_wait3A_192] : memref<10240x128xf32, #tpu.memory_space<vmem_shared>> -> memref<80x128xf32, #tpu.memory_space<vmem_shared>>
      %dma_wait3A_194 = arith.constant 0 : i32
      %dma_wait3A_195 = tpu.memref_slice %arg11[%add3A_28, %dma_wait3A_194] : memref<10240x128xf32, #tpu.memory_space<vmem_shared>> -> memref<80x128xf32, #tpu.memory_space<vmem_shared>>
      %dma_wait3A_196 = arith.constant 0 : i32
      %dma_wait3A_197 = arith.constant 0 : i32
      %dma_wait3A_198 = tpu.memref_slice %arg10[%run_scoped3A_29, %dma_wait3A_196, %dma_wait3A_197] : memref<4x80x128xf32, #tpu.memory_space<vmem>> -> memref<1x80x128xf32, #tpu.memory_space<vmem>>
      %dma_wait3A_199 = tpu.memref_squeeze %dma_wait3A_198 : memref<1x80x128xf32, #tpu.memory_space<vmem>> -> memref<80x128xf32, #tpu.memory_space<vmem>>
      tpu.wait_dma2 semaphore(%run_scoped3A_175 : memref<!tpu.dma_semaphore, #tpu.memory_space<semaphore_mem>>) src(%dma_wait3A_199 : memref<80x128xf32, #tpu.memory_space<vmem>>) dst(%dma_wait3A_195 : memref<80x128xf32, #tpu.memory_space<vmem_shared>>)
      tpu.yield
    }) : () -> ()
    %mul3A_30 = arith.constant 640 : i32
    %mul3A_31 = arith.muli %arg1, %mul3A_30 : i32
    %add3A_32 = arith.constant 320 : i32
    %add3A_33 = arith.addi %mul3A_31, %add3A_32 : i32
    %run_scoped3A_34 = arith.constant 0 : i32
    "tpu.region"() ({
      %run_scoped3A_175 = tpu.sem_alloc : memref<!tpu.dma_semaphore, #tpu.memory_space<semaphore_mem>>
      %dma_start3A_176 = arith.constant 0 : i32
      %dma_start3A_177 = arith.constant 0 : i32
      %dma_start3A_178 = tpu.memref_slice %arg10[%run_scoped3A_34, %dma_start3A_176, %dma_start3A_177] : memref<4x80x128xf32, #tpu.memory_space<vmem>> -> memref<1x80x128xf32, #tpu.memory_space<vmem>>
      %dma_start3A_179 = tpu.memref_squeeze %dma_start3A_178 : memref<1x80x128xf32, #tpu.memory_space<vmem>> -> memref<80x128xf32, #tpu.memory_space<vmem>>
      %dma_start3A_180 = arith.constant 0 : i32
      %dma_start3A_181 = tpu.memref_slice %arg11[%add3A_33, %dma_start3A_180] : memref<10240x128xf32, #tpu.memory_space<vmem_shared>> -> memref<80x128xf32, #tpu.memory_space<vmem_shared>>
      %dma_start3A_182 = arith.constant 0 : i32
      %dma_start3A_183 = tpu.memref_slice %arg11[%add3A_33, %dma_start3A_182] : memref<10240x128xf32, #tpu.memory_space<vmem_shared>> -> memref<80x128xf32, #tpu.memory_space<vmem_shared>>
      %dma_start3A_184 = arith.constant 0 : i32
      %dma_start3A_185 = arith.constant 0 : i32
      %dma_start3A_186 = tpu.memref_slice %arg10[%run_scoped3A_34, %dma_start3A_184, %dma_start3A_185] : memref<4x80x128xf32, #tpu.memory_space<vmem>> -> memref<1x80x128xf32, #tpu.memory_space<vmem>>
      %dma_start3A_187 = tpu.memref_squeeze %dma_start3A_186 : memref<1x80x128xf32, #tpu.memory_space<vmem>> -> memref<80x128xf32, #tpu.memory_space<vmem>>
      tpu.enqueue_dma source(%dma_start3A_187 : memref<80x128xf32, #tpu.memory_space<vmem>>) target(%dma_start3A_183 : memref<80x128xf32, #tpu.memory_space<vmem_shared>>) target_semaphore(%run_scoped3A_175 : memref<!tpu.dma_semaphore, #tpu.memory_space<semaphore_mem>>)
      %dma_wait3A_188 = arith.constant 0 : i32
      %dma_wait3A_189 = arith.constant 0 : i32
      %dma_wait3A_190 = tpu.memref_slice %arg10[%run_scoped3A_34, %dma_wait3A_188, %dma_wait3A_189] : memref<4x80x128xf32, #tpu.memory_space<vmem>> -> memref<1x80x128xf32, #tpu.memory_space<vmem>>
      %dma_wait3A_191 = tpu.memref_squeeze %dma_wait3A_190 : memref<1x80x128xf32, #tpu.memory_space<vmem>> -> memref<80x128xf32, #tpu.memory_space<vmem>>
      %dma_wait3A_192 = arith.constant 0 : i32
      %dma_wait3A_193 = tpu.memref_slice %arg11[%add3A_33, %dma_wait3A_192] : memref<10240x128xf32, #tpu.memory_space<vmem_shared>> -> memref<80x128xf32, #tpu.memory_space<vmem_shared>>
      %dma_wait3A_194 = arith.constant 0 : i32
      %dma_wait3A_195 = tpu.memref_slice %arg11[%add3A_33, %dma_wait3A_194] : memref<10240x128xf32, #tpu.memory_space<vmem_shared>> -> memref<80x128xf32, #tpu.memory_space<vmem_shared>>
      %dma_wait3A_196 = arith.constant 0 : i32
      %dma_wait3A_197 = arith.constant 0 : i32
      %dma_wait3A_198 = tpu.memref_slice %arg10[%run_scoped3A_34, %dma_wait3A_196, %dma_wait3A_197] : memref<4x80x128xf32, #tpu.memory_space<vmem>> -> memref<1x80x128xf32, #tpu.memory_space<vmem>>
      %dma_wait3A_199 = tpu.memref_squeeze %dma_wait3A_198 : memref<1x80x128xf32, #tpu.memory_space<vmem>> -> memref<80x128xf32, #tpu.memory_space<vmem>>
      tpu.wait_dma2 semaphore(%run_scoped3A_175 : memref<!tpu.dma_semaphore, #tpu.memory_space<semaphore_mem>>) src(%dma_wait3A_199 : memref<80x128xf32, #tpu.memory_space<vmem>>) dst(%dma_wait3A_195 : memref<80x128xf32, #tpu.memory_space<vmem_shared>>)
      tpu.yield
    }) : () -> ()
    %mul3A_35 = arith.constant 640 : i32
    %mul3A_36 = arith.muli %arg1, %mul3A_35 : i32
    %add3A_37 = arith.constant 400 : i32
    %add3A_38 = arith.addi %mul3A_36, %add3A_37 : i32
    %run_scoped3A_39 = arith.constant 0 : i32
    "tpu.region"() ({
      %run_scoped3A_175 = tpu.sem_alloc : memref<!tpu.dma_semaphore, #tpu.memory_space<semaphore_mem>>
      %dma_start3A_176 = arith.constant 0 : i32
      %dma_start3A_177 = arith.constant 0 : i32
      %dma_start3A_178 = tpu.memref_slice %arg10[%run_scoped3A_39, %dma_start3A_176, %dma_start3A_177] : memref<4x80x128xf32, #tpu.memory_space<vmem>> -> memref<1x80x128xf32, #tpu.memory_space<vmem>>
      %dma_start3A_179 = tpu.memref_squeeze %dma_start3A_178 : memref<1x80x128xf32, #tpu.memory_space<vmem>> -> memref<80x128xf32, #tpu.memory_space<vmem>>
      %dma_start3A_180 = arith.constant 0 : i32
      %dma_start3A_181 = tpu.memref_slice %arg11[%add3A_38, %dma_start3A_180] : memref<10240x128xf32, #tpu.memory_space<vmem_shared>> -> memref<80x128xf32, #tpu.memory_space<vmem_shared>>
      %dma_start3A_182 = arith.constant 0 : i32
      %dma_start3A_183 = tpu.memref_slice %arg11[%add3A_38, %dma_start3A_182] : memref<10240x128xf32, #tpu.memory_space<vmem_shared>> -> memref<80x128xf32, #tpu.memory_space<vmem_shared>>
      %dma_start3A_184 = arith.constant 0 : i32
      %dma_start3A_185 = arith.constant 0 : i32
      %dma_start3A_186 = tpu.memref_slice %arg10[%run_scoped3A_39, %dma_start3A_184, %dma_start3A_185] : memref<4x80x128xf32, #tpu.memory_space<vmem>> -> memref<1x80x128xf32, #tpu.memory_space<vmem>>
      %dma_start3A_187 = tpu.memref_squeeze %dma_start3A_186 : memref<1x80x128xf32, #tpu.memory_space<vmem>> -> memref<80x128xf32, #tpu.memory_space<vmem>>
      tpu.enqueue_dma source(%dma_start3A_187 : memref<80x128xf32, #tpu.memory_space<vmem>>) target(%dma_start3A_183 : memref<80x128xf32, #tpu.memory_space<vmem_shared>>) target_semaphore(%run_scoped3A_175 : memref<!tpu.dma_semaphore, #tpu.memory_space<semaphore_mem>>)
      %dma_wait3A_188 = arith.constant 0 : i32
      %dma_wait3A_189 = arith.constant 0 : i32
      %dma_wait3A_190 = tpu.memref_slice %arg10[%run_scoped3A_39, %dma_wait3A_188, %dma_wait3A_189] : memref<4x80x128xf32, #tpu.memory_space<vmem>> -> memref<1x80x128xf32, #tpu.memory_space<vmem>>
      %dma_wait3A_191 = tpu.memref_squeeze %dma_wait3A_190 : memref<1x80x128xf32, #tpu.memory_space<vmem>> -> memref<80x128xf32, #tpu.memory_space<vmem>>
      %dma_wait3A_192 = arith.constant 0 : i32
      %dma_wait3A_193 = tpu.memref_slice %arg11[%add3A_38, %dma_wait3A_192] : memref<10240x128xf32, #tpu.memory_space<vmem_shared>> -> memref<80x128xf32, #tpu.memory_space<vmem_shared>>
      %dma_wait3A_194 = arith.constant 0 : i32
      %dma_wait3A_195 = tpu.memref_slice %arg11[%add3A_38, %dma_wait3A_194] : memref<10240x128xf32, #tpu.memory_space<vmem_shared>> -> memref<80x128xf32, #tpu.memory_space<vmem_shared>>
      %dma_wait3A_196 = arith.constant 0 : i32
      %dma_wait3A_197 = arith.constant 0 : i32
      %dma_wait3A_198 = tpu.memref_slice %arg10[%run_scoped3A_39, %dma_wait3A_196, %dma_wait3A_197] : memref<4x80x128xf32, #tpu.memory_space<vmem>> -> memref<1x80x128xf32, #tpu.memory_space<vmem>>
      %dma_wait3A_199 = tpu.memref_squeeze %dma_wait3A_198 : memref<1x80x128xf32, #tpu.memory_space<vmem>> -> memref<80x128xf32, #tpu.memory_space<vmem>>
      tpu.wait_dma2 semaphore(%run_scoped3A_175 : memref<!tpu.dma_semaphore, #tpu.memory_space<semaphore_mem>>) src(%dma_wait3A_199 : memref<80x128xf32, #tpu.memory_space<vmem>>) dst(%dma_wait3A_195 : memref<80x128xf32, #tpu.memory_space<vmem_shared>>)
      tpu.yield
    }) : () -> ()
    %mul3A_40 = arith.constant 640 : i32
    %mul3A_41 = arith.muli %arg1, %mul3A_40 : i32
    %add3A_42 = arith.constant 480 : i32
    %add3A_43 = arith.addi %mul3A_41, %add3A_42 : i32
    %run_scoped3A_44 = arith.constant 0 : i32
    "tpu.region"() ({
      %run_scoped3A_175 = tpu.sem_alloc : memref<!tpu.dma_semaphore, #tpu.memory_space<semaphore_mem>>
      %dma_start3A_176 = arith.constant 0 : i32
      %dma_start3A_177 = arith.constant 0 : i32
      %dma_start3A_178 = tpu.memref_slice %arg10[%run_scoped3A_44, %dma_start3A_176, %dma_start3A_177] : memref<4x80x128xf32, #tpu.memory_space<vmem>> -> memref<1x80x128xf32, #tpu.memory_space<vmem>>
      %dma_start3A_179 = tpu.memref_squeeze %dma_start3A_178 : memref<1x80x128xf32, #tpu.memory_space<vmem>> -> memref<80x128xf32, #tpu.memory_space<vmem>>
      %dma_start3A_180 = arith.constant 0 : i32
      %dma_start3A_181 = tpu.memref_slice %arg11[%add3A_43, %dma_start3A_180] : memref<10240x128xf32, #tpu.memory_space<vmem_shared>> -> memref<80x128xf32, #tpu.memory_space<vmem_shared>>
      %dma_start3A_182 = arith.constant 0 : i32
      %dma_start3A_183 = tpu.memref_slice %arg11[%add3A_43, %dma_start3A_182] : memref<10240x128xf32, #tpu.memory_space<vmem_shared>> -> memref<80x128xf32, #tpu.memory_space<vmem_shared>>
      %dma_start3A_184 = arith.constant 0 : i32
      %dma_start3A_185 = arith.constant 0 : i32
      %dma_start3A_186 = tpu.memref_slice %arg10[%run_scoped3A_44, %dma_start3A_184, %dma_start3A_185] : memref<4x80x128xf32, #tpu.memory_space<vmem>> -> memref<1x80x128xf32, #tpu.memory_space<vmem>>
      %dma_start3A_187 = tpu.memref_squeeze %dma_start3A_186 : memref<1x80x128xf32, #tpu.memory_space<vmem>> -> memref<80x128xf32, #tpu.memory_space<vmem>>
      tpu.enqueue_dma source(%dma_start3A_187 : memref<80x128xf32, #tpu.memory_space<vmem>>) target(%dma_start3A_183 : memref<80x128xf32, #tpu.memory_space<vmem_shared>>) target_semaphore(%run_scoped3A_175 : memref<!tpu.dma_semaphore, #tpu.memory_space<semaphore_mem>>)
      %dma_wait3A_188 = arith.constant 0 : i32
      %dma_wait3A_189 = arith.constant 0 : i32
      %dma_wait3A_190 = tpu.memref_slice %arg10[%run_scoped3A_44, %dma_wait3A_188, %dma_wait3A_189] : memref<4x80x128xf32, #tpu.memory_space<vmem>> -> memref<1x80x128xf32, #tpu.memory_space<vmem>>
      %dma_wait3A_191 = tpu.memref_squeeze %dma_wait3A_190 : memref<1x80x128xf32, #tpu.memory_space<vmem>> -> memref<80x128xf32, #tpu.memory_space<vmem>>
      %dma_wait3A_192 = arith.constant 0 : i32
      %dma_wait3A_193 = tpu.memref_slice %arg11[%add3A_43, %dma_wait3A_192] : memref<10240x128xf32, #tpu.memory_space<vmem_shared>> -> memref<80x128xf32, #tpu.memory_space<vmem_shared>>
      %dma_wait3A_194 = arith.constant 0 : i32
      %dma_wait3A_195 = tpu.memref_slice %arg11[%add3A_43, %dma_wait3A_194] : memref<10240x128xf32, #tpu.memory_space<vmem_shared>> -> memref<80x128xf32, #tpu.memory_space<vmem_shared>>
      %dma_wait3A_196 = arith.constant 0 : i32
      %dma_wait3A_197 = arith.constant 0 : i32
      %dma_wait3A_198 = tpu.memref_slice %arg10[%run_scoped3A_44, %dma_wait3A_196, %dma_wait3A_197] : memref<4x80x128xf32, #tpu.memory_space<vmem>> -> memref<1x80x128xf32, #tpu.memory_space<vmem>>
      %dma_wait3A_199 = tpu.memref_squeeze %dma_wait3A_198 : memref<1x80x128xf32, #tpu.memory_space<vmem>> -> memref<80x128xf32, #tpu.memory_space<vmem>>
      tpu.wait_dma2 semaphore(%run_scoped3A_175 : memref<!tpu.dma_semaphore, #tpu.memory_space<semaphore_mem>>) src(%dma_wait3A_199 : memref<80x128xf32, #tpu.memory_space<vmem>>) dst(%dma_wait3A_195 : memref<80x128xf32, #tpu.memory_space<vmem_shared>>)
      tpu.yield
    }) : () -> ()
    %mul3A_45 = arith.constant 640 : i32
    %mul3A_46 = arith.muli %arg1, %mul3A_45 : i32
    %add3A_47 = arith.constant 560 : i32
    %add3A_48 = arith.addi %mul3A_46, %add3A_47 : i32
    %run_scoped3A_49 = arith.constant 0 : i32
    "tpu.region"() ({
      %run_scoped3A_175 = tpu.sem_alloc : memref<!tpu.dma_semaphore, #tpu.memory_space<semaphore_mem>>
      %dma_start3A_176 = arith.constant 0 : i32
      %dma_start3A_177 = arith.constant 0 : i32
      %dma_start3A_178 = tpu.memref_slice %arg10[%run_scoped3A_49, %dma_start3A_176, %dma_start3A_177] : memref<4x80x128xf32, #tpu.memory_space<vmem>> -> memref<1x80x128xf32, #tpu.memory_space<vmem>>
      %dma_start3A_179 = tpu.memref_squeeze %dma_start3A_178 : memref<1x80x128xf32, #tpu.memory_space<vmem>> -> memref<80x128xf32, #tpu.memory_space<vmem>>
      %dma_start3A_180 = arith.constant 0 : i32
      %dma_start3A_181 = tpu.memref_slice %arg11[%add3A_48, %dma_start3A_180] : memref<10240x128xf32, #tpu.memory_space<vmem_shared>> -> memref<80x128xf32, #tpu.memory_space<vmem_shared>>
      %dma_start3A_182 = arith.constant 0 : i32
      %dma_start3A_183 = tpu.memref_slice %arg11[%add3A_48, %dma_start3A_182] : memref<10240x128xf32, #tpu.memory_space<vmem_shared>> -> memref<80x128xf32, #tpu.memory_space<vmem_shared>>
      %dma_start3A_184 = arith.constant 0 : i32
      %dma_start3A_185 = arith.constant 0 : i32
      %dma_start3A_186 = tpu.memref_slice %arg10[%run_scoped3A_49, %dma_start3A_184, %dma_start3A_185] : memref<4x80x128xf32, #tpu.memory_space<vmem>> -> memref<1x80x128xf32, #tpu.memory_space<vmem>>
      %dma_start3A_187 = tpu.memref_squeeze %dma_start3A_186 : memref<1x80x128xf32, #tpu.memory_space<vmem>> -> memref<80x128xf32, #tpu.memory_space<vmem>>
      tpu.enqueue_dma source(%dma_start3A_187 : memref<80x128xf32, #tpu.memory_space<vmem>>) target(%dma_start3A_183 : memref<80x128xf32, #tpu.memory_space<vmem_shared>>) target_semaphore(%run_scoped3A_175 : memref<!tpu.dma_semaphore, #tpu.memory_space<semaphore_mem>>)
      %dma_wait3A_188 = arith.constant 0 : i32
      %dma_wait3A_189 = arith.constant 0 : i32
      %dma_wait3A_190 = tpu.memref_slice %arg10[%run_scoped3A_49, %dma_wait3A_188, %dma_wait3A_189] : memref<4x80x128xf32, #tpu.memory_space<vmem>> -> memref<1x80x128xf32, #tpu.memory_space<vmem>>
      %dma_wait3A_191 = tpu.memref_squeeze %dma_wait3A_190 : memref<1x80x128xf32, #tpu.memory_space<vmem>> -> memref<80x128xf32, #tpu.memory_space<vmem>>
      %dma_wait3A_192 = arith.constant 0 : i32
      %dma_wait3A_193 = tpu.memref_slice %arg11[%add3A_48, %dma_wait3A_192] : memref<10240x128xf32, #tpu.memory_space<vmem_shared>> -> memref<80x128xf32, #tpu.memory_space<vmem_shared>>
      %dma_wait3A_194 = arith.constant 0 : i32
      %dma_wait3A_195 = tpu.memref_slice %arg11[%add3A_48, %dma_wait3A_194] : memref<10240x128xf32, #tpu.memory_space<vmem_shared>> -> memref<80x128xf32, #tpu.memory_space<vmem_shared>>
      %dma_wait3A_196 = arith.constant 0 : i32
      %dma_wait3A_197 = arith.constant 0 : i32
      %dma_wait3A_198 = tpu.memref_slice %arg10[%run_scoped3A_49, %dma_wait3A_196, %dma_wait3A_197] : memref<4x80x128xf32, #tpu.memory_space<vmem>> -> memref<1x80x128xf32, #tpu.memory_space<vmem>>
      %dma_wait3A_199 = tpu.memref_squeeze %dma_wait3A_198 : memref<1x80x128xf32, #tpu.memory_space<vmem>> -> memref<80x128xf32, #tpu.memory_space<vmem>>
      tpu.wait_dma2 semaphore(%run_scoped3A_175 : memref<!tpu.dma_semaphore, #tpu.memory_space<semaphore_mem>>) src(%dma_wait3A_199 : memref<80x128xf32, #tpu.memory_space<vmem>>) dst(%dma_wait3A_195 : memref<80x128xf32, #tpu.memory_space<vmem_shared>>)
      tpu.yield
    }) : () -> ()
    %barrier3A = arith.constant 0 : index
    tpu.barrier barrier_id(%barrier3A)
    %add3A_50 = arith.constant 0 : i32
    %add3A_51 = arith.addi %mul3A_2, %add3A_50 : i32
    %dma_start3A = arith.constant 0 : i32
    %dma_start3A_52 = arith.constant 0 : i32
    %dma_start3A_53 = arith.constant 0 : i32
    %dma_start3A_54 = tpu.memref_slice %arg10[%dma_start3A, %dma_start3A_52, %dma_start3A_53] : memref<4x80x128xf32, #tpu.memory_space<vmem>> -> memref<1x80x128xf32, #tpu.memory_space<vmem>>
    %dma_start3A_55 = tpu.memref_squeeze %dma_start3A_54 : memref<1x80x128xf32, #tpu.memory_space<vmem>> -> memref<80x128xf32, #tpu.memory_space<vmem>>
    %dma_start3A_56 = arith.constant 0 : i32
    %dma_start3A_57 = tpu.memref_slice %arg2[%add3A_51, %dma_start3A_56] : memref<87040x128xf32, #tpu.memory_space<hbm>> -> memref<80x128xf32, #tpu.memory_space<hbm>>
    %dma_start3A_58 = arith.constant 0 : i32
    %dma_start3A_59 = arith.constant 0 : i32
    %dma_start3A_60 = tpu.memref_slice %arg10[%dma_start3A, %dma_start3A_58, %dma_start3A_59] : memref<4x80x128xf32, #tpu.memory_space<vmem>> -> memref<1x80x128xf32, #tpu.memory_space<vmem>>
    %dma_start3A_61 = tpu.memref_squeeze %dma_start3A_60 : memref<1x80x128xf32, #tpu.memory_space<vmem>> -> memref<80x128xf32, #tpu.memory_space<vmem>>
    %dma_start3A_62 = arith.constant 0 : i32
    %dma_start3A_63 = tpu.memref_slice %arg2[%add3A_51, %dma_start3A_62] : memref<87040x128xf32, #tpu.memory_space<hbm>> -> memref<80x128xf32, #tpu.memory_space<hbm>>
    tpu.enqueue_dma source(%dma_start3A_63 : memref<80x128xf32, #tpu.memory_space<hbm>>) target(%dma_start3A_61 : memref<80x128xf32, #tpu.memory_space<vmem>>) target_semaphore(%arg12 : memref<!tpu.dma_semaphore, #tpu.memory_space<semaphore_mem>>)
    %add3A_64 = arith.constant 0 : i32
    %add3A_65 = arith.addi %add3A_4, %add3A_64 : i32
    %dma_start3A_66 = tpu.memref_slice %arg3[%add3A_65] : memref<320000xi32, #tpu.memory_space<hbm>> -> memref<80xi32, #tpu.memory_space<hbm>>
    %dma_start3A_67 = tpu.memref_slice %arg3[%add3A_65] : memref<320000xi32, #tpu.memory_space<hbm>> -> memref<80xi32, #tpu.memory_space<hbm>>
    tpu.enqueue_dma source(%dma_start3A_67 : memref<80xi32, #tpu.memory_space<hbm>>) target(%arg6 : memref<80xi32, #tpu.memory_space<vmem>>) target_semaphore(%arg16 : memref<!tpu.dma_semaphore, #tpu.memory_space<semaphore_mem>>)
    %add3A_68 = arith.constant 80 : i32
    %add3A_69 = arith.addi %mul3A_2, %add3A_68 : i32
    %dma_start3A_70 = arith.constant 1 : i32
    %dma_start3A_71 = arith.constant 0 : i32
    %dma_start3A_72 = arith.constant 0 : i32
    %dma_start3A_73 = tpu.memref_slice %arg10[%dma_start3A_70, %dma_start3A_71, %dma_start3A_72] : memref<4x80x128xf32, #tpu.memory_space<vmem>> -> memref<1x80x128xf32, #tpu.memory_space<vmem>>
    %dma_start3A_74 = tpu.memref_squeeze %dma_start3A_73 : memref<1x80x128xf32, #tpu.memory_space<vmem>> -> memref<80x128xf32, #tpu.memory_space<vmem>>
    %dma_start3A_75 = arith.constant 0 : i32
    %dma_start3A_76 = tpu.memref_slice %arg2[%add3A_69, %dma_start3A_75] : memref<87040x128xf32, #tpu.memory_space<hbm>> -> memref<80x128xf32, #tpu.memory_space<hbm>>
    %dma_start3A_77 = arith.constant 0 : i32
    %dma_start3A_78 = arith.constant 0 : i32
    %dma_start3A_79 = tpu.memref_slice %arg10[%dma_start3A_70, %dma_start3A_77, %dma_start3A_78] : memref<4x80x128xf32, #tpu.memory_space<vmem>> -> memref<1x80x128xf32, #tpu.memory_space<vmem>>
    %dma_start3A_80 = tpu.memref_squeeze %dma_start3A_79 : memref<1x80x128xf32, #tpu.memory_space<vmem>> -> memref<80x128xf32, #tpu.memory_space<vmem>>
    %dma_start3A_81 = arith.constant 0 : i32
    %dma_start3A_82 = tpu.memref_slice %arg2[%add3A_69, %dma_start3A_81] : memref<87040x128xf32, #tpu.memory_space<hbm>> -> memref<80x128xf32, #tpu.memory_space<hbm>>
    tpu.enqueue_dma source(%dma_start3A_82 : memref<80x128xf32, #tpu.memory_space<hbm>>) target(%dma_start3A_80 : memref<80x128xf32, #tpu.memory_space<vmem>>) target_semaphore(%arg13 : memref<!tpu.dma_semaphore, #tpu.memory_space<semaphore_mem>>)
    %add3A_83 = arith.constant 80 : i32
    %add3A_84 = arith.addi %add3A_4, %add3A_83 : i32
    %dma_start3A_85 = tpu.memref_slice %arg3[%add3A_84] : memref<320000xi32, #tpu.memory_space<hbm>> -> memref<80xi32, #tpu.memory_space<hbm>>
    %dma_start3A_86 = tpu.memref_slice %arg3[%add3A_84] : memref<320000xi32, #tpu.memory_space<hbm>> -> memref<80xi32, #tpu.memory_space<hbm>>
    tpu.enqueue_dma source(%dma_start3A_86 : memref<80xi32, #tpu.memory_space<hbm>>) target(%arg7 : memref<80xi32, #tpu.memory_space<vmem>>) target_semaphore(%arg17 : memref<!tpu.dma_semaphore, #tpu.memory_space<semaphore_mem>>)
    %add3A_87 = arith.constant 160 : i32
    %add3A_88 = arith.addi %mul3A_2, %add3A_87 : i32
    %dma_start3A_89 = arith.constant 2 : i32
    %dma_start3A_90 = arith.constant 0 : i32
    %dma_start3A_91 = arith.constant 0 : i32
    %dma_start3A_92 = tpu.memref_slice %arg10[%dma_start3A_89, %dma_start3A_90, %dma_start3A_91] : memref<4x80x128xf32, #tpu.memory_space<vmem>> -> memref<1x80x128xf32, #tpu.memory_space<vmem>>
    %dma_start3A_93 = tpu.memref_squeeze %dma_start3A_92 : memref<1x80x128xf32, #tpu.memory_space<vmem>> -> memref<80x128xf32, #tpu.memory_space<vmem>>
    %dma_start3A_94 = arith.constant 0 : i32
    %dma_start3A_95 = tpu.memref_slice %arg2[%add3A_88, %dma_start3A_94] : memref<87040x128xf32, #tpu.memory_space<hbm>> -> memref<80x128xf32, #tpu.memory_space<hbm>>
    %dma_start3A_96 = arith.constant 0 : i32
    %dma_start3A_97 = arith.constant 0 : i32
    %dma_start3A_98 = tpu.memref_slice %arg10[%dma_start3A_89, %dma_start3A_96, %dma_start3A_97] : memref<4x80x128xf32, #tpu.memory_space<vmem>> -> memref<1x80x128xf32, #tpu.memory_space<vmem>>
    %dma_start3A_99 = tpu.memref_squeeze %dma_start3A_98 : memref<1x80x128xf32, #tpu.memory_space<vmem>> -> memref<80x128xf32, #tpu.memory_space<vmem>>
    %dma_start3A_100 = arith.constant 0 : i32
    %dma_start3A_101 = tpu.memref_slice %arg2[%add3A_88, %dma_start3A_100] : memref<87040x128xf32, #tpu.memory_space<hbm>> -> memref<80x128xf32, #tpu.memory_space<hbm>>
    tpu.enqueue_dma source(%dma_start3A_101 : memref<80x128xf32, #tpu.memory_space<hbm>>) target(%dma_start3A_99 : memref<80x128xf32, #tpu.memory_space<vmem>>) target_semaphore(%arg14 : memref<!tpu.dma_semaphore, #tpu.memory_space<semaphore_mem>>)
    %add3A_102 = arith.constant 160 : i32
    %add3A_103 = arith.addi %add3A_4, %add3A_102 : i32
    %dma_start3A_104 = tpu.memref_slice %arg3[%add3A_103] : memref<320000xi32, #tpu.memory_space<hbm>> -> memref<80xi32, #tpu.memory_space<hbm>>
    %dma_start3A_105 = tpu.memref_slice %arg3[%add3A_103] : memref<320000xi32, #tpu.memory_space<hbm>> -> memref<80xi32, #tpu.memory_space<hbm>>
    tpu.enqueue_dma source(%dma_start3A_105 : memref<80xi32, #tpu.memory_space<hbm>>) target(%arg8 : memref<80xi32, #tpu.memory_space<vmem>>) target_semaphore(%arg18 : memref<!tpu.dma_semaphore, #tpu.memory_space<semaphore_mem>>)
    %add3A_106 = arith.constant 240 : i32
    %add3A_107 = arith.addi %mul3A_2, %add3A_106 : i32
    %dma_start3A_108 = arith.constant 3 : i32
    %dma_start3A_109 = arith.constant 0 : i32
    %dma_start3A_110 = arith.constant 0 : i32
    %dma_start3A_111 = tpu.memref_slice %arg10[%dma_start3A_108, %dma_start3A_109, %dma_start3A_110] : memref<4x80x128xf32, #tpu.memory_space<vmem>> -> memref<1x80x128xf32, #tpu.memory_space<vmem>>
    %dma_start3A_112 = tpu.memref_squeeze %dma_start3A_111 : memref<1x80x128xf32, #tpu.memory_space<vmem>> -> memref<80x128xf32, #tpu.memory_space<vmem>>
    %dma_start3A_113 = arith.constant 0 : i32
    %dma_start3A_114 = tpu.memref_slice %arg2[%add3A_107, %dma_start3A_113] : memref<87040x128xf32, #tpu.memory_space<hbm>> -> memref<80x128xf32, #tpu.memory_space<hbm>>
    %dma_start3A_115 = arith.constant 0 : i32
    %dma_start3A_116 = arith.constant 0 : i32
    %dma_start3A_117 = tpu.memref_slice %arg10[%dma_start3A_108, %dma_start3A_115, %dma_start3A_116] : memref<4x80x128xf32, #tpu.memory_space<vmem>> -> memref<1x80x128xf32, #tpu.memory_space<vmem>>
    %dma_start3A_118 = tpu.memref_squeeze %dma_start3A_117 : memref<1x80x128xf32, #tpu.memory_space<vmem>> -> memref<80x128xf32, #tpu.memory_space<vmem>>
    %dma_start3A_119 = arith.constant 0 : i32
    %dma_start3A_120 = tpu.memref_slice %arg2[%add3A_107, %dma_start3A_119] : memref<87040x128xf32, #tpu.memory_space<hbm>> -> memref<80x128xf32, #tpu.memory_space<hbm>>
    tpu.enqueue_dma source(%dma_start3A_120 : memref<80x128xf32, #tpu.memory_space<hbm>>) target(%dma_start3A_118 : memref<80x128xf32, #tpu.memory_space<vmem>>) target_semaphore(%arg15 : memref<!tpu.dma_semaphore, #tpu.memory_space<semaphore_mem>>)
    %add3A_121 = arith.constant 240 : i32
    %add3A_122 = arith.addi %add3A_4, %add3A_121 : i32
    %dma_start3A_123 = tpu.memref_slice %arg3[%add3A_122] : memref<320000xi32, #tpu.memory_space<hbm>> -> memref<80xi32, #tpu.memory_space<hbm>>
    %dma_start3A_124 = tpu.memref_slice %arg3[%add3A_122] : memref<320000xi32, #tpu.memory_space<hbm>> -> memref<80xi32, #tpu.memory_space<hbm>>
    tpu.enqueue_dma source(%dma_start3A_124 : memref<80xi32, #tpu.memory_space<hbm>>) target(%arg9 : memref<80xi32, #tpu.memory_space<vmem>>) target_semaphore(%arg19 : memref<!tpu.dma_semaphore, #tpu.memory_space<semaphore_mem>>)
    %scan3A_125 = arith.constant 0 : i32
    %scan3A_126 = arith.constant 0 : i32
    %scan3A_127 = arith.constant 8 : i32
    %scan3A_128 = arith.addi %scan3A_126, %scan3A_127 : i32
    %scan3A_129 = arith.constant 1 : i32
    scf.for %scan3A_175 = %scan3A_126 to %scan3A_128 step %scan3A_129  : i32 {
      %mul3A_176 = arith.constant 4 : i32
      %mul3A_177 = arith.muli %scan3A_175, %mul3A_176 : i32
      %add3A_178 = arith.constant 0 : i32
      %add3A_179 = arith.addi %mul3A_177, %add3A_178 : i32
      %mul3A_180 = arith.constant 80 : i32
      %mul3A_181 = arith.muli %add3A_179, %mul3A_180 : i32
      %add3A_182 = arith.addi %mul3A_2, %mul3A_181 : i32
      %dma_wait3A_183 = arith.constant 0 : i32
      %dma_wait3A_184 = arith.constant 0 : i32
      %dma_wait3A_185 = arith.constant 0 : i32
      %dma_wait3A_186 = tpu.memref_slice %arg10[%dma_wait3A_183, %dma_wait3A_184, %dma_wait3A_185] : memref<4x80x128xf32, #tpu.memory_space<vmem>> -> memref<1x80x128xf32, #tpu.memory_space<vmem>>
      %dma_wait3A_187 = tpu.memref_squeeze %dma_wait3A_186 : memref<1x80x128xf32, #tpu.memory_space<vmem>> -> memref<80x128xf32, #tpu.memory_space<vmem>>
      %dma_wait3A_188 = arith.constant 0 : i32
      %dma_wait3A_189 = tpu.memref_slice %arg2[%add3A_182, %dma_wait3A_188] : memref<87040x128xf32, #tpu.memory_space<hbm>> -> memref<80x128xf32, #tpu.memory_space<hbm>>
      %dma_wait3A_190 = arith.constant 0 : i32
      %dma_wait3A_191 = arith.constant 0 : i32
      %dma_wait3A_192 = tpu.memref_slice %arg10[%dma_wait3A_183, %dma_wait3A_190, %dma_wait3A_191] : memref<4x80x128xf32, #tpu.memory_space<vmem>> -> memref<1x80x128xf32, #tpu.memory_space<vmem>>
      %dma_wait3A_193 = tpu.memref_squeeze %dma_wait3A_192 : memref<1x80x128xf32, #tpu.memory_space<vmem>> -> memref<80x128xf32, #tpu.memory_space<vmem>>
      %dma_wait3A_194 = arith.constant 0 : i32
      %dma_wait3A_195 = tpu.memref_slice %arg2[%add3A_182, %dma_wait3A_194] : memref<87040x128xf32, #tpu.memory_space<hbm>> -> memref<80x128xf32, #tpu.memory_space<hbm>>
      tpu.wait_dma2 semaphore(%arg12 : memref<!tpu.dma_semaphore, #tpu.memory_space<semaphore_mem>>) src(%dma_wait3A_195 : memref<80x128xf32, #tpu.memory_space<hbm>>) dst(%dma_wait3A_193 : memref<80x128xf32, #tpu.memory_space<vmem>>)
      %mul3A_196 = arith.constant 80 : i32
      %mul3A_197 = arith.muli %add3A_179, %mul3A_196 : i32
      %add3A_198 = arith.addi %add3A_4, %mul3A_197 : i32
      %dma_wait3A_199 = tpu.memref_slice %arg3[%add3A_198] : memref<320000xi32, #tpu.memory_space<hbm>> -> memref<80xi32, #tpu.memory_space<hbm>>
      %dma_wait3A_200 = tpu.memref_slice %arg3[%add3A_198] : memref<320000xi32, #tpu.memory_space<hbm>> -> memref<80xi32, #tpu.memory_space<hbm>>
      tpu.wait_dma2 semaphore(%arg16 : memref<!tpu.dma_semaphore, #tpu.memory_space<semaphore_mem>>) src(%dma_wait3A_200 : memref<80xi32, #tpu.memory_space<hbm>>) dst(%arg6 : memref<80xi32, #tpu.memory_space<vmem>>)
      %run_scoped3A_201 = arith.constant 0 : i32
      "tpu.region"() ({
        %run_scoped3A_305 = tpu.sem_alloc : memref<!tpu.dma_semaphore, #tpu.memory_space<semaphore_mem>>
        %dma_start3A_306 = arith.constant 0 : i32
        %dma_start3A_307 = arith.constant 0 : i32
        %dma_start3A_308 = tpu.memref_slice %arg10[%run_scoped3A_201, %dma_start3A_306, %dma_start3A_307] : memref<4x80x128xf32, #tpu.memory_space<vmem>> -> memref<1x80x128xf32, #tpu.memory_space<vmem>>
        %dma_start3A_309 = tpu.memref_squeeze %dma_start3A_308 : memref<1x80x128xf32, #tpu.memory_space<vmem>> -> memref<80x128xf32, #tpu.memory_space<vmem>>
        %dma_start3A_310 = arith.constant 0 : i32
        %dma_start3A_311 = arith.constant 0 : i32
        %dma_start3A_312 = tpu.memref_slice %arg11[%dma_start3A_310, %dma_start3A_311] : memref<10240x128xf32, #tpu.memory_space<vmem_shared>> -> memref<10240x128xf32, #tpu.memory_space<vmem_shared>>
        tpu.enqueue_indirect_dma source(%dma_start3A_309 : memref<80x128xf32, #tpu.memory_space<vmem>>) target(%dma_start3A_312 : memref<10240x128xf32, #tpu.memory_space<vmem_shared>>) offsets(%arg6 : memref<80xi32, #tpu.memory_space<vmem>>) semaphore(%run_scoped3A_305 : memref<!tpu.dma_semaphore, #tpu.memory_space<semaphore_mem>>) {add = true}
        %dma_wait3A_313 = arith.constant 0 : i32
        %dma_wait3A_314 = arith.constant 0 : i32
        %dma_wait3A_315 = tpu.memref_slice %arg10[%run_scoped3A_201, %dma_wait3A_313, %dma_wait3A_314] : memref<4x80x128xf32, #tpu.memory_space<vmem>> -> memref<1x80x128xf32, #tpu.memory_space<vmem>>
        %dma_wait3A_316 = tpu.memref_squeeze %dma_wait3A_315 : memref<1x80x128xf32, #tpu.memory_space<vmem>> -> memref<80x128xf32, #tpu.memory_space<vmem>>
        %dma_wait3A_317 = arith.constant 0 : i32
        %dma_wait3A_318 = arith.constant 0 : i32
        %dma_wait3A_319 = tpu.memref_slice %arg11[%dma_wait3A_317, %dma_wait3A_318] : memref<10240x128xf32, #tpu.memory_space<vmem_shared>> -> memref<10240x128xf32, #tpu.memory_space<vmem_shared>>
        tpu.wait_indirect_dma semaphore(%run_scoped3A_305 : memref<!tpu.dma_semaphore, #tpu.memory_space<semaphore_mem>>) src(%dma_wait3A_316 : memref<80x128xf32, #tpu.memory_space<vmem>>) dst(%dma_wait3A_319 : memref<10240x128xf32, #tpu.memory_space<vmem_shared>>)
        tpu.yield
      }) : () -> ()
      %add3A_202 = arith.constant 4 : i32
      %add3A_203 = arith.addi %add3A_179, %add3A_202 : i32
      %lt3A = arith.constant 34 : i32
      %lt3A_204 = arith.cmpi slt, %add3A_203, %lt3A : i32
      %convert_element_type3A = arith.extui %lt3A_204 : i1 to i32
      %cond3A = arith.constant 0 : i32
      %cond3A_205 = arith.cmpi ne, %convert_element_type3A, %cond3A : i32
      scf.if %cond3A_205 {
        %add3A_305 = arith.constant 4 : i32
        %add3A_306 = arith.addi %add3A_179, %add3A_305 : i32
        %mul3A_307 = arith.constant 80 : i32
        %mul3A_308 = arith.muli %add3A_306, %mul3A_307 : i32
        %add3A_309 = arith.addi %mul3A_2, %mul3A_308 : i32
        %dma_start3A_310 = arith.constant 0 : i32
        %dma_start3A_311 = arith.constant 0 : i32
        %dma_start3A_312 = arith.constant 0 : i32
        %dma_start3A_313 = tpu.memref_slice %arg10[%dma_start3A_310, %dma_start3A_311, %dma_start3A_312] : memref<4x80x128xf32, #tpu.memory_space<vmem>> -> memref<1x80x128xf32, #tpu.memory_space<vmem>>
        %dma_start3A_314 = tpu.memref_squeeze %dma_start3A_313 : memref<1x80x128xf32, #tpu.memory_space<vmem>> -> memref<80x128xf32, #tpu.memory_space<vmem>>
        %dma_start3A_315 = arith.constant 0 : i32
        %dma_start3A_316 = tpu.memref_slice %arg2[%add3A_309, %dma_start3A_315] : memref<87040x128xf32, #tpu.memory_space<hbm>> -> memref<80x128xf32, #tpu.memory_space<hbm>>
        %dma_start3A_317 = arith.constant 0 : i32
        %dma_start3A_318 = arith.constant 0 : i32
        %dma_start3A_319 = tpu.memref_slice %arg10[%dma_start3A_310, %dma_start3A_317, %dma_start3A_318] : memref<4x80x128xf32, #tpu.memory_space<vmem>> -> memref<1x80x128xf32, #tpu.memory_space<vmem>>
        %dma_start3A_320 = tpu.memref_squeeze %dma_start3A_319 : memref<1x80x128xf32, #tpu.memory_space<vmem>> -> memref<80x128xf32, #tpu.memory_space<vmem>>
        %dma_start3A_321 = arith.constant 0 : i32
        %dma_start3A_322 = tpu.memref_slice %arg2[%add3A_309, %dma_start3A_321] : memref<87040x128xf32, #tpu.memory_space<hbm>> -> memref<80x128xf32, #tpu.memory_space<hbm>>
        tpu.enqueue_dma source(%dma_start3A_322 : memref<80x128xf32, #tpu.memory_space<hbm>>) target(%dma_start3A_320 : memref<80x128xf32, #tpu.memory_space<vmem>>) target_semaphore(%arg12 : memref<!tpu.dma_semaphore, #tpu.memory_space<semaphore_mem>>)
        %add3A_323 = arith.constant 4 : i32
        %add3A_324 = arith.addi %add3A_179, %add3A_323 : i32
        %mul3A_325 = arith.constant 80 : i32
        %mul3A_326 = arith.muli %add3A_324, %mul3A_325 : i32
        %add3A_327 = arith.addi %add3A_4, %mul3A_326 : i32
        %dma_start3A_328 = tpu.memref_slice %arg3[%add3A_327] : memref<320000xi32, #tpu.memory_space<hbm>> -> memref<80xi32, #tpu.memory_space<hbm>>
        %dma_start3A_329 = tpu.memref_slice %arg3[%add3A_327] : memref<320000xi32, #tpu.memory_space<hbm>> -> memref<80xi32, #tpu.memory_space<hbm>>
        tpu.enqueue_dma source(%dma_start3A_329 : memref<80xi32, #tpu.memory_space<hbm>>) target(%arg6 : memref<80xi32, #tpu.memory_space<vmem>>) target_semaphore(%arg16 : memref<!tpu.dma_semaphore, #tpu.memory_space<semaphore_mem>>)
      } else {
      }
      %mul3A_206 = arith.constant 4 : i32
      %mul3A_207 = arith.muli %scan3A_175, %mul3A_206 : i32
      %add3A_208 = arith.constant 1 : i32
      %add3A_209 = arith.addi %mul3A_207, %add3A_208 : i32
      %mul3A_210 = arith.constant 80 : i32
      %mul3A_211 = arith.muli %add3A_209, %mul3A_210 : i32
      %add3A_212 = arith.addi %mul3A_2, %mul3A_211 : i32
      %dma_wait3A_213 = arith.constant 1 : i32
      %dma_wait3A_214 = arith.constant 0 : i32
      %dma_wait3A_215 = arith.constant 0 : i32
      %dma_wait3A_216 = tpu.memref_slice %arg10[%dma_wait3A_213, %dma_wait3A_214, %dma_wait3A_215] : memref<4x80x128xf32, #tpu.memory_space<vmem>> -> memref<1x80x128xf32, #tpu.memory_space<vmem>>
      %dma_wait3A_217 = tpu.memref_squeeze %dma_wait3A_216 : memref<1x80x128xf32, #tpu.memory_space<vmem>> -> memref<80x128xf32, #tpu.memory_space<vmem>>
      %dma_wait3A_218 = arith.constant 0 : i32
      %dma_wait3A_219 = tpu.memref_slice %arg2[%add3A_212, %dma_wait3A_218] : memref<87040x128xf32, #tpu.memory_space<hbm>> -> memref<80x128xf32, #tpu.memory_space<hbm>>
      %dma_wait3A_220 = arith.constant 0 : i32
      %dma_wait3A_221 = arith.constant 0 : i32
      %dma_wait3A_222 = tpu.memref_slice %arg10[%dma_wait3A_213, %dma_wait3A_220, %dma_wait3A_221] : memref<4x80x128xf32, #tpu.memory_space<vmem>> -> memref<1x80x128xf32, #tpu.memory_space<vmem>>
      %dma_wait3A_223 = tpu.memref_squeeze %dma_wait3A_222 : memref<1x80x128xf32, #tpu.memory_space<vmem>> -> memref<80x128xf32, #tpu.memory_space<vmem>>
      %dma_wait3A_224 = arith.constant 0 : i32
      %dma_wait3A_225 = tpu.memref_slice %arg2[%add3A_212, %dma_wait3A_224] : memref<87040x128xf32, #tpu.memory_space<hbm>> -> memref<80x128xf32, #tpu.memory_space<hbm>>
      tpu.wait_dma2 semaphore(%arg13 : memref<!tpu.dma_semaphore, #tpu.memory_space<semaphore_mem>>) src(%dma_wait3A_225 : memref<80x128xf32, #tpu.memory_space<hbm>>) dst(%dma_wait3A_223 : memref<80x128xf32, #tpu.memory_space<vmem>>)
      %mul3A_226 = arith.constant 80 : i32
      %mul3A_227 = arith.muli %add3A_209, %mul3A_226 : i32
      %add3A_228 = arith.addi %add3A_4, %mul3A_227 : i32
      %dma_wait3A_229 = tpu.memref_slice %arg3[%add3A_228] : memref<320000xi32, #tpu.memory_space<hbm>> -> memref<80xi32, #tpu.memory_space<hbm>>
      %dma_wait3A_230 = tpu.memref_slice %arg3[%add3A_228] : memref<320000xi32, #tpu.memory_space<hbm>> -> memref<80xi32, #tpu.memory_space<hbm>>
      tpu.wait_dma2 semaphore(%arg17 : memref<!tpu.dma_semaphore, #tpu.memory_space<semaphore_mem>>) src(%dma_wait3A_230 : memref<80xi32, #tpu.memory_space<hbm>>) dst(%arg7 : memref<80xi32, #tpu.memory_space<vmem>>)
      %run_scoped3A_231 = arith.constant 1 : i32
      "tpu.region"() ({
        %run_scoped3A_305 = tpu.sem_alloc : memref<!tpu.dma_semaphore, #tpu.memory_space<semaphore_mem>>
        %dma_start3A_306 = arith.constant 0 : i32
        %dma_start3A_307 = arith.constant 0 : i32
        %dma_start3A_308 = tpu.memref_slice %arg10[%run_scoped3A_231, %dma_start3A_306, %dma_start3A_307] : memref<4x80x128xf32, #tpu.memory_space<vmem>> -> memref<1x80x128xf32, #tpu.memory_space<vmem>>
        %dma_start3A_309 = tpu.memref_squeeze %dma_start3A_308 : memref<1x80x128xf32, #tpu.memory_space<vmem>> -> memref<80x128xf32, #tpu.memory_space<vmem>>
        %dma_start3A_310 = arith.constant 0 : i32
        %dma_start3A_311 = arith.constant 0 : i32
        %dma_start3A_312 = tpu.memref_slice %arg11[%dma_start3A_310, %dma_start3A_311] : memref<10240x128xf32, #tpu.memory_space<vmem_shared>> -> memref<10240x128xf32, #tpu.memory_space<vmem_shared>>
        tpu.enqueue_indirect_dma source(%dma_start3A_309 : memref<80x128xf32, #tpu.memory_space<vmem>>) target(%dma_start3A_312 : memref<10240x128xf32, #tpu.memory_space<vmem_shared>>) offsets(%arg7 : memref<80xi32, #tpu.memory_space<vmem>>) semaphore(%run_scoped3A_305 : memref<!tpu.dma_semaphore, #tpu.memory_space<semaphore_mem>>) {add = true}
        %dma_wait3A_313 = arith.constant 0 : i32
        %dma_wait3A_314 = arith.constant 0 : i32
        %dma_wait3A_315 = tpu.memref_slice %arg10[%run_scoped3A_231, %dma_wait3A_313, %dma_wait3A_314] : memref<4x80x128xf32, #tpu.memory_space<vmem>> -> memref<1x80x128xf32, #tpu.memory_space<vmem>>
        %dma_wait3A_316 = tpu.memref_squeeze %dma_wait3A_315 : memref<1x80x128xf32, #tpu.memory_space<vmem>> -> memref<80x128xf32, #tpu.memory_space<vmem>>
        %dma_wait3A_317 = arith.constant 0 : i32
        %dma_wait3A_318 = arith.constant 0 : i32
        %dma_wait3A_319 = tpu.memref_slice %arg11[%dma_wait3A_317, %dma_wait3A_318] : memref<10240x128xf32, #tpu.memory_space<vmem_shared>> -> memref<10240x128xf32, #tpu.memory_space<vmem_shared>>
        tpu.wait_indirect_dma semaphore(%run_scoped3A_305 : memref<!tpu.dma_semaphore, #tpu.memory_space<semaphore_mem>>) src(%dma_wait3A_316 : memref<80x128xf32, #tpu.memory_space<vmem>>) dst(%dma_wait3A_319 : memref<10240x128xf32, #tpu.memory_space<vmem_shared>>)
        tpu.yield
      }) : () -> ()
      %add3A_232 = arith.constant 4 : i32
      %add3A_233 = arith.addi %add3A_209, %add3A_232 : i32
      %lt3A_234 = arith.constant 34 : i32
      %lt3A_235 = arith.cmpi slt, %add3A_233, %lt3A_234 : i32
      %convert_element_type3A_236 = arith.extui %lt3A_235 : i1 to i32
      %cond3A_237 = arith.constant 0 : i32
      %cond3A_238 = arith.cmpi ne, %convert_element_type3A_236, %cond3A_237 : i32
      scf.if %cond3A_238 {
        %add3A_305 = arith.constant 4 : i32
        %add3A_306 = arith.addi %add3A_209, %add3A_305 : i32
        %mul3A_307 = arith.constant 80 : i32
        %mul3A_308 = arith.muli %add3A_306, %mul3A_307 : i32
        %add3A_309 = arith.addi %mul3A_2, %mul3A_308 : i32
        %dma_start3A_310 = arith.constant 1 : i32
        %dma_start3A_311 = arith.constant 0 : i32
        %dma_start3A_312 = arith.constant 0 : i32
        %dma_start3A_313 = tpu.memref_slice %arg10[%dma_start3A_310, %dma_start3A_311, %dma_start3A_312] : memref<4x80x128xf32, #tpu.memory_space<vmem>> -> memref<1x80x128xf32, #tpu.memory_space<vmem>>
        %dma_start3A_314 = tpu.memref_squeeze %dma_start3A_313 : memref<1x80x128xf32, #tpu.memory_space<vmem>> -> memref<80x128xf32, #tpu.memory_space<vmem>>
        %dma_start3A_315 = arith.constant 0 : i32
        %dma_start3A_316 = tpu.memref_slice %arg2[%add3A_309, %dma_start3A_315] : memref<87040x128xf32, #tpu.memory_space<hbm>> -> memref<80x128xf32, #tpu.memory_space<hbm>>
        %dma_start3A_317 = arith.constant 0 : i32
        %dma_start3A_318 = arith.constant 0 : i32
        %dma_start3A_319 = tpu.memref_slice %arg10[%dma_start3A_310, %dma_start3A_317, %dma_start3A_318] : memref<4x80x128xf32, #tpu.memory_space<vmem>> -> memref<1x80x128xf32, #tpu.memory_space<vmem>>
        %dma_start3A_320 = tpu.memref_squeeze %dma_start3A_319 : memref<1x80x128xf32, #tpu.memory_space<vmem>> -> memref<80x128xf32, #tpu.memory_space<vmem>>
        %dma_start3A_321 = arith.constant 0 : i32
        %dma_start3A_322 = tpu.memref_slice %arg2[%add3A_309, %dma_start3A_321] : memref<87040x128xf32, #tpu.memory_space<hbm>> -> memref<80x128xf32, #tpu.memory_space<hbm>>
        tpu.enqueue_dma source(%dma_start3A_322 : memref<80x128xf32, #tpu.memory_space<hbm>>) target(%dma_start3A_320 : memref<80x128xf32, #tpu.memory_space<vmem>>) target_semaphore(%arg13 : memref<!tpu.dma_semaphore, #tpu.memory_space<semaphore_mem>>)
        %add3A_323 = arith.constant 4 : i32
        %add3A_324 = arith.addi %add3A_209, %add3A_323 : i32
        %mul3A_325 = arith.constant 80 : i32
        %mul3A_326 = arith.muli %add3A_324, %mul3A_325 : i32
        %add3A_327 = arith.addi %add3A_4, %mul3A_326 : i32
        %dma_start3A_328 = tpu.memref_slice %arg3[%add3A_327] : memref<320000xi32, #tpu.memory_space<hbm>> -> memref<80xi32, #tpu.memory_space<hbm>>
        %dma_start3A_329 = tpu.memref_slice %arg3[%add3A_327] : memref<320000xi32, #tpu.memory_space<hbm>> -> memref<80xi32, #tpu.memory_space<hbm>>
        tpu.enqueue_dma source(%dma_start3A_329 : memref<80xi32, #tpu.memory_space<hbm>>) target(%arg7 : memref<80xi32, #tpu.memory_space<vmem>>) target_semaphore(%arg17 : memref<!tpu.dma_semaphore, #tpu.memory_space<semaphore_mem>>)
      } else {
      }
      %mul3A_239 = arith.constant 4 : i32
      %mul3A_240 = arith.muli %scan3A_175, %mul3A_239 : i32
      %add3A_241 = arith.constant 2 : i32
      %add3A_242 = arith.addi %mul3A_240, %add3A_241 : i32
      %mul3A_243 = arith.constant 80 : i32
      %mul3A_244 = arith.muli %add3A_242, %mul3A_243 : i32
      %add3A_245 = arith.addi %mul3A_2, %mul3A_244 : i32
      %dma_wait3A_246 = arith.constant 2 : i32
      %dma_wait3A_247 = arith.constant 0 : i32
      %dma_wait3A_248 = arith.constant 0 : i32
      %dma_wait3A_249 = tpu.memref_slice %arg10[%dma_wait3A_246, %dma_wait3A_247, %dma_wait3A_248] : memref<4x80x128xf32, #tpu.memory_space<vmem>> -> memref<1x80x128xf32, #tpu.memory_space<vmem>>
      %dma_wait3A_250 = tpu.memref_squeeze %dma_wait3A_249 : memref<1x80x128xf32, #tpu.memory_space<vmem>> -> memref<80x128xf32, #tpu.memory_space<vmem>>
      %dma_wait3A_251 = arith.constant 0 : i32
      %dma_wait3A_252 = tpu.memref_slice %arg2[%add3A_245, %dma_wait3A_251] : memref<87040x128xf32, #tpu.memory_space<hbm>> -> memref<80x128xf32, #tpu.memory_space<hbm>>
      %dma_wait3A_253 = arith.constant 0 : i32
      %dma_wait3A_254 = arith.constant 0 : i32
      %dma_wait3A_255 = tpu.memref_slice %arg10[%dma_wait3A_246, %dma_wait3A_253, %dma_wait3A_254] : memref<4x80x128xf32, #tpu.memory_space<vmem>> -> memref<1x80x128xf32, #tpu.memory_space<vmem>>
      %dma_wait3A_256 = tpu.memref_squeeze %dma_wait3A_255 : memref<1x80x128xf32, #tpu.memory_space<vmem>> -> memref<80x128xf32, #tpu.memory_space<vmem>>
      %dma_wait3A_257 = arith.constant 0 : i32
      %dma_wait3A_258 = tpu.memref_slice %arg2[%add3A_245, %dma_wait3A_257] : memref<87040x128xf32, #tpu.memory_space<hbm>> -> memref<80x128xf32, #tpu.memory_space<hbm>>
      tpu.wait_dma2 semaphore(%arg14 : memref<!tpu.dma_semaphore, #tpu.memory_space<semaphore_mem>>) src(%dma_wait3A_258 : memref<80x128xf32, #tpu.memory_space<hbm>>) dst(%dma_wait3A_256 : memref<80x128xf32, #tpu.memory_space<vmem>>)
      %mul3A_259 = arith.constant 80 : i32
      %mul3A_260 = arith.muli %add3A_242, %mul3A_259 : i32
      %add3A_261 = arith.addi %add3A_4, %mul3A_260 : i32
      %dma_wait3A_262 = tpu.memref_slice %arg3[%add3A_261] : memref<320000xi32, #tpu.memory_space<hbm>> -> memref<80xi32, #tpu.memory_space<hbm>>
      %dma_wait3A_263 = tpu.memref_slice %arg3[%add3A_261] : memref<320000xi32, #tpu.memory_space<hbm>> -> memref<80xi32, #tpu.memory_space<hbm>>
      tpu.wait_dma2 semaphore(%arg18 : memref<!tpu.dma_semaphore, #tpu.memory_space<semaphore_mem>>) src(%dma_wait3A_263 : memref<80xi32, #tpu.memory_space<hbm>>) dst(%arg8 : memref<80xi32, #tpu.memory_space<vmem>>)
      %run_scoped3A_264 = arith.constant 2 : i32
      "tpu.region"() ({
        %run_scoped3A_305 = tpu.sem_alloc : memref<!tpu.dma_semaphore, #tpu.memory_space<semaphore_mem>>
        %dma_start3A_306 = arith.constant 0 : i32
        %dma_start3A_307 = arith.constant 0 : i32
        %dma_start3A_308 = tpu.memref_slice %arg10[%run_scoped3A_264, %dma_start3A_306, %dma_start3A_307] : memref<4x80x128xf32, #tpu.memory_space<vmem>> -> memref<1x80x128xf32, #tpu.memory_space<vmem>>
        %dma_start3A_309 = tpu.memref_squeeze %dma_start3A_308 : memref<1x80x128xf32, #tpu.memory_space<vmem>> -> memref<80x128xf32, #tpu.memory_space<vmem>>
        %dma_start3A_310 = arith.constant 0 : i32
        %dma_start3A_311 = arith.constant 0 : i32
        %dma_start3A_312 = tpu.memref_slice %arg11[%dma_start3A_310, %dma_start3A_311] : memref<10240x128xf32, #tpu.memory_space<vmem_shared>> -> memref<10240x128xf32, #tpu.memory_space<vmem_shared>>
        tpu.enqueue_indirect_dma source(%dma_start3A_309 : memref<80x128xf32, #tpu.memory_space<vmem>>) target(%dma_start3A_312 : memref<10240x128xf32, #tpu.memory_space<vmem_shared>>) offsets(%arg8 : memref<80xi32, #tpu.memory_space<vmem>>) semaphore(%run_scoped3A_305 : memref<!tpu.dma_semaphore, #tpu.memory_space<semaphore_mem>>) {add = true}
        %dma_wait3A_313 = arith.constant 0 : i32
        %dma_wait3A_314 = arith.constant 0 : i32
        %dma_wait3A_315 = tpu.memref_slice %arg10[%run_scoped3A_264, %dma_wait3A_313, %dma_wait3A_314] : memref<4x80x128xf32, #tpu.memory_space<vmem>> -> memref<1x80x128xf32, #tpu.memory_space<vmem>>
        %dma_wait3A_316 = tpu.memref_squeeze %dma_wait3A_315 : memref<1x80x128xf32, #tpu.memory_space<vmem>> -> memref<80x128xf32, #tpu.memory_space<vmem>>
        %dma_wait3A_317 = arith.constant 0 : i32
        %dma_wait3A_318 = arith.constant 0 : i32
        %dma_wait3A_319 = tpu.memref_slice %arg11[%dma_wait3A_317, %dma_wait3A_318] : memref<10240x128xf32, #tpu.memory_space<vmem_shared>> -> memref<10240x128xf32, #tpu.memory_space<vmem_shared>>
        tpu.wait_indirect_dma semaphore(%run_scoped3A_305 : memref<!tpu.dma_semaphore, #tpu.memory_space<semaphore_mem>>) src(%dma_wait3A_316 : memref<80x128xf32, #tpu.memory_space<vmem>>) dst(%dma_wait3A_319 : memref<10240x128xf32, #tpu.memory_space<vmem_shared>>)
        tpu.yield
      }) : () -> ()
      %add3A_265 = arith.constant 4 : i32
      %add3A_266 = arith.addi %add3A_242, %add3A_265 : i32
      %lt3A_267 = arith.constant 34 : i32
      %lt3A_268 = arith.cmpi slt, %add3A_266, %lt3A_267 : i32
      %convert_element_type3A_269 = arith.extui %lt3A_268 : i1 to i32
      %cond3A_270 = arith.constant 0 : i32
      %cond3A_271 = arith.cmpi ne, %convert_element_type3A_269, %cond3A_270 : i32
      scf.if %cond3A_271 {
        %add3A_305 = arith.constant 4 : i32
        %add3A_306 = arith.addi %add3A_242, %add3A_305 : i32
        %mul3A_307 = arith.constant 80 : i32
        %mul3A_308 = arith.muli %add3A_306, %mul3A_307 : i32
        %add3A_309 = arith.addi %mul3A_2, %mul3A_308 : i32
        %dma_start3A_310 = arith.constant 2 : i32
        %dma_start3A_311 = arith.constant 0 : i32
        %dma_start3A_312 = arith.constant 0 : i32
        %dma_start3A_313 = tpu.memref_slice %arg10[%dma_start3A_310, %dma_start3A_311, %dma_start3A_312] : memref<4x80x128xf32, #tpu.memory_space<vmem>> -> memref<1x80x128xf32, #tpu.memory_space<vmem>>
        %dma_start3A_314 = tpu.memref_squeeze %dma_start3A_313 : memref<1x80x128xf32, #tpu.memory_space<vmem>> -> memref<80x128xf32, #tpu.memory_space<vmem>>
        %dma_start3A_315 = arith.constant 0 : i32
        %dma_start3A_316 = tpu.memref_slice %arg2[%add3A_309, %dma_start3A_315] : memref<87040x128xf32, #tpu.memory_space<hbm>> -> memref<80x128xf32, #tpu.memory_space<hbm>>
        %dma_start3A_317 = arith.constant 0 : i32
        %dma_start3A_318 = arith.constant 0 : i32
        %dma_start3A_319 = tpu.memref_slice %arg10[%dma_start3A_310, %dma_start3A_317, %dma_start3A_318] : memref<4x80x128xf32, #tpu.memory_space<vmem>> -> memref<1x80x128xf32, #tpu.memory_space<vmem>>
        %dma_start3A_320 = tpu.memref_squeeze %dma_start3A_319 : memref<1x80x128xf32, #tpu.memory_space<vmem>> -> memref<80x128xf32, #tpu.memory_space<vmem>>
        %dma_start3A_321 = arith.constant 0 : i32
        %dma_start3A_322 = tpu.memref_slice %arg2[%add3A_309, %dma_start3A_321] : memref<87040x128xf32, #tpu.memory_space<hbm>> -> memref<80x128xf32, #tpu.memory_space<hbm>>
        tpu.enqueue_dma source(%dma_start3A_322 : memref<80x128xf32, #tpu.memory_space<hbm>>) target(%dma_start3A_320 : memref<80x128xf32, #tpu.memory_space<vmem>>) target_semaphore(%arg14 : memref<!tpu.dma_semaphore, #tpu.memory_space<semaphore_mem>>)
        %add3A_323 = arith.constant 4 : i32
        %add3A_324 = arith.addi %add3A_242, %add3A_323 : i32
        %mul3A_325 = arith.constant 80 : i32
        %mul3A_326 = arith.muli %add3A_324, %mul3A_325 : i32
        %add3A_327 = arith.addi %add3A_4, %mul3A_326 : i32
        %dma_start3A_328 = tpu.memref_slice %arg3[%add3A_327] : memref<320000xi32, #tpu.memory_space<hbm>> -> memref<80xi32, #tpu.memory_space<hbm>>
        %dma_start3A_329 = tpu.memref_slice %arg3[%add3A_327] : memref<320000xi32, #tpu.memory_space<hbm>> -> memref<80xi32, #tpu.memory_space<hbm>>
        tpu.enqueue_dma source(%dma_start3A_329 : memref<80xi32, #tpu.memory_space<hbm>>) target(%arg8 : memref<80xi32, #tpu.memory_space<vmem>>) target_semaphore(%arg18 : memref<!tpu.dma_semaphore, #tpu.memory_space<semaphore_mem>>)
      } else {
      }
      %mul3A_272 = arith.constant 4 : i32
      %mul3A_273 = arith.muli %scan3A_175, %mul3A_272 : i32
      %add3A_274 = arith.constant 3 : i32
      %add3A_275 = arith.addi %mul3A_273, %add3A_274 : i32
      %mul3A_276 = arith.constant 80 : i32
      %mul3A_277 = arith.muli %add3A_275, %mul3A_276 : i32
      %add3A_278 = arith.addi %mul3A_2, %mul3A_277 : i32
      %dma_wait3A_279 = arith.constant 3 : i32
      %dma_wait3A_280 = arith.constant 0 : i32
      %dma_wait3A_281 = arith.constant 0 : i32
      %dma_wait3A_282 = tpu.memref_slice %arg10[%dma_wait3A_279, %dma_wait3A_280, %dma_wait3A_281] : memref<4x80x128xf32, #tpu.memory_space<vmem>> -> memref<1x80x128xf32, #tpu.memory_space<vmem>>
      %dma_wait3A_283 = tpu.memref_squeeze %dma_wait3A_282 : memref<1x80x128xf32, #tpu.memory_space<vmem>> -> memref<80x128xf32, #tpu.memory_space<vmem>>
      %dma_wait3A_284 = arith.constant 0 : i32
      %dma_wait3A_285 = tpu.memref_slice %arg2[%add3A_278, %dma_wait3A_284] : memref<87040x128xf32, #tpu.memory_space<hbm>> -> memref<80x128xf32, #tpu.memory_space<hbm>>
      %dma_wait3A_286 = arith.constant 0 : i32
      %dma_wait3A_287 = arith.constant 0 : i32
      %dma_wait3A_288 = tpu.memref_slice %arg10[%dma_wait3A_279, %dma_wait3A_286, %dma_wait3A_287] : memref<4x80x128xf32, #tpu.memory_space<vmem>> -> memref<1x80x128xf32, #tpu.memory_space<vmem>>
      %dma_wait3A_289 = tpu.memref_squeeze %dma_wait3A_288 : memref<1x80x128xf32, #tpu.memory_space<vmem>> -> memref<80x128xf32, #tpu.memory_space<vmem>>
      %dma_wait3A_290 = arith.constant 0 : i32
      %dma_wait3A_291 = tpu.memref_slice %arg2[%add3A_278, %dma_wait3A_290] : memref<87040x128xf32, #tpu.memory_space<hbm>> -> memref<80x128xf32, #tpu.memory_space<hbm>>
      tpu.wait_dma2 semaphore(%arg15 : memref<!tpu.dma_semaphore, #tpu.memory_space<semaphore_mem>>) src(%dma_wait3A_291 : memref<80x128xf32, #tpu.memory_space<hbm>>) dst(%dma_wait3A_289 : memref<80x128xf32, #tpu.memory_space<vmem>>)
      %mul3A_292 = arith.constant 80 : i32
      %mul3A_293 = arith.muli %add3A_275, %mul3A_292 : i32
      %add3A_294 = arith.addi %add3A_4, %mul3A_293 : i32
      %dma_wait3A_295 = tpu.memref_slice %arg3[%add3A_294] : memref<320000xi32, #tpu.memory_space<hbm>> -> memref<80xi32, #tpu.memory_space<hbm>>
      %dma_wait3A_296 = tpu.memref_slice %arg3[%add3A_294] : memref<320000xi32, #tpu.memory_space<hbm>> -> memref<80xi32, #tpu.memory_space<hbm>>
      tpu.wait_dma2 semaphore(%arg19 : memref<!tpu.dma_semaphore, #tpu.memory_space<semaphore_mem>>) src(%dma_wait3A_296 : memref<80xi32, #tpu.memory_space<hbm>>) dst(%arg9 : memref<80xi32, #tpu.memory_space<vmem>>)
      %run_scoped3A_297 = arith.constant 3 : i32
      "tpu.region"() ({
        %run_scoped3A_305 = tpu.sem_alloc : memref<!tpu.dma_semaphore, #tpu.memory_space<semaphore_mem>>
        %dma_start3A_306 = arith.constant 0 : i32
        %dma_start3A_307 = arith.constant 0 : i32
        %dma_start3A_308 = tpu.memref_slice %arg10[%run_scoped3A_297, %dma_start3A_306, %dma_start3A_307] : memref<4x80x128xf32, #tpu.memory_space<vmem>> -> memref<1x80x128xf32, #tpu.memory_space<vmem>>
        %dma_start3A_309 = tpu.memref_squeeze %dma_start3A_308 : memref<1x80x128xf32, #tpu.memory_space<vmem>> -> memref<80x128xf32, #tpu.memory_space<vmem>>
        %dma_start3A_310 = arith.constant 0 : i32
        %dma_start3A_311 = arith.constant 0 : i32
        %dma_start3A_312 = tpu.memref_slice %arg11[%dma_start3A_310, %dma_start3A_311] : memref<10240x128xf32, #tpu.memory_space<vmem_shared>> -> memref<10240x128xf32, #tpu.memory_space<vmem_shared>>
        tpu.enqueue_indirect_dma source(%dma_start3A_309 : memref<80x128xf32, #tpu.memory_space<vmem>>) target(%dma_start3A_312 : memref<10240x128xf32, #tpu.memory_space<vmem_shared>>) offsets(%arg9 : memref<80xi32, #tpu.memory_space<vmem>>) semaphore(%run_scoped3A_305 : memref<!tpu.dma_semaphore, #tpu.memory_space<semaphore_mem>>) {add = true}
        %dma_wait3A_313 = arith.constant 0 : i32
        %dma_wait3A_314 = arith.constant 0 : i32
        %dma_wait3A_315 = tpu.memref_slice %arg10[%run_scoped3A_297, %dma_wait3A_313, %dma_wait3A_314] : memref<4x80x128xf32, #tpu.memory_space<vmem>> -> memref<1x80x128xf32, #tpu.memory_space<vmem>>
        %dma_wait3A_316 = tpu.memref_squeeze %dma_wait3A_315 : memref<1x80x128xf32, #tpu.memory_space<vmem>> -> memref<80x128xf32, #tpu.memory_space<vmem>>
        %dma_wait3A_317 = arith.constant 0 : i32
        %dma_wait3A_318 = arith.constant 0 : i32
        %dma_wait3A_319 = tpu.memref_slice %arg11[%dma_wait3A_317, %dma_wait3A_318] : memref<10240x128xf32, #tpu.memory_space<vmem_shared>> -> memref<10240x128xf32, #tpu.memory_space<vmem_shared>>
        tpu.wait_indirect_dma semaphore(%run_scoped3A_305 : memref<!tpu.dma_semaphore, #tpu.memory_space<semaphore_mem>>) src(%dma_wait3A_316 : memref<80x128xf32, #tpu.memory_space<vmem>>) dst(%dma_wait3A_319 : memref<10240x128xf32, #tpu.memory_space<vmem_shared>>)
        tpu.yield
      }) : () -> ()
      %add3A_298 = arith.constant 4 : i32
      %add3A_299 = arith.addi %add3A_275, %add3A_298 : i32
      %lt3A_300 = arith.constant 34 : i32
      %lt3A_301 = arith.cmpi slt, %add3A_299, %lt3A_300 : i32
      %convert_element_type3A_302 = arith.extui %lt3A_301 : i1 to i32
      %cond3A_303 = arith.constant 0 : i32
      %cond3A_304 = arith.cmpi ne, %convert_element_type3A_302, %cond3A_303 : i32
      scf.if %cond3A_304 {
        %add3A_305 = arith.constant 4 : i32
        %add3A_306 = arith.addi %add3A_275, %add3A_305 : i32
        %mul3A_307 = arith.constant 80 : i32
        %mul3A_308 = arith.muli %add3A_306, %mul3A_307 : i32
        %add3A_309 = arith.addi %mul3A_2, %mul3A_308 : i32
        %dma_start3A_310 = arith.constant 3 : i32
        %dma_start3A_311 = arith.constant 0 : i32
        %dma_start3A_312 = arith.constant 0 : i32
        %dma_start3A_313 = tpu.memref_slice %arg10[%dma_start3A_310, %dma_start3A_311, %dma_start3A_312] : memref<4x80x128xf32, #tpu.memory_space<vmem>> -> memref<1x80x128xf32, #tpu.memory_space<vmem>>
        %dma_start3A_314 = tpu.memref_squeeze %dma_start3A_313 : memref<1x80x128xf32, #tpu.memory_space<vmem>> -> memref<80x128xf32, #tpu.memory_space<vmem>>
        %dma_start3A_315 = arith.constant 0 : i32
        %dma_start3A_316 = tpu.memref_slice %arg2[%add3A_309, %dma_start3A_315] : memref<87040x128xf32, #tpu.memory_space<hbm>> -> memref<80x128xf32, #tpu.memory_space<hbm>>
        %dma_start3A_317 = arith.constant 0 : i32
        %dma_start3A_318 = arith.constant 0 : i32
        %dma_start3A_319 = tpu.memref_slice %arg10[%dma_start3A_310, %dma_start3A_317, %dma_start3A_318] : memref<4x80x128xf32, #tpu.memory_space<vmem>> -> memref<1x80x128xf32, #tpu.memory_space<vmem>>
        %dma_start3A_320 = tpu.memref_squeeze %dma_start3A_319 : memref<1x80x128xf32, #tpu.memory_space<vmem>> -> memref<80x128xf32, #tpu.memory_space<vmem>>
        %dma_start3A_321 = arith.constant 0 : i32
        %dma_start3A_322 = tpu.memref_slice %arg2[%add3A_309, %dma_start3A_321] : memref<87040x128xf32, #tpu.memory_space<hbm>> -> memref<80x128xf32, #tpu.memory_space<hbm>>
        tpu.enqueue_dma source(%dma_start3A_322 : memref<80x128xf32, #tpu.memory_space<hbm>>) target(%dma_start3A_320 : memref<80x128xf32, #tpu.memory_space<vmem>>) target_semaphore(%arg15 : memref<!tpu.dma_semaphore, #tpu.memory_space<semaphore_mem>>)
        %add3A_323 = arith.constant 4 : i32
        %add3A_324 = arith.addi %add3A_275, %add3A_323 : i32
        %mul3A_325 = arith.constant 80 : i32
        %mul3A_326 = arith.muli %add3A_324, %mul3A_325 : i32
        %add3A_327 = arith.addi %add3A_4, %mul3A_326 : i32
        %dma_start3A_328 = tpu.memref_slice %arg3[%add3A_327] : memref<320000xi32, #tpu.memory_space<hbm>> -> memref<80xi32, #tpu.memory_space<hbm>>
        %dma_start3A_329 = tpu.memref_slice %arg3[%add3A_327] : memref<320000xi32, #tpu.memory_space<hbm>> -> memref<80xi32, #tpu.memory_space<hbm>>
        tpu.enqueue_dma source(%dma_start3A_329 : memref<80xi32, #tpu.memory_space<hbm>>) target(%arg9 : memref<80xi32, #tpu.memory_space<vmem>>) target_semaphore(%arg19 : memref<!tpu.dma_semaphore, #tpu.memory_space<semaphore_mem>>)
      } else {
      }
    }
    %scan3A_130 = arith.constant 8 : i32
    %add3A_131 = arith.constant 2560 : i32
    %add3A_132 = arith.addi %mul3A_2, %add3A_131 : i32
    %dma_wait3A = arith.constant 0 : i32
    %dma_wait3A_133 = arith.constant 0 : i32
    %dma_wait3A_134 = arith.constant 0 : i32
    %dma_wait3A_135 = tpu.memref_slice %arg10[%dma_wait3A, %dma_wait3A_133, %dma_wait3A_134] : memref<4x80x128xf32, #tpu.memory_space<vmem>> -> memref<1x80x128xf32, #tpu.memory_space<vmem>>
    %dma_wait3A_136 = tpu.memref_squeeze %dma_wait3A_135 : memref<1x80x128xf32, #tpu.memory_space<vmem>> -> memref<80x128xf32, #tpu.memory_space<vmem>>
    %dma_wait3A_137 = arith.constant 0 : i32
    %dma_wait3A_138 = tpu.memref_slice %arg2[%add3A_132, %dma_wait3A_137] : memref<87040x128xf32, #tpu.memory_space<hbm>> -> memref<80x128xf32, #tpu.memory_space<hbm>>
    %dma_wait3A_139 = arith.constant 0 : i32
    %dma_wait3A_140 = arith.constant 0 : i32
    %dma_wait3A_141 = tpu.memref_slice %arg10[%dma_wait3A, %dma_wait3A_139, %dma_wait3A_140] : memref<4x80x128xf32, #tpu.memory_space<vmem>> -> memref<1x80x128xf32, #tpu.memory_space<vmem>>
    %dma_wait3A_142 = tpu.memref_squeeze %dma_wait3A_141 : memref<1x80x128xf32, #tpu.memory_space<vmem>> -> memref<80x128xf32, #tpu.memory_space<vmem>>
    %dma_wait3A_143 = arith.constant 0 : i32
    %dma_wait3A_144 = tpu.memref_slice %arg2[%add3A_132, %dma_wait3A_143] : memref<87040x128xf32, #tpu.memory_space<hbm>> -> memref<80x128xf32, #tpu.memory_space<hbm>>
    tpu.wait_dma2 semaphore(%arg12 : memref<!tpu.dma_semaphore, #tpu.memory_space<semaphore_mem>>) src(%dma_wait3A_144 : memref<80x128xf32, #tpu.memory_space<hbm>>) dst(%dma_wait3A_142 : memref<80x128xf32, #tpu.memory_space<vmem>>)
    %add3A_145 = arith.constant 2560 : i32
    %add3A_146 = arith.addi %add3A_4, %add3A_145 : i32
    %dma_wait3A_147 = tpu.memref_slice %arg3[%add3A_146] : memref<320000xi32, #tpu.memory_space<hbm>> -> memref<80xi32, #tpu.memory_space<hbm>>
    %dma_wait3A_148 = tpu.memref_slice %arg3[%add3A_146] : memref<320000xi32, #tpu.memory_space<hbm>> -> memref<80xi32, #tpu.memory_space<hbm>>
    tpu.wait_dma2 semaphore(%arg16 : memref<!tpu.dma_semaphore, #tpu.memory_space<semaphore_mem>>) src(%dma_wait3A_148 : memref<80xi32, #tpu.memory_space<hbm>>) dst(%arg6 : memref<80xi32, #tpu.memory_space<vmem>>)
    %run_scoped3A_149 = arith.constant 0 : i32
    "tpu.region"() ({
      %run_scoped3A_175 = tpu.sem_alloc : memref<!tpu.dma_semaphore, #tpu.memory_space<semaphore_mem>>
      %dma_start3A_176 = arith.constant 0 : i32
      %dma_start3A_177 = arith.constant 0 : i32
      %dma_start3A_178 = tpu.memref_slice %arg10[%run_scoped3A_149, %dma_start3A_176, %dma_start3A_177] : memref<4x80x128xf32, #tpu.memory_space<vmem>> -> memref<1x80x128xf32, #tpu.memory_space<vmem>>
      %dma_start3A_179 = tpu.memref_squeeze %dma_start3A_178 : memref<1x80x128xf32, #tpu.memory_space<vmem>> -> memref<80x128xf32, #tpu.memory_space<vmem>>
      %dma_start3A_180 = arith.constant 0 : i32
      %dma_start3A_181 = arith.constant 0 : i32
      %dma_start3A_182 = tpu.memref_slice %arg11[%dma_start3A_180, %dma_start3A_181] : memref<10240x128xf32, #tpu.memory_space<vmem_shared>> -> memref<10240x128xf32, #tpu.memory_space<vmem_shared>>
      tpu.enqueue_indirect_dma source(%dma_start3A_179 : memref<80x128xf32, #tpu.memory_space<vmem>>) target(%dma_start3A_182 : memref<10240x128xf32, #tpu.memory_space<vmem_shared>>) offsets(%arg6 : memref<80xi32, #tpu.memory_space<vmem>>) semaphore(%run_scoped3A_175 : memref<!tpu.dma_semaphore, #tpu.memory_space<semaphore_mem>>) {add = true}
      %dma_wait3A_183 = arith.constant 0 : i32
      %dma_wait3A_184 = arith.constant 0 : i32
      %dma_wait3A_185 = tpu.memref_slice %arg10[%run_scoped3A_149, %dma_wait3A_183, %dma_wait3A_184] : memref<4x80x128xf32, #tpu.memory_space<vmem>> -> memref<1x80x128xf32, #tpu.memory_space<vmem>>
      %dma_wait3A_186 = tpu.memref_squeeze %dma_wait3A_185 : memref<1x80x128xf32, #tpu.memory_space<vmem>> -> memref<80x128xf32, #tpu.memory_space<vmem>>
      %dma_wait3A_187 = arith.constant 0 : i32
      %dma_wait3A_188 = arith.constant 0 : i32
      %dma_wait3A_189 = tpu.memref_slice %arg11[%dma_wait3A_187, %dma_wait3A_188] : memref<10240x128xf32, #tpu.memory_space<vmem_shared>> -> memref<10240x128xf32, #tpu.memory_space<vmem_shared>>
      tpu.wait_indirect_dma semaphore(%run_scoped3A_175 : memref<!tpu.dma_semaphore, #tpu.memory_space<semaphore_mem>>) src(%dma_wait3A_186 : memref<80x128xf32, #tpu.memory_space<vmem>>) dst(%dma_wait3A_189 : memref<10240x128xf32, #tpu.memory_space<vmem_shared>>)
      tpu.yield
    }) : () -> ()
    %add3A_150 = arith.constant 2640 : i32
    %add3A_151 = arith.addi %mul3A_2, %add3A_150 : i32
    %dma_wait3A_152 = arith.constant 1 : i32
    %dma_wait3A_153 = arith.constant 0 : i32
    %dma_wait3A_154 = arith.constant 0 : i32
    %dma_wait3A_155 = tpu.memref_slice %arg10[%dma_wait3A_152, %dma_wait3A_153, %dma_wait3A_154] : memref<4x80x128xf32, #tpu.memory_space<vmem>> -> memref<1x80x128xf32, #tpu.memory_space<vmem>>
    %dma_wait3A_156 = tpu.memref_squeeze %dma_wait3A_155 : memref<1x80x128xf32, #tpu.memory_space<vmem>> -> memref<80x128xf32, #tpu.memory_space<vmem>>
    %dma_wait3A_157 = arith.constant 0 : i32
    %dma_wait3A_158 = tpu.memref_slice %arg2[%add3A_151, %dma_wait3A_157] : memref<87040x128xf32, #tpu.memory_space<hbm>> -> memref<80x128xf32, #tpu.memory_space<hbm>>
    %dma_wait3A_159 = arith.constant 0 : i32
    %dma_wait3A_160 = arith.constant 0 : i32
    %dma_wait3A_161 = tpu.memref_slice %arg10[%dma_wait3A_152, %dma_wait3A_159, %dma_wait3A_160] : memref<4x80x128xf32, #tpu.memory_space<vmem>> -> memref<1x80x128xf32, #tpu.memory_space<vmem>>
    %dma_wait3A_162 = tpu.memref_squeeze %dma_wait3A_161 : memref<1x80x128xf32, #tpu.memory_space<vmem>> -> memref<80x128xf32, #tpu.memory_space<vmem>>
    %dma_wait3A_163 = arith.constant 0 : i32
    %dma_wait3A_164 = tpu.memref_slice %arg2[%add3A_151, %dma_wait3A_163] : memref<87040x128xf32, #tpu.memory_space<hbm>> -> memref<80x128xf32, #tpu.memory_space<hbm>>
    tpu.wait_dma2 semaphore(%arg13 : memref<!tpu.dma_semaphore, #tpu.memory_space<semaphore_mem>>) src(%dma_wait3A_164 : memref<80x128xf32, #tpu.memory_space<hbm>>) dst(%dma_wait3A_162 : memref<80x128xf32, #tpu.memory_space<vmem>>)
    %add3A_165 = arith.constant 2640 : i32
    %add3A_166 = arith.addi %add3A_4, %add3A_165 : i32
    %dma_wait3A_167 = tpu.memref_slice %arg3[%add3A_166] : memref<320000xi32, #tpu.memory_space<hbm>> -> memref<80xi32, #tpu.memory_space<hbm>>
    %dma_wait3A_168 = tpu.memref_slice %arg3[%add3A_166] : memref<320000xi32, #tpu.memory_space<hbm>> -> memref<80xi32, #tpu.memory_space<hbm>>
    tpu.wait_dma2 semaphore(%arg17 : memref<!tpu.dma_semaphore, #tpu.memory_space<semaphore_mem>>) src(%dma_wait3A_168 : memref<80xi32, #tpu.memory_space<hbm>>) dst(%arg7 : memref<80xi32, #tpu.memory_space<vmem>>)
    %run_scoped3A_169 = arith.constant 1 : i32
    "tpu.region"() ({
      %run_scoped3A_175 = tpu.sem_alloc : memref<!tpu.dma_semaphore, #tpu.memory_space<semaphore_mem>>
      %dma_start3A_176 = arith.constant 0 : i32
      %dma_start3A_177 = arith.constant 0 : i32
      %dma_start3A_178 = tpu.memref_slice %arg10[%run_scoped3A_169, %dma_start3A_176, %dma_start3A_177] : memref<4x80x128xf32, #tpu.memory_space<vmem>> -> memref<1x80x128xf32, #tpu.memory_space<vmem>>
      %dma_start3A_179 = tpu.memref_squeeze %dma_start3A_178 : memref<1x80x128xf32, #tpu.memory_space<vmem>> -> memref<80x128xf32, #tpu.memory_space<vmem>>
      %dma_start3A_180 = arith.constant 0 : i32
      %dma_start3A_181 = arith.constant 0 : i32
      %dma_start3A_182 = tpu.memref_slice %arg11[%dma_start3A_180, %dma_start3A_181] : memref<10240x128xf32, #tpu.memory_space<vmem_shared>> -> memref<10240x128xf32, #tpu.memory_space<vmem_shared>>
      tpu.enqueue_indirect_dma source(%dma_start3A_179 : memref<80x128xf32, #tpu.memory_space<vmem>>) target(%dma_start3A_182 : memref<10240x128xf32, #tpu.memory_space<vmem_shared>>) offsets(%arg7 : memref<80xi32, #tpu.memory_space<vmem>>) semaphore(%run_scoped3A_175 : memref<!tpu.dma_semaphore, #tpu.memory_space<semaphore_mem>>) {add = true}
      %dma_wait3A_183 = arith.constant 0 : i32
      %dma_wait3A_184 = arith.constant 0 : i32
      %dma_wait3A_185 = tpu.memref_slice %arg10[%run_scoped3A_169, %dma_wait3A_183, %dma_wait3A_184] : memref<4x80x128xf32, #tpu.memory_space<vmem>> -> memref<1x80x128xf32, #tpu.memory_space<vmem>>
      %dma_wait3A_186 = tpu.memref_squeeze %dma_wait3A_185 : memref<1x80x128xf32, #tpu.memory_space<vmem>> -> memref<80x128xf32, #tpu.memory_space<vmem>>
      %dma_wait3A_187 = arith.constant 0 : i32
      %dma_wait3A_188 = arith.constant 0 : i32
      %dma_wait3A_189 = tpu.memref_slice %arg11[%dma_wait3A_187, %dma_wait3A_188] : memref<10240x128xf32, #tpu.memory_space<vmem_shared>> -> memref<10240x128xf32, #tpu.memory_space<vmem_shared>>
      tpu.wait_indirect_dma semaphore(%run_scoped3A_175 : memref<!tpu.dma_semaphore, #tpu.memory_space<semaphore_mem>>) src(%dma_wait3A_186 : memref<80x128xf32, #tpu.memory_space<vmem>>) dst(%dma_wait3A_189 : memref<10240x128xf32, #tpu.memory_space<vmem_shared>>)
      tpu.yield
    }) : () -> ()
    %barrier3A_170 = arith.constant 0 : index
    tpu.barrier barrier_id(%barrier3A_170)
    %mul3A_171 = arith.constant 640 : i32
    %mul3A_172 = arith.muli %arg1, %mul3A_171 : i32
    %mul3A_173 = arith.constant 640 : i32
    %mul3A_174 = arith.muli %arg1, %mul3A_173 : i32
    "tpu.region"() ({
      %run_scoped3A_175 = tpu.sem_alloc : memref<!tpu.dma_semaphore, #tpu.memory_space<semaphore_mem>>
      %dma_start3A_176 = arith.constant 0 : i32
      %dma_start3A_177 = tpu.memref_slice %arg5[%arg0, %mul3A_174, %dma_start3A_176] : memref<2x10240x128xf32, #tpu.memory_space<hbm>> -> memref<1x640x128xf32, #tpu.memory_space<hbm>>
      %dma_start3A_178 = tpu.memref_squeeze %dma_start3A_177 : memref<1x640x128xf32, #tpu.memory_space<hbm>> -> memref<640x128xf32, #tpu.memory_space<hbm>>
      %dma_start3A_179 = arith.constant 0 : i32
      %dma_start3A_180 = tpu.memref_slice %arg11[%mul3A_172, %dma_start3A_179] : memref<10240x128xf32, #tpu.memory_space<vmem_shared>> -> memref<640x128xf32, #tpu.memory_space<vmem_shared>>
      tpu.enqueue_dma source(%dma_start3A_180 : memref<640x128xf32, #tpu.memory_space<vmem_shared>>) target(%dma_start3A_178 : memref<640x128xf32, #tpu.memory_space<hbm>>) target_semaphore(%run_scoped3A_175 : memref<!tpu.dma_semaphore, #tpu.memory_space<semaphore_mem>>)
      %dma_wait3A_181 = arith.constant 0 : i32
      %dma_wait3A_182 = tpu.memref_slice %arg5[%arg0, %mul3A_174, %dma_wait3A_181] : memref<2x10240x128xf32, #tpu.memory_space<hbm>> -> memref<1x640x128xf32, #tpu.memory_space<hbm>>
      %dma_wait3A_183 = tpu.memref_squeeze %dma_wait3A_182 : memref<1x640x128xf32, #tpu.memory_space<hbm>> -> memref<640x128xf32, #tpu.memory_space<hbm>>
      %dma_wait3A_184 = arith.constant 0 : i32
      %dma_wait3A_185 = tpu.memref_slice %arg11[%mul3A_172, %dma_wait3A_184] : memref<10240x128xf32, #tpu.memory_space<vmem_shared>> -> memref<640x128xf32, #tpu.memory_space<vmem_shared>>
      tpu.wait_dma2 semaphore(%run_scoped3A_175 : memref<!tpu.dma_semaphore, #tpu.memory_space<semaphore_mem>>) src(%dma_wait3A_185 : memref<640x128xf32, #tpu.memory_space<vmem_shared>>) dst(%dma_wait3A_183 : memref<640x128xf32, #tpu.memory_space<hbm>>)
      tpu.yield
    }) : () -> ()
    return
  }
}

module attributes {stable_mosaic.version = 14 : i64} {
  func.func @_emb_body(%arg0: i32, %arg1: memref<2560x128xf32, #tpu.memory_space<vmem>>, %arg2: memref<2560x128xf32, #tpu.memory_space<vmem>>, %arg3: memref<1x1x2560xi32, #tpu.memory_space<vmem>>, %arg4: memref<80x128xf32, #tpu.memory_space<vmem>>, %arg5: memref<128x128xf32, #tpu.memory_space<vmem>>, %arg6: memref<1x128xf32, #tpu.memory_space<vmem>>, %arg7: memref<128x1xf32, #tpu.memory_space<vmem>>, %arg8: memref<1x64xf32, #tpu.memory_space<vmem>>, %arg9: memref<1x64xf32, #tpu.memory_space<vmem>>, %arg10: memref<1x1xf32, #tpu.memory_space<vmem>>, %arg11: memref<2560x128xf32, #tpu.memory_space<vmem>>, %arg12: memref<80x128xf32, #tpu.memory_space<vmem>>) attributes {dimension_semantics = [#tpu.dimension_semantics<arbitrary>], iteration_bounds = array<i64: 34>, scalar_prefetch = 0 : i64, scratch_operands = 0 : i64, tpu.core_type = #tpu.core_type<tc>, window_params = [{transform_indices = @transform_0, window_bounds = array<i64: 2560, 128>}, {transform_indices = @transform_1, window_bounds = array<i64: 2560, 128>}, {transform_indices = @transform_2, window_bounds = array<i64: 1, 1, 2560>}, {pipeline_mode = #tpu.pipeline_mode<synchronous>, transform_indices = @transform_3, window_bounds = array<i64: 80, 128>}, {pipeline_mode = #tpu.pipeline_mode<synchronous>, transform_indices = @transform_4, window_bounds = array<i64: 128, 128>}, {pipeline_mode = #tpu.pipeline_mode<synchronous>, transform_indices = @transform_5, window_bounds = array<i64: 1, 128>}, {pipeline_mode = #tpu.pipeline_mode<synchronous>, transform_indices = @transform_6, window_bounds = array<i64: 128, 1>}, {pipeline_mode = #tpu.pipeline_mode<synchronous>, transform_indices = @transform_7, window_bounds = array<i64: 1, 64>}, {pipeline_mode = #tpu.pipeline_mode<synchronous>, transform_indices = @transform_8, window_bounds = array<i64: 1, 64>}, {pipeline_mode = #tpu.pipeline_mode<synchronous>, transform_indices = @transform_9, window_bounds = array<i64: 1, 1>}, {transform_indices = @transform_10, window_bounds = array<i64: 2560, 128>}, {pipeline_mode = #tpu.pipeline_mode<synchronous>, transform_indices = @transform_11, window_bounds = array<i64: 80, 128>}]} {
    %get3A = arith.constant 0 : index
    %get3A_0 = arith.constant 0 : index
    %get3A_1 = vector.load %arg9[%get3A, %get3A_0] : memref<1x64xf32, #tpu.memory_space<vmem>>, vector<1x64xf32>
    %get3A_2 = arith.constant 0 : index
    %get3A_3 = arith.constant 0 : index
    %get3A_4 = vector.load %arg8[%get3A_2, %get3A_3] : memref<1x64xf32, #tpu.memory_space<vmem>>, vector<1x64xf32>
    %mul3A = arith.mulf %get3A_1, %get3A_4 : vector<1x64xf32>
    %reduce_sum3A = vector.shape_cast %mul3A : vector<1x64xf32> to vector<1x1x64xf32>
    %reduce_sum3A_5 = arith.constant dense<0.000000e+00> : vector<1xf32>
    %reduce_sum3A_6 = vector.multi_reduction <add>, %reduce_sum3A, %reduce_sum3A_5 [1, 2] : vector<1x1x64xf32> to vector<1xf32>
    %reduce_sum3A_7 = vector.shape_cast %reduce_sum3A_6 : vector<1xf32> to vector<1x1x1xf32>
    %reduce_sum3A_8 = vector.extract %reduce_sum3A_7[0, 0, 0] : f32 from vector<1x1x1xf32>
    %get3A_9 = arith.constant 0 : index
    %get3A_10 = arith.constant 0 : index
    %get3A_11 = vector.load %arg10[%get3A_9, %get3A_10] : memref<1x1xf32, #tpu.memory_space<vmem>>, vector<1x1xf32>
    %get3A_12 = vector.extract %get3A_11[0, 0] : f32 from vector<1x1xf32>
    %add3A = arith.addf %reduce_sum3A_8, %get3A_12 : f32
    %get3A_13 = arith.constant 0 : index
    %get3A_14 = arith.constant 0 : index
    %get3A_15 = vector.load %arg1[%get3A_13, %get3A_14] : memref<2560x128xf32, #tpu.memory_space<vmem>>, vector<2560x128xf32>
    %get3A_16 = arith.constant 0 : index
    %get3A_17 = arith.constant 0 : index
    %get3A_18 = vector.load %arg7[%get3A_16, %get3A_17] : memref<128x1xf32, #tpu.memory_space<vmem>>, vector<128x1xf32>
    %dot_general3A = arith.constant dense<0.000000e+00> : vector<2560x1xf32>
    %dot_general3A_19 = tpu.matmul %get3A_15, %get3A_18, %dot_general3A {dimension_numbers = #tpu.dot_dimension_numbers<[1], [0], [0], [1], [0, 0, 1, 1], [], []>, transpose_lhs_hint = false} : vector<2560x128xf32>, vector<128x1xf32>, vector<2560x1xf32> -> vector<2560x1xf32>
    %add3A_20 = vector.broadcast %add3A : f32 to vector<2560x1xf32>
    %add3A_21 = arith.addf %dot_general3A_19, %add3A_20 : vector<2560x1xf32>
    %exp3A = math.exp %add3A_21 : vector<2560x1xf32>
    %get3A_22 = arith.constant 0 : index
    %get3A_23 = arith.constant 0 : index
    %get3A_24 = vector.load %arg2[%get3A_22, %get3A_23] : memref<2560x128xf32, #tpu.memory_space<vmem>>, vector<2560x128xf32>
    %get3A_25 = arith.constant 0 : index
    %get3A_26 = arith.constant 0 : index
    %get3A_27 = vector.load %arg5[%get3A_25, %get3A_26] : memref<128x128xf32, #tpu.memory_space<vmem>>, vector<128x128xf32>
    %dot_general3A_28 = arith.constant dense<0.000000e+00> : vector<2560x128xf32>
    %dot_general3A_29 = tpu.matmul %get3A_24, %get3A_27, %dot_general3A_28 {dimension_numbers = #tpu.dot_dimension_numbers<[1], [0], [0], [1], [0, 0, 1, 1], [], []>, transpose_lhs_hint = false} : vector<2560x128xf32>, vector<128x128xf32>, vector<2560x128xf32> -> vector<2560x128xf32>
    %get3A_30 = arith.constant 0 : index
    %get3A_31 = arith.constant 0 : index
    %get3A_32 = vector.load %arg6[%get3A_30, %get3A_31] : memref<1x128xf32, #tpu.memory_space<vmem>>, vector<1x128xf32>
    %add3A_33 = vector.broadcast %get3A_32 : vector<1x128xf32> to vector<2560x128xf32>
    %add3A_34 = arith.addf %dot_general3A_29, %add3A_33 : vector<2560x128xf32>
    %max3A = arith.constant 0.000000e+00 : f32
    %max3A_35 = vector.broadcast %max3A : f32 to vector<2560x128xf32>
    %max3A_36 = arith.maximumf %add3A_34, %max3A_35 : vector<2560x128xf32>
    %mul3A_37 = vector.broadcast %exp3A : vector<2560x1xf32> to vector<2560x128xf32>
    %mul3A_38 = arith.mulf %max3A_36, %mul3A_37 : vector<2560x128xf32>
    %swap3A = arith.constant 0 : index
    %swap3A_39 = arith.constant 0 : index
    %swap3A_40 = vector.load %arg11[%swap3A, %swap3A_39] : memref<2560x128xf32, #tpu.memory_space<vmem>>, vector<2560x128xf32>
    tpu.vector_store %arg11[%swap3A, %swap3A_39], %mul3A_38 {strides = array<i32>} : memref<2560x128xf32, #tpu.memory_space<vmem>>, vector<2560x128xf32>,
    %get3A_41 = arith.constant 0 : index
    %get3A_42 = arith.constant 0 : index
    %get3A_43 = vector.load %arg7[%get3A_41, %get3A_42] : memref<128x1xf32, #tpu.memory_space<vmem>>, vector<128x1xf32>
    %reshape3A = vector.shape_cast %get3A_43 : vector<128x1xf32> to vector<1x128xf32>
    %dot_general3A_44 = arith.constant dense<0.000000e+00> : vector<1x2560xf32>
    %dot_general3A_45 = tpu.matmul %reshape3A, %get3A_15, %dot_general3A_44 {dimension_numbers = #tpu.dot_dimension_numbers<[1], [1], [0], [0], [0, 0, 1, 0], [], []>, transpose_lhs_hint = false} : vector<1x128xf32>, vector<2560x128xf32>, vector<1x2560xf32> -> vector<1x2560xf32>
    %add3A_46 = vector.broadcast %add3A : f32 to vector<1x2560xf32>
    %add3A_47 = arith.addf %dot_general3A_45, %add3A_46 : vector<1x2560xf32>
    %exp3A_48 = math.exp %add3A_47 : vector<1x2560xf32>
    %get3A_49 = arith.constant 0 : index
    %get3A_50 = arith.constant 0 : index
    %get3A_51 = arith.constant 0 : index
    %get3A_52 = vector.load %arg3[%get3A_49, %get3A_50, %get3A_51] : memref<1x1x2560xi32, #tpu.memory_space<vmem>>, vector<1x1x2560xi32>
    %get3A_53 = vector.shape_cast %get3A_52 : vector<1x1x2560xi32> to vector<1x2560xi32>
    %jit3A = arith.constant 128 : i32
    %div3A = vector.broadcast %jit3A : i32 to vector<1x2560xi32>
    %div3A_54 = arith.divsi %get3A_53, %div3A : vector<1x2560xi32>
    %sign3A = arith.constant 0 : i32
    %sign3A_55 = vector.broadcast %sign3A : i32 to vector<1x2560xi32>
    %sign3A_56 = arith.cmpi sgt, %get3A_53, %sign3A_55 : vector<1x2560xi32>
    %sign3A_57 = arith.extui %sign3A_56 : vector<1x2560xi1> to vector<1x2560xi32>
    %sign3A_58 = arith.constant 0 : i32
    %sign3A_59 = vector.broadcast %sign3A_58 : i32 to vector<1x2560xi32>
    %sign3A_60 = arith.cmpi slt, %get3A_53, %sign3A_59 : vector<1x2560xi32>
    %sign3A_61 = arith.extui %sign3A_60 : vector<1x2560xi1> to vector<1x2560xi32>
    %sign3A_62 = arith.subi %sign3A_57, %sign3A_61 : vector<1x2560xi32>
    %sign3A_63 = arith.constant 0 : i32
    %sign3A_64 = arith.cmpi sgt, %jit3A, %sign3A_63 : i32
    %sign3A_65 = arith.extui %sign3A_64 : i1 to i32
    %sign3A_66 = arith.constant 0 : i32
    %sign3A_67 = arith.cmpi slt, %jit3A, %sign3A_66 : i32
    %sign3A_68 = arith.extui %sign3A_67 : i1 to i32
    %sign3A_69 = arith.subi %sign3A_65, %sign3A_68 : i32
    %ne3A = vector.broadcast %sign3A_69 : i32 to vector<1x2560xi32>
    %ne3A_70 = arith.cmpi ne, %sign3A_62, %ne3A : vector<1x2560xi32>
    %rem3A = vector.broadcast %jit3A : i32 to vector<1x2560xi32>
    %rem3A_71 = arith.remsi %get3A_53, %rem3A : vector<1x2560xi32>
    %ne3A_72 = arith.constant 0 : i32
    %ne3A_73 = vector.broadcast %ne3A_72 : i32 to vector<1x2560xi32>
    %ne3A_74 = arith.cmpi ne, %rem3A_71, %ne3A_73 : vector<1x2560xi32>
    %and3A = arith.andi %ne3A_70, %ne3A_74 : vector<1x2560xi1>
    %sub3A = arith.constant 1 : i32
    %sub3A_75 = vector.broadcast %sub3A : i32 to vector<1x2560xi32>
    %sub3A_76 = arith.subi %div3A_54, %sub3A_75 : vector<1x2560xi32>
    %select_n3A = arith.select %and3A, %sub3A_76, %div3A_54 : vector<1x2560xi1>, vector<1x2560xi32>
    %convert_element_type3A = arith.sitofp %select_n3A : vector<1x2560xi32> to vector<1x2560xf32>
    %jit3A_77 = arith.constant 128 : i32
    %eq3A = arith.constant 0 : i32
    %eq3A_78 = arith.cmpi eq, %jit3A_77, %eq3A : i32
    %jit3A_79 = arith.constant 1 : i32
    %select_n3A_80 = arith.select %eq3A_78, %jit3A_79, %jit3A_77 : i32
    %rem3A_81 = vector.broadcast %select_n3A_80 : i32 to vector<1x2560xi32>
    %rem3A_82 = arith.remsi %get3A_53, %rem3A_81 : vector<1x2560xi32>
    %ne3A_83 = arith.constant 0 : i32
    %ne3A_84 = vector.broadcast %ne3A_83 : i32 to vector<1x2560xi32>
    %ne3A_85 = arith.cmpi ne, %rem3A_82, %ne3A_84 : vector<1x2560xi32>
    %lt3A = arith.constant 0 : i32
    %lt3A_86 = vector.broadcast %lt3A : i32 to vector<1x2560xi32>
    %lt3A_87 = arith.cmpi slt, %rem3A_82, %lt3A_86 : vector<1x2560xi32>
    %lt3A_88 = arith.constant 0 : i32
    %lt3A_89 = arith.cmpi slt, %select_n3A_80, %lt3A_88 : i32
    %ne3A_90 = vector.broadcast %lt3A_89 : i1 to vector<1x2560xi1>
    %ne3A_91 = vector.broadcast %ne3A_90 : vector<1x2560xi1> to vector<1x2560xi1>
    %ne3A_92 = arith.xori %lt3A_87, %ne3A_91 : vector<1x2560xi1>
    %and3A_93 = arith.andi %ne3A_92, %ne3A_85 : vector<1x2560xi1>
    %add3A_94 = vector.broadcast %select_n3A_80 : i32 to vector<1x2560xi32>
    %add3A_95 = arith.addi %rem3A_82, %add3A_94 : vector<1x2560xi32>
    %select_n3A_96 = arith.select %and3A_93, %add3A_95, %rem3A_82 : vector<1x2560xi1>, vector<1x2560xi32>
    %convert_element_type3A_97 = arith.sitofp %select_n3A_96 : vector<1x2560xi32> to vector<1x2560xf32>
    %iota3A = tpu.iota {dimensions = array<i32: 0>} : vector<80x1xi32>
    %convert_element_type3A_98 = arith.sitofp %iota3A : vector<80x1xi32> to vector<80x1xf32>
    %iota3A_99 = tpu.iota {dimensions = array<i32: 0>} : vector<128x1xi32>
    %convert_element_type3A_100 = arith.sitofp %iota3A_99 : vector<128x1xi32> to vector<128x1xf32>
    %eq3A_101 = vector.broadcast %convert_element_type3A : vector<1x2560xf32> to vector<80x2560xf32>
    %eq3A_102 = vector.broadcast %convert_element_type3A_98 : vector<80x1xf32> to vector<80x2560xf32>
    %eq3A_103 = arith.cmpf oeq, %eq3A_101, %eq3A_102 : vector<80x2560xf32>
    %jit3A_104 = arith.constant 0.000000e+00 : f32
    %broadcast_in_dim3A = vector.shape_cast %exp3A_48 : vector<1x2560xf32> to vector<1x2560xf32>
    %broadcast_in_dim3A_105 = vector.broadcast %broadcast_in_dim3A : vector<1x2560xf32> to vector<80x2560xf32>
    %broadcast_in_dim3A_106 = vector.broadcast %jit3A_104 : f32 to vector<80x2560xf32>
    %select_n3A_107 = arith.select %eq3A_103, %broadcast_in_dim3A_105, %broadcast_in_dim3A_106 : vector<80x2560xi1>, vector<80x2560xf32>
    %eq3A_108 = vector.broadcast %convert_element_type3A_97 : vector<1x2560xf32> to vector<128x2560xf32>
    %eq3A_109 = vector.broadcast %convert_element_type3A_100 : vector<128x1xf32> to vector<128x2560xf32>
    %eq3A_110 = arith.cmpf oeq, %eq3A_108, %eq3A_109 : vector<128x2560xf32>
    %jit3A_111 = arith.constant 1.000000e+00 : f32
    %jit3A_112 = arith.constant 0.000000e+00 : f32
    %broadcast_in_dim3A_113 = vector.broadcast %jit3A_111 : f32 to vector<128x2560xf32>
    %broadcast_in_dim3A_114 = vector.broadcast %jit3A_112 : f32 to vector<128x2560xf32>
    %select_n3A_115 = arith.select %eq3A_110, %broadcast_in_dim3A_113, %broadcast_in_dim3A_114 : vector<128x2560xi1>, vector<128x2560xf32>
    %dot_general3A_116 = arith.constant dense<0.000000e+00> : vector<80x128xf32>
    %dot_general3A_117 = tpu.matmul %select_n3A_107, %select_n3A_115, %dot_general3A_116 {dimension_numbers = #tpu.dot_dimension_numbers<[1], [1], [0], [0], [0, 0, 1, 0], [], []>, transpose_lhs_hint = false} : vector<80x2560xf32>, vector<128x2560xf32>, vector<80x128xf32> -> vector<80x128xf32>
    %eq3A_118 = arith.constant 0 : i32
    %eq3A_119 = arith.cmpi eq, %arg0, %eq3A_118 : i32
    %convert_element_type3A_120 = arith.extui %eq3A_119 : i1 to i32
    %cond3A = arith.constant 0 : i32
    %cond3A_121 = arith.cmpi ne, %convert_element_type3A_120, %cond3A : i32
    scf.if %cond3A_121 {
      %get3A_129 = arith.constant 0 : index
      %get3A_130 = arith.constant 0 : index
      %get3A_131 = vector.load %arg4[%get3A_129, %get3A_130] : memref<80x128xf32, #tpu.memory_space<vmem>>, vector<80x128xf32>
      %swap3A_132 = arith.constant 0 : index
      %swap3A_133 = arith.constant 0 : index
      %swap3A_134 = vector.load %arg12[%swap3A_132, %swap3A_133] : memref<80x128xf32, #tpu.memory_space<vmem>>, vector<80x128xf32>
      tpu.vector_store %arg12[%swap3A_132, %swap3A_133], %get3A_131 {strides = array<i32>} : memref<80x128xf32, #tpu.memory_space<vmem>>, vector<80x128xf32>,
    } else {
    }
    %get3A_122 = arith.constant 0 : index
    %get3A_123 = arith.constant 0 : index
    %get3A_124 = vector.load %arg12[%get3A_122, %get3A_123] : memref<80x128xf32, #tpu.memory_space<vmem>>, vector<80x128xf32>
    %add3A_125 = arith.addf %get3A_124, %dot_general3A_117 : vector<80x128xf32>
    %swap3A_126 = arith.constant 0 : index
    %swap3A_127 = arith.constant 0 : index
    %swap3A_128 = vector.load %arg12[%swap3A_126, %swap3A_127] : memref<80x128xf32, #tpu.memory_space<vmem>>, vector<80x128xf32>
    tpu.vector_store %arg12[%swap3A_126, %swap3A_127], %add3A_125 {strides = array<i32>} : memref<80x128xf32, #tpu.memory_space<vmem>>, vector<80x128xf32>,
    return
  }
  func.func @transform_0(%arg0: i32) -> (i32, i32) {
    %add3A = arith.constant 0 : i32
    %add3A_0 = arith.addi %arg0, %add3A : i32
    %c0_i32 = arith.constant 0 : i32
    %c0_i32_1 = arith.constant 0 : i32
    return %add3A_0, %c0_i32 : i32, i32
  }
  func.func @transform_1(%arg0: i32) -> (i32, i32) {
    %add3A = arith.constant 0 : i32
    %add3A_0 = arith.addi %arg0, %add3A : i32
    %c0_i32 = arith.constant 0 : i32
    %c0_i32_1 = arith.constant 0 : i32
    return %add3A_0, %c0_i32 : i32, i32
  }
  func.func @transform_2(%arg0: i32) -> (i32, i32, i32) {
    %add3A = arith.constant 0 : i32
    %add3A_0 = arith.addi %arg0, %add3A : i32
    %c0_i32 = arith.constant 0 : i32
    %c0_i32_1 = arith.constant 0 : i32
    %c0_i32_2 = arith.constant 0 : i32
    return %add3A_0, %c0_i32, %c0_i32_1 : i32, i32, i32
  }
  func.func @transform_3(%arg0: i32) -> (i32, i32) {
    %c0_i32 = arith.constant 0 : i32
    %c0_i32_0 = arith.constant 0 : i32
    %c0_i32_1 = arith.constant 0 : i32
    return %c0_i32, %c0_i32_0 : i32, i32
  }
  func.func @transform_4(%arg0: i32) -> (i32, i32) {
    %c0_i32 = arith.constant 0 : i32
    %c0_i32_0 = arith.constant 0 : i32
    %c0_i32_1 = arith.constant 0 : i32
    return %c0_i32, %c0_i32_0 : i32, i32
  }
  func.func @transform_5(%arg0: i32) -> (i32, i32) {
    %c0_i32 = arith.constant 0 : i32
    %c0_i32_0 = arith.constant 0 : i32
    %c0_i32_1 = arith.constant 0 : i32
    return %c0_i32, %c0_i32_0 : i32, i32
  }
  func.func @transform_6(%arg0: i32) -> (i32, i32) {
    %c0_i32 = arith.constant 0 : i32
    %c0_i32_0 = arith.constant 0 : i32
    %c0_i32_1 = arith.constant 0 : i32
    return %c0_i32, %c0_i32_0 : i32, i32
  }
  func.func @transform_7(%arg0: i32) -> (i32, i32) {
    %c0_i32 = arith.constant 0 : i32
    %c0_i32_0 = arith.constant 0 : i32
    %c0_i32_1 = arith.constant 0 : i32
    return %c0_i32, %c0_i32_0 : i32, i32
  }
  func.func @transform_8(%arg0: i32) -> (i32, i32) {
    %c0_i32 = arith.constant 0 : i32
    %c0_i32_0 = arith.constant 0 : i32
    %c0_i32_1 = arith.constant 0 : i32
    return %c0_i32, %c0_i32_0 : i32, i32
  }
  func.func @transform_9(%arg0: i32) -> (i32, i32) {
    %c0_i32 = arith.constant 0 : i32
    %c0_i32_0 = arith.constant 0 : i32
    %c0_i32_1 = arith.constant 0 : i32
    return %c0_i32, %c0_i32_0 : i32, i32
  }
  func.func @transform_10(%arg0: i32) -> (i32, i32) {
    %c0_i32 = arith.constant 0 : i32
    %c0_i32_0 = arith.constant 0 : i32
    return %arg0, %c0_i32 : i32, i32
  }
  func.func @transform_11(%arg0: i32) -> (i32, i32) {
    %c0_i32 = arith.constant 0 : i32
    %c0_i32_0 = arith.constant 0 : i32
    %c0_i32_1 = arith.constant 0 : i32
    return %c0_i32, %c0_i32_0 : i32, i32
  }
}

module attributes {stable_mosaic.version = 14 : i64} {
  func.func @_emb_body(%arg0: i32, %arg1: memref<2560x128xf32, #tpu.memory_space<vmem>>, %arg2: memref<2560x128xf32, #tpu.memory_space<vmem>>, %arg3: memref<1x1x2560xi32, #tpu.memory_space<vmem>>, %arg4: memref<80x128xf32, #tpu.memory_space<vmem>>, %arg5: memref<128x128xf32, #tpu.memory_space<vmem>>, %arg6: memref<1x128xf32, #tpu.memory_space<vmem>>, %arg7: memref<128x1xf32, #tpu.memory_space<vmem>>, %arg8: memref<1x64xf32, #tpu.memory_space<vmem>>, %arg9: memref<1x64xf32, #tpu.memory_space<vmem>>, %arg10: memref<1x1xf32, #tpu.memory_space<vmem>>, %arg11: memref<2560x128xf32, #tpu.memory_space<vmem>>, %arg12: memref<80x128xf32, #tpu.memory_space<vmem>>) attributes {dimension_semantics = [#tpu.dimension_semantics<arbitrary>], iteration_bounds = array<i64: 34>, scalar_prefetch = 0 : i64, scratch_operands = 0 : i64, tpu.core_type = #tpu.core_type<tc>, window_params = [{transform_indices = @transform_0, window_bounds = array<i64: 2560, 128>}, {transform_indices = @transform_1, window_bounds = array<i64: 2560, 128>}, {transform_indices = @transform_2, window_bounds = array<i64: 1, 1, 2560>}, {pipeline_mode = #tpu.pipeline_mode<synchronous>, transform_indices = @transform_3, window_bounds = array<i64: 80, 128>}, {pipeline_mode = #tpu.pipeline_mode<synchronous>, transform_indices = @transform_4, window_bounds = array<i64: 128, 128>}, {pipeline_mode = #tpu.pipeline_mode<synchronous>, transform_indices = @transform_5, window_bounds = array<i64: 1, 128>}, {pipeline_mode = #tpu.pipeline_mode<synchronous>, transform_indices = @transform_6, window_bounds = array<i64: 128, 1>}, {pipeline_mode = #tpu.pipeline_mode<synchronous>, transform_indices = @transform_7, window_bounds = array<i64: 1, 64>}, {pipeline_mode = #tpu.pipeline_mode<synchronous>, transform_indices = @transform_8, window_bounds = array<i64: 1, 64>}, {pipeline_mode = #tpu.pipeline_mode<synchronous>, transform_indices = @transform_9, window_bounds = array<i64: 1, 1>}, {transform_indices = @transform_10, window_bounds = array<i64: 2560, 128>}, {pipeline_mode = #tpu.pipeline_mode<synchronous>, transform_indices = @transform_11, window_bounds = array<i64: 80, 128>}]} {
    %get3A = arith.constant 0 : index
    %get3A_0 = arith.constant 0 : index
    %get3A_1 = vector.load %arg9[%get3A, %get3A_0] : memref<1x64xf32, #tpu.memory_space<vmem>>, vector<1x64xf32>
    %get3A_2 = arith.constant 0 : index
    %get3A_3 = arith.constant 0 : index
    %get3A_4 = vector.load %arg8[%get3A_2, %get3A_3] : memref<1x64xf32, #tpu.memory_space<vmem>>, vector<1x64xf32>
    %mul3A = arith.mulf %get3A_1, %get3A_4 : vector<1x64xf32>
    %reduce_sum3A = vector.shape_cast %mul3A : vector<1x64xf32> to vector<1x1x64xf32>
    %reduce_sum3A_5 = arith.constant dense<0.000000e+00> : vector<1xf32>
    %reduce_sum3A_6 = vector.multi_reduction <add>, %reduce_sum3A, %reduce_sum3A_5 [1, 2] : vector<1x1x64xf32> to vector<1xf32>
    %reduce_sum3A_7 = vector.shape_cast %reduce_sum3A_6 : vector<1xf32> to vector<1x1x1xf32>
    %reduce_sum3A_8 = vector.extract %reduce_sum3A_7[0, 0, 0] : f32 from vector<1x1x1xf32>
    %get3A_9 = arith.constant 0 : index
    %get3A_10 = arith.constant 0 : index
    %get3A_11 = vector.load %arg10[%get3A_9, %get3A_10] : memref<1x1xf32, #tpu.memory_space<vmem>>, vector<1x1xf32>
    %get3A_12 = vector.extract %get3A_11[0, 0] : f32 from vector<1x1xf32>
    %add3A = arith.addf %reduce_sum3A_8, %get3A_12 : f32
    %get3A_13 = arith.constant 0 : index
    %get3A_14 = arith.constant 0 : index
    %get3A_15 = vector.load %arg1[%get3A_13, %get3A_14] : memref<2560x128xf32, #tpu.memory_space<vmem>>, vector<2560x128xf32>
    %get3A_16 = arith.constant 0 : index
    %get3A_17 = arith.constant 0 : index
    %get3A_18 = vector.load %arg7[%get3A_16, %get3A_17] : memref<128x1xf32, #tpu.memory_space<vmem>>, vector<128x1xf32>
    %dot_general3A = arith.constant dense<0.000000e+00> : vector<2560x1xf32>
    %dot_general3A_19 = tpu.matmul %get3A_15, %get3A_18, %dot_general3A {dimension_numbers = #tpu.dot_dimension_numbers<[1], [0], [0], [1], [0, 0, 1, 1], [], []>, transpose_lhs_hint = false} : vector<2560x128xf32>, vector<128x1xf32>, vector<2560x1xf32> -> vector<2560x1xf32>
    %add3A_20 = vector.broadcast %add3A : f32 to vector<2560x1xf32>
    %add3A_21 = arith.addf %dot_general3A_19, %add3A_20 : vector<2560x1xf32>
    %exp3A = math.exp %add3A_21 : vector<2560x1xf32>
    %get3A_22 = arith.constant 0 : index
    %get3A_23 = arith.constant 0 : index
    %get3A_24 = vector.load %arg2[%get3A_22, %get3A_23] : memref<2560x128xf32, #tpu.memory_space<vmem>>, vector<2560x128xf32>
    %get3A_25 = arith.constant 0 : index
    %get3A_26 = arith.constant 0 : index
    %get3A_27 = vector.load %arg5[%get3A_25, %get3A_26] : memref<128x128xf32, #tpu.memory_space<vmem>>, vector<128x128xf32>
    %dot_general3A_28 = arith.constant dense<0.000000e+00> : vector<2560x128xf32>
    %dot_general3A_29 = tpu.matmul %get3A_24, %get3A_27, %dot_general3A_28 {dimension_numbers = #tpu.dot_dimension_numbers<[1], [0], [0], [1], [0, 0, 1, 1], [], []>, transpose_lhs_hint = false} : vector<2560x128xf32>, vector<128x128xf32>, vector<2560x128xf32> -> vector<2560x128xf32>
    %get3A_30 = arith.constant 0 : index
    %get3A_31 = arith.constant 0 : index
    %get3A_32 = vector.load %arg6[%get3A_30, %get3A_31] : memref<1x128xf32, #tpu.memory_space<vmem>>, vector<1x128xf32>
    %add3A_33 = vector.broadcast %get3A_32 : vector<1x128xf32> to vector<2560x128xf32>
    %add3A_34 = arith.addf %dot_general3A_29, %add3A_33 : vector<2560x128xf32>
    %max3A = arith.constant 0.000000e+00 : f32
    %max3A_35 = vector.broadcast %max3A : f32 to vector<2560x128xf32>
    %max3A_36 = arith.maximumf %add3A_34, %max3A_35 : vector<2560x128xf32>
    %mul3A_37 = vector.broadcast %exp3A : vector<2560x1xf32> to vector<2560x128xf32>
    %mul3A_38 = arith.mulf %max3A_36, %mul3A_37 : vector<2560x128xf32>
    %swap3A = arith.constant 0 : index
    %swap3A_39 = arith.constant 0 : index
    %swap3A_40 = vector.load %arg11[%swap3A, %swap3A_39] : memref<2560x128xf32, #tpu.memory_space<vmem>>, vector<2560x128xf32>
    tpu.vector_store %arg11[%swap3A, %swap3A_39], %mul3A_38 {strides = array<i32>} : memref<2560x128xf32, #tpu.memory_space<vmem>>, vector<2560x128xf32>,
    %get3A_41 = arith.constant 0 : index
    %get3A_42 = arith.constant 0 : index
    %get3A_43 = vector.load %arg7[%get3A_41, %get3A_42] : memref<128x1xf32, #tpu.memory_space<vmem>>, vector<128x1xf32>
    %reshape3A = vector.shape_cast %get3A_43 : vector<128x1xf32> to vector<1x128xf32>
    %dot_general3A_44 = arith.constant dense<0.000000e+00> : vector<1x2560xf32>
    %dot_general3A_45 = tpu.matmul %reshape3A, %get3A_15, %dot_general3A_44 {dimension_numbers = #tpu.dot_dimension_numbers<[1], [1], [0], [0], [0, 0, 1, 0], [], []>, transpose_lhs_hint = false} : vector<1x128xf32>, vector<2560x128xf32>, vector<1x2560xf32> -> vector<1x2560xf32>
    %add3A_46 = vector.broadcast %add3A : f32 to vector<1x2560xf32>
    %add3A_47 = arith.addf %dot_general3A_45, %add3A_46 : vector<1x2560xf32>
    %exp3A_48 = math.exp %add3A_47 : vector<1x2560xf32>
    %get3A_49 = arith.constant 0 : index
    %get3A_50 = arith.constant 0 : index
    %get3A_51 = arith.constant 0 : index
    %get3A_52 = vector.load %arg3[%get3A_49, %get3A_50, %get3A_51] : memref<1x1x2560xi32, #tpu.memory_space<vmem>>, vector<1x1x2560xi32>
    %get3A_53 = vector.shape_cast %get3A_52 : vector<1x1x2560xi32> to vector<1x2560xi32>
    %jit3A = arith.constant 128 : i32
    %div3A = vector.broadcast %jit3A : i32 to vector<1x2560xi32>
    %div3A_54 = arith.divsi %get3A_53, %div3A : vector<1x2560xi32>
    %sign3A = arith.constant 0 : i32
    %sign3A_55 = vector.broadcast %sign3A : i32 to vector<1x2560xi32>
    %sign3A_56 = arith.cmpi sgt, %get3A_53, %sign3A_55 : vector<1x2560xi32>
    %sign3A_57 = arith.extui %sign3A_56 : vector<1x2560xi1> to vector<1x2560xi32>
    %sign3A_58 = arith.constant 0 : i32
    %sign3A_59 = vector.broadcast %sign3A_58 : i32 to vector<1x2560xi32>
    %sign3A_60 = arith.cmpi slt, %get3A_53, %sign3A_59 : vector<1x2560xi32>
    %sign3A_61 = arith.extui %sign3A_60 : vector<1x2560xi1> to vector<1x2560xi32>
    %sign3A_62 = arith.subi %sign3A_57, %sign3A_61 : vector<1x2560xi32>
    %sign3A_63 = arith.constant 0 : i32
    %sign3A_64 = arith.cmpi sgt, %jit3A, %sign3A_63 : i32
    %sign3A_65 = arith.extui %sign3A_64 : i1 to i32
    %sign3A_66 = arith.constant 0 : i32
    %sign3A_67 = arith.cmpi slt, %jit3A, %sign3A_66 : i32
    %sign3A_68 = arith.extui %sign3A_67 : i1 to i32
    %sign3A_69 = arith.subi %sign3A_65, %sign3A_68 : i32
    %ne3A = vector.broadcast %sign3A_69 : i32 to vector<1x2560xi32>
    %ne3A_70 = arith.cmpi ne, %sign3A_62, %ne3A : vector<1x2560xi32>
    %rem3A = vector.broadcast %jit3A : i32 to vector<1x2560xi32>
    %rem3A_71 = arith.remsi %get3A_53, %rem3A : vector<1x2560xi32>
    %ne3A_72 = arith.constant 0 : i32
    %ne3A_73 = vector.broadcast %ne3A_72 : i32 to vector<1x2560xi32>
    %ne3A_74 = arith.cmpi ne, %rem3A_71, %ne3A_73 : vector<1x2560xi32>
    %and3A = arith.andi %ne3A_70, %ne3A_74 : vector<1x2560xi1>
    %sub3A = arith.constant 1 : i32
    %sub3A_75 = vector.broadcast %sub3A : i32 to vector<1x2560xi32>
    %sub3A_76 = arith.subi %div3A_54, %sub3A_75 : vector<1x2560xi32>
    %select_n3A = arith.select %and3A, %sub3A_76, %div3A_54 : vector<1x2560xi1>, vector<1x2560xi32>
    %convert_element_type3A = arith.sitofp %select_n3A : vector<1x2560xi32> to vector<1x2560xf32>
    %jit3A_77 = arith.constant 128 : i32
    %eq3A = arith.constant 0 : i32
    %eq3A_78 = arith.cmpi eq, %jit3A_77, %eq3A : i32
    %jit3A_79 = arith.constant 1 : i32
    %select_n3A_80 = arith.select %eq3A_78, %jit3A_79, %jit3A_77 : i32
    %rem3A_81 = vector.broadcast %select_n3A_80 : i32 to vector<1x2560xi32>
    %rem3A_82 = arith.remsi %get3A_53, %rem3A_81 : vector<1x2560xi32>
    %ne3A_83 = arith.constant 0 : i32
    %ne3A_84 = vector.broadcast %ne3A_83 : i32 to vector<1x2560xi32>
    %ne3A_85 = arith.cmpi ne, %rem3A_82, %ne3A_84 : vector<1x2560xi32>
    %lt3A = arith.constant 0 : i32
    %lt3A_86 = vector.broadcast %lt3A : i32 to vector<1x2560xi32>
    %lt3A_87 = arith.cmpi slt, %rem3A_82, %lt3A_86 : vector<1x2560xi32>
    %lt3A_88 = arith.constant 0 : i32
    %lt3A_89 = arith.cmpi slt, %select_n3A_80, %lt3A_88 : i32
    %ne3A_90 = vector.broadcast %lt3A_89 : i1 to vector<1x2560xi1>
    %ne3A_91 = vector.broadcast %ne3A_90 : vector<1x2560xi1> to vector<1x2560xi1>
    %ne3A_92 = arith.xori %lt3A_87, %ne3A_91 : vector<1x2560xi1>
    %and3A_93 = arith.andi %ne3A_92, %ne3A_85 : vector<1x2560xi1>
    %add3A_94 = vector.broadcast %select_n3A_80 : i32 to vector<1x2560xi32>
    %add3A_95 = arith.addi %rem3A_82, %add3A_94 : vector<1x2560xi32>
    %select_n3A_96 = arith.select %and3A_93, %add3A_95, %rem3A_82 : vector<1x2560xi1>, vector<1x2560xi32>
    %convert_element_type3A_97 = arith.sitofp %select_n3A_96 : vector<1x2560xi32> to vector<1x2560xf32>
    %iota3A = tpu.iota {dimensions = array<i32: 0>} : vector<80x1xi32>
    %convert_element_type3A_98 = arith.sitofp %iota3A : vector<80x1xi32> to vector<80x1xf32>
    %iota3A_99 = tpu.iota {dimensions = array<i32: 0>} : vector<128x1xi32>
    %convert_element_type3A_100 = arith.sitofp %iota3A_99 : vector<128x1xi32> to vector<128x1xf32>
    %eq3A_101 = vector.broadcast %convert_element_type3A : vector<1x2560xf32> to vector<80x2560xf32>
    %eq3A_102 = vector.broadcast %convert_element_type3A_98 : vector<80x1xf32> to vector<80x2560xf32>
    %eq3A_103 = arith.cmpf oeq, %eq3A_101, %eq3A_102 : vector<80x2560xf32>
    %jit3A_104 = arith.constant 0.000000e+00 : f32
    %broadcast_in_dim3A = vector.shape_cast %exp3A_48 : vector<1x2560xf32> to vector<1x2560xf32>
    %broadcast_in_dim3A_105 = vector.broadcast %broadcast_in_dim3A : vector<1x2560xf32> to vector<80x2560xf32>
    %broadcast_in_dim3A_106 = vector.broadcast %jit3A_104 : f32 to vector<80x2560xf32>
    %select_n3A_107 = arith.select %eq3A_103, %broadcast_in_dim3A_105, %broadcast_in_dim3A_106 : vector<80x2560xi1>, vector<80x2560xf32>
    %eq3A_108 = vector.broadcast %convert_element_type3A_97 : vector<1x2560xf32> to vector<128x2560xf32>
    %eq3A_109 = vector.broadcast %convert_element_type3A_100 : vector<128x1xf32> to vector<128x2560xf32>
    %eq3A_110 = arith.cmpf oeq, %eq3A_108, %eq3A_109 : vector<128x2560xf32>
    %jit3A_111 = arith.constant 1.000000e+00 : f32
    %jit3A_112 = arith.constant 0.000000e+00 : f32
    %broadcast_in_dim3A_113 = vector.broadcast %jit3A_111 : f32 to vector<128x2560xf32>
    %broadcast_in_dim3A_114 = vector.broadcast %jit3A_112 : f32 to vector<128x2560xf32>
    %select_n3A_115 = arith.select %eq3A_110, %broadcast_in_dim3A_113, %broadcast_in_dim3A_114 : vector<128x2560xi1>, vector<128x2560xf32>
    %dot_general3A_116 = arith.constant dense<0.000000e+00> : vector<80x128xf32>
    %dot_general3A_117 = tpu.matmul %select_n3A_107, %select_n3A_115, %dot_general3A_116 {dimension_numbers = #tpu.dot_dimension_numbers<[1], [1], [0], [0], [0, 0, 1, 0], [], []>, transpose_lhs_hint = false} : vector<80x2560xf32>, vector<128x2560xf32>, vector<80x128xf32> -> vector<80x128xf32>
    %eq3A_118 = arith.constant 0 : i32
    %eq3A_119 = arith.cmpi eq, %arg0, %eq3A_118 : i32
    %convert_element_type3A_120 = arith.extui %eq3A_119 : i1 to i32
    %cond3A = arith.constant 0 : i32
    %cond3A_121 = arith.cmpi ne, %convert_element_type3A_120, %cond3A : i32
    scf.if %cond3A_121 {
      %get3A_129 = arith.constant 0 : index
      %get3A_130 = arith.constant 0 : index
      %get3A_131 = vector.load %arg4[%get3A_129, %get3A_130] : memref<80x128xf32, #tpu.memory_space<vmem>>, vector<80x128xf32>
      %swap3A_132 = arith.constant 0 : index
      %swap3A_133 = arith.constant 0 : index
      %swap3A_134 = vector.load %arg12[%swap3A_132, %swap3A_133] : memref<80x128xf32, #tpu.memory_space<vmem>>, vector<80x128xf32>
      tpu.vector_store %arg12[%swap3A_132, %swap3A_133], %get3A_131 {strides = array<i32>} : memref<80x128xf32, #tpu.memory_space<vmem>>, vector<80x128xf32>,
    } else {
    }
    %get3A_122 = arith.constant 0 : index
    %get3A_123 = arith.constant 0 : index
    %get3A_124 = vector.load %arg12[%get3A_122, %get3A_123] : memref<80x128xf32, #tpu.memory_space<vmem>>, vector<80x128xf32>
    %add3A_125 = arith.addf %get3A_124, %dot_general3A_117 : vector<80x128xf32>
    %swap3A_126 = arith.constant 0 : index
    %swap3A_127 = arith.constant 0 : index
    %swap3A_128 = vector.load %arg12[%swap3A_126, %swap3A_127] : memref<80x128xf32, #tpu.memory_space<vmem>>, vector<80x128xf32>
    tpu.vector_store %arg12[%swap3A_126, %swap3A_127], %add3A_125 {strides = array<i32>} : memref<80x128xf32, #tpu.memory_space<vmem>>, vector<80x128xf32>,
    return
  }
  func.func @transform_0(%arg0: i32) -> (i32, i32) {
    %add3A = arith.constant 34 : i32
    %add3A_0 = arith.addi %arg0, %add3A : i32
    %c0_i32 = arith.constant 0 : i32
    %c0_i32_1 = arith.constant 0 : i32
    return %add3A_0, %c0_i32 : i32, i32
  }
  func.func @transform_1(%arg0: i32) -> (i32, i32) {
    %add3A = arith.constant 34 : i32
    %add3A_0 = arith.addi %arg0, %add3A : i32
    %c0_i32 = arith.constant 0 : i32
    %c0_i32_1 = arith.constant 0 : i32
    return %add3A_0, %c0_i32 : i32, i32
  }
  func.func @transform_2(%arg0: i32) -> (i32, i32, i32) {
    %add3A = arith.constant 34 : i32
    %add3A_0 = arith.addi %arg0, %add3A : i32
    %c0_i32 = arith.constant 0 : i32
    %c0_i32_1 = arith.constant 0 : i32
    %c0_i32_2 = arith.constant 0 : i32
    return %add3A_0, %c0_i32, %c0_i32_1 : i32, i32, i32
  }
  func.func @transform_3(%arg0: i32) -> (i32, i32) {
    %c0_i32 = arith.constant 0 : i32
    %c0_i32_0 = arith.constant 0 : i32
    %c0_i32_1 = arith.constant 0 : i32
    return %c0_i32, %c0_i32_0 : i32, i32
  }
  func.func @transform_4(%arg0: i32) -> (i32, i32) {
    %c0_i32 = arith.constant 0 : i32
    %c0_i32_0 = arith.constant 0 : i32
    %c0_i32_1 = arith.constant 0 : i32
    return %c0_i32, %c0_i32_0 : i32, i32
  }
  func.func @transform_5(%arg0: i32) -> (i32, i32) {
    %c0_i32 = arith.constant 0 : i32
    %c0_i32_0 = arith.constant 0 : i32
    %c0_i32_1 = arith.constant 0 : i32
    return %c0_i32, %c0_i32_0 : i32, i32
  }
  func.func @transform_6(%arg0: i32) -> (i32, i32) {
    %c0_i32 = arith.constant 0 : i32
    %c0_i32_0 = arith.constant 0 : i32
    %c0_i32_1 = arith.constant 0 : i32
    return %c0_i32, %c0_i32_0 : i32, i32
  }
  func.func @transform_7(%arg0: i32) -> (i32, i32) {
    %c0_i32 = arith.constant 0 : i32
    %c0_i32_0 = arith.constant 0 : i32
    %c0_i32_1 = arith.constant 0 : i32
    return %c0_i32, %c0_i32_0 : i32, i32
  }
  func.func @transform_8(%arg0: i32) -> (i32, i32) {
    %c0_i32 = arith.constant 0 : i32
    %c0_i32_0 = arith.constant 0 : i32
    %c0_i32_1 = arith.constant 0 : i32
    return %c0_i32, %c0_i32_0 : i32, i32
  }
  func.func @transform_9(%arg0: i32) -> (i32, i32) {
    %c0_i32 = arith.constant 0 : i32
    %c0_i32_0 = arith.constant 0 : i32
    %c0_i32_1 = arith.constant 0 : i32
    return %c0_i32, %c0_i32_0 : i32, i32
  }
  func.func @transform_10(%arg0: i32) -> (i32, i32) {
    %c0_i32 = arith.constant 0 : i32
    %c0_i32_0 = arith.constant 0 : i32
    return %arg0, %c0_i32 : i32, i32
  }
  func.func @transform_11(%arg0: i32) -> (i32, i32) {
    %c0_i32 = arith.constant 0 : i32
    %c0_i32_0 = arith.constant 0 : i32
    %c0_i32_1 = arith.constant 0 : i32
    return %c0_i32, %c0_i32_0 : i32, i32
  }
}

module attributes {stable_mosaic.version = 14 : i64} {
  func.func @_emb_body(%arg0: i32, %arg1: memref<2560x128xf32, #tpu.memory_space<vmem>>, %arg2: memref<2560x128xf32, #tpu.memory_space<vmem>>, %arg3: memref<1x1x2560xi32, #tpu.memory_space<vmem>>, %arg4: memref<80x128xf32, #tpu.memory_space<vmem>>, %arg5: memref<128x128xf32, #tpu.memory_space<vmem>>, %arg6: memref<1x128xf32, #tpu.memory_space<vmem>>, %arg7: memref<128x1xf32, #tpu.memory_space<vmem>>, %arg8: memref<1x64xf32, #tpu.memory_space<vmem>>, %arg9: memref<1x64xf32, #tpu.memory_space<vmem>>, %arg10: memref<1x1xf32, #tpu.memory_space<vmem>>, %arg11: memref<2560x128xf32, #tpu.memory_space<vmem>>, %arg12: memref<80x128xf32, #tpu.memory_space<vmem>>) attributes {dimension_semantics = [#tpu.dimension_semantics<arbitrary>], iteration_bounds = array<i64: 34>, scalar_prefetch = 0 : i64, scratch_operands = 0 : i64, tpu.core_type = #tpu.core_type<tc>, window_params = [{transform_indices = @transform_0, window_bounds = array<i64: 2560, 128>}, {transform_indices = @transform_1, window_bounds = array<i64: 2560, 128>}, {transform_indices = @transform_2, window_bounds = array<i64: 1, 1, 2560>}, {pipeline_mode = #tpu.pipeline_mode<synchronous>, transform_indices = @transform_3, window_bounds = array<i64: 80, 128>}, {pipeline_mode = #tpu.pipeline_mode<synchronous>, transform_indices = @transform_4, window_bounds = array<i64: 128, 128>}, {pipeline_mode = #tpu.pipeline_mode<synchronous>, transform_indices = @transform_5, window_bounds = array<i64: 1, 128>}, {pipeline_mode = #tpu.pipeline_mode<synchronous>, transform_indices = @transform_6, window_bounds = array<i64: 128, 1>}, {pipeline_mode = #tpu.pipeline_mode<synchronous>, transform_indices = @transform_7, window_bounds = array<i64: 1, 64>}, {pipeline_mode = #tpu.pipeline_mode<synchronous>, transform_indices = @transform_8, window_bounds = array<i64: 1, 64>}, {pipeline_mode = #tpu.pipeline_mode<synchronous>, transform_indices = @transform_9, window_bounds = array<i64: 1, 1>}, {transform_indices = @transform_10, window_bounds = array<i64: 2560, 128>}, {pipeline_mode = #tpu.pipeline_mode<synchronous>, transform_indices = @transform_11, window_bounds = array<i64: 80, 128>}]} {
    %get3A = arith.constant 0 : index
    %get3A_0 = arith.constant 0 : index
    %get3A_1 = vector.load %arg9[%get3A, %get3A_0] : memref<1x64xf32, #tpu.memory_space<vmem>>, vector<1x64xf32>
    %get3A_2 = arith.constant 0 : index
    %get3A_3 = arith.constant 0 : index
    %get3A_4 = vector.load %arg8[%get3A_2, %get3A_3] : memref<1x64xf32, #tpu.memory_space<vmem>>, vector<1x64xf32>
    %mul3A = arith.mulf %get3A_1, %get3A_4 : vector<1x64xf32>
    %reduce_sum3A = vector.shape_cast %mul3A : vector<1x64xf32> to vector<1x1x64xf32>
    %reduce_sum3A_5 = arith.constant dense<0.000000e+00> : vector<1xf32>
    %reduce_sum3A_6 = vector.multi_reduction <add>, %reduce_sum3A, %reduce_sum3A_5 [1, 2] : vector<1x1x64xf32> to vector<1xf32>
    %reduce_sum3A_7 = vector.shape_cast %reduce_sum3A_6 : vector<1xf32> to vector<1x1x1xf32>
    %reduce_sum3A_8 = vector.extract %reduce_sum3A_7[0, 0, 0] : f32 from vector<1x1x1xf32>
    %get3A_9 = arith.constant 0 : index
    %get3A_10 = arith.constant 0 : index
    %get3A_11 = vector.load %arg10[%get3A_9, %get3A_10] : memref<1x1xf32, #tpu.memory_space<vmem>>, vector<1x1xf32>
    %get3A_12 = vector.extract %get3A_11[0, 0] : f32 from vector<1x1xf32>
    %add3A = arith.addf %reduce_sum3A_8, %get3A_12 : f32
    %get3A_13 = arith.constant 0 : index
    %get3A_14 = arith.constant 0 : index
    %get3A_15 = vector.load %arg1[%get3A_13, %get3A_14] : memref<2560x128xf32, #tpu.memory_space<vmem>>, vector<2560x128xf32>
    %get3A_16 = arith.constant 0 : index
    %get3A_17 = arith.constant 0 : index
    %get3A_18 = vector.load %arg7[%get3A_16, %get3A_17] : memref<128x1xf32, #tpu.memory_space<vmem>>, vector<128x1xf32>
    %dot_general3A = arith.constant dense<0.000000e+00> : vector<2560x1xf32>
    %dot_general3A_19 = tpu.matmul %get3A_15, %get3A_18, %dot_general3A {dimension_numbers = #tpu.dot_dimension_numbers<[1], [0], [0], [1], [0, 0, 1, 1], [], []>, transpose_lhs_hint = false} : vector<2560x128xf32>, vector<128x1xf32>, vector<2560x1xf32> -> vector<2560x1xf32>
    %add3A_20 = vector.broadcast %add3A : f32 to vector<2560x1xf32>
    %add3A_21 = arith.addf %dot_general3A_19, %add3A_20 : vector<2560x1xf32>
    %exp3A = math.exp %add3A_21 : vector<2560x1xf32>
    %get3A_22 = arith.constant 0 : index
    %get3A_23 = arith.constant 0 : index
    %get3A_24 = vector.load %arg2[%get3A_22, %get3A_23] : memref<2560x128xf32, #tpu.memory_space<vmem>>, vector<2560x128xf32>
    %get3A_25 = arith.constant 0 : index
    %get3A_26 = arith.constant 0 : index
    %get3A_27 = vector.load %arg5[%get3A_25, %get3A_26] : memref<128x128xf32, #tpu.memory_space<vmem>>, vector<128x128xf32>
    %dot_general3A_28 = arith.constant dense<0.000000e+00> : vector<2560x128xf32>
    %dot_general3A_29 = tpu.matmul %get3A_24, %get3A_27, %dot_general3A_28 {dimension_numbers = #tpu.dot_dimension_numbers<[1], [0], [0], [1], [0, 0, 1, 1], [], []>, transpose_lhs_hint = false} : vector<2560x128xf32>, vector<128x128xf32>, vector<2560x128xf32> -> vector<2560x128xf32>
    %get3A_30 = arith.constant 0 : index
    %get3A_31 = arith.constant 0 : index
    %get3A_32 = vector.load %arg6[%get3A_30, %get3A_31] : memref<1x128xf32, #tpu.memory_space<vmem>>, vector<1x128xf32>
    %add3A_33 = vector.broadcast %get3A_32 : vector<1x128xf32> to vector<2560x128xf32>
    %add3A_34 = arith.addf %dot_general3A_29, %add3A_33 : vector<2560x128xf32>
    %max3A = arith.constant 0.000000e+00 : f32
    %max3A_35 = vector.broadcast %max3A : f32 to vector<2560x128xf32>
    %max3A_36 = arith.maximumf %add3A_34, %max3A_35 : vector<2560x128xf32>
    %mul3A_37 = vector.broadcast %exp3A : vector<2560x1xf32> to vector<2560x128xf32>
    %mul3A_38 = arith.mulf %max3A_36, %mul3A_37 : vector<2560x128xf32>
    %swap3A = arith.constant 0 : index
    %swap3A_39 = arith.constant 0 : index
    %swap3A_40 = vector.load %arg11[%swap3A, %swap3A_39] : memref<2560x128xf32, #tpu.memory_space<vmem>>, vector<2560x128xf32>
    tpu.vector_store %arg11[%swap3A, %swap3A_39], %mul3A_38 {strides = array<i32>} : memref<2560x128xf32, #tpu.memory_space<vmem>>, vector<2560x128xf32>,
    %get3A_41 = arith.constant 0 : index
    %get3A_42 = arith.constant 0 : index
    %get3A_43 = vector.load %arg7[%get3A_41, %get3A_42] : memref<128x1xf32, #tpu.memory_space<vmem>>, vector<128x1xf32>
    %reshape3A = vector.shape_cast %get3A_43 : vector<128x1xf32> to vector<1x128xf32>
    %dot_general3A_44 = arith.constant dense<0.000000e+00> : vector<1x2560xf32>
    %dot_general3A_45 = tpu.matmul %reshape3A, %get3A_15, %dot_general3A_44 {dimension_numbers = #tpu.dot_dimension_numbers<[1], [1], [0], [0], [0, 0, 1, 0], [], []>, transpose_lhs_hint = false} : vector<1x128xf32>, vector<2560x128xf32>, vector<1x2560xf32> -> vector<1x2560xf32>
    %add3A_46 = vector.broadcast %add3A : f32 to vector<1x2560xf32>
    %add3A_47 = arith.addf %dot_general3A_45, %add3A_46 : vector<1x2560xf32>
    %exp3A_48 = math.exp %add3A_47 : vector<1x2560xf32>
    %get3A_49 = arith.constant 0 : index
    %get3A_50 = arith.constant 0 : index
    %get3A_51 = arith.constant 0 : index
    %get3A_52 = vector.load %arg3[%get3A_49, %get3A_50, %get3A_51] : memref<1x1x2560xi32, #tpu.memory_space<vmem>>, vector<1x1x2560xi32>
    %get3A_53 = vector.shape_cast %get3A_52 : vector<1x1x2560xi32> to vector<1x2560xi32>
    %jit3A = arith.constant 128 : i32
    %div3A = vector.broadcast %jit3A : i32 to vector<1x2560xi32>
    %div3A_54 = arith.divsi %get3A_53, %div3A : vector<1x2560xi32>
    %sign3A = arith.constant 0 : i32
    %sign3A_55 = vector.broadcast %sign3A : i32 to vector<1x2560xi32>
    %sign3A_56 = arith.cmpi sgt, %get3A_53, %sign3A_55 : vector<1x2560xi32>
    %sign3A_57 = arith.extui %sign3A_56 : vector<1x2560xi1> to vector<1x2560xi32>
    %sign3A_58 = arith.constant 0 : i32
    %sign3A_59 = vector.broadcast %sign3A_58 : i32 to vector<1x2560xi32>
    %sign3A_60 = arith.cmpi slt, %get3A_53, %sign3A_59 : vector<1x2560xi32>
    %sign3A_61 = arith.extui %sign3A_60 : vector<1x2560xi1> to vector<1x2560xi32>
    %sign3A_62 = arith.subi %sign3A_57, %sign3A_61 : vector<1x2560xi32>
    %sign3A_63 = arith.constant 0 : i32
    %sign3A_64 = arith.cmpi sgt, %jit3A, %sign3A_63 : i32
    %sign3A_65 = arith.extui %sign3A_64 : i1 to i32
    %sign3A_66 = arith.constant 0 : i32
    %sign3A_67 = arith.cmpi slt, %jit3A, %sign3A_66 : i32
    %sign3A_68 = arith.extui %sign3A_67 : i1 to i32
    %sign3A_69 = arith.subi %sign3A_65, %sign3A_68 : i32
    %ne3A = vector.broadcast %sign3A_69 : i32 to vector<1x2560xi32>
    %ne3A_70 = arith.cmpi ne, %sign3A_62, %ne3A : vector<1x2560xi32>
    %rem3A = vector.broadcast %jit3A : i32 to vector<1x2560xi32>
    %rem3A_71 = arith.remsi %get3A_53, %rem3A : vector<1x2560xi32>
    %ne3A_72 = arith.constant 0 : i32
    %ne3A_73 = vector.broadcast %ne3A_72 : i32 to vector<1x2560xi32>
    %ne3A_74 = arith.cmpi ne, %rem3A_71, %ne3A_73 : vector<1x2560xi32>
    %and3A = arith.andi %ne3A_70, %ne3A_74 : vector<1x2560xi1>
    %sub3A = arith.constant 1 : i32
    %sub3A_75 = vector.broadcast %sub3A : i32 to vector<1x2560xi32>
    %sub3A_76 = arith.subi %div3A_54, %sub3A_75 : vector<1x2560xi32>
    %select_n3A = arith.select %and3A, %sub3A_76, %div3A_54 : vector<1x2560xi1>, vector<1x2560xi32>
    %convert_element_type3A = arith.sitofp %select_n3A : vector<1x2560xi32> to vector<1x2560xf32>
    %jit3A_77 = arith.constant 128 : i32
    %eq3A = arith.constant 0 : i32
    %eq3A_78 = arith.cmpi eq, %jit3A_77, %eq3A : i32
    %jit3A_79 = arith.constant 1 : i32
    %select_n3A_80 = arith.select %eq3A_78, %jit3A_79, %jit3A_77 : i32
    %rem3A_81 = vector.broadcast %select_n3A_80 : i32 to vector<1x2560xi32>
    %rem3A_82 = arith.remsi %get3A_53, %rem3A_81 : vector<1x2560xi32>
    %ne3A_83 = arith.constant 0 : i32
    %ne3A_84 = vector.broadcast %ne3A_83 : i32 to vector<1x2560xi32>
    %ne3A_85 = arith.cmpi ne, %rem3A_82, %ne3A_84 : vector<1x2560xi32>
    %lt3A = arith.constant 0 : i32
    %lt3A_86 = vector.broadcast %lt3A : i32 to vector<1x2560xi32>
    %lt3A_87 = arith.cmpi slt, %rem3A_82, %lt3A_86 : vector<1x2560xi32>
    %lt3A_88 = arith.constant 0 : i32
    %lt3A_89 = arith.cmpi slt, %select_n3A_80, %lt3A_88 : i32
    %ne3A_90 = vector.broadcast %lt3A_89 : i1 to vector<1x2560xi1>
    %ne3A_91 = vector.broadcast %ne3A_90 : vector<1x2560xi1> to vector<1x2560xi1>
    %ne3A_92 = arith.xori %lt3A_87, %ne3A_91 : vector<1x2560xi1>
    %and3A_93 = arith.andi %ne3A_92, %ne3A_85 : vector<1x2560xi1>
    %add3A_94 = vector.broadcast %select_n3A_80 : i32 to vector<1x2560xi32>
    %add3A_95 = arith.addi %rem3A_82, %add3A_94 : vector<1x2560xi32>
    %select_n3A_96 = arith.select %and3A_93, %add3A_95, %rem3A_82 : vector<1x2560xi1>, vector<1x2560xi32>
    %convert_element_type3A_97 = arith.sitofp %select_n3A_96 : vector<1x2560xi32> to vector<1x2560xf32>
    %iota3A = tpu.iota {dimensions = array<i32: 0>} : vector<80x1xi32>
    %convert_element_type3A_98 = arith.sitofp %iota3A : vector<80x1xi32> to vector<80x1xf32>
    %iota3A_99 = tpu.iota {dimensions = array<i32: 0>} : vector<128x1xi32>
    %convert_element_type3A_100 = arith.sitofp %iota3A_99 : vector<128x1xi32> to vector<128x1xf32>
    %eq3A_101 = vector.broadcast %convert_element_type3A : vector<1x2560xf32> to vector<80x2560xf32>
    %eq3A_102 = vector.broadcast %convert_element_type3A_98 : vector<80x1xf32> to vector<80x2560xf32>
    %eq3A_103 = arith.cmpf oeq, %eq3A_101, %eq3A_102 : vector<80x2560xf32>
    %jit3A_104 = arith.constant 0.000000e+00 : f32
    %broadcast_in_dim3A = vector.shape_cast %exp3A_48 : vector<1x2560xf32> to vector<1x2560xf32>
    %broadcast_in_dim3A_105 = vector.broadcast %broadcast_in_dim3A : vector<1x2560xf32> to vector<80x2560xf32>
    %broadcast_in_dim3A_106 = vector.broadcast %jit3A_104 : f32 to vector<80x2560xf32>
    %select_n3A_107 = arith.select %eq3A_103, %broadcast_in_dim3A_105, %broadcast_in_dim3A_106 : vector<80x2560xi1>, vector<80x2560xf32>
    %eq3A_108 = vector.broadcast %convert_element_type3A_97 : vector<1x2560xf32> to vector<128x2560xf32>
    %eq3A_109 = vector.broadcast %convert_element_type3A_100 : vector<128x1xf32> to vector<128x2560xf32>
    %eq3A_110 = arith.cmpf oeq, %eq3A_108, %eq3A_109 : vector<128x2560xf32>
    %jit3A_111 = arith.constant 1.000000e+00 : f32
    %jit3A_112 = arith.constant 0.000000e+00 : f32
    %broadcast_in_dim3A_113 = vector.broadcast %jit3A_111 : f32 to vector<128x2560xf32>
    %broadcast_in_dim3A_114 = vector.broadcast %jit3A_112 : f32 to vector<128x2560xf32>
    %select_n3A_115 = arith.select %eq3A_110, %broadcast_in_dim3A_113, %broadcast_in_dim3A_114 : vector<128x2560xi1>, vector<128x2560xf32>
    %dot_general3A_116 = arith.constant dense<0.000000e+00> : vector<80x128xf32>
    %dot_general3A_117 = tpu.matmul %select_n3A_107, %select_n3A_115, %dot_general3A_116 {dimension_numbers = #tpu.dot_dimension_numbers<[1], [1], [0], [0], [0, 0, 1, 0], [], []>, transpose_lhs_hint = false} : vector<80x2560xf32>, vector<128x2560xf32>, vector<80x128xf32> -> vector<80x128xf32>
    %eq3A_118 = arith.constant 0 : i32
    %eq3A_119 = arith.cmpi eq, %arg0, %eq3A_118 : i32
    %convert_element_type3A_120 = arith.extui %eq3A_119 : i1 to i32
    %cond3A = arith.constant 0 : i32
    %cond3A_121 = arith.cmpi ne, %convert_element_type3A_120, %cond3A : i32
    scf.if %cond3A_121 {
      %get3A_129 = arith.constant 0 : index
      %get3A_130 = arith.constant 0 : index
      %get3A_131 = vector.load %arg4[%get3A_129, %get3A_130] : memref<80x128xf32, #tpu.memory_space<vmem>>, vector<80x128xf32>
      %swap3A_132 = arith.constant 0 : index
      %swap3A_133 = arith.constant 0 : index
      %swap3A_134 = vector.load %arg12[%swap3A_132, %swap3A_133] : memref<80x128xf32, #tpu.memory_space<vmem>>, vector<80x128xf32>
      tpu.vector_store %arg12[%swap3A_132, %swap3A_133], %get3A_131 {strides = array<i32>} : memref<80x128xf32, #tpu.memory_space<vmem>>, vector<80x128xf32>,
    } else {
    }
    %get3A_122 = arith.constant 0 : index
    %get3A_123 = arith.constant 0 : index
    %get3A_124 = vector.load %arg12[%get3A_122, %get3A_123] : memref<80x128xf32, #tpu.memory_space<vmem>>, vector<80x128xf32>
    %add3A_125 = arith.addf %get3A_124, %dot_general3A_117 : vector<80x128xf32>
    %swap3A_126 = arith.constant 0 : index
    %swap3A_127 = arith.constant 0 : index
    %swap3A_128 = vector.load %arg12[%swap3A_126, %swap3A_127] : memref<80x128xf32, #tpu.memory_space<vmem>>, vector<80x128xf32>
    tpu.vector_store %arg12[%swap3A_126, %swap3A_127], %add3A_125 {strides = array<i32>} : memref<80x128xf32, #tpu.memory_space<vmem>>, vector<80x128xf32>,
    return
  }
  func.func @transform_0(%arg0: i32) -> (i32, i32) {
    %add3A = arith.constant 68 : i32
    %add3A_0 = arith.addi %arg0, %add3A : i32
    %c0_i32 = arith.constant 0 : i32
    %c0_i32_1 = arith.constant 0 : i32
    return %add3A_0, %c0_i32 : i32, i32
  }
  func.func @transform_1(%arg0: i32) -> (i32, i32) {
    %add3A = arith.constant 68 : i32
    %add3A_0 = arith.addi %arg0, %add3A : i32
    %c0_i32 = arith.constant 0 : i32
    %c0_i32_1 = arith.constant 0 : i32
    return %add3A_0, %c0_i32 : i32, i32
  }
  func.func @transform_2(%arg0: i32) -> (i32, i32, i32) {
    %add3A = arith.constant 68 : i32
    %add3A_0 = arith.addi %arg0, %add3A : i32
    %c0_i32 = arith.constant 0 : i32
    %c0_i32_1 = arith.constant 0 : i32
    %c0_i32_2 = arith.constant 0 : i32
    return %add3A_0, %c0_i32, %c0_i32_1 : i32, i32, i32
  }
  func.func @transform_3(%arg0: i32) -> (i32, i32) {
    %c0_i32 = arith.constant 0 : i32
    %c0_i32_0 = arith.constant 0 : i32
    %c0_i32_1 = arith.constant 0 : i32
    return %c0_i32, %c0_i32_0 : i32, i32
  }
  func.func @transform_4(%arg0: i32) -> (i32, i32) {
    %c0_i32 = arith.constant 0 : i32
    %c0_i32_0 = arith.constant 0 : i32
    %c0_i32_1 = arith.constant 0 : i32
    return %c0_i32, %c0_i32_0 : i32, i32
  }
  func.func @transform_5(%arg0: i32) -> (i32, i32) {
    %c0_i32 = arith.constant 0 : i32
    %c0_i32_0 = arith.constant 0 : i32
    %c0_i32_1 = arith.constant 0 : i32
    return %c0_i32, %c0_i32_0 : i32, i32
  }
  func.func @transform_6(%arg0: i32) -> (i32, i32) {
    %c0_i32 = arith.constant 0 : i32
    %c0_i32_0 = arith.constant 0 : i32
    %c0_i32_1 = arith.constant 0 : i32
    return %c0_i32, %c0_i32_0 : i32, i32
  }
  func.func @transform_7(%arg0: i32) -> (i32, i32) {
    %c0_i32 = arith.constant 0 : i32
    %c0_i32_0 = arith.constant 0 : i32
    %c0_i32_1 = arith.constant 0 : i32
    return %c0_i32, %c0_i32_0 : i32, i32
  }
  func.func @transform_8(%arg0: i32) -> (i32, i32) {
    %c0_i32 = arith.constant 0 : i32
    %c0_i32_0 = arith.constant 0 : i32
    %c0_i32_1 = arith.constant 0 : i32
    return %c0_i32, %c0_i32_0 : i32, i32
  }
  func.func @transform_9(%arg0: i32) -> (i32, i32) {
    %c0_i32 = arith.constant 0 : i32
    %c0_i32_0 = arith.constant 0 : i32
    %c0_i32_1 = arith.constant 0 : i32
    return %c0_i32, %c0_i32_0 : i32, i32
  }
  func.func @transform_10(%arg0: i32) -> (i32, i32) {
    %c0_i32 = arith.constant 0 : i32
    %c0_i32_0 = arith.constant 0 : i32
    return %arg0, %c0_i32 : i32, i32
  }
  func.func @transform_11(%arg0: i32) -> (i32, i32) {
    %c0_i32 = arith.constant 0 : i32
    %c0_i32_0 = arith.constant 0 : i32
    %c0_i32_1 = arith.constant 0 : i32
    return %c0_i32, %c0_i32_0 : i32, i32
  }
}

module attributes {stable_mosaic.version = 14 : i64} {
  func.func @_emb_body(%arg0: i32, %arg1: memref<2560x128xf32, #tpu.memory_space<vmem>>, %arg2: memref<2560x128xf32, #tpu.memory_space<vmem>>, %arg3: memref<1x1x2560xi32, #tpu.memory_space<vmem>>, %arg4: memref<80x128xf32, #tpu.memory_space<vmem>>, %arg5: memref<128x128xf32, #tpu.memory_space<vmem>>, %arg6: memref<1x128xf32, #tpu.memory_space<vmem>>, %arg7: memref<128x1xf32, #tpu.memory_space<vmem>>, %arg8: memref<1x64xf32, #tpu.memory_space<vmem>>, %arg9: memref<1x64xf32, #tpu.memory_space<vmem>>, %arg10: memref<1x1xf32, #tpu.memory_space<vmem>>, %arg11: memref<2560x128xf32, #tpu.memory_space<vmem>>, %arg12: memref<80x128xf32, #tpu.memory_space<vmem>>) attributes {dimension_semantics = [#tpu.dimension_semantics<arbitrary>], iteration_bounds = array<i64: 23>, scalar_prefetch = 0 : i64, scratch_operands = 0 : i64, tpu.core_type = #tpu.core_type<tc>, window_params = [{transform_indices = @transform_0, window_bounds = array<i64: 2560, 128>}, {transform_indices = @transform_1, window_bounds = array<i64: 2560, 128>}, {transform_indices = @transform_2, window_bounds = array<i64: 1, 1, 2560>}, {pipeline_mode = #tpu.pipeline_mode<synchronous>, transform_indices = @transform_3, window_bounds = array<i64: 80, 128>}, {pipeline_mode = #tpu.pipeline_mode<synchronous>, transform_indices = @transform_4, window_bounds = array<i64: 128, 128>}, {pipeline_mode = #tpu.pipeline_mode<synchronous>, transform_indices = @transform_5, window_bounds = array<i64: 1, 128>}, {pipeline_mode = #tpu.pipeline_mode<synchronous>, transform_indices = @transform_6, window_bounds = array<i64: 128, 1>}, {pipeline_mode = #tpu.pipeline_mode<synchronous>, transform_indices = @transform_7, window_bounds = array<i64: 1, 64>}, {pipeline_mode = #tpu.pipeline_mode<synchronous>, transform_indices = @transform_8, window_bounds = array<i64: 1, 64>}, {pipeline_mode = #tpu.pipeline_mode<synchronous>, transform_indices = @transform_9, window_bounds = array<i64: 1, 1>}, {transform_indices = @transform_10, window_bounds = array<i64: 2560, 128>}, {pipeline_mode = #tpu.pipeline_mode<synchronous>, transform_indices = @transform_11, window_bounds = array<i64: 80, 128>}]} {
    %get3A = arith.constant 0 : index
    %get3A_0 = arith.constant 0 : index
    %get3A_1 = vector.load %arg9[%get3A, %get3A_0] : memref<1x64xf32, #tpu.memory_space<vmem>>, vector<1x64xf32>
    %get3A_2 = arith.constant 0 : index
    %get3A_3 = arith.constant 0 : index
    %get3A_4 = vector.load %arg8[%get3A_2, %get3A_3] : memref<1x64xf32, #tpu.memory_space<vmem>>, vector<1x64xf32>
    %mul3A = arith.mulf %get3A_1, %get3A_4 : vector<1x64xf32>
    %reduce_sum3A = vector.shape_cast %mul3A : vector<1x64xf32> to vector<1x1x64xf32>
    %reduce_sum3A_5 = arith.constant dense<0.000000e+00> : vector<1xf32>
    %reduce_sum3A_6 = vector.multi_reduction <add>, %reduce_sum3A, %reduce_sum3A_5 [1, 2] : vector<1x1x64xf32> to vector<1xf32>
    %reduce_sum3A_7 = vector.shape_cast %reduce_sum3A_6 : vector<1xf32> to vector<1x1x1xf32>
    %reduce_sum3A_8 = vector.extract %reduce_sum3A_7[0, 0, 0] : f32 from vector<1x1x1xf32>
    %get3A_9 = arith.constant 0 : index
    %get3A_10 = arith.constant 0 : index
    %get3A_11 = vector.load %arg10[%get3A_9, %get3A_10] : memref<1x1xf32, #tpu.memory_space<vmem>>, vector<1x1xf32>
    %get3A_12 = vector.extract %get3A_11[0, 0] : f32 from vector<1x1xf32>
    %add3A = arith.addf %reduce_sum3A_8, %get3A_12 : f32
    %get3A_13 = arith.constant 0 : index
    %get3A_14 = arith.constant 0 : index
    %get3A_15 = vector.load %arg1[%get3A_13, %get3A_14] : memref<2560x128xf32, #tpu.memory_space<vmem>>, vector<2560x128xf32>
    %get3A_16 = arith.constant 0 : index
    %get3A_17 = arith.constant 0 : index
    %get3A_18 = vector.load %arg7[%get3A_16, %get3A_17] : memref<128x1xf32, #tpu.memory_space<vmem>>, vector<128x1xf32>
    %dot_general3A = arith.constant dense<0.000000e+00> : vector<2560x1xf32>
    %dot_general3A_19 = tpu.matmul %get3A_15, %get3A_18, %dot_general3A {dimension_numbers = #tpu.dot_dimension_numbers<[1], [0], [0], [1], [0, 0, 1, 1], [], []>, transpose_lhs_hint = false} : vector<2560x128xf32>, vector<128x1xf32>, vector<2560x1xf32> -> vector<2560x1xf32>
    %add3A_20 = vector.broadcast %add3A : f32 to vector<2560x1xf32>
    %add3A_21 = arith.addf %dot_general3A_19, %add3A_20 : vector<2560x1xf32>
    %exp3A = math.exp %add3A_21 : vector<2560x1xf32>
    %get3A_22 = arith.constant 0 : index
    %get3A_23 = arith.constant 0 : index
    %get3A_24 = vector.load %arg2[%get3A_22, %get3A_23] : memref<2560x128xf32, #tpu.memory_space<vmem>>, vector<2560x128xf32>
    %get3A_25 = arith.constant 0 : index
    %get3A_26 = arith.constant 0 : index
    %get3A_27 = vector.load %arg5[%get3A_25, %get3A_26] : memref<128x128xf32, #tpu.memory_space<vmem>>, vector<128x128xf32>
    %dot_general3A_28 = arith.constant dense<0.000000e+00> : vector<2560x128xf32>
    %dot_general3A_29 = tpu.matmul %get3A_24, %get3A_27, %dot_general3A_28 {dimension_numbers = #tpu.dot_dimension_numbers<[1], [0], [0], [1], [0, 0, 1, 1], [], []>, transpose_lhs_hint = false} : vector<2560x128xf32>, vector<128x128xf32>, vector<2560x128xf32> -> vector<2560x128xf32>
    %get3A_30 = arith.constant 0 : index
    %get3A_31 = arith.constant 0 : index
    %get3A_32 = vector.load %arg6[%get3A_30, %get3A_31] : memref<1x128xf32, #tpu.memory_space<vmem>>, vector<1x128xf32>
    %add3A_33 = vector.broadcast %get3A_32 : vector<1x128xf32> to vector<2560x128xf32>
    %add3A_34 = arith.addf %dot_general3A_29, %add3A_33 : vector<2560x128xf32>
    %max3A = arith.constant 0.000000e+00 : f32
    %max3A_35 = vector.broadcast %max3A : f32 to vector<2560x128xf32>
    %max3A_36 = arith.maximumf %add3A_34, %max3A_35 : vector<2560x128xf32>
    %mul3A_37 = vector.broadcast %exp3A : vector<2560x1xf32> to vector<2560x128xf32>
    %mul3A_38 = arith.mulf %max3A_36, %mul3A_37 : vector<2560x128xf32>
    %swap3A = arith.constant 0 : index
    %swap3A_39 = arith.constant 0 : index
    %swap3A_40 = vector.load %arg11[%swap3A, %swap3A_39] : memref<2560x128xf32, #tpu.memory_space<vmem>>, vector<2560x128xf32>
    tpu.vector_store %arg11[%swap3A, %swap3A_39], %mul3A_38 {strides = array<i32>} : memref<2560x128xf32, #tpu.memory_space<vmem>>, vector<2560x128xf32>,
    %get3A_41 = arith.constant 0 : index
    %get3A_42 = arith.constant 0 : index
    %get3A_43 = vector.load %arg7[%get3A_41, %get3A_42] : memref<128x1xf32, #tpu.memory_space<vmem>>, vector<128x1xf32>
    %reshape3A = vector.shape_cast %get3A_43 : vector<128x1xf32> to vector<1x128xf32>
    %dot_general3A_44 = arith.constant dense<0.000000e+00> : vector<1x2560xf32>
    %dot_general3A_45 = tpu.matmul %reshape3A, %get3A_15, %dot_general3A_44 {dimension_numbers = #tpu.dot_dimension_numbers<[1], [1], [0], [0], [0, 0, 1, 0], [], []>, transpose_lhs_hint = false} : vector<1x128xf32>, vector<2560x128xf32>, vector<1x2560xf32> -> vector<1x2560xf32>
    %add3A_46 = vector.broadcast %add3A : f32 to vector<1x2560xf32>
    %add3A_47 = arith.addf %dot_general3A_45, %add3A_46 : vector<1x2560xf32>
    %exp3A_48 = math.exp %add3A_47 : vector<1x2560xf32>
    %get3A_49 = arith.constant 0 : index
    %get3A_50 = arith.constant 0 : index
    %get3A_51 = arith.constant 0 : index
    %get3A_52 = vector.load %arg3[%get3A_49, %get3A_50, %get3A_51] : memref<1x1x2560xi32, #tpu.memory_space<vmem>>, vector<1x1x2560xi32>
    %get3A_53 = vector.shape_cast %get3A_52 : vector<1x1x2560xi32> to vector<1x2560xi32>
    %jit3A = arith.constant 128 : i32
    %div3A = vector.broadcast %jit3A : i32 to vector<1x2560xi32>
    %div3A_54 = arith.divsi %get3A_53, %div3A : vector<1x2560xi32>
    %sign3A = arith.constant 0 : i32
    %sign3A_55 = vector.broadcast %sign3A : i32 to vector<1x2560xi32>
    %sign3A_56 = arith.cmpi sgt, %get3A_53, %sign3A_55 : vector<1x2560xi32>
    %sign3A_57 = arith.extui %sign3A_56 : vector<1x2560xi1> to vector<1x2560xi32>
    %sign3A_58 = arith.constant 0 : i32
    %sign3A_59 = vector.broadcast %sign3A_58 : i32 to vector<1x2560xi32>
    %sign3A_60 = arith.cmpi slt, %get3A_53, %sign3A_59 : vector<1x2560xi32>
    %sign3A_61 = arith.extui %sign3A_60 : vector<1x2560xi1> to vector<1x2560xi32>
    %sign3A_62 = arith.subi %sign3A_57, %sign3A_61 : vector<1x2560xi32>
    %sign3A_63 = arith.constant 0 : i32
    %sign3A_64 = arith.cmpi sgt, %jit3A, %sign3A_63 : i32
    %sign3A_65 = arith.extui %sign3A_64 : i1 to i32
    %sign3A_66 = arith.constant 0 : i32
    %sign3A_67 = arith.cmpi slt, %jit3A, %sign3A_66 : i32
    %sign3A_68 = arith.extui %sign3A_67 : i1 to i32
    %sign3A_69 = arith.subi %sign3A_65, %sign3A_68 : i32
    %ne3A = vector.broadcast %sign3A_69 : i32 to vector<1x2560xi32>
    %ne3A_70 = arith.cmpi ne, %sign3A_62, %ne3A : vector<1x2560xi32>
    %rem3A = vector.broadcast %jit3A : i32 to vector<1x2560xi32>
    %rem3A_71 = arith.remsi %get3A_53, %rem3A : vector<1x2560xi32>
    %ne3A_72 = arith.constant 0 : i32
    %ne3A_73 = vector.broadcast %ne3A_72 : i32 to vector<1x2560xi32>
    %ne3A_74 = arith.cmpi ne, %rem3A_71, %ne3A_73 : vector<1x2560xi32>
    %and3A = arith.andi %ne3A_70, %ne3A_74 : vector<1x2560xi1>
    %sub3A = arith.constant 1 : i32
    %sub3A_75 = vector.broadcast %sub3A : i32 to vector<1x2560xi32>
    %sub3A_76 = arith.subi %div3A_54, %sub3A_75 : vector<1x2560xi32>
    %select_n3A = arith.select %and3A, %sub3A_76, %div3A_54 : vector<1x2560xi1>, vector<1x2560xi32>
    %convert_element_type3A = arith.sitofp %select_n3A : vector<1x2560xi32> to vector<1x2560xf32>
    %jit3A_77 = arith.constant 128 : i32
    %eq3A = arith.constant 0 : i32
    %eq3A_78 = arith.cmpi eq, %jit3A_77, %eq3A : i32
    %jit3A_79 = arith.constant 1 : i32
    %select_n3A_80 = arith.select %eq3A_78, %jit3A_79, %jit3A_77 : i32
    %rem3A_81 = vector.broadcast %select_n3A_80 : i32 to vector<1x2560xi32>
    %rem3A_82 = arith.remsi %get3A_53, %rem3A_81 : vector<1x2560xi32>
    %ne3A_83 = arith.constant 0 : i32
    %ne3A_84 = vector.broadcast %ne3A_83 : i32 to vector<1x2560xi32>
    %ne3A_85 = arith.cmpi ne, %rem3A_82, %ne3A_84 : vector<1x2560xi32>
    %lt3A = arith.constant 0 : i32
    %lt3A_86 = vector.broadcast %lt3A : i32 to vector<1x2560xi32>
    %lt3A_87 = arith.cmpi slt, %rem3A_82, %lt3A_86 : vector<1x2560xi32>
    %lt3A_88 = arith.constant 0 : i32
    %lt3A_89 = arith.cmpi slt, %select_n3A_80, %lt3A_88 : i32
    %ne3A_90 = vector.broadcast %lt3A_89 : i1 to vector<1x2560xi1>
    %ne3A_91 = vector.broadcast %ne3A_90 : vector<1x2560xi1> to vector<1x2560xi1>
    %ne3A_92 = arith.xori %lt3A_87, %ne3A_91 : vector<1x2560xi1>
    %and3A_93 = arith.andi %ne3A_92, %ne3A_85 : vector<1x2560xi1>
    %add3A_94 = vector.broadcast %select_n3A_80 : i32 to vector<1x2560xi32>
    %add3A_95 = arith.addi %rem3A_82, %add3A_94 : vector<1x2560xi32>
    %select_n3A_96 = arith.select %and3A_93, %add3A_95, %rem3A_82 : vector<1x2560xi1>, vector<1x2560xi32>
    %convert_element_type3A_97 = arith.sitofp %select_n3A_96 : vector<1x2560xi32> to vector<1x2560xf32>
    %iota3A = tpu.iota {dimensions = array<i32: 0>} : vector<80x1xi32>
    %convert_element_type3A_98 = arith.sitofp %iota3A : vector<80x1xi32> to vector<80x1xf32>
    %iota3A_99 = tpu.iota {dimensions = array<i32: 0>} : vector<128x1xi32>
    %convert_element_type3A_100 = arith.sitofp %iota3A_99 : vector<128x1xi32> to vector<128x1xf32>
    %eq3A_101 = vector.broadcast %convert_element_type3A : vector<1x2560xf32> to vector<80x2560xf32>
    %eq3A_102 = vector.broadcast %convert_element_type3A_98 : vector<80x1xf32> to vector<80x2560xf32>
    %eq3A_103 = arith.cmpf oeq, %eq3A_101, %eq3A_102 : vector<80x2560xf32>
    %jit3A_104 = arith.constant 0.000000e+00 : f32
    %broadcast_in_dim3A = vector.shape_cast %exp3A_48 : vector<1x2560xf32> to vector<1x2560xf32>
    %broadcast_in_dim3A_105 = vector.broadcast %broadcast_in_dim3A : vector<1x2560xf32> to vector<80x2560xf32>
    %broadcast_in_dim3A_106 = vector.broadcast %jit3A_104 : f32 to vector<80x2560xf32>
    %select_n3A_107 = arith.select %eq3A_103, %broadcast_in_dim3A_105, %broadcast_in_dim3A_106 : vector<80x2560xi1>, vector<80x2560xf32>
    %eq3A_108 = vector.broadcast %convert_element_type3A_97 : vector<1x2560xf32> to vector<128x2560xf32>
    %eq3A_109 = vector.broadcast %convert_element_type3A_100 : vector<128x1xf32> to vector<128x2560xf32>
    %eq3A_110 = arith.cmpf oeq, %eq3A_108, %eq3A_109 : vector<128x2560xf32>
    %jit3A_111 = arith.constant 1.000000e+00 : f32
    %jit3A_112 = arith.constant 0.000000e+00 : f32
    %broadcast_in_dim3A_113 = vector.broadcast %jit3A_111 : f32 to vector<128x2560xf32>
    %broadcast_in_dim3A_114 = vector.broadcast %jit3A_112 : f32 to vector<128x2560xf32>
    %select_n3A_115 = arith.select %eq3A_110, %broadcast_in_dim3A_113, %broadcast_in_dim3A_114 : vector<128x2560xi1>, vector<128x2560xf32>
    %dot_general3A_116 = arith.constant dense<0.000000e+00> : vector<80x128xf32>
    %dot_general3A_117 = tpu.matmul %select_n3A_107, %select_n3A_115, %dot_general3A_116 {dimension_numbers = #tpu.dot_dimension_numbers<[1], [1], [0], [0], [0, 0, 1, 0], [], []>, transpose_lhs_hint = false} : vector<80x2560xf32>, vector<128x2560xf32>, vector<80x128xf32> -> vector<80x128xf32>
    %eq3A_118 = arith.constant 0 : i32
    %eq3A_119 = arith.cmpi eq, %arg0, %eq3A_118 : i32
    %convert_element_type3A_120 = arith.extui %eq3A_119 : i1 to i32
    %cond3A = arith.constant 0 : i32
    %cond3A_121 = arith.cmpi ne, %convert_element_type3A_120, %cond3A : i32
    scf.if %cond3A_121 {
      %get3A_129 = arith.constant 0 : index
      %get3A_130 = arith.constant 0 : index
      %get3A_131 = vector.load %arg4[%get3A_129, %get3A_130] : memref<80x128xf32, #tpu.memory_space<vmem>>, vector<80x128xf32>
      %swap3A_132 = arith.constant 0 : index
      %swap3A_133 = arith.constant 0 : index
      %swap3A_134 = vector.load %arg12[%swap3A_132, %swap3A_133] : memref<80x128xf32, #tpu.memory_space<vmem>>, vector<80x128xf32>
      tpu.vector_store %arg12[%swap3A_132, %swap3A_133], %get3A_131 {strides = array<i32>} : memref<80x128xf32, #tpu.memory_space<vmem>>, vector<80x128xf32>,
    } else {
    }
    %get3A_122 = arith.constant 0 : index
    %get3A_123 = arith.constant 0 : index
    %get3A_124 = vector.load %arg12[%get3A_122, %get3A_123] : memref<80x128xf32, #tpu.memory_space<vmem>>, vector<80x128xf32>
    %add3A_125 = arith.addf %get3A_124, %dot_general3A_117 : vector<80x128xf32>
    %swap3A_126 = arith.constant 0 : index
    %swap3A_127 = arith.constant 0 : index
    %swap3A_128 = vector.load %arg12[%swap3A_126, %swap3A_127] : memref<80x128xf32, #tpu.memory_space<vmem>>, vector<80x128xf32>
    tpu.vector_store %arg12[%swap3A_126, %swap3A_127], %add3A_125 {strides = array<i32>} : memref<80x128xf32, #tpu.memory_space<vmem>>, vector<80x128xf32>,
    return
  }
  func.func @transform_0(%arg0: i32) -> (i32, i32) {
    %add3A = arith.constant 102 : i32
    %add3A_0 = arith.addi %arg0, %add3A : i32
    %c0_i32 = arith.constant 0 : i32
    %c0_i32_1 = arith.constant 0 : i32
    return %add3A_0, %c0_i32 : i32, i32
  }
  func.func @transform_1(%arg0: i32) -> (i32, i32) {
    %add3A = arith.constant 102 : i32
    %add3A_0 = arith.addi %arg0, %add3A : i32
    %c0_i32 = arith.constant 0 : i32
    %c0_i32_1 = arith.constant 0 : i32
    return %add3A_0, %c0_i32 : i32, i32
  }
  func.func @transform_2(%arg0: i32) -> (i32, i32, i32) {
    %add3A = arith.constant 102 : i32
    %add3A_0 = arith.addi %arg0, %add3A : i32
    %c0_i32 = arith.constant 0 : i32
    %c0_i32_1 = arith.constant 0 : i32
    %c0_i32_2 = arith.constant 0 : i32
    return %add3A_0, %c0_i32, %c0_i32_1 : i32, i32, i32
  }
  func.func @transform_3(%arg0: i32) -> (i32, i32) {
    %c0_i32 = arith.constant 0 : i32
    %c0_i32_0 = arith.constant 0 : i32
    %c0_i32_1 = arith.constant 0 : i32
    return %c0_i32, %c0_i32_0 : i32, i32
  }
  func.func @transform_4(%arg0: i32) -> (i32, i32) {
    %c0_i32 = arith.constant 0 : i32
    %c0_i32_0 = arith.constant 0 : i32
    %c0_i32_1 = arith.constant 0 : i32
    return %c0_i32, %c0_i32_0 : i32, i32
  }
  func.func @transform_5(%arg0: i32) -> (i32, i32) {
    %c0_i32 = arith.constant 0 : i32
    %c0_i32_0 = arith.constant 0 : i32
    %c0_i32_1 = arith.constant 0 : i32
    return %c0_i32, %c0_i32_0 : i32, i32
  }
  func.func @transform_6(%arg0: i32) -> (i32, i32) {
    %c0_i32 = arith.constant 0 : i32
    %c0_i32_0 = arith.constant 0 : i32
    %c0_i32_1 = arith.constant 0 : i32
    return %c0_i32, %c0_i32_0 : i32, i32
  }
  func.func @transform_7(%arg0: i32) -> (i32, i32) {
    %c0_i32 = arith.constant 0 : i32
    %c0_i32_0 = arith.constant 0 : i32
    %c0_i32_1 = arith.constant 0 : i32
    return %c0_i32, %c0_i32_0 : i32, i32
  }
  func.func @transform_8(%arg0: i32) -> (i32, i32) {
    %c0_i32 = arith.constant 0 : i32
    %c0_i32_0 = arith.constant 0 : i32
    %c0_i32_1 = arith.constant 0 : i32
    return %c0_i32, %c0_i32_0 : i32, i32
  }
  func.func @transform_9(%arg0: i32) -> (i32, i32) {
    %c0_i32 = arith.constant 0 : i32
    %c0_i32_0 = arith.constant 0 : i32
    %c0_i32_1 = arith.constant 0 : i32
    return %c0_i32, %c0_i32_0 : i32, i32
  }
  func.func @transform_10(%arg0: i32) -> (i32, i32) {
    %c0_i32 = arith.constant 0 : i32
    %c0_i32_0 = arith.constant 0 : i32
    return %arg0, %c0_i32 : i32, i32
  }
  func.func @transform_11(%arg0: i32) -> (i32, i32) {
    %c0_i32 = arith.constant 0 : i32
    %c0_i32_0 = arith.constant 0 : i32
    %c0_i32_1 = arith.constant 0 : i32
    return %c0_i32, %c0_i32_0 : i32, i32
  }
}

module attributes {stable_mosaic.version = 14 : i64} {
  func.func @_combine_body(%arg0: memref<2x10240x128xf32, #tpu.memory_space<vmem>>, %arg1: memref<10000x1xf32, #tpu.memory_space<vmem>>, %arg2: memref<10000x128xf32, #tpu.memory_space<vmem>>) attributes {dimension_semantics = [], scalar_prefetch = 0 : i64, scratch_operands = 0 : i64, tpu.core_type = #tpu.core_type<tc>} {
    %get3A = arith.constant 0 : index
    %get3A_0 = arith.constant 0 : index
    %get3A_1 = arith.constant 0 : index
    %get3A_2 = vector.load %arg0[%get3A, %get3A_0, %get3A_1] : memref<2x10240x128xf32, #tpu.memory_space<vmem>>, vector<1x10240x128xf32>
    %get3A_3 = vector.shape_cast %get3A_2 : vector<1x10240x128xf32> to vector<10240x128xf32>
    %get3A_4 = arith.constant 1 : index
    %get3A_5 = arith.constant 0 : index
    %get3A_6 = arith.constant 0 : index
    %get3A_7 = vector.load %arg0[%get3A_4, %get3A_5, %get3A_6] : memref<2x10240x128xf32, #tpu.memory_space<vmem>>, vector<1x10240x128xf32>
    %get3A_8 = vector.shape_cast %get3A_7 : vector<1x10240x128xf32> to vector<10240x128xf32>
    %add3A = arith.addf %get3A_3, %get3A_8 : vector<10240x128xf32>
    %slice3A = vector.extract_strided_slice %add3A {offsets = [0, 0], sizes = [10000, 128], strides = [1, 1]} : vector<10240x128xf32> to vector<10000x128xf32>
    %get3A_9 = arith.constant 0 : index
    %get3A_10 = arith.constant 0 : index
    %get3A_11 = vector.load %arg1[%get3A_9, %get3A_10] : memref<10000x1xf32, #tpu.memory_space<vmem>>, vector<10000x1xf32>
    %add3A_12 = arith.constant 1.000000e-16 : f32
    %add3A_13 = vector.broadcast %add3A_12 : f32 to vector<10000x1xf32>
    %add3A_14 = arith.addf %get3A_11, %add3A_13 : vector<10000x1xf32>
    %div3A = vector.broadcast %add3A_14 : vector<10000x1xf32> to vector<10000x128xf32>
    %div3A_15 = arith.divf %slice3A, %div3A : vector<10000x128xf32>
    %swap3A = arith.constant 0 : index
    %swap3A_16 = arith.constant 0 : index
    %swap3A_17 = vector.load %arg2[%swap3A, %swap3A_16] : memref<10000x128xf32, #tpu.memory_space<vmem>>, vector<10000x128xf32>
    tpu.vector_store %arg2[%swap3A, %swap3A_16], %div3A_15 {strides = array<i32>} : memref<10000x128xf32, #tpu.memory_space<vmem>>, vector<10000x128xf32>,
    return
  }
}

</mosaic_0001>

<sc_bundles>
// kernel: kernel.11.cloned.1.call-start
scs
__scs_entry_jumppad:
0x0: {  	(pc) =	sbr.rel $0x88, $3  }
0x1: {  	(tag) =	ssettag $0x0;
	lr =	simm.s32 $0x1  }
0x2: {  	[smem:$0x3F99] =	sst lr;
	_ =	strace $0xD0000000  }
0x3: {  	_ = 	snop  }
0x4: {  	_ = 	snop  }
0x5: {  	_ = 	snop  }
0x6: {  	_ = 	snop  }
0x7: {  	_ = 	snop  }
__scs_overlays_trampoline_lowered:
0x8: {  	[smem:$0x3FA8] =	sst s0  }
0x9: {  	[smem:$0x3FA9] =	sst s1  }
0xa: {  	[smem:$0x3FAA] =	sst s2  }
0xb: {  	[smem:$0x3FAB] =	sst s3  }
0xc: {  	[smem:$0x3FAC] =	sst s4  }
0xd: {  	[smem:$0x3FAD] =	sst s5  }
0xe: {  	[smem:$0x3FAE] =	sst s6  }
0xf: {  	[smem:$0x3FAF] =	sst s7  }
0x10: {  	[smem:$0x3FB0] =	sst s8  }
0x11: {  	[smem:$0x3FB1] =	sst s9;
	s0 =	simm.s32 @!p0 $0x0  }
0x12: {  	s1 =	sld [smem:$0x3F97];
	s0 =	simm.s32 @p0 $0x1  }
0x13: {  	[smem:$0x3FB2] =	sst s0;
	s0 =	simm.s32 @!p1 $0x0  }
0x14: {  	s2 =	sld [smem:$0x3F96];
	s0 =	simm.s32 @p1 $0x1  }
0x15: {  	[smem:$0x3FB3] =	sst s0;
	s0 =	simm.s32 @!p2 $0x0  }
0x16: {  	s3 =	sld [smem:$0x3FDB];
	s0 =	simm.s32 @p2 $0x1  }
0x17: {  	s4 =	simm.s32 $0x1BF5;
	[smem:$0x3FB5] =	sst s0  }
0x18: {  	s0 =	sld [smem:$0x3F98];
	_ =	swait.ge [sflag:s4], $0x0  }
0x19: {  	s7 =	sld [smem:$0x3F99]  }
0x1a: {  	s8 =	sadd.s32 $0xFFFFE003, lr  }
0x1b: {  	s9 =	sadd.s32 $0xFFFFFEF7, lr;
	s5 =	simm.s32 $0xFFFFFFFF;
	p2 =	slt.u32 s8, $0xFFFFF086  }
0x1c: {  	p1 =	slt.u32 s9, $0xF7A;
	s5 =	simm.s32 @!p2 $0x0  }
0x1d: {  	s5 =	simm.s32 @p1 $0x1;
	p0 =	seq.s32 s7, s2  }
0x1e: {  	s7 =	smul.u32 @!p0 $0xF7A, s2;
	p2 =	seq.s32 @!p0 s5, $0x0  }
0x1f: {  	s9 =	smul.u32 $0xF7A, s1;
	s8 =	simm.s32 @!p0 $0x1BF5;
	p2 =	por !p2, p0  }
0x20: {  	[sflag:s8] =	ssyncset.s32 @!p0 $0xFFFFF086;
	s6 =	sadd.s32 @!p0 s3, s7;
	s7 =	simm.s32 @!p0 $0x108  }
0x21: {  	s3 =	sadd.s32 s3, s9;
	s6 =	sadd.s32 @!p0 $0x88, s6;
	s7 =	simm.s32 @p2 $0x1082  }
0x22: {  	[simem:s7], [sflag:s8] =	dma.local @!p0 [hbm:s6], $0xF7A  }
0x23: {  	s9 =	sor.u32 $0xD0000000, s2;
	s6 =	simm.s32 $0x108;
	_ =	swait.ge @!p0 [sflag:s8], $0x0  }
0x24: {  	s3 =	sadd.s32 $0x88, s3;
	s6 =	simm.s32 @!p1 $0x1082;
	[sflag:s4] =	ssyncset.s32 $0xFFFFF086  }
0x25: {  	[simem:s6], [sflag:s4] =	dma.local [hbm:s3], $0xF7A  }
0x26: {  	[smem:$0x3F99] =	sst s1;
	(tag) =	ssettag s2;
	_ =	strace s9  }
0x27: {  	s1 =	sld [smem:$0x3FA9]  }
0x28: {  	s2 =	sld [smem:$0x3FAA]  }
0x29: {  	s4 =	sld [smem:$0x3FAC]  }
0x2a: {  	p0 =	seq.s32 s5, $0x0;
	s5 =	sld [smem:$0x3FAD]  }
0x2b: {  	s6 =	sld [smem:$0x3FAE]  }
0x2c: {  	s7 =	sld [smem:$0x3FAF]  }
0x2d: {  	s3 =	simm.s32 $0x108;
	s8 =	sld [smem:$0x3FB0]  }
0x2e: {  	s3 =	simm.s32 @!p0 $0x1082;
	s9 =	sld [smem:$0x3FB1]  }
0x2f: {  	lr =	sadd.s32 s0, s3;
	s0 =	sld [smem:$0x3FA8]  }
0x30: {  	s3 =	sld [smem:$0x3FAB]  }
0x31: {  	[smem:$0x3FB4] =	sst s10  }
0x32: {  	s10 =	sld [smem:$0x3FB2];
	_ =	sdelay $0x3  }
0x33: {  	p0 =	seq.s32 s10, $0x1;
	s10 =	sld [smem:$0x3FB4];
	_ =	sdelay $0x3  }
0x34: {  	[smem:$0x3FB4] =	sst s10  }
0x35: {  	s10 =	sld [smem:$0x3FB3];
	_ =	sdelay $0x3  }
0x36: {  	p1 =	seq.s32 s10, $0x1;
	s10 =	sld [smem:$0x3FB4];
	_ =	sdelay $0x3  }
0x37: {  	[smem:$0x3FB4] =	sst s10  }
0x38: {  	s10 =	sld [smem:$0x3FB5]  }
0x39: {  	_ = 	snop;
	(pc) =	sbr.ind lr, $3  }
0x3a: {  	_ = 	snop  }
0x3b: {  	_ = 	snop  }
0x3c: {  	p2 =	seq.s32 s10, $0x1;
	s10 =	sld [smem:$0x3FB4]  }
0x3d: {  	_ =	shalt  }
0x3e: {  	_ =	shalt  }
0x3f: {  	_ =	shalt  }
0x40: {  	_ =	shalt  }
0x41: {  	_ =	shalt  }
0x42: {  	_ =	shalt  }
0x43: {  	_ =	shalt  }
0x44: {  	_ =	shalt  }
0x45: {  	_ =	shalt  }
0x46: {  	_ =	shalt  }
0x47: {  	_ =	shalt  }
0x48: {  	_ =	shalt  }
0x49: {  	_ =	shalt  }
0x4a: {  	_ =	shalt  }
0x4b: {  	_ =	shalt  }
0x4c: {  	_ =	shalt  }
0x4d: {  	_ =	shalt  }
0x4e: {  	_ =	shalt  }
0x4f: {  	_ =	shalt  }
0x50: {  	_ =	shalt  }
0x51: {  	_ =	shalt  }
0x52: {  	_ =	shalt  }
0x53: {  	_ =	shalt  }
0x54: {  	_ =	shalt  }
0x55: {  	_ =	shalt  }
0x56: {  	_ =	shalt  }
0x57: {  	_ =	shalt  }
0x58: {  	_ =	shalt  }
0x59: {  	_ =	shalt  }
0x5a: {  	_ =	shalt  }
0x5b: {  	_ =	shalt  }
0x5c: {  	_ =	shalt  }
0x5d: {  	_ =	shalt  }
0x5e: {  	_ =	shalt  }
0x5f: {  	_ =	shalt  }
0x60: {  	_ =	shalt  }
0x61: {  	_ =	shalt  }
0x62: {  	_ =	shalt  }
0x63: {  	_ =	shalt  }
0x64: {  	_ =	shalt  }
0x65: {  	_ =	shalt  }
0x66: {  	_ =	shalt  }
0x67: {  	_ =	shalt  }
0x68: {  	_ =	shalt  }
0x69: {  	_ =	shalt  }
0x6a: {  	_ =	shalt  }
0x6b: {  	_ =	shalt  }
0x6c: {  	_ =	shalt  }
0x6d: {  	_ =	shalt  }
0x6e: {  	_ =	shalt  }
0x6f: {  	_ =	shalt  }
0x70: {  	_ =	shalt  }
0x71: {  	_ =	shalt  }
0x72: {  	_ =	shalt  }
0x73: {  	_ =	shalt  }
0x74: {  	_ =	shalt  }
0x75: {  	_ =	shalt  }
0x76: {  	_ =	shalt  }
0x77: {  	_ =	shalt  }
0x78: {  	_ =	shalt  }
0x79: {  	_ =	shalt  }
0x7a: {  	_ =	shalt  }
0x7b: {  	_ =	shalt  }
0x7c: {  	_ =	shalt  }
0x7d: {  	_ =	shalt  }
0x7e: {  	_ =	shalt  }
0x7f: {  	_ =	shalt  }
0x80: {  	_ =	shalt  }
0x81: {  	_ =	shalt  }
0x82: {  	_ =	shalt  }
0x83: {  	_ =	shalt  }
0x84: {  	_ =	shalt  }
0x85: {  	_ =	shalt  }
0x86: {  	_ =	shalt  }
0x87: {  	_ =	shalt  }
.Lfunc_end0:
.L_simem_size_0:
called_computation_lowered:
.L_overlay_start_0:
0x88: {  	s2 =	sld [smem:$0x3FD9]  }
0x89: {  	s3 =	sld [smem:$0x3FFE];
	_ =	sdelay $0x1  }
0x8a: {  	s1 =	srdreg.scid  }
0x8b: {  	s0 =	sand.u32 $0x1, s1  }
0x8c: {  	s17 =	sshll.u32 s0, $0xA;
	s2 =	sadd.s32 s3, s2  }
0x8d: {  	s2 =	sadd.s32 s2, s17  }
0x8e: {  	[smem:$0x3FC0] =	sst s2  }
0x8f: {  	_ = 	snop  }
0x90: {  	s2 =	sld [smem:$0x3FC6];
	(tm) =	ssettm $0x1  }
0x91: {  	s18 =	sld [smem:$0x3FFB];
	_ =	sdelay $0x3  }
0x92: {  	_ =	strace s18  }
0x93: {  	s3 =	sld [smem:$0x3FFC];
	_ =	sdelay $0x3  }
0x94: {  	_ =	strace s3  }
0x95: {  	s3 =	sld [smem:$0x3FFD];
	_ =	sdelay $0x3  }
0x96: {  	_ =	strace s3  }
0x97: {  	_ =	strace $0x8FFFFFFF  }
0x98: {  	s19 =	sld [smem:$0x3FDB];
	_ =	sdelay $0x1  }
0x99: {  	s4 =	simm.s32 $_scs_section_size  }
0x9a: {  	s5 =	simm.s32 $_size__tile_overlayer_lowered;
	s6 =	simm.s32 $_tile_overlayer_lowered  }
0x9b: {  	s22 =	simm.s32 $0x1BFF;
	s21 =	sshll.u32 s6, $0x1;
	s3 =	sadd.s32 s4, s19  }
0x9c: {  	s7 =	simm.s32 $0x0;
	s20 =	sshll.u32 s5, $0x1;
	s5 =	sadd.s32 s21, s3  }
0x9d: {  	[timem:s7], [sflag:s22] =	dma.local [hbm:s5], s20  }
0x9e: {  	_ =	swait.ge [sflag:s22], s20  }
0x9f: {  	s4 =	ssub.s32 $0x0, s20;
	[sflag:s22] =	ssyncset.done $0x0  }
0xa0: {  	[sflag:s22] =	ssyncadd.s32 s4;
	_ =	sdelay $0x1  }
0xa1: {  	s23 =	simm.s32 $0x1B8B  }
0xa2: {  	_ =	swait.ge [sflag:s23], $0x1  }
0xa3: {  	[sflag:s23] =	ssyncset.done $0x0  }
0xa4: {  	s25 =	simm.s32 $0x1B8E;
	s24 =	sld [smem:$0x3FFE];
	[sflag:s23] =	ssyncadd.s32 $0xFFFFFFFF  }
0xa5: {  	s26 =	simm.s32 $execute0_lowered;
	[smem:$0x3FD2] =	sst s25  }
0xa6: {  	s5 =	sshll.u32 s26, $0x1;
	_ =	strace $0x80000046;
	[dreg:$0x1] =	wrdreg $0xFFFFFFFF  }
0xa7: {  	s28 =	simm.s32 $_size_execute0_lowered;
	s3 =	sadd.s32 s3, s5;
	[dreg:$0x0] =	wrdreg $0x0  }
0xa8: {  	s5 =	sshll.u32 s28, $0x1;
	[dreg:$0x2] =	wrdreg s3  }
0xa9: {  	[dreg:$0x3] =	wrdreg s5  }
0xaa: {  	[dreg:$0x4] =	wrdreg $0xC0  }
0xab: {  	_ =	task [dreg:s7], $0x5FFFF  }
0xac: {  	[dreg:$0x1] =	wrdreg $0xFFFFFFFF  }
0xad: {  	[dreg:$0x0] =	wrdreg $0x60  }
0xae: {  	[dreg:$0x2] =	wrdreg s24  }
0xaf: {  	[dreg:$0x3] =	wrdreg s2  }
0xb0: {  	[dreg:$0x4] =	wrdreg $0xA2000  }
0xb1: {  	[dreg:$0x5] =	wrdreg $0x9  }
0xb2: {  	_ =	task.clear_ibuf [dreg:s7], $0x6FFFF;
	_ =	strace $0x90000046  }
0xb3: {  	s29 =	simm.s32 $0x9;
	_ =	strace $0x80000048  }
0xb4: {  	_ =	swait.ge [sflag:s29], $0x1  }
0xb5: {  	[sflag:s29] =	ssyncadd.s32 $0xFFFFFFFF  }
0xb6: {  	_ =	strace $0x90000048  }
0xb7: {  	_ =	sfence  }
0xb8: {  	s30 =	sld [smem:$0x0];
	_ =	sdelay $0x2  }
0xb9: {  	s31 =	sshll.u32 s1, $0xD;
	s1 =	sshrl.u32 s1, $0x2  }
0xba: {  	s3 =	sand.u32 $0x4000, s31;
	s1 =	sadd.s32 s1, s30  }
0xbb: {  	s0 =	sor.u32 s3, s0;
	s1 =	sshll.u32 s1, $0x11  }
0xbc: {  	s0 =	sor.u32 s1, s0  }
0xbd: {  	s0 =	sadd.s32 $0x8F2B, s0  }
0xbe: {  	[sflag:s0] =	ssyncadd.remote.s32 $0x1  }
0xbf: {  	_ =	sfence.sel $0xFFFF  }
0xc0: {  	[dreg:$0x0] =	wrdreg $0xFFFFFFFF;
	(pc) =	sbr.abs _section_cstart, $3  }
0xc1: {  	[dreg:$0x1] =	wrdreg $0xFFFFFFFF  }
0xc2: {  	_ =	task.clear_ibuf [dreg:s7], $0x2FFFF;
	_ =	strace $0x9FFFFFFF  }
0xc3: {  	(tm) =	ssettm $0x7FFFFFFF  }
tec
execute0_lowered:
.L_overlay_start_1:
0x0: {  	(tag) =	ssettag $0x1  }
0x1: {  	s0 =	rddreg [dreg:$0x0]  }
0x2: {  	s2 =	rddreg [dreg:$0x1]  }
0x3: {  	s1 =	srdreg.scid;
	s12 =	stileid.u32  }
0x4: {  	s3 =	rddreg [dreg:$0x2];
	s6 =	smul.u32 $0x14000, s12  }
0x5: {  	s4 =	simm.s32 $0x0;
	s29 =	simm.s32 $0x200;
	s7 =	smul.u32 $0x50000, s12  }
0x6: {  	s30 =	simm.s32 $0x9;
	s1 =	sand.u32 $0x1, s1;
	s14 =	smul.u32 $0xAA00, s12  }
0x7: {  	s31 =	simm.s32 $0x2A00;
	[smem:$0x7FF] =	sst s4;
	s5 =	smul.u32 $0x140000, s1  }
0x8: {  	_ =	strace $0x80000047;
	s15 =	ssub.s32 $0x2, s1;
	s28 =	smul.u32 $0xAA000, s1  }
0x9: {  	s8 =	sshll.u32 s1, $0x4;
	s1 =	smul.u32 $0xAA00, s1;
	s9 =	sshrl.u32 s15, $0x1  }
0xa: {  	s8 =	sor.u32 s12, s8;
	s7 =	sshrl.u32 s7, $0x2;
	s5 =	sadd.s32 s6, s5  }
0xb: {  	s6 =	sadd.s32 $0x2000, s0;
	s10 =	smul.u32 $0xAA0, s8;
	s5 =	sshrl.u32 s5, $0x3  }
0xc: {  	s9 =	ssub.s32 s15, s9;
	s17 =	smul.u32 $0xAA00, s8;
	s0 =	sadd.s32 s5, s0  }
0xd: {  	s5 =	sadd.s32 s7, s3;
	s21 =	sshrl.u32 s10, $0x3;
	s22 =	sadd.s32 $0x50, s10  }
0xe: {  	s11 =	sadd.s32 $0xA0, s10;
	s10 =	sadd.s32 $0xF0, s10;
	s7 =	sadd.s32 $0x2800, s5  }
0xf: {  	s16 =	sadd.s32 $0x5000, s5;
	s18 =	sadd.s32 $0x7800, s5;
	s19 =	sadd.s32 $0xA000, s5  }
0x10: {  	s20 =	sadd.s32 $0xC800, s5;
	s23 =	sshll.u32 s22, $0x4;
	[dreg:$0x4] =	wrdreg s7  }
0x11: {  	s24 =	sshrl.u32 s22, $0x3;
	s25 =	sshll.u32 s11, $0x4;
	[dreg:$0x5] =	wrdreg s16  }
0x12: {  	s13 =	sshrl.u32 s11, $0x3;
	s15 =	sshll.u32 s10, $0x4;
	[dreg:$0x6] =	wrdreg s18  }
0x13: {  	s0 =	sadd.s32 $0x156200, s0;
	s11 =	simm.s32 $0x50;
	[dreg:$0x7] =	wrdreg s19  }
0x14: {  	[dreg:$0x8] =	wrdreg s20;
	s7 =	sadd.s32 s6, s17;
	s26 =	sadd.s32 s6, s25  }
0x15: {  	s8 =	sadd.s32 s2, s13;
	s16 =	sshrl.u32 s10, $0x3;
	s17 =	smul.u32 $0xAA0, s12  }
0x16: {  	[dreg:$0x11] =	wrdreg s0;
	s18 =	sadd.s32 s28, s6;
	s19 =	smax.u32 s9, $0x1  }
0x17: {  	s28 =	sadd.s32 $0x11800, s5;
	s0 =	simm.s32 $0x80;
	[dreg:$0x9] =	wrdreg s7  }
0x18: {  	s9 =	simm.s32 $0x1;
	s10 =	simm.s32 $0x5;
	[dreg:$0xd] =	wrdreg s26  }
0x19: {  	s12 =	simm.s32 $0x2;
	s13 =	simm.s32 $0x6;
	[dreg:$0xe] =	wrdreg s8  }
0x1a: {  	s7 =	sadd.s32 s2, s21;
	s8 =	sadd.s32 s6, s15;
	[dreg:$0x12] =	wrdreg s19  }
0x1b: {  	s21 =	sadd.s32 s14, s18;
	s26 =	sadd.s32 $0xF000, s5;
	[dreg:$0x17] =	wrdreg s28  }
0x1c: {  	s14 =	simm.s32 $0x3;
	s15 =	simm.s32 $0x7;
	[dreg:$0xa] =	wrdreg s7  }
0x1d: {  	s18 =	simm.s32 $0x0;
	s7 =	sadd.s32 s6, s23;
	[dreg:$0xf] =	wrdreg s8  }
0x1e: {  	s8 =	sadd.s32 s2, s16;
	s20 =	sadd.s32 s17, s1;
	[dreg:$0x16] =	wrdreg s26  }
0x1f: {  	s16 =	simm.s32 $0x4;
	s17 =	simm.s32 $0x8;
	[dreg:$0xb] =	wrdreg s7  }
0x20: {  	s7 =	sadd.s32 s2, s24;
	[dreg:$0x10] =	wrdreg s8;
	s1 =	sadd.s32 $0x230, s20  }
0x21: {  	s22 =	sadd.s32 $0x1E0, s20;
	s23 =	sadd.s32 $0x190, s20;
	s20 =	sadd.s32 $0x140, s20  }
.Ltmp0:
0x22: {  	s8 =	simm.s32 $0x180;
	s1 =	sshrl.u32 s1, $0x3;
	(pc) =	sbr.rel .LBB2_1-.Ltmp0, $4  }
0x23: {  	[dreg:$0xc] =	wrdreg s7;
	s6 =	sshrl.u32 s22, $0x3;
	s1 =	sadd.s32 s1, s2  }
0x24: {  	s7 =	sshrl.u32 s23, $0x3;
	s24 =	sadd.s32 s6, s2;
	[dreg:$0x13] =	wrdreg s1  }
0x25: {  	s25 =	sadd.s32 s7, s2;
	s6 =	simm.s32 $0x100;
	[dreg:$0x14] =	wrdreg s24  }
0x26: {  	v0 =	vimm.f32 $0.0e+00;
	s7 =	simm.s32 $0x7A00;
	[dreg:$0x15] =	wrdreg s25;
	s1 =	simm.s32 $0x5200  }
.LBB2_6:
0x27: {  	_ =	swait.ge [sflag:s16], $0x2800  }
0x28: {  	[sflag:s16] =	ssyncset.done $0x0  }
0x29: {  	[sflag:s16] =	ssyncadd.s32 $0xFFFFD800  }
0x2a: {  	_ =	swait.ge [sflag:s17], $0x50  }
0x2b: {  	[sflag:s17] =	ssyncset.done $0x0  }
0x2c: {  	[sflag:s17] =	ssyncadd.s32 $0xFFFFFFB0  }
0x2d: {  	[spmem:s3] =	stream.indirect.scatter.add.f32 [tilespmem:s7], [sflag:$0x9], $0x80, s8, s11, $0xb8;
	[tilespmem:$0x1E200] =	vst v63  }
0x2e: {  	_ =	swait.ge [sflag:s30], $0x2800  }
0x2f: {  	[sflag:s30] =	ssyncset.done $0x0  }
0x30: {  	[sflag:s30] =	ssyncadd.s32 $0xFFFFD800  }
0x31: {  	_ =	swait.ge [sflag:s9], $0x2800  }
0x32: {  	[sflag:s9] =	ssyncset.done $0x0  }
0x33: {  	[sflag:s9] =	ssyncadd.s32 $0xFFFFD800  }
0x34: {  	_ =	swait.ge [sflag:s10], $0x50  }
0x35: {  	[sflag:s10] =	ssyncset.done $0x0  }
0x36: {  	[sflag:s10] =	ssyncadd.s32 $0xFFFFFFB0  }
0x37: {  	[spmem:s3] =	stream.indirect.scatter.add.f32 [tilespmem:s29], [sflag:$0x9], $0x80, s4, s11, $0xb8;
	[tilespmem:$0x1E200] =	vst v63  }
0x38: {  	_ =	swait.ge [sflag:s30], $0x2800  }
0x39: {  	[sflag:s30] =	ssyncset.done $0x0  }
0x3a: {  	[sflag:s30] =	ssyncadd.s32 $0xFFFFD800  }
0x3b: {  	_ =	swait.ge [sflag:s12], $0x2800  }
0x3c: {  	[sflag:s12] =	ssyncset.done $0x0  }
0x3d: {  	[sflag:s12] =	ssyncadd.s32 $0xFFFFD800  }
0x3e: {  	_ =	swait.ge [sflag:s13], $0x50  }
0x3f: {  	[sflag:s13] =	ssyncset.done $0x0  }
0x40: {  	[sflag:s13] =	ssyncadd.s32 $0xFFFFFFB0  }
0x41: {  	[spmem:s3] =	stream.indirect.scatter.add.f32 [tilespmem:s31], [sflag:$0x9], $0x80, s0, s11, $0xb8;
	[tilespmem:$0x1E200] =	vst v63  }
0x42: {  	_ =	swait.ge [sflag:s30], $0x2800  }
0x43: {  	[sflag:s30] =	ssyncset.done $0x0  }
0x44: {  	s19 =	stileid.u32;
	[sflag:s30] =	ssyncadd.s32 $0xFFFFD800  }
0x45: {  	s19 =	sshll.u32 s19, $0x6;
	[bflag:$0x0] =	sbarrier.arrive $0xFFFF  }
0x46: {  	s22 =	sshrl.u32 s5, $0x3;
	s19 =	sor.u32 $0x1C09, s19;
	s23 =	rddreg [dreg:$0x11]  }
0x47: {  	[hbm:s23], [sflag:s19] =	dma.local [spmem:s22], $0x2800  }
0x48: {  	_ =	swait.ge [sflag:s30], $0x2800  }
0x49: {  	s18 =	sadd.s32 $0x1, s18;
	s28 =	rddreg [dreg:$0x12]  }
0x4a: {  	p0 =	sne.s32 s18, s28  }
.Ltmp1:
0x4b: {  	_ = 	snop;
	(pc) =	sbr.rel @!p0 .LBB2_7-.Ltmp1, $3  }
0x4c: {  	_ =	sdelay $0x1  }
0x4d: {  	[sflag:s30] =	ssyncset.done $0x0  }
0x4e: {  	[sflag:s30] =	ssyncadd.s32 $0xFFFFD800  }
.LBB2_1:
0x4f: {  	s19 =	sand.u32 $0xFE00, s4  }
0x50: {  	s22 =	sand.u32 $0x70, s4;
	s23 =	sshrl.u32 s19, $0x2  }
0x51: {  	s19 =	simm.s32 $0x40;
	s23 =	sor.u32 s22, s23;
	s22 =	simm.s32 $0x0  }
.LBB2_2:
0x52: {  	p0 =	sne.s32 s19, $0x9FC0  }
0x53: {  	[tilespmem:s23+$0x200] =	vst v0;
	s22 =	sadd.s32 $0x10, s22;
	s23 =	smov.u32 s19;
	s19 =	sadd.s32 $0x40, s19  }
.Ltmp2:
0x54: {  	(pc) =	sbr.rel @p0 .LBB2_2-.Ltmp2, $4  }
0x55: {  	_ = 	snop  }
0x56: {  	s23 =	sand.u32 $0xFE00, s23  }
0x57: {  	s24 =	sand.u32 $0x70, s22;
	s23 =	sshrl.u32 s23, $0x2  }
0x58: {  	s23 =	sor.u32 s24, s23  }
0x59: {  	[tilespmem:s23+$0x200] =	vst v0  }
0x5a: {  	[spmem:s5] =	stream.linear.scatter [tilespmem:s29], [sflag:$0x9], $0x2800, $0x38;
	[tilespmem:$0x1E200] =	vst v63  }
0x5b: {  	_ =	swait.ge [sflag:s30], $0x2800  }
0x5c: {  	[sflag:s30] =	ssyncset.done $0x0  }
0x5d: {  	s19 =	rddreg [dreg:$0x4];
	[sflag:s30] =	ssyncadd.s32 $0xFFFFD800  }
0x5e: {  	[spmem:s19] =	stream.linear.scatter [tilespmem:s29], [sflag:$0x9], $0x2800, $0x38;
	[tilespmem:$0x1E200] =	vst v63  }
0x5f: {  	_ =	swait.ge [sflag:s30], $0x2800  }
0x60: {  	[sflag:s30] =	ssyncset.done $0x0  }
0x61: {  	s26 =	rddreg [dreg:$0x5];
	[sflag:s30] =	ssyncadd.s32 $0xFFFFD800  }
0x62: {  	[spmem:s26] =	stream.linear.scatter [tilespmem:s29], [sflag:$0x9], $0x2800, $0x38;
	[tilespmem:$0x1E200] =	vst v63  }
0x63: {  	_ =	swait.ge [sflag:s30], $0x2800  }
0x64: {  	[sflag:s30] =	ssyncset.done $0x0  }
0x65: {  	s28 =	rddreg [dreg:$0x6];
	[sflag:s30] =	ssyncadd.s32 $0xFFFFD800  }
0x66: {  	[spmem:s28] =	stream.linear.scatter [tilespmem:s29], [sflag:$0x9], $0x2800, $0x38;
	[tilespmem:$0x1E200] =	vst v63  }
0x67: {  	_ =	swait.ge [sflag:s30], $0x2800  }
0x68: {  	[sflag:s30] =	ssyncset.done $0x0  }
0x69: {  	s22 =	rddreg [dreg:$0x7];
	[sflag:s30] =	ssyncadd.s32 $0xFFFFD800  }
0x6a: {  	[spmem:s22] =	stream.linear.scatter [tilespmem:s29], [sflag:$0x9], $0x2800, $0x38;
	[tilespmem:$0x1E200] =	vst v63  }
0x6b: {  	_ =	swait.ge [sflag:s30], $0x2800  }
0x6c: {  	[sflag:s30] =	ssyncset.done $0x0  }
0x6d: {  	s23 =	rddreg [dreg:$0x8];
	[sflag:s30] =	ssyncadd.s32 $0xFFFFD800  }
0x6e: {  	[spmem:s23] =	stream.linear.scatter [tilespmem:s29], [sflag:$0x9], $0x2800, $0x38;
	[tilespmem:$0x1E200] =	vst v63  }
0x6f: {  	_ =	swait.ge [sflag:s30], $0x2800  }
0x70: {  	[sflag:s30] =	ssyncset.done $0x0  }
0x71: {  	s24 =	rddreg [dreg:$0x16];
	[sflag:s30] =	ssyncadd.s32 $0xFFFFD800  }
0x72: {  	[spmem:s24] =	stream.linear.scatter [tilespmem:s29], [sflag:$0x9], $0x2800, $0x38;
	[tilespmem:$0x1E200] =	vst v63  }
0x73: {  	_ =	swait.ge [sflag:s30], $0x2800  }
0x74: {  	[sflag:s30] =	ssyncset.done $0x0  }
0x75: {  	s25 =	rddreg [dreg:$0x17];
	[sflag:s30] =	ssyncadd.s32 $0xFFFFD800  }
0x76: {  	[spmem:s25] =	stream.linear.scatter [tilespmem:s29], [sflag:$0x9], $0x2800, $0x38;
	[tilespmem:$0x1E200] =	vst v63  }
0x77: {  	_ =	swait.ge [sflag:s30], $0x2800  }
0x78: {  	[sflag:s30] =	ssyncset.done $0x0  }
0x79: {  	[sflag:s30] =	ssyncadd.s32 $0xFFFFD800  }
0x7a: {  	[bflag:$0x0] =	sbarrier.arrive $0xFFFF  }
0x7b: {  	s22 =	rddreg [dreg:$0x9]  }
0x7c: {  	s26 =	rddreg [dreg:$0xa]  }
0x7d: {  	s28 =	rddreg [dreg:$0xb]  }
0x7e: {  	s19 =	simm.s32 $0x0;
	s23 =	rddreg [dreg:$0xc]  }
0x7f: {  	[tilespmem:s29], [sflag:$0x1] =	stream.linear.gather [hbm4b:s22+s19], $0x2800, $0x38;
	[tilespmem:$0x1E200] =	vst v63  }
0x80: {  	s24 =	rddreg [dreg:$0xd]  }
0x81: {  	[tilespmem:s19], [sflag:$0x5] =	stream.linear.gather [hbm4b:s26+s19], $0x50, $0x38;
	[tilespmem:$0x1E200] =	vst v63  }
0x82: {  	s25 =	rddreg [dreg:$0xe]  }
0x83: {  	[tilespmem:s31], [sflag:$0x2] =	stream.linear.gather [hbm4b:s28+s19], $0x2800, $0x38;
	[tilespmem:$0x1E200] =	vst v63  }
0x84: {  	s26 =	rddreg [dreg:$0xf]  }
0x85: {  	[tilespmem:s0], [sflag:$0x6] =	stream.linear.gather [hbm4b:s23+s19], $0x50, $0x38;
	[tilespmem:$0x1E200] =	vst v63  }
0x86: {  	s28 =	rddreg [dreg:$0x10]  }
0x87: {  	[tilespmem:s1], [sflag:$0x3] =	stream.linear.gather [hbm4b:s24+s19], $0x2800, $0x38;
	[tilespmem:$0x1E200] =	vst v63  }
0x88: {  	s23 =	rddreg [dreg:$0x14]  }
0x89: {  	[tilespmem:s6], [sflag:$0x7] =	stream.linear.gather [hbm4b:s25+s19], $0x50, $0x38;
	[tilespmem:$0x1E200] =	vst v63  }
0x8a: {  	s24 =	rddreg [dreg:$0x15]  }
0x8b: {  	[tilespmem:s7], [sflag:$0x4] =	stream.linear.gather [hbm4b:s26+s19], $0x2800, $0x38;
	[tilespmem:$0x1E200] =	vst v63  }
0x8c: {  	s25 =	smov.u32 s20;
	s26 =	rddreg [dreg:$0x13]  }
0x8d: {  	[tilespmem:s8], [sflag:$0x8] =	stream.linear.gather [hbm4b:s28+s19], $0x50, $0x38;
	[tilespmem:$0x1E200] =	vst v63  }
.LBB2_4:
0x8e: {  	_ =	swait.ge [sflag:s9], $0x2800  }
0x8f: {  	[sflag:s9] =	ssyncset.done $0x0  }
0x90: {  	[sflag:s9] =	ssyncadd.s32 $0xFFFFD800  }
0x91: {  	_ =	swait.ge [sflag:s10], $0x50  }
0x92: {  	[sflag:s10] =	ssyncset.done $0x0  }
0x93: {  	[sflag:s10] =	ssyncadd.s32 $0xFFFFFFB0  }
0x94: {  	[spmem:s3] =	stream.indirect.scatter.add.f32 [tilespmem:s29], [sflag:$0x9], $0x80, s4, s11, $0xb8;
	[tilespmem:$0x1E200] =	vst v63  }
0x95: {  	_ =	swait.ge [sflag:s30], $0x2800  }
0x96: {  	s22 =	sadd.s32 s19, s21;
	[sflag:s30] =	ssyncset.done $0x0  }
0x97: {  	s28 =	sadd.s32 $0x1400, s22;
	[sflag:s30] =	ssyncadd.s32 $0xFFFFD800  }
0x98: {  	[tilespmem:s29], [sflag:$0x1] =	stream.linear.gather [hbm4b:s28+s4], $0x2800, $0x38;
	[tilespmem:$0x1E200] =	vst v63  }
0x99: {  	s28 =	sshrl.u32 s25, $0x3  }
0x9a: {  	s28 =	sadd.s32 s2, s28  }
0x9b: {  	[tilespmem:s4], [sflag:$0x5] =	stream.linear.gather [hbm4b:s28+s4], $0x50, $0x38;
	[tilespmem:$0x1E200] =	vst v63  }
0x9c: {  	_ =	swait.ge [sflag:s12], $0x2800  }
0x9d: {  	[sflag:s12] =	ssyncset.done $0x0  }
0x9e: {  	[sflag:s12] =	ssyncadd.s32 $0xFFFFD800  }
0x9f: {  	_ =	swait.ge [sflag:s13], $0x50  }
0xa0: {  	[sflag:s13] =	ssyncset.done $0x0  }
0xa1: {  	[sflag:s13] =	ssyncadd.s32 $0xFFFFFFB0  }
0xa2: {  	[spmem:s3] =	stream.indirect.scatter.add.f32 [tilespmem:s31], [sflag:$0x9], $0x80, s0, s11, $0xb8;
	[tilespmem:$0x1E200] =	vst v63  }
0xa3: {  	_ =	swait.ge [sflag:s30], $0x2800  }
0xa4: {  	[sflag:s30] =	ssyncset.done $0x0  }
0xa5: {  	s28 =	sadd.s32 $0x1900, s22;
	[sflag:s30] =	ssyncadd.s32 $0xFFFFD800  }
0xa6: {  	[tilespmem:s31], [sflag:$0x2] =	stream.linear.gather [hbm4b:s28+s4], $0x2800, $0x38;
	[tilespmem:$0x1E200] =	vst v63  }
0xa7: {  	_ = 	snop  }
0xa8: {  	[tilespmem:s0], [sflag:$0x6] =	stream.linear.gather [hbm4b:s24+s4], $0x50, $0x38;
	[tilespmem:$0x1E200] =	vst v63  }
0xa9: {  	_ =	swait.ge [sflag:s14], $0x2800  }
0xaa: {  	[sflag:s14] =	ssyncset.done $0x0  }
0xab: {  	[sflag:s14] =	ssyncadd.s32 $0xFFFFD800  }
0xac: {  	_ =	swait.ge [sflag:s15], $0x50  }
0xad: {  	p0 =	seq.s32 s19, $0x8C00;
	[sflag:s15] =	ssyncset.done $0x0  }
.Ltmp3:
0xae: {  	[sflag:s15] =	ssyncadd.s32 $0xFFFFFFB0;
	(pc) =	sbr.rel @p0 .LBB2_6-.Ltmp3, $4  }
0xaf: {  	[spmem:s3] =	stream.indirect.scatter.add.f32 [tilespmem:s1], [sflag:$0x9], $0x80, s6, s11, $0xb8;
	[tilespmem:$0x1E200] =	vst v63  }
0xb0: {  	_ =	swait.ge [sflag:s30], $0x2800  }
0xb1: {  	[sflag:s30] =	ssyncset.done $0x0  }
0xb2: {  	[sflag:s30] =	ssyncadd.s32 $0xFFFFD800  }
0xb3: {  	s28 =	sadd.s32 $0x1E00, s22  }
0xb4: {  	[tilespmem:s1], [sflag:$0x3] =	stream.linear.gather [hbm4b:s28+s4], $0x2800, $0x38;
	[tilespmem:$0x1E200] =	vst v63  }
0xb5: {  	_ = 	snop  }
0xb6: {  	[tilespmem:s6], [sflag:$0x7] =	stream.linear.gather [hbm4b:s23+s4], $0x50, $0x38;
	[tilespmem:$0x1E200] =	vst v63  }
0xb7: {  	_ =	swait.ge [sflag:s16], $0x2800  }
0xb8: {  	[sflag:s16] =	ssyncset.done $0x0  }
0xb9: {  	[sflag:s16] =	ssyncadd.s32 $0xFFFFD800  }
0xba: {  	_ =	swait.ge [sflag:s17], $0x50  }
0xbb: {  	[sflag:s17] =	ssyncset.done $0x0  }
0xbc: {  	[sflag:s17] =	ssyncadd.s32 $0xFFFFFFB0  }
0xbd: {  	[spmem:s3] =	stream.indirect.scatter.add.f32 [tilespmem:s7], [sflag:$0x9], $0x80, s8, s11, $0xb8;
	[tilespmem:$0x1E200] =	vst v63  }
0xbe: {  	_ =	swait.ge [sflag:s30], $0x2800  }
0xbf: {  	[sflag:s30] =	ssyncset.done $0x0  }
.Ltmp4:
0xc0: {  	s28 =	sadd.s32 $0x2300, s22;
	[sflag:s30] =	ssyncadd.s32 $0xFFFFD800;
	(pc) =	sbr.rel .LBB2_4-.Ltmp4, $4  }
0xc1: {  	[tilespmem:s7], [sflag:$0x4] =	stream.linear.gather [hbm4b:s28+s4], $0x2800, $0x38;
	[tilespmem:$0x1E200] =	vst v63  }
0xc2: {  	s19 =	sadd.s32 $0x1400, s19;
	s24 =	sadd.s32 $0x28, s24  }
0xc3: {  	[tilespmem:s8], [sflag:$0x8] =	stream.linear.gather [hbm4b:s26+s4], $0x50, $0x38;
	[tilespmem:$0x1E200] =	vst v63  }
0xc4: {  	s25 =	sadd.s32 $0x140, s25;
	s23 =	sadd.s32 $0x28, s23;
	s26 =	sadd.s32 $0x28, s26  }
.LBB2_7:
0xc5: {  	_ =	sfence.sel $0x180000  }
0xc6: {  	[bflag:$0x0] =	sbarrier.arrive $0xFFFF  }
0xc7: {  	_ =	strace $0x90000047  }
0xc8: {  	s0 =	stileid.u32;
	[bflag:$0x2] =	sbarrier.arrive $0xFFFF  }
0xc9: {  	p0 =	sne.s32 s0, $0x0;
	s0 =	rddreg [dreg:$0x3]  }
0xca: {  	s0 =	sadd.s32 @!p0 $0x100000, s0  }
0xcb: {  	[sflag:s0] =	ssyncadd.tile.s32 @!p0 $0x1;
	_ =	shalt  }
.Lfunc_end2:
_tile_overlayer_lowered:
.L_overlay_start_2:
0xcc: {  	(tag) =	ssettag $0x2  }
0xcd: {  	s0 =	rddreg [dreg:$0x0];
	s2 =	stileid.u32  }
0xce: {  	s1 =	rddreg [dreg:$0x1];
	p0 =	sne.s32 s2, $0x0  }
0xcf: {  	s3 =	rddreg [dreg:$0x2];
	[bflag:$0x3] =	sbarrier.arrive $0xFFFF;
	s2 =	simm.s32 @!p0 $0x1C09  }
0xd0: {  	[timem:s3], [sflag:s2] =	dma.local @!p0 [hbm:s0], s1  }
0xd1: {  	s0 =	simm.s32 @!p0 $0x9  }
0xd2: {  	_ =	swait.ge @!p0 [sflag:s0], s1  }
0xd3: {  	s1 =	ssub.s32 @!p0 $0x0, s1;
	[sflag:s0] =	ssyncset.done @!p0 $0x0  }
0xd4: {  	[sflag:s0] =	ssyncadd.s32 @!p0 s1  }
0xd5: {  	[bflag:$0x3] =	sbarrier.arrive $0xFFFF  }
0xd6: {  	_ =	shalt  }

// kernel: kernel.14.cloned.1.call-start
scs
__scs_entry_jumppad:
0x0: {  	(pc) =	sbr.rel $0x88, $3  }
0x1: {  	(tag) =	ssettag $0x0;
	lr =	simm.s32 $0x1  }
0x2: {  	[smem:$0x3F99] =	sst lr;
	_ =	strace $0xD0000000  }
0x3: {  	_ = 	snop  }
0x4: {  	_ = 	snop  }
0x5: {  	_ = 	snop  }
0x6: {  	_ = 	snop  }
0x7: {  	_ = 	snop  }
__scs_overlays_trampoline_lowered:
0x8: {  	[smem:$0x3FA8] =	sst s0  }
0x9: {  	[smem:$0x3FA9] =	sst s1  }
0xa: {  	[smem:$0x3FAA] =	sst s2  }
0xb: {  	[smem:$0x3FAB] =	sst s3  }
0xc: {  	[smem:$0x3FAC] =	sst s4  }
0xd: {  	[smem:$0x3FAD] =	sst s5  }
0xe: {  	[smem:$0x3FAE] =	sst s6  }
0xf: {  	[smem:$0x3FAF] =	sst s7  }
0x10: {  	[smem:$0x3FB0] =	sst s8  }
0x11: {  	[smem:$0x3FB1] =	sst s9;
	s0 =	simm.s32 @!p0 $0x0  }
0x12: {  	s1 =	sld [smem:$0x3F97];
	s0 =	simm.s32 @p0 $0x1  }
0x13: {  	[smem:$0x3FB2] =	sst s0;
	s0 =	simm.s32 @!p1 $0x0  }
0x14: {  	s2 =	sld [smem:$0x3F96];
	s0 =	simm.s32 @p1 $0x1  }
0x15: {  	[smem:$0x3FB3] =	sst s0;
	s0 =	simm.s32 @!p2 $0x0  }
0x16: {  	s3 =	sld [smem:$0x3FDB];
	s0 =	simm.s32 @p2 $0x1  }
0x17: {  	s4 =	simm.s32 $0x1BF5;
	[smem:$0x3FB5] =	sst s0  }
0x18: {  	s0 =	sld [smem:$0x3F98];
	_ =	swait.ge [sflag:s4], $0x0  }
0x19: {  	s7 =	sld [smem:$0x3F99]  }
0x1a: {  	s8 =	sadd.s32 $0xFFFFE003, lr  }
0x1b: {  	s9 =	sadd.s32 $0xFFFFFEF7, lr;
	s5 =	simm.s32 $0xFFFFFFFF;
	p2 =	slt.u32 s8, $0xFFFFF086  }
0x1c: {  	p1 =	slt.u32 s9, $0xF7A;
	s5 =	simm.s32 @!p2 $0x0  }
0x1d: {  	s5 =	simm.s32 @p1 $0x1;
	p0 =	seq.s32 s7, s2  }
0x1e: {  	s7 =	smul.u32 @!p0 $0xF7A, s2;
	p2 =	seq.s32 @!p0 s5, $0x0  }
0x1f: {  	s9 =	smul.u32 $0xF7A, s1;
	s8 =	simm.s32 @!p0 $0x1BF5;
	p2 =	por !p2, p0  }
0x20: {  	[sflag:s8] =	ssyncset.s32 @!p0 $0xFFFFF086;
	s6 =	sadd.s32 @!p0 s3, s7;
	s7 =	simm.s32 @!p0 $0x108  }
0x21: {  	s3 =	sadd.s32 s3, s9;
	s6 =	sadd.s32 @!p0 $0x88, s6;
	s7 =	simm.s32 @p2 $0x1082  }
0x22: {  	[simem:s7], [sflag:s8] =	dma.local @!p0 [hbm:s6], $0xF7A  }
0x23: {  	s9 =	sor.u32 $0xD0000000, s2;
	s6 =	simm.s32 $0x108;
	_ =	swait.ge @!p0 [sflag:s8], $0x0  }
0x24: {  	s3 =	sadd.s32 $0x88, s3;
	s6 =	simm.s32 @!p1 $0x1082;
	[sflag:s4] =	ssyncset.s32 $0xFFFFF086  }
0x25: {  	[simem:s6], [sflag:s4] =	dma.local [hbm:s3], $0xF7A  }
0x26: {  	[smem:$0x3F99] =	sst s1;
	(tag) =	ssettag s2;
	_ =	strace s9  }
0x27: {  	s1 =	sld [smem:$0x3FA9]  }
0x28: {  	s2 =	sld [smem:$0x3FAA]  }
0x29: {  	s4 =	sld [smem:$0x3FAC]  }
0x2a: {  	p0 =	seq.s32 s5, $0x0;
	s5 =	sld [smem:$0x3FAD]  }
0x2b: {  	s6 =	sld [smem:$0x3FAE]  }
0x2c: {  	s7 =	sld [smem:$0x3FAF]  }
0x2d: {  	s3 =	simm.s32 $0x108;
	s8 =	sld [smem:$0x3FB0]  }
0x2e: {  	s3 =	simm.s32 @!p0 $0x1082;
	s9 =	sld [smem:$0x3FB1]  }
0x2f: {  	lr =	sadd.s32 s0, s3;
	s0 =	sld [smem:$0x3FA8]  }
0x30: {  	s3 =	sld [smem:$0x3FAB]  }
0x31: {  	[smem:$0x3FB4] =	sst s10  }
0x32: {  	s10 =	sld [smem:$0x3FB2];
	_ =	sdelay $0x3  }
0x33: {  	p0 =	seq.s32 s10, $0x1;
	s10 =	sld [smem:$0x3FB4];
	_ =	sdelay $0x3  }
0x34: {  	[smem:$0x3FB4] =	sst s10  }
0x35: {  	s10 =	sld [smem:$0x3FB3];
	_ =	sdelay $0x3  }
0x36: {  	p1 =	seq.s32 s10, $0x1;
	s10 =	sld [smem:$0x3FB4];
	_ =	sdelay $0x3  }
0x37: {  	[smem:$0x3FB4] =	sst s10  }
0x38: {  	s10 =	sld [smem:$0x3FB5]  }
0x39: {  	_ = 	snop;
	(pc) =	sbr.ind lr, $3  }
0x3a: {  	_ = 	snop  }
0x3b: {  	_ = 	snop  }
0x3c: {  	p2 =	seq.s32 s10, $0x1;
	s10 =	sld [smem:$0x3FB4]  }
0x3d: {  	_ =	shalt  }
0x3e: {  	_ =	shalt  }
0x3f: {  	_ =	shalt  }
0x40: {  	_ =	shalt  }
0x41: {  	_ =	shalt  }
0x42: {  	_ =	shalt  }
0x43: {  	_ =	shalt  }
0x44: {  	_ =	shalt  }
0x45: {  	_ =	shalt  }
0x46: {  	_ =	shalt  }
0x47: {  	_ =	shalt  }
0x48: {  	_ =	shalt  }
0x49: {  	_ =	shalt  }
0x4a: {  	_ =	shalt  }
0x4b: {  	_ =	shalt  }
0x4c: {  	_ =	shalt  }
0x4d: {  	_ =	shalt  }
0x4e: {  	_ =	shalt  }
0x4f: {  	_ =	shalt  }
0x50: {  	_ =	shalt  }
0x51: {  	_ =	shalt  }
0x52: {  	_ =	shalt  }
0x53: {  	_ =	shalt  }
0x54: {  	_ =	shalt  }
0x55: {  	_ =	shalt  }
0x56: {  	_ =	shalt  }
0x57: {  	_ =	shalt  }
0x58: {  	_ =	shalt  }
0x59: {  	_ =	shalt  }
0x5a: {  	_ =	shalt  }
0x5b: {  	_ =	shalt  }
0x5c: {  	_ =	shalt  }
0x5d: {  	_ =	shalt  }
0x5e: {  	_ =	shalt  }
0x5f: {  	_ =	shalt  }
0x60: {  	_ =	shalt  }
0x61: {  	_ =	shalt  }
0x62: {  	_ =	shalt  }
0x63: {  	_ =	shalt  }
0x64: {  	_ =	shalt  }
0x65: {  	_ =	shalt  }
0x66: {  	_ =	shalt  }
0x67: {  	_ =	shalt  }
0x68: {  	_ =	shalt  }
0x69: {  	_ =	shalt  }
0x6a: {  	_ =	shalt  }
0x6b: {  	_ =	shalt  }
0x6c: {  	_ =	shalt  }
0x6d: {  	_ =	shalt  }
0x6e: {  	_ =	shalt  }
0x6f: {  	_ =	shalt  }
0x70: {  	_ =	shalt  }
0x71: {  	_ =	shalt  }
0x72: {  	_ =	shalt  }
0x73: {  	_ =	shalt  }
0x74: {  	_ =	shalt  }
0x75: {  	_ =	shalt  }
0x76: {  	_ =	shalt  }
0x77: {  	_ =	shalt  }
0x78: {  	_ =	shalt  }
0x79: {  	_ =	shalt  }
0x7a: {  	_ =	shalt  }
0x7b: {  	_ =	shalt  }
0x7c: {  	_ =	shalt  }
0x7d: {  	_ =	shalt  }
0x7e: {  	_ =	shalt  }
0x7f: {  	_ =	shalt  }
0x80: {  	_ =	shalt  }
0x81: {  	_ =	shalt  }
0x82: {  	_ =	shalt  }
0x83: {  	_ =	shalt  }
0x84: {  	_ =	shalt  }
0x85: {  	_ =	shalt  }
0x86: {  	_ =	shalt  }
0x87: {  	_ =	shalt  }
.Lfunc_end0:
.L_simem_size_0:
called_computation.1_lowered:
.L_overlay_start_0:
0x88: {  	s2 =	sld [smem:$0x3FD9]  }
0x89: {  	s3 =	sld [smem:$0x3FFE];
	_ =	sdelay $0x1  }
0x8a: {  	s1 =	srdreg.scid  }
0x8b: {  	s0 =	sand.u32 $0x1, s1  }
0x8c: {  	s17 =	sshll.u32 s0, $0xA;
	s2 =	sadd.s32 s3, s2  }
0x8d: {  	s2 =	sadd.s32 s2, s17  }
0x8e: {  	[smem:$0x3FC0] =	sst s2  }
0x8f: {  	_ = 	snop  }
0x90: {  	s2 =	sld [smem:$0x3FC6];
	(tm) =	ssettm $0x1  }
0x91: {  	s18 =	sld [smem:$0x3FFB];
	_ =	sdelay $0x3  }
0x92: {  	_ =	strace s18  }
0x93: {  	s3 =	sld [smem:$0x3FFC];
	_ =	sdelay $0x3  }
0x94: {  	_ =	strace s3  }
0x95: {  	s3 =	sld [smem:$0x3FFD];
	_ =	sdelay $0x3  }
0x96: {  	_ =	strace s3  }
0x97: {  	_ =	strace $0x8FFFFFFF  }
0x98: {  	s19 =	sld [smem:$0x3FDB];
	_ =	sdelay $0x1  }
0x99: {  	s4 =	simm.s32 $_scs_section_size  }
0x9a: {  	s5 =	simm.s32 $_size__tile_overlayer_lowered;
	s6 =	simm.s32 $_tile_overlayer_lowered  }
0x9b: {  	s22 =	simm.s32 $0x1BFF;
	s21 =	sshll.u32 s6, $0x1;
	s3 =	sadd.s32 s4, s19  }
0x9c: {  	s7 =	simm.s32 $0x0;
	s20 =	sshll.u32 s5, $0x1;
	s5 =	sadd.s32 s21, s3  }
0x9d: {  	[timem:s7], [sflag:s22] =	dma.local [hbm:s5], s20  }
0x9e: {  	_ =	swait.ge [sflag:s22], s20  }
0x9f: {  	s4 =	ssub.s32 $0x0, s20;
	[sflag:s22] =	ssyncset.done $0x0  }
0xa0: {  	[sflag:s22] =	ssyncadd.s32 s4;
	_ =	sdelay $0x1  }
0xa1: {  	s23 =	simm.s32 $0x1B8B  }
0xa2: {  	_ =	swait.ge [sflag:s23], $0x1  }
0xa3: {  	[sflag:s23] =	ssyncset.done $0x0  }
0xa4: {  	s25 =	simm.s32 $0x1B8E;
	s24 =	sld [smem:$0x3FFE];
	[sflag:s23] =	ssyncadd.s32 $0xFFFFFFFF  }
0xa5: {  	s26 =	simm.s32 $execute0_lowered;
	[smem:$0x3FD2] =	sst s25  }
0xa6: {  	s5 =	sshll.u32 s26, $0x1;
	_ =	strace $0x80000049;
	[dreg:$0x1] =	wrdreg $0xFFFFFFFF  }
0xa7: {  	s28 =	simm.s32 $_size_execute0_lowered;
	s3 =	sadd.s32 s3, s5;
	[dreg:$0x0] =	wrdreg $0x0  }
0xa8: {  	s5 =	sshll.u32 s28, $0x1;
	[dreg:$0x2] =	wrdreg s3  }
0xa9: {  	[dreg:$0x3] =	wrdreg s5  }
0xaa: {  	[dreg:$0x4] =	wrdreg $0xC0  }
0xab: {  	_ =	task [dreg:s7], $0x5FFFF  }
0xac: {  	[dreg:$0x1] =	wrdreg $0xFFFFFFFF  }
0xad: {  	[dreg:$0x0] =	wrdreg $0x60  }
0xae: {  	[dreg:$0x2] =	wrdreg s24  }
0xaf: {  	[dreg:$0x3] =	wrdreg s2  }
0xb0: {  	[dreg:$0x4] =	wrdreg $0xA2000  }
0xb1: {  	[dreg:$0x5] =	wrdreg $0x9  }
0xb2: {  	_ =	task.clear_ibuf [dreg:s7], $0x6FFFF;
	_ =	strace $0x90000049  }
0xb3: {  	s29 =	simm.s32 $0x9;
	_ =	strace $0x8000004B  }
0xb4: {  	_ =	swait.ge [sflag:s29], $0x1  }
0xb5: {  	[sflag:s29] =	ssyncadd.s32 $0xFFFFFFFF  }
0xb6: {  	_ =	strace $0x9000004B  }
0xb7: {  	_ =	sfence  }
0xb8: {  	s30 =	sld [smem:$0x0];
	_ =	sdelay $0x2  }
0xb9: {  	s31 =	sshll.u32 s1, $0xD;
	s1 =	sshrl.u32 s1, $0x2  }
0xba: {  	s3 =	sand.u32 $0x4000, s31;
	s1 =	sadd.s32 s1, s30  }
0xbb: {  	s0 =	sor.u32 s3, s0;
	s1 =	sshll.u32 s1, $0x11  }
0xbc: {  	s0 =	sor.u32 s1, s0  }
0xbd: {  	s0 =	sadd.s32 $0x8F2B, s0  }
0xbe: {  	[sflag:s0] =	ssyncadd.remote.s32 $0x1  }
0xbf: {  	_ =	sfence.sel $0xFFFF  }
0xc0: {  	[dreg:$0x0] =	wrdreg $0xFFFFFFFF;
	(pc) =	sbr.abs _section_cstart, $3  }
0xc1: {  	[dreg:$0x1] =	wrdreg $0xFFFFFFFF  }
0xc2: {  	_ =	task.clear_ibuf [dreg:s7], $0x2FFFF;
	_ =	strace $0x9FFFFFFF  }
0xc3: {  	(tm) =	ssettm $0x7FFFFFFF  }
tec
execute0_lowered:
.L_overlay_start_1:
0x0: {  	(tag) =	ssettag $0x1  }
0x1: {  	s0 =	rddreg [dreg:$0x0]  }
0x2: {  	s2 =	rddreg [dreg:$0x1]  }
0x3: {  	s1 =	rddreg [dreg:$0x2];
	s12 =	stileid.u32  }
0x4: {  	s3 =	srdreg.scid;
	s6 =	smul.u32 $0x14000, s12  }
0x5: {  	s28 =	simm.s32 $0x100;
	s29 =	simm.s32 $0x7A00;
	s11 =	smul.u32 $0x50000, s12  }
0x6: {  	s30 =	simm.s32 $0x180;
	s31 =	simm.s32 $0x1;
	s15 =	smul.u32 $0xAA0, s12  }
0x7: {  	s4 =	sand.u32 $0x1, s3;
	s3 =	simm.s32 $0x0;
	s19 =	smul.u32 $0xAA00, s12  }
0x8: {  	s8 =	sadd.s32 $0x1A6200, s0;
	s24 =	sshll.u32 s12, $0x6;
	s5 =	smul.u32 $0x140000, s4  }
0x9: {  	[smem:$0x7FF] =	sst s3;
	s7 =	sshll.u32 s4, $0x4;
	s26 =	smul.u32 $0xAA00, s4  }
0xa: {  	s21 =	ssub.s32 $0x2, s4;
	s4 =	smul.u32 $0xAA000, s4;
	s7 =	sor.u32 s12, s7  }
0xb: {  	_ =	strace $0x8000004A;
	s10 =	sshrl.u32 s21, $0x1;
	s9 =	smul.u32 $0xAA0, s7  }
0xc: {  	s23 =	sshrl.u32 s11, $0x2;
	s11 =	simm.s32 $0x0;
	s22 =	smul.u32 $0xAA00, s7  }
0xd: {  	s5 =	sadd.s32 s6, s5;
	s7 =	smul.u32 $0x55000, s7;
	s6 =	sadd.s32 s23, s1  }
0xe: {  	s18 =	sadd.s32 s15, s26;
	s20 =	sadd.s32 s4, s8;
	s5 =	sshrl.u32 s5, $0x3  }
0xf: {  	[dreg:$0x4] =	wrdreg s6;
	s6 =	sor.u32 $0x1C09, s24;
	s23 =	sadd.s32 $0x15630, s18  }
0x10: {  	s24 =	sadd.s32 $0x15590, s18;
	s0 =	sadd.s32 s5, s0;
	s5 =	ssub.s32 s21, s10  }
0x11: {  	s10 =	sadd.s32 s8, s22;
	s9 =	sshrl.u32 s9, $0x3;
	s7 =	sshrl.u32 s7, $0x3  }
0x12: {  	s4 =	sshrl.u32 s24, $0x3;
	s24 =	simm.s32 $0x2A00;
	s25 =	sadd.s32 $0x156200, s0  }
0x13: {  	[dreg:$0x6] =	wrdreg s10;
	s9 =	sadd.s32 s2, s9;
	s7 =	sadd.s32 s8, s7  }
0x14: {  	s10 =	sadd.s32 $0x155E0, s18;
	s0 =	sadd.s32 $0x2000, s0;
	[dreg:$0x5] =	wrdreg s25  }
0x15: {  	s5 =	smax.u32 s5, $0x1;
	s26 =	sadd.s32 s4, s2;
	[dreg:$0xe] =	wrdreg s0  }
0x16: {  	s4 =	simm.s32 $0x2;
	s8 =	simm.s32 $0x7;
	[dreg:$0xf] =	wrdreg s5  }
0x17: {  	s13 =	sadd.s32 $0x2A80, s9;
	s14 =	sadd.s32 $0x500, s7;
	[dreg:$0x12] =	wrdreg s26  }
0x18: {  	s16 =	sadd.s32 $0xA00, s7;
	s17 =	sadd.s32 $0x2A94, s9;
	[dreg:$0x7] =	wrdreg s13  }
0x19: {  	s7 =	sadd.s32 $0xF00, s7;
	s21 =	sshrl.u32 s10, $0x3;
	[dreg:$0x8] =	wrdreg s14  }
0x1a: {  	s25 =	sadd.s32 $0x15540, s18;
	s0 =	sshrl.u32 s23, $0x3;
	[dreg:$0xa] =	wrdreg s16  }
0x1b: {  	s23 =	simm.s32 $0x200;
	s26 =	simm.s32 $0x5200;
	[dreg:$0xb] =	wrdreg s17  }
0x1c: {  	s10 =	simm.s32 $0x8;
	s13 =	sadd.s32 $0x2A8A, s9;
	[dreg:$0xc] =	wrdreg s7  }
0x1d: {  	s9 =	sadd.s32 $0x2A9E, s9;
	s17 =	sadd.s32 s19, s20;
	[dreg:$0x9] =	wrdreg s13  }
.Ltmp0:
0x1e: {  	s22 =	sadd.s32 s21, s2;
	[dreg:$0xd] =	wrdreg s9;
	(pc) =	sbr.rel .LBB2_1-.Ltmp0, $4  }
0x1f: {  	s5 =	sshrl.u32 s25, $0x3;
	s0 =	sadd.s32 s0, s2;
	[dreg:$0x10] =	wrdreg s22  }
0x20: {  	s25 =	simm.s32 $0x80;
	s7 =	simm.s32 $0x3;
	[dreg:$0x11] =	wrdreg s0  }
0x21: {  	s13 =	sadd.s32 s5, s2;
	s22 =	simm.s32 $0x9;
	s0 =	simm.s32 $0x5  }
0x22: {  	s2 =	simm.s32 $0x50;
	s5 =	simm.s32 $0x6;
	s9 =	simm.s32 $0x4  }
.LBB2_4:
0x23: {  	_ =	swait.ge [sflag:s9], $0x2800  }
0x24: {  	[sflag:s9] =	ssyncset.done $0x0  }
0x25: {  	[sflag:s9] =	ssyncadd.s32 $0xFFFFD800  }
0x26: {  	_ =	swait.ge [sflag:s10], $0x50  }
0x27: {  	[sflag:s10] =	ssyncset.done $0x0  }
0x28: {  	[sflag:s10] =	ssyncadd.s32 $0xFFFFFFB0  }
0x29: {  	[spmem:s1] =	stream.indirect.scatter.add.f32 [tilespmem:s29], [sflag:$0x9], $0x80, s30, s2, $0xb8;
	[tilespmem:$0x1E200] =	vst v63  }
0x2a: {  	_ =	swait.ge [sflag:s22], $0x2800  }
0x2b: {  	[sflag:s22] =	ssyncset.done $0x0  }
0x2c: {  	[sflag:s22] =	ssyncadd.s32 $0xFFFFD800  }
0x2d: {  	_ =	swait.ge [sflag:s31], $0x2800  }
0x2e: {  	[sflag:s31] =	ssyncset.done $0x0  }
0x2f: {  	[sflag:s31] =	ssyncadd.s32 $0xFFFFD800  }
0x30: {  	_ =	swait.ge [sflag:s0], $0x50  }
0x31: {  	[sflag:s0] =	ssyncset.done $0x0  }
0x32: {  	[sflag:s0] =	ssyncadd.s32 $0xFFFFFFB0  }
0x33: {  	[spmem:s1] =	stream.indirect.scatter.add.f32 [tilespmem:s23], [sflag:$0x9], $0x80, s3, s2, $0xb8;
	[tilespmem:$0x1E200] =	vst v63  }
0x34: {  	_ =	swait.ge [sflag:s22], $0x2800  }
0x35: {  	[sflag:s22] =	ssyncset.done $0x0  }
0x36: {  	[sflag:s22] =	ssyncadd.s32 $0xFFFFD800  }
0x37: {  	_ =	swait.ge [sflag:s4], $0x2800  }
0x38: {  	[sflag:s4] =	ssyncset.done $0x0  }
0x39: {  	[sflag:s4] =	ssyncadd.s32 $0xFFFFD800  }
0x3a: {  	_ =	swait.ge [sflag:s5], $0x50  }
0x3b: {  	[sflag:s5] =	ssyncset.done $0x0  }
0x3c: {  	[sflag:s5] =	ssyncadd.s32 $0xFFFFFFB0  }
0x3d: {  	[spmem:s1] =	stream.indirect.scatter.add.f32 [tilespmem:s24], [sflag:$0x9], $0x80, s25, s2, $0xb8;
	[tilespmem:$0x1E200] =	vst v63  }
0x3e: {  	_ =	swait.ge [sflag:s22], $0x2800  }
0x3f: {  	[sflag:s22] =	ssyncset.done $0x0  }
0x40: {  	[sflag:s22] =	ssyncadd.s32 $0xFFFFD800  }
0x41: {  	[bflag:$0x0] =	sbarrier.arrive $0xFFFF  }
0x42: {  	s14 =	rddreg [dreg:$0xe]  }
0x43: {  	[hbm:s14], [sflag:s6] =	dma.local [spmem:s12], $0x2800  }
0x44: {  	_ =	swait.ge [sflag:s22], $0x2800  }
0x45: {  	s11 =	sadd.s32 $0x1, s11;
	s21 =	rddreg [dreg:$0xf]  }
0x46: {  	p0 =	sne.s32 s11, s21  }
.Ltmp1:
0x47: {  	_ = 	snop;
	(pc) =	sbr.rel @!p0 .LBB2_5-.Ltmp1, $3  }
0x48: {  	_ =	sdelay $0x1  }
0x49: {  	[sflag:s22] =	ssyncset.done $0x0  }
0x4a: {  	[sflag:s22] =	ssyncadd.s32 $0xFFFFD800  }
.LBB2_1:
0x4b: {  	s12 =	rddreg [dreg:$0x4]  }
0x4c: {  	s14 =	rddreg [dreg:$0x5];
	s12 =	sshrl.u32 s12, $0x3  }
0x4d: {  	[spmem:s12], [sflag:s6] =	dma.local [hbm:s14], $0x2800  }
0x4e: {  	_ =	swait.ge [sflag:s22], $0x2800  }
0x4f: {  	[sflag:s22] =	ssyncset.done $0x0  }
0x50: {  	[sflag:s22] =	ssyncadd.s32 $0xFFFFD800  }
0x51: {  	[bflag:$0x0] =	sbarrier.arrive $0xFFFF  }
0x52: {  	s20 =	rddreg [dreg:$0x6]  }
0x53: {  	s21 =	rddreg [dreg:$0x7]  }
0x54: {  	s15 =	rddreg [dreg:$0x8]  }
0x55: {  	[tilespmem:s23], [sflag:$0x1] =	stream.linear.gather [hbm4b:s20+s3], $0x2800, $0x38;
	[tilespmem:$0x1E200] =	vst v63  }
0x56: {  	s16 =	rddreg [dreg:$0x9]  }
0x57: {  	[tilespmem:s3], [sflag:$0x5] =	stream.linear.gather [hbm4b:s21+s3], $0x50, $0x38;
	[tilespmem:$0x1E200] =	vst v63  }
0x58: {  	s18 =	rddreg [dreg:$0xa]  }
0x59: {  	[tilespmem:s24], [sflag:$0x2] =	stream.linear.gather [hbm4b:s15+s3], $0x2800, $0x38;
	[tilespmem:$0x1E200] =	vst v63  }
0x5a: {  	s19 =	rddreg [dreg:$0xb]  }
0x5b: {  	[tilespmem:s25], [sflag:$0x6] =	stream.linear.gather [hbm4b:s16+s3], $0x50, $0x38;
	[tilespmem:$0x1E200] =	vst v63  }
0x5c: {  	s20 =	rddreg [dreg:$0xc]  }
0x5d: {  	[tilespmem:s26], [sflag:$0x3] =	stream.linear.gather [hbm4b:s18+s3], $0x2800, $0x38;
	[tilespmem:$0x1E200] =	vst v63  }
0x5e: {  	s21 =	rddreg [dreg:$0xd]  }
0x5f: {  	[tilespmem:s28], [sflag:$0x7] =	stream.linear.gather [hbm4b:s19+s3], $0x50, $0x38;
	[tilespmem:$0x1E200] =	vst v63  }
0x60: {  	s18 =	rddreg [dreg:$0x10]  }
0x61: {  	[tilespmem:s29], [sflag:$0x4] =	stream.linear.gather [hbm4b:s20+s3], $0x2800, $0x38;
	[tilespmem:$0x1E200] =	vst v63  }
0x62: {  	s19 =	rddreg [dreg:$0x11]  }
0x63: {  	[tilespmem:s30], [sflag:$0x8] =	stream.linear.gather [hbm4b:s21+s3], $0x50, $0x38;
	[tilespmem:$0x1E200] =	vst v63  }
0x64: {  	s16 =	simm.s32 $0x0;
	s20 =	rddreg [dreg:$0x12];
	s21 =	smov.u32 s13  }
.LBB2_2:
0x65: {  	_ =	swait.ge [sflag:s31], $0x2800  }
0x66: {  	[sflag:s31] =	ssyncset.done $0x0  }
0x67: {  	[sflag:s31] =	ssyncadd.s32 $0xFFFFD800  }
0x68: {  	_ =	swait.ge [sflag:s0], $0x50  }
0x69: {  	[sflag:s0] =	ssyncset.done $0x0  }
0x6a: {  	[sflag:s0] =	ssyncadd.s32 $0xFFFFFFB0  }
0x6b: {  	[spmem:s1] =	stream.indirect.scatter.add.f32 [tilespmem:s23], [sflag:$0x9], $0x80, s3, s2, $0xb8;
	[tilespmem:$0x1E200] =	vst v63  }
0x6c: {  	_ =	swait.ge [sflag:s22], $0x2800  }
0x6d: {  	s15 =	sadd.s32 s16, s17;
	[sflag:s22] =	ssyncset.done $0x0  }
0x6e: {  	s14 =	sadd.s32 $0x1400, s15;
	[sflag:s22] =	ssyncadd.s32 $0xFFFFD800  }
0x6f: {  	[tilespmem:s23], [sflag:$0x1] =	stream.linear.gather [hbm4b:s14+s3], $0x2800, $0x38;
	[tilespmem:$0x1E200] =	vst v63  }
0x70: {  	_ = 	snop  }
0x71: {  	[tilespmem:s3], [sflag:$0x5] =	stream.linear.gather [hbm4b:s21+s3], $0x50, $0x38;
	[tilespmem:$0x1E200] =	vst v63  }
0x72: {  	_ =	swait.ge [sflag:s4], $0x2800  }
0x73: {  	[sflag:s4] =	ssyncset.done $0x0  }
0x74: {  	[sflag:s4] =	ssyncadd.s32 $0xFFFFD800  }
0x75: {  	_ =	swait.ge [sflag:s5], $0x50  }
0x76: {  	[sflag:s5] =	ssyncset.done $0x0  }
0x77: {  	[sflag:s5] =	ssyncadd.s32 $0xFFFFFFB0  }
0x78: {  	[spmem:s1] =	stream.indirect.scatter.add.f32 [tilespmem:s24], [sflag:$0x9], $0x80, s25, s2, $0xb8;
	[tilespmem:$0x1E200] =	vst v63  }
0x79: {  	_ =	swait.ge [sflag:s22], $0x2800  }
0x7a: {  	[sflag:s22] =	ssyncset.done $0x0  }
0x7b: {  	s14 =	sadd.s32 $0x1900, s15;
	[sflag:s22] =	ssyncadd.s32 $0xFFFFD800  }
0x7c: {  	[tilespmem:s24], [sflag:$0x2] =	stream.linear.gather [hbm4b:s14+s3], $0x2800, $0x38;
	[tilespmem:$0x1E200] =	vst v63  }
0x7d: {  	_ = 	snop  }
0x7e: {  	[tilespmem:s25], [sflag:$0x6] =	stream.linear.gather [hbm4b:s20+s3], $0x50, $0x38;
	[tilespmem:$0x1E200] =	vst v63  }
0x7f: {  	_ =	swait.ge [sflag:s7], $0x2800  }
0x80: {  	[sflag:s7] =	ssyncset.done $0x0  }
0x81: {  	[sflag:s7] =	ssyncadd.s32 $0xFFFFD800  }
0x82: {  	_ =	swait.ge [sflag:s8], $0x50  }
0x83: {  	p0 =	seq.s32 s16, $0x8C00;
	[sflag:s8] =	ssyncset.done $0x0  }
.Ltmp2:
0x84: {  	[sflag:s8] =	ssyncadd.s32 $0xFFFFFFB0;
	(pc) =	sbr.rel @p0 .LBB2_4-.Ltmp2, $4  }
0x85: {  	[spmem:s1] =	stream.indirect.scatter.add.f32 [tilespmem:s26], [sflag:$0x9], $0x80, s28, s2, $0xb8;
	[tilespmem:$0x1E200] =	vst v63  }
0x86: {  	_ =	swait.ge [sflag:s22], $0x2800  }
0x87: {  	[sflag:s22] =	ssyncset.done $0x0  }
0x88: {  	[sflag:s22] =	ssyncadd.s32 $0xFFFFD800  }
0x89: {  	s14 =	sadd.s32 $0x1E00, s15  }
0x8a: {  	[tilespmem:s26], [sflag:$0x3] =	stream.linear.gather [hbm4b:s14+s3], $0x2800, $0x38;
	[tilespmem:$0x1E200] =	vst v63  }
0x8b: {  	_ = 	snop  }
0x8c: {  	[tilespmem:s28], [sflag:$0x7] =	stream.linear.gather [hbm4b:s18+s3], $0x50, $0x38;
	[tilespmem:$0x1E200] =	vst v63  }
0x8d: {  	_ =	swait.ge [sflag:s9], $0x2800  }
0x8e: {  	[sflag:s9] =	ssyncset.done $0x0  }
0x8f: {  	[sflag:s9] =	ssyncadd.s32 $0xFFFFD800  }
0x90: {  	_ =	swait.ge [sflag:s10], $0x50  }
0x91: {  	[sflag:s10] =	ssyncset.done $0x0  }
0x92: {  	[sflag:s10] =	ssyncadd.s32 $0xFFFFFFB0  }
0x93: {  	[spmem:s1] =	stream.indirect.scatter.add.f32 [tilespmem:s29], [sflag:$0x9], $0x80, s30, s2, $0xb8;
	[tilespmem:$0x1E200] =	vst v63  }
0x94: {  	_ =	swait.ge [sflag:s22], $0x2800  }
0x95: {  	[sflag:s22] =	ssyncset.done $0x0  }
.Ltmp3:
0x96: {  	s15 =	sadd.s32 $0x2300, s15;
	[sflag:s22] =	ssyncadd.s32 $0xFFFFD800;
	(pc) =	sbr.rel .LBB2_2-.Ltmp3, $4  }
0x97: {  	[tilespmem:s29], [sflag:$0x4] =	stream.linear.gather [hbm4b:s15+s3], $0x2800, $0x38;
	[tilespmem:$0x1E200] =	vst v63  }
0x98: {  	s16 =	sadd.s32 $0x1400, s16;
	s20 =	sadd.s32 $0x28, s20  }
0x99: {  	[tilespmem:s30], [sflag:$0x8] =	stream.linear.gather [hbm4b:s19+s3], $0x50, $0x38;
	[tilespmem:$0x1E200] =	vst v63  }
0x9a: {  	s21 =	sadd.s32 $0x28, s21;
	s18 =	sadd.s32 $0x28, s18;
	s19 =	sadd.s32 $0x28, s19  }
.LBB2_5:
0x9b: {  	_ =	sfence.sel $0x180000  }
0x9c: {  	[bflag:$0x0] =	sbarrier.arrive $0xFFFF  }
0x9d: {  	_ =	strace $0x9000004A  }
0x9e: {  	s0 =	stileid.u32;
	[bflag:$0x2] =	sbarrier.arrive $0xFFFF  }
0x9f: {  	p0 =	sne.s32 s0, $0x0;
	s0 =	rddreg [dreg:$0x3]  }
0xa0: {  	s0 =	sadd.s32 @!p0 $0x100000, s0  }
0xa1: {  	[sflag:s0] =	ssyncadd.tile.s32 @!p0 $0x1;
	_ =	shalt  }
.Lfunc_end2:
_tile_overlayer_lowered:
.L_overlay_start_2:
0xa2: {  	(tag) =	ssettag $0x2  }
0xa3: {  	s0 =	rddreg [dreg:$0x0];
	s2 =	stileid.u32  }
0xa4: {  	s1 =	rddreg [dreg:$0x1];
	p0 =	sne.s32 s2, $0x0  }
0xa5: {  	s3 =	rddreg [dreg:$0x2];
	[bflag:$0x3] =	sbarrier.arrive $0xFFFF;
	s2 =	simm.s32 @!p0 $0x1C09  }
0xa6: {  	[timem:s3], [sflag:s2] =	dma.local @!p0 [hbm:s0], s1  }
0xa7: {  	s0 =	simm.s32 @!p0 $0x9  }
0xa8: {  	_ =	swait.ge @!p0 [sflag:s0], s1  }
0xa9: {  	s1 =	ssub.s32 @!p0 $0x0, s1;
	[sflag:s0] =	ssyncset.done @!p0 $0x0  }
0xaa: {  	[sflag:s0] =	ssyncadd.s32 @!p0 s1  }
0xab: {  	[bflag:$0x3] =	sbarrier.arrive $0xFFFF  }
0xac: {  	_ =	shalt  }

// kernel: kernel.17.cloned.1.call-start
scs
__scs_entry_jumppad:
0x0: {  	(pc) =	sbr.rel $0x88, $3  }
0x1: {  	(tag) =	ssettag $0x0;
	lr =	simm.s32 $0x1  }
0x2: {  	[smem:$0x3F99] =	sst lr;
	_ =	strace $0xD0000000  }
0x3: {  	_ = 	snop  }
0x4: {  	_ = 	snop  }
0x5: {  	_ = 	snop  }
0x6: {  	_ = 	snop  }
0x7: {  	_ = 	snop  }
__scs_overlays_trampoline_lowered:
0x8: {  	[smem:$0x3FA8] =	sst s0  }
0x9: {  	[smem:$0x3FA9] =	sst s1  }
0xa: {  	[smem:$0x3FAA] =	sst s2  }
0xb: {  	[smem:$0x3FAB] =	sst s3  }
0xc: {  	[smem:$0x3FAC] =	sst s4  }
0xd: {  	[smem:$0x3FAD] =	sst s5  }
0xe: {  	[smem:$0x3FAE] =	sst s6  }
0xf: {  	[smem:$0x3FAF] =	sst s7  }
0x10: {  	[smem:$0x3FB0] =	sst s8  }
0x11: {  	[smem:$0x3FB1] =	sst s9;
	s0 =	simm.s32 @!p0 $0x0  }
0x12: {  	s1 =	sld [smem:$0x3F97];
	s0 =	simm.s32 @p0 $0x1  }
0x13: {  	[smem:$0x3FB2] =	sst s0;
	s0 =	simm.s32 @!p1 $0x0  }
0x14: {  	s2 =	sld [smem:$0x3F96];
	s0 =	simm.s32 @p1 $0x1  }
0x15: {  	[smem:$0x3FB3] =	sst s0;
	s0 =	simm.s32 @!p2 $0x0  }
0x16: {  	s3 =	sld [smem:$0x3FDB];
	s0 =	simm.s32 @p2 $0x1  }
0x17: {  	s4 =	simm.s32 $0x1BF5;
	[smem:$0x3FB5] =	sst s0  }
0x18: {  	s0 =	sld [smem:$0x3F98];
	_ =	swait.ge [sflag:s4], $0x0  }
0x19: {  	s7 =	sld [smem:$0x3F99]  }
0x1a: {  	s8 =	sadd.s32 $0xFFFFE003, lr  }
0x1b: {  	s9 =	sadd.s32 $0xFFFFFEF7, lr;
	s5 =	simm.s32 $0xFFFFFFFF;
	p2 =	slt.u32 s8, $0xFFFFF086  }
0x1c: {  	p1 =	slt.u32 s9, $0xF7A;
	s5 =	simm.s32 @!p2 $0x0  }
0x1d: {  	s5 =	simm.s32 @p1 $0x1;
	p0 =	seq.s32 s7, s2  }
0x1e: {  	s7 =	smul.u32 @!p0 $0xF7A, s2;
	p2 =	seq.s32 @!p0 s5, $0x0  }
0x1f: {  	s9 =	smul.u32 $0xF7A, s1;
	s8 =	simm.s32 @!p0 $0x1BF5;
	p2 =	por !p2, p0  }
0x20: {  	[sflag:s8] =	ssyncset.s32 @!p0 $0xFFFFF086;
	s6 =	sadd.s32 @!p0 s3, s7;
	s7 =	simm.s32 @!p0 $0x108  }
0x21: {  	s3 =	sadd.s32 s3, s9;
	s6 =	sadd.s32 @!p0 $0x88, s6;
	s7 =	simm.s32 @p2 $0x1082  }
0x22: {  	[simem:s7], [sflag:s8] =	dma.local @!p0 [hbm:s6], $0xF7A  }
0x23: {  	s9 =	sor.u32 $0xD0000000, s2;
	s6 =	simm.s32 $0x108;
	_ =	swait.ge @!p0 [sflag:s8], $0x0  }
0x24: {  	s3 =	sadd.s32 $0x88, s3;
	s6 =	simm.s32 @!p1 $0x1082;
	[sflag:s4] =	ssyncset.s32 $0xFFFFF086  }
0x25: {  	[simem:s6], [sflag:s4] =	dma.local [hbm:s3], $0xF7A  }
0x26: {  	[smem:$0x3F99] =	sst s1;
	(tag) =	ssettag s2;
	_ =	strace s9  }
0x27: {  	s1 =	sld [smem:$0x3FA9]  }
0x28: {  	s2 =	sld [smem:$0x3FAA]  }
0x29: {  	s4 =	sld [smem:$0x3FAC]  }
0x2a: {  	p0 =	seq.s32 s5, $0x0;
	s5 =	sld [smem:$0x3FAD]  }
0x2b: {  	s6 =	sld [smem:$0x3FAE]  }
0x2c: {  	s7 =	sld [smem:$0x3FAF]  }
0x2d: {  	s3 =	simm.s32 $0x108;
	s8 =	sld [smem:$0x3FB0]  }
0x2e: {  	s3 =	simm.s32 @!p0 $0x1082;
	s9 =	sld [smem:$0x3FB1]  }
0x2f: {  	lr =	sadd.s32 s0, s3;
	s0 =	sld [smem:$0x3FA8]  }
0x30: {  	s3 =	sld [smem:$0x3FAB]  }
0x31: {  	[smem:$0x3FB4] =	sst s10  }
0x32: {  	s10 =	sld [smem:$0x3FB2];
	_ =	sdelay $0x3  }
0x33: {  	p0 =	seq.s32 s10, $0x1;
	s10 =	sld [smem:$0x3FB4];
	_ =	sdelay $0x3  }
0x34: {  	[smem:$0x3FB4] =	sst s10  }
0x35: {  	s10 =	sld [smem:$0x3FB3];
	_ =	sdelay $0x3  }
0x36: {  	p1 =	seq.s32 s10, $0x1;
	s10 =	sld [smem:$0x3FB4];
	_ =	sdelay $0x3  }
0x37: {  	[smem:$0x3FB4] =	sst s10  }
0x38: {  	s10 =	sld [smem:$0x3FB5]  }
0x39: {  	_ = 	snop;
	(pc) =	sbr.ind lr, $3  }
0x3a: {  	_ = 	snop  }
0x3b: {  	_ = 	snop  }
0x3c: {  	p2 =	seq.s32 s10, $0x1;
	s10 =	sld [smem:$0x3FB4]  }
0x3d: {  	_ =	shalt  }
0x3e: {  	_ =	shalt  }
0x3f: {  	_ =	shalt  }
0x40: {  	_ =	shalt  }
0x41: {  	_ =	shalt  }
0x42: {  	_ =	shalt  }
0x43: {  	_ =	shalt  }
0x44: {  	_ =	shalt  }
0x45: {  	_ =	shalt  }
0x46: {  	_ =	shalt  }
0x47: {  	_ =	shalt  }
0x48: {  	_ =	shalt  }
0x49: {  	_ =	shalt  }
0x4a: {  	_ =	shalt  }
0x4b: {  	_ =	shalt  }
0x4c: {  	_ =	shalt  }
0x4d: {  	_ =	shalt  }
0x4e: {  	_ =	shalt  }
0x4f: {  	_ =	shalt  }
0x50: {  	_ =	shalt  }
0x51: {  	_ =	shalt  }
0x52: {  	_ =	shalt  }
0x53: {  	_ =	shalt  }
0x54: {  	_ =	shalt  }
0x55: {  	_ =	shalt  }
0x56: {  	_ =	shalt  }
0x57: {  	_ =	shalt  }
0x58: {  	_ =	shalt  }
0x59: {  	_ =	shalt  }
0x5a: {  	_ =	shalt  }
0x5b: {  	_ =	shalt  }
0x5c: {  	_ =	shalt  }
0x5d: {  	_ =	shalt  }
0x5e: {  	_ =	shalt  }
0x5f: {  	_ =	shalt  }
0x60: {  	_ =	shalt  }
0x61: {  	_ =	shalt  }
0x62: {  	_ =	shalt  }
0x63: {  	_ =	shalt  }
0x64: {  	_ =	shalt  }
0x65: {  	_ =	shalt  }
0x66: {  	_ =	shalt  }
0x67: {  	_ =	shalt  }
0x68: {  	_ =	shalt  }
0x69: {  	_ =	shalt  }
0x6a: {  	_ =	shalt  }
0x6b: {  	_ =	shalt  }
0x6c: {  	_ =	shalt  }
0x6d: {  	_ =	shalt  }
0x6e: {  	_ =	shalt  }
0x6f: {  	_ =	shalt  }
0x70: {  	_ =	shalt  }
0x71: {  	_ =	shalt  }
0x72: {  	_ =	shalt  }
0x73: {  	_ =	shalt  }
0x74: {  	_ =	shalt  }
0x75: {  	_ =	shalt  }
0x76: {  	_ =	shalt  }
0x77: {  	_ =	shalt  }
0x78: {  	_ =	shalt  }
0x79: {  	_ =	shalt  }
0x7a: {  	_ =	shalt  }
0x7b: {  	_ =	shalt  }
0x7c: {  	_ =	shalt  }
0x7d: {  	_ =	shalt  }
0x7e: {  	_ =	shalt  }
0x7f: {  	_ =	shalt  }
0x80: {  	_ =	shalt  }
0x81: {  	_ =	shalt  }
0x82: {  	_ =	shalt  }
0x83: {  	_ =	shalt  }
0x84: {  	_ =	shalt  }
0x85: {  	_ =	shalt  }
0x86: {  	_ =	shalt  }
0x87: {  	_ =	shalt  }
.Lfunc_end0:
.L_simem_size_0:
called_computation.2_lowered:
.L_overlay_start_0:
0x88: {  	s2 =	sld [smem:$0x3FD9]  }
0x89: {  	s3 =	sld [smem:$0x3FFE];
	_ =	sdelay $0x1  }
0x8a: {  	s1 =	srdreg.scid  }
0x8b: {  	s0 =	sand.u32 $0x1, s1  }
0x8c: {  	s17 =	sshll.u32 s0, $0xA;
	s2 =	sadd.s32 s3, s2  }
0x8d: {  	s2 =	sadd.s32 s2, s17  }
0x8e: {  	[smem:$0x3FC0] =	sst s2  }
0x8f: {  	_ = 	snop  }
0x90: {  	s2 =	sld [smem:$0x3FC6];
	(tm) =	ssettm $0x1  }
0x91: {  	s18 =	sld [smem:$0x3FFB];
	_ =	sdelay $0x3  }
0x92: {  	_ =	strace s18  }
0x93: {  	s3 =	sld [smem:$0x3FFC];
	_ =	sdelay $0x3  }
0x94: {  	_ =	strace s3  }
0x95: {  	s3 =	sld [smem:$0x3FFD];
	_ =	sdelay $0x3  }
0x96: {  	_ =	strace s3  }
0x97: {  	_ =	strace $0x8FFFFFFF  }
0x98: {  	s19 =	sld [smem:$0x3FDB];
	_ =	sdelay $0x1  }
0x99: {  	s4 =	simm.s32 $_scs_section_size  }
0x9a: {  	s5 =	simm.s32 $_size__tile_overlayer_lowered;
	s6 =	simm.s32 $_tile_overlayer_lowered  }
0x9b: {  	s22 =	simm.s32 $0x1BFF;
	s21 =	sshll.u32 s6, $0x1;
	s3 =	sadd.s32 s4, s19  }
0x9c: {  	s7 =	simm.s32 $0x0;
	s20 =	sshll.u32 s5, $0x1;
	s5 =	sadd.s32 s21, s3  }
0x9d: {  	[timem:s7], [sflag:s22] =	dma.local [hbm:s5], s20  }
0x9e: {  	_ =	swait.ge [sflag:s22], s20  }
0x9f: {  	s4 =	ssub.s32 $0x0, s20;
	[sflag:s22] =	ssyncset.done $0x0  }
0xa0: {  	[sflag:s22] =	ssyncadd.s32 s4;
	_ =	sdelay $0x1  }
0xa1: {  	s23 =	simm.s32 $0x1B8B  }
0xa2: {  	_ =	swait.ge [sflag:s23], $0x1  }
0xa3: {  	[sflag:s23] =	ssyncset.done $0x0  }
0xa4: {  	s25 =	simm.s32 $0x1B8E;
	s24 =	sld [smem:$0x3FFE];
	[sflag:s23] =	ssyncadd.s32 $0xFFFFFFFF  }
0xa5: {  	s26 =	simm.s32 $execute0_lowered;
	[smem:$0x3FD2] =	sst s25  }
0xa6: {  	s5 =	sshll.u32 s26, $0x1;
	_ =	strace $0x8000004C;
	[dreg:$0x1] =	wrdreg $0xFFFFFFFF  }
0xa7: {  	s28 =	simm.s32 $_size_execute0_lowered;
	s3 =	sadd.s32 s3, s5;
	[dreg:$0x0] =	wrdreg $0x0  }
0xa8: {  	s5 =	sshll.u32 s28, $0x1;
	[dreg:$0x2] =	wrdreg s3  }
0xa9: {  	[dreg:$0x3] =	wrdreg s5  }
0xaa: {  	[dreg:$0x4] =	wrdreg $0xC0  }
0xab: {  	_ =	task [dreg:s7], $0x5FFFF  }
0xac: {  	[dreg:$0x1] =	wrdreg $0xFFFFFFFF  }
0xad: {  	[dreg:$0x0] =	wrdreg $0x60  }
0xae: {  	[dreg:$0x2] =	wrdreg s24  }
0xaf: {  	[dreg:$0x3] =	wrdreg s2  }
0xb0: {  	[dreg:$0x4] =	wrdreg $0xA2000  }
0xb1: {  	[dreg:$0x5] =	wrdreg $0x9  }
0xb2: {  	_ =	task.clear_ibuf [dreg:s7], $0x6FFFF;
	_ =	strace $0x9000004C  }
0xb3: {  	s29 =	simm.s32 $0x9;
	_ =	strace $0x8000004E  }
0xb4: {  	_ =	swait.ge [sflag:s29], $0x1  }
0xb5: {  	[sflag:s29] =	ssyncadd.s32 $0xFFFFFFFF  }
0xb6: {  	_ =	strace $0x9000004E  }
0xb7: {  	_ =	sfence  }
0xb8: {  	s30 =	sld [smem:$0x0];
	_ =	sdelay $0x2  }
0xb9: {  	s31 =	sshll.u32 s1, $0xD;
	s1 =	sshrl.u32 s1, $0x2  }
0xba: {  	s3 =	sand.u32 $0x4000, s31;
	s1 =	sadd.s32 s1, s30  }
0xbb: {  	s0 =	sor.u32 s3, s0;
	s1 =	sshll.u32 s1, $0x11  }
0xbc: {  	s0 =	sor.u32 s1, s0  }
0xbd: {  	s0 =	sadd.s32 $0x8F2B, s0  }
0xbe: {  	[sflag:s0] =	ssyncadd.remote.s32 $0x1  }
0xbf: {  	_ =	sfence.sel $0xFFFF  }
0xc0: {  	[dreg:$0x0] =	wrdreg $0xFFFFFFFF;
	(pc) =	sbr.abs _section_cstart, $3  }
0xc1: {  	[dreg:$0x1] =	wrdreg $0xFFFFFFFF  }
0xc2: {  	_ =	task.clear_ibuf [dreg:s7], $0x2FFFF;
	_ =	strace $0x9FFFFFFF  }
0xc3: {  	(tm) =	ssettm $0x7FFFFFFF  }
tec
execute0_lowered:
.L_overlay_start_1:
0x0: {  	(tag) =	ssettag $0x1  }
0x1: {  	s0 =	rddreg [dreg:$0x0]  }
0x2: {  	s2 =	rddreg [dreg:$0x1]  }
0x3: {  	s1 =	rddreg [dreg:$0x2];
	s12 =	stileid.u32  }
0x4: {  	s3 =	srdreg.scid;
	s6 =	smul.u32 $0x14000, s12  }
0x5: {  	s28 =	simm.s32 $0x100;
	s29 =	simm.s32 $0x7A00;
	s11 =	smul.u32 $0x50000, s12  }
0x6: {  	s30 =	simm.s32 $0x180;
	s31 =	simm.s32 $0x1;
	s15 =	smul.u32 $0xAA0, s12  }
0x7: {  	s4 =	sand.u32 $0x1, s3;
	s3 =	simm.s32 $0x0;
	s19 =	smul.u32 $0xAA00, s12  }
0x8: {  	s8 =	sadd.s32 $0x2FA200, s0;
	s24 =	sshll.u32 s12, $0x6;
	s5 =	smul.u32 $0x140000, s4  }
0x9: {  	[smem:$0x7FF] =	sst s3;
	s7 =	sshll.u32 s4, $0x4;
	s26 =	smul.u32 $0xAA00, s4  }
0xa: {  	s21 =	ssub.s32 $0x2, s4;
	s4 =	smul.u32 $0xAA000, s4;
	s7 =	sor.u32 s12, s7  }
0xb: {  	_ =	strace $0x8000004D;
	s10 =	sshrl.u32 s21, $0x1;
	s9 =	smul.u32 $0xAA0, s7  }
0xc: {  	s23 =	sshrl.u32 s11, $0x2;
	s11 =	simm.s32 $0x0;
	s22 =	smul.u32 $0xAA00, s7  }
0xd: {  	s5 =	sadd.s32 s6, s5;
	s7 =	smul.u32 $0x55000, s7;
	s6 =	sadd.s32 s23, s1  }
0xe: {  	s18 =	sadd.s32 s15, s26;
	s20 =	sadd.s32 s4, s8;
	s5 =	sshrl.u32 s5, $0x3  }
0xf: {  	[dreg:$0x4] =	wrdreg s6;
	s6 =	sor.u32 $0x1C09, s24;
	s23 =	sadd.s32 $0x2AA30, s18  }
0x10: {  	s24 =	sadd.s32 $0x2A990, s18;
	s0 =	sadd.s32 s5, s0;
	s5 =	ssub.s32 s21, s10  }
0x11: {  	s10 =	sadd.s32 s8, s22;
	s9 =	sshrl.u32 s9, $0x3;
	s7 =	sshrl.u32 s7, $0x3  }
0x12: {  	s4 =	sshrl.u32 s24, $0x3;
	s24 =	simm.s32 $0x2A00;
	s25 =	sadd.s32 $0x2000, s0  }
0x13: {  	[dreg:$0x6] =	wrdreg s10;
	s9 =	sadd.s32 s2, s9;
	s7 =	sadd.s32 s8, s7  }
0x14: {  	s10 =	sadd.s32 $0x2A9E0, s18;
	s0 =	sadd.s32 $0x52000, s0;
	[dreg:$0x5] =	wrdreg s25  }
0x15: {  	s5 =	smax.u32 s5, $0x1;
	s26 =	sadd.s32 s4, s2;
	[dreg:$0xe] =	wrdreg s0  }
0x16: {  	s4 =	simm.s32 $0x2;
	s8 =	simm.s32 $0x7;
	[dreg:$0xf] =	wrdreg s5  }
0x17: {  	s13 =	sadd.s32 $0x5500, s9;
	s14 =	sadd.s32 $0x500, s7;
	[dreg:$0x12] =	wrdreg s26  }
0x18: {  	s16 =	sadd.s32 $0xA00, s7;
	s17 =	sadd.s32 $0x5514, s9;
	[dreg:$0x7] =	wrdreg s13  }
0x19: {  	s7 =	sadd.s32 $0xF00, s7;
	s21 =	sshrl.u32 s10, $0x3;
	[dreg:$0x8] =	wrdreg s14  }
0x1a: {  	s25 =	sadd.s32 $0x2A940, s18;
	s0 =	sshrl.u32 s23, $0x3;
	[dreg:$0xa] =	wrdreg s16  }
0x1b: {  	s23 =	simm.s32 $0x200;
	s26 =	simm.s32 $0x5200;
	[dreg:$0xb] =	wrdreg s17  }
0x1c: {  	s10 =	simm.s32 $0x8;
	s13 =	sadd.s32 $0x550A, s9;
	[dreg:$0xc] =	wrdreg s7  }
0x1d: {  	s9 =	sadd.s32 $0x551E, s9;
	s17 =	sadd.s32 s19, s20;
	[dreg:$0x9] =	wrdreg s13  }
.Ltmp0:
0x1e: {  	s22 =	sadd.s32 s21, s2;
	[dreg:$0xd] =	wrdreg s9;
	(pc) =	sbr.rel .LBB2_1-.Ltmp0, $4  }
0x1f: {  	s5 =	sshrl.u32 s25, $0x3;
	s0 =	sadd.s32 s0, s2;
	[dreg:$0x10] =	wrdreg s22  }
0x20: {  	s25 =	simm.s32 $0x80;
	s7 =	simm.s32 $0x3;
	[dreg:$0x11] =	wrdreg s0  }
0x21: {  	s13 =	sadd.s32 s5, s2;
	s22 =	simm.s32 $0x9;
	s0 =	simm.s32 $0x5  }
0x22: {  	s2 =	simm.s32 $0x50;
	s5 =	simm.s32 $0x6;
	s9 =	simm.s32 $0x4  }
.LBB2_4:
0x23: {  	_ =	swait.ge [sflag:s9], $0x2800  }
0x24: {  	[sflag:s9] =	ssyncset.done $0x0  }
0x25: {  	[sflag:s9] =	ssyncadd.s32 $0xFFFFD800  }
0x26: {  	_ =	swait.ge [sflag:s10], $0x50  }
0x27: {  	[sflag:s10] =	ssyncset.done $0x0  }
0x28: {  	[sflag:s10] =	ssyncadd.s32 $0xFFFFFFB0  }
0x29: {  	[spmem:s1] =	stream.indirect.scatter.add.f32 [tilespmem:s29], [sflag:$0x9], $0x80, s30, s2, $0xb8;
	[tilespmem:$0x1E200] =	vst v63  }
0x2a: {  	_ =	swait.ge [sflag:s22], $0x2800  }
0x2b: {  	[sflag:s22] =	ssyncset.done $0x0  }
0x2c: {  	[sflag:s22] =	ssyncadd.s32 $0xFFFFD800  }
0x2d: {  	_ =	swait.ge [sflag:s31], $0x2800  }
0x2e: {  	[sflag:s31] =	ssyncset.done $0x0  }
0x2f: {  	[sflag:s31] =	ssyncadd.s32 $0xFFFFD800  }
0x30: {  	_ =	swait.ge [sflag:s0], $0x50  }
0x31: {  	[sflag:s0] =	ssyncset.done $0x0  }
0x32: {  	[sflag:s0] =	ssyncadd.s32 $0xFFFFFFB0  }
0x33: {  	[spmem:s1] =	stream.indirect.scatter.add.f32 [tilespmem:s23], [sflag:$0x9], $0x80, s3, s2, $0xb8;
	[tilespmem:$0x1E200] =	vst v63  }
0x34: {  	_ =	swait.ge [sflag:s22], $0x2800  }
0x35: {  	[sflag:s22] =	ssyncset.done $0x0  }
0x36: {  	[sflag:s22] =	ssyncadd.s32 $0xFFFFD800  }
0x37: {  	_ =	swait.ge [sflag:s4], $0x2800  }
0x38: {  	[sflag:s4] =	ssyncset.done $0x0  }
0x39: {  	[sflag:s4] =	ssyncadd.s32 $0xFFFFD800  }
0x3a: {  	_ =	swait.ge [sflag:s5], $0x50  }
0x3b: {  	[sflag:s5] =	ssyncset.done $0x0  }
0x3c: {  	[sflag:s5] =	ssyncadd.s32 $0xFFFFFFB0  }
0x3d: {  	[spmem:s1] =	stream.indirect.scatter.add.f32 [tilespmem:s24], [sflag:$0x9], $0x80, s25, s2, $0xb8;
	[tilespmem:$0x1E200] =	vst v63  }
0x3e: {  	_ =	swait.ge [sflag:s22], $0x2800  }
0x3f: {  	[sflag:s22] =	ssyncset.done $0x0  }
0x40: {  	[sflag:s22] =	ssyncadd.s32 $0xFFFFD800  }
0x41: {  	[bflag:$0x0] =	sbarrier.arrive $0xFFFF  }
0x42: {  	s14 =	rddreg [dreg:$0xe]  }
0x43: {  	[hbm:s14], [sflag:s6] =	dma.local [spmem:s12], $0x2800  }
0x44: {  	_ =	swait.ge [sflag:s22], $0x2800  }
0x45: {  	s11 =	sadd.s32 $0x1, s11;
	s21 =	rddreg [dreg:$0xf]  }
0x46: {  	p0 =	sne.s32 s11, s21  }
.Ltmp1:
0x47: {  	_ = 	snop;
	(pc) =	sbr.rel @!p0 .LBB2_5-.Ltmp1, $3  }
0x48: {  	_ =	sdelay $0x1  }
0x49: {  	[sflag:s22] =	ssyncset.done $0x0  }
0x4a: {  	[sflag:s22] =	ssyncadd.s32 $0xFFFFD800  }
.LBB2_1:
0x4b: {  	s12 =	rddreg [dreg:$0x4]  }
0x4c: {  	s14 =	rddreg [dreg:$0x5];
	s12 =	sshrl.u32 s12, $0x3  }
0x4d: {  	[spmem:s12], [sflag:s6] =	dma.local [hbm:s14], $0x2800  }
0x4e: {  	_ =	swait.ge [sflag:s22], $0x2800  }
0x4f: {  	[sflag:s22] =	ssyncset.done $0x0  }
0x50: {  	[sflag:s22] =	ssyncadd.s32 $0xFFFFD800  }
0x51: {  	[bflag:$0x0] =	sbarrier.arrive $0xFFFF  }
0x52: {  	s20 =	rddreg [dreg:$0x6]  }
0x53: {  	s21 =	rddreg [dreg:$0x7]  }
0x54: {  	s15 =	rddreg [dreg:$0x8]  }
0x55: {  	[tilespmem:s23], [sflag:$0x1] =	stream.linear.gather [hbm4b:s20+s3], $0x2800, $0x38;
	[tilespmem:$0x1E200] =	vst v63  }
0x56: {  	s16 =	rddreg [dreg:$0x9]  }
0x57: {  	[tilespmem:s3], [sflag:$0x5] =	stream.linear.gather [hbm4b:s21+s3], $0x50, $0x38;
	[tilespmem:$0x1E200] =	vst v63  }
0x58: {  	s18 =	rddreg [dreg:$0xa]  }
0x59: {  	[tilespmem:s24], [sflag:$0x2] =	stream.linear.gather [hbm4b:s15+s3], $0x2800, $0x38;
	[tilespmem:$0x1E200] =	vst v63  }
0x5a: {  	s19 =	rddreg [dreg:$0xb]  }
0x5b: {  	[tilespmem:s25], [sflag:$0x6] =	stream.linear.gather [hbm4b:s16+s3], $0x50, $0x38;
	[tilespmem:$0x1E200] =	vst v63  }
0x5c: {  	s20 =	rddreg [dreg:$0xc]  }
0x5d: {  	[tilespmem:s26], [sflag:$0x3] =	stream.linear.gather [hbm4b:s18+s3], $0x2800, $0x38;
	[tilespmem:$0x1E200] =	vst v63  }
0x5e: {  	s21 =	rddreg [dreg:$0xd]  }
0x5f: {  	[tilespmem:s28], [sflag:$0x7] =	stream.linear.gather [hbm4b:s19+s3], $0x50, $0x38;
	[tilespmem:$0x1E200] =	vst v63  }
0x60: {  	s18 =	rddreg [dreg:$0x10]  }
0x61: {  	[tilespmem:s29], [sflag:$0x4] =	stream.linear.gather [hbm4b:s20+s3], $0x2800, $0x38;
	[tilespmem:$0x1E200] =	vst v63  }
0x62: {  	s19 =	rddreg [dreg:$0x11]  }
0x63: {  	[tilespmem:s30], [sflag:$0x8] =	stream.linear.gather [hbm4b:s21+s3], $0x50, $0x38;
	[tilespmem:$0x1E200] =	vst v63  }
0x64: {  	s16 =	simm.s32 $0x0;
	s20 =	rddreg [dreg:$0x12];
	s21 =	smov.u32 s13  }
.LBB2_2:
0x65: {  	_ =	swait.ge [sflag:s31], $0x2800  }
0x66: {  	[sflag:s31] =	ssyncset.done $0x0  }
0x67: {  	[sflag:s31] =	ssyncadd.s32 $0xFFFFD800  }
0x68: {  	_ =	swait.ge [sflag:s0], $0x50  }
0x69: {  	[sflag:s0] =	ssyncset.done $0x0  }
0x6a: {  	[sflag:s0] =	ssyncadd.s32 $0xFFFFFFB0  }
0x6b: {  	[spmem:s1] =	stream.indirect.scatter.add.f32 [tilespmem:s23], [sflag:$0x9], $0x80, s3, s2, $0xb8;
	[tilespmem:$0x1E200] =	vst v63  }
0x6c: {  	_ =	swait.ge [sflag:s22], $0x2800  }
0x6d: {  	s15 =	sadd.s32 s16, s17;
	[sflag:s22] =	ssyncset.done $0x0  }
0x6e: {  	s14 =	sadd.s32 $0x1400, s15;
	[sflag:s22] =	ssyncadd.s32 $0xFFFFD800  }
0x6f: {  	[tilespmem:s23], [sflag:$0x1] =	stream.linear.gather [hbm4b:s14+s3], $0x2800, $0x38;
	[tilespmem:$0x1E200] =	vst v63  }
0x70: {  	_ = 	snop  }
0x71: {  	[tilespmem:s3], [sflag:$0x5] =	stream.linear.gather [hbm4b:s21+s3], $0x50, $0x38;
	[tilespmem:$0x1E200] =	vst v63  }
0x72: {  	_ =	swait.ge [sflag:s4], $0x2800  }
0x73: {  	[sflag:s4] =	ssyncset.done $0x0  }
0x74: {  	[sflag:s4] =	ssyncadd.s32 $0xFFFFD800  }
0x75: {  	_ =	swait.ge [sflag:s5], $0x50  }
0x76: {  	[sflag:s5] =	ssyncset.done $0x0  }
0x77: {  	[sflag:s5] =	ssyncadd.s32 $0xFFFFFFB0  }
0x78: {  	[spmem:s1] =	stream.indirect.scatter.add.f32 [tilespmem:s24], [sflag:$0x9], $0x80, s25, s2, $0xb8;
	[tilespmem:$0x1E200] =	vst v63  }
0x79: {  	_ =	swait.ge [sflag:s22], $0x2800  }
0x7a: {  	[sflag:s22] =	ssyncset.done $0x0  }
0x7b: {  	s14 =	sadd.s32 $0x1900, s15;
	[sflag:s22] =	ssyncadd.s32 $0xFFFFD800  }
0x7c: {  	[tilespmem:s24], [sflag:$0x2] =	stream.linear.gather [hbm4b:s14+s3], $0x2800, $0x38;
	[tilespmem:$0x1E200] =	vst v63  }
0x7d: {  	_ = 	snop  }
0x7e: {  	[tilespmem:s25], [sflag:$0x6] =	stream.linear.gather [hbm4b:s20+s3], $0x50, $0x38;
	[tilespmem:$0x1E200] =	vst v63  }
0x7f: {  	_ =	swait.ge [sflag:s7], $0x2800  }
0x80: {  	[sflag:s7] =	ssyncset.done $0x0  }
0x81: {  	[sflag:s7] =	ssyncadd.s32 $0xFFFFD800  }
0x82: {  	_ =	swait.ge [sflag:s8], $0x50  }
0x83: {  	p0 =	seq.s32 s16, $0x8C00;
	[sflag:s8] =	ssyncset.done $0x0  }
.Ltmp2:
0x84: {  	[sflag:s8] =	ssyncadd.s32 $0xFFFFFFB0;
	(pc) =	sbr.rel @p0 .LBB2_4-.Ltmp2, $4  }
0x85: {  	[spmem:s1] =	stream.indirect.scatter.add.f32 [tilespmem:s26], [sflag:$0x9], $0x80, s28, s2, $0xb8;
	[tilespmem:$0x1E200] =	vst v63  }
0x86: {  	_ =	swait.ge [sflag:s22], $0x2800  }
0x87: {  	[sflag:s22] =	ssyncset.done $0x0  }
0x88: {  	[sflag:s22] =	ssyncadd.s32 $0xFFFFD800  }
0x89: {  	s14 =	sadd.s32 $0x1E00, s15  }
0x8a: {  	[tilespmem:s26], [sflag:$0x3] =	stream.linear.gather [hbm4b:s14+s3], $0x2800, $0x38;
	[tilespmem:$0x1E200] =	vst v63  }
0x8b: {  	_ = 	snop  }
0x8c: {  	[tilespmem:s28], [sflag:$0x7] =	stream.linear.gather [hbm4b:s18+s3], $0x50, $0x38;
	[tilespmem:$0x1E200] =	vst v63  }
0x8d: {  	_ =	swait.ge [sflag:s9], $0x2800  }
0x8e: {  	[sflag:s9] =	ssyncset.done $0x0  }
0x8f: {  	[sflag:s9] =	ssyncadd.s32 $0xFFFFD800  }
0x90: {  	_ =	swait.ge [sflag:s10], $0x50  }
0x91: {  	[sflag:s10] =	ssyncset.done $0x0  }
0x92: {  	[sflag:s10] =	ssyncadd.s32 $0xFFFFFFB0  }
0x93: {  	[spmem:s1] =	stream.indirect.scatter.add.f32 [tilespmem:s29], [sflag:$0x9], $0x80, s30, s2, $0xb8;
	[tilespmem:$0x1E200] =	vst v63  }
0x94: {  	_ =	swait.ge [sflag:s22], $0x2800  }
0x95: {  	[sflag:s22] =	ssyncset.done $0x0  }
.Ltmp3:
0x96: {  	s15 =	sadd.s32 $0x2300, s15;
	[sflag:s22] =	ssyncadd.s32 $0xFFFFD800;
	(pc) =	sbr.rel .LBB2_2-.Ltmp3, $4  }
0x97: {  	[tilespmem:s29], [sflag:$0x4] =	stream.linear.gather [hbm4b:s15+s3], $0x2800, $0x38;
	[tilespmem:$0x1E200] =	vst v63  }
0x98: {  	s16 =	sadd.s32 $0x1400, s16;
	s20 =	sadd.s32 $0x28, s20  }
0x99: {  	[tilespmem:s30], [sflag:$0x8] =	stream.linear.gather [hbm4b:s19+s3], $0x50, $0x38;
	[tilespmem:$0x1E200] =	vst v63  }
0x9a: {  	s21 =	sadd.s32 $0x28, s21;
	s18 =	sadd.s32 $0x28, s18;
	s19 =	sadd.s32 $0x28, s19  }
.LBB2_5:
0x9b: {  	_ =	sfence.sel $0x180000  }
0x9c: {  	[bflag:$0x0] =	sbarrier.arrive $0xFFFF  }
0x9d: {  	_ =	strace $0x9000004D  }
0x9e: {  	s0 =	stileid.u32;
	[bflag:$0x2] =	sbarrier.arrive $0xFFFF  }
0x9f: {  	p0 =	sne.s32 s0, $0x0;
	s0 =	rddreg [dreg:$0x3]  }
0xa0: {  	s0 =	sadd.s32 @!p0 $0x100000, s0  }
0xa1: {  	[sflag:s0] =	ssyncadd.tile.s32 @!p0 $0x1;
	_ =	shalt  }
.Lfunc_end2:
_tile_overlayer_lowered:
.L_overlay_start_2:
0xa2: {  	(tag) =	ssettag $0x2  }
0xa3: {  	s0 =	rddreg [dreg:$0x0];
	s2 =	stileid.u32  }
0xa4: {  	s1 =	rddreg [dreg:$0x1];
	p0 =	sne.s32 s2, $0x0  }
0xa5: {  	s3 =	rddreg [dreg:$0x2];
	[bflag:$0x3] =	sbarrier.arrive $0xFFFF;
	s2 =	simm.s32 @!p0 $0x1C09  }
0xa6: {  	[timem:s3], [sflag:s2] =	dma.local @!p0 [hbm:s0], s1  }
0xa7: {  	s0 =	simm.s32 @!p0 $0x9  }
0xa8: {  	_ =	swait.ge @!p0 [sflag:s0], s1  }
0xa9: {  	s1 =	ssub.s32 @!p0 $0x0, s1;
	[sflag:s0] =	ssyncset.done @!p0 $0x0  }
0xaa: {  	[sflag:s0] =	ssyncadd.s32 @!p0 s1  }
0xab: {  	[bflag:$0x3] =	sbarrier.arrive $0xFFFF  }
0xac: {  	_ =	shalt  }

// kernel: kernel.20.cloned.1.call-start
scs
__scs_entry_jumppad:
0x0: {  	(pc) =	sbr.rel $0x88, $3  }
0x1: {  	(tag) =	ssettag $0x0;
	lr =	simm.s32 $0x1  }
0x2: {  	[smem:$0x3F99] =	sst lr;
	_ =	strace $0xD0000000  }
0x3: {  	_ = 	snop  }
0x4: {  	_ = 	snop  }
0x5: {  	_ = 	snop  }
0x6: {  	_ = 	snop  }
0x7: {  	_ = 	snop  }
__scs_overlays_trampoline_lowered:
0x8: {  	[smem:$0x3FA8] =	sst s0  }
0x9: {  	[smem:$0x3FA9] =	sst s1  }
0xa: {  	[smem:$0x3FAA] =	sst s2  }
0xb: {  	[smem:$0x3FAB] =	sst s3  }
0xc: {  	[smem:$0x3FAC] =	sst s4  }
0xd: {  	[smem:$0x3FAD] =	sst s5  }
0xe: {  	[smem:$0x3FAE] =	sst s6  }
0xf: {  	[smem:$0x3FAF] =	sst s7  }
0x10: {  	[smem:$0x3FB0] =	sst s8  }
0x11: {  	[smem:$0x3FB1] =	sst s9;
	s0 =	simm.s32 @!p0 $0x0  }
0x12: {  	s1 =	sld [smem:$0x3F97];
	s0 =	simm.s32 @p0 $0x1  }
0x13: {  	[smem:$0x3FB2] =	sst s0;
	s0 =	simm.s32 @!p1 $0x0  }
0x14: {  	s2 =	sld [smem:$0x3F96];
	s0 =	simm.s32 @p1 $0x1  }
0x15: {  	[smem:$0x3FB3] =	sst s0;
	s0 =	simm.s32 @!p2 $0x0  }
0x16: {  	s3 =	sld [smem:$0x3FDB];
	s0 =	simm.s32 @p2 $0x1  }
0x17: {  	s4 =	simm.s32 $0x1BF5;
	[smem:$0x3FB5] =	sst s0  }
0x18: {  	s0 =	sld [smem:$0x3F98];
	_ =	swait.ge [sflag:s4], $0x0  }
0x19: {  	s7 =	sld [smem:$0x3F99]  }
0x1a: {  	s8 =	sadd.s32 $0xFFFFE003, lr  }
0x1b: {  	s9 =	sadd.s32 $0xFFFFFEF7, lr;
	s5 =	simm.s32 $0xFFFFFFFF;
	p2 =	slt.u32 s8, $0xFFFFF086  }
0x1c: {  	p1 =	slt.u32 s9, $0xF7A;
	s5 =	simm.s32 @!p2 $0x0  }
0x1d: {  	s5 =	simm.s32 @p1 $0x1;
	p0 =	seq.s32 s7, s2  }
0x1e: {  	s7 =	smul.u32 @!p0 $0xF7A, s2;
	p2 =	seq.s32 @!p0 s5, $0x0  }
0x1f: {  	s9 =	smul.u32 $0xF7A, s1;
	s8 =	simm.s32 @!p0 $0x1BF5;
	p2 =	por !p2, p0  }
0x20: {  	[sflag:s8] =	ssyncset.s32 @!p0 $0xFFFFF086;
	s6 =	sadd.s32 @!p0 s3, s7;
	s7 =	simm.s32 @!p0 $0x108  }
0x21: {  	s3 =	sadd.s32 s3, s9;
	s6 =	sadd.s32 @!p0 $0x88, s6;
	s7 =	simm.s32 @p2 $0x1082  }
0x22: {  	[simem:s7], [sflag:s8] =	dma.local @!p0 [hbm:s6], $0xF7A  }
0x23: {  	s9 =	sor.u32 $0xD0000000, s2;
	s6 =	simm.s32 $0x108;
	_ =	swait.ge @!p0 [sflag:s8], $0x0  }
0x24: {  	s3 =	sadd.s32 $0x88, s3;
	s6 =	simm.s32 @!p1 $0x1082;
	[sflag:s4] =	ssyncset.s32 $0xFFFFF086  }
0x25: {  	[simem:s6], [sflag:s4] =	dma.local [hbm:s3], $0xF7A  }
0x26: {  	[smem:$0x3F99] =	sst s1;
	(tag) =	ssettag s2;
	_ =	strace s9  }
0x27: {  	s1 =	sld [smem:$0x3FA9]  }
0x28: {  	s2 =	sld [smem:$0x3FAA]  }
0x29: {  	s4 =	sld [smem:$0x3FAC]  }
0x2a: {  	p0 =	seq.s32 s5, $0x0;
	s5 =	sld [smem:$0x3FAD]  }
0x2b: {  	s6 =	sld [smem:$0x3FAE]  }
0x2c: {  	s7 =	sld [smem:$0x3FAF]  }
0x2d: {  	s3 =	simm.s32 $0x108;
	s8 =	sld [smem:$0x3FB0]  }
0x2e: {  	s3 =	simm.s32 @!p0 $0x1082;
	s9 =	sld [smem:$0x3FB1]  }
0x2f: {  	lr =	sadd.s32 s0, s3;
	s0 =	sld [smem:$0x3FA8]  }
0x30: {  	s3 =	sld [smem:$0x3FAB]  }
0x31: {  	[smem:$0x3FB4] =	sst s10  }
0x32: {  	s10 =	sld [smem:$0x3FB2];
	_ =	sdelay $0x3  }
0x33: {  	p0 =	seq.s32 s10, $0x1;
	s10 =	sld [smem:$0x3FB4];
	_ =	sdelay $0x3  }
0x34: {  	[smem:$0x3FB4] =	sst s10  }
0x35: {  	s10 =	sld [smem:$0x3FB3];
	_ =	sdelay $0x3  }
0x36: {  	p1 =	seq.s32 s10, $0x1;
	s10 =	sld [smem:$0x3FB4];
	_ =	sdelay $0x3  }
0x37: {  	[smem:$0x3FB4] =	sst s10  }
0x38: {  	s10 =	sld [smem:$0x3FB5]  }
0x39: {  	_ = 	snop;
	(pc) =	sbr.ind lr, $3  }
0x3a: {  	_ = 	snop  }
0x3b: {  	_ = 	snop  }
0x3c: {  	p2 =	seq.s32 s10, $0x1;
	s10 =	sld [smem:$0x3FB4]  }
0x3d: {  	_ =	shalt  }
0x3e: {  	_ =	shalt  }
0x3f: {  	_ =	shalt  }
0x40: {  	_ =	shalt  }
0x41: {  	_ =	shalt  }
0x42: {  	_ =	shalt  }
0x43: {  	_ =	shalt  }
0x44: {  	_ =	shalt  }
0x45: {  	_ =	shalt  }
0x46: {  	_ =	shalt  }
0x47: {  	_ =	shalt  }
0x48: {  	_ =	shalt  }
0x49: {  	_ =	shalt  }
0x4a: {  	_ =	shalt  }
0x4b: {  	_ =	shalt  }
0x4c: {  	_ =	shalt  }
0x4d: {  	_ =	shalt  }
0x4e: {  	_ =	shalt  }
0x4f: {  	_ =	shalt  }
0x50: {  	_ =	shalt  }
0x51: {  	_ =	shalt  }
0x52: {  	_ =	shalt  }
0x53: {  	_ =	shalt  }
0x54: {  	_ =	shalt  }
0x55: {  	_ =	shalt  }
0x56: {  	_ =	shalt  }
0x57: {  	_ =	shalt  }
0x58: {  	_ =	shalt  }
0x59: {  	_ =	shalt  }
0x5a: {  	_ =	shalt  }
0x5b: {  	_ =	shalt  }
0x5c: {  	_ =	shalt  }
0x5d: {  	_ =	shalt  }
0x5e: {  	_ =	shalt  }
0x5f: {  	_ =	shalt  }
0x60: {  	_ =	shalt  }
0x61: {  	_ =	shalt  }
0x62: {  	_ =	shalt  }
0x63: {  	_ =	shalt  }
0x64: {  	_ =	shalt  }
0x65: {  	_ =	shalt  }
0x66: {  	_ =	shalt  }
0x67: {  	_ =	shalt  }
0x68: {  	_ =	shalt  }
0x69: {  	_ =	shalt  }
0x6a: {  	_ =	shalt  }
0x6b: {  	_ =	shalt  }
0x6c: {  	_ =	shalt  }
0x6d: {  	_ =	shalt  }
0x6e: {  	_ =	shalt  }
0x6f: {  	_ =	shalt  }
0x70: {  	_ =	shalt  }
0x71: {  	_ =	shalt  }
0x72: {  	_ =	shalt  }
0x73: {  	_ =	shalt  }
0x74: {  	_ =	shalt  }
0x75: {  	_ =	shalt  }
0x76: {  	_ =	shalt  }
0x77: {  	_ =	shalt  }
0x78: {  	_ =	shalt  }
0x79: {  	_ =	shalt  }
0x7a: {  	_ =	shalt  }
0x7b: {  	_ =	shalt  }
0x7c: {  	_ =	shalt  }
0x7d: {  	_ =	shalt  }
0x7e: {  	_ =	shalt  }
0x7f: {  	_ =	shalt  }
0x80: {  	_ =	shalt  }
0x81: {  	_ =	shalt  }
0x82: {  	_ =	shalt  }
0x83: {  	_ =	shalt  }
0x84: {  	_ =	shalt  }
0x85: {  	_ =	shalt  }
0x86: {  	_ =	shalt  }
0x87: {  	_ =	shalt  }
.Lfunc_end0:
.L_simem_size_0:
called_computation.3_lowered:
.L_overlay_start_0:
0x88: {  	s2 =	sld [smem:$0x3FD9]  }
0x89: {  	s3 =	sld [smem:$0x3FFE];
	_ =	sdelay $0x1  }
0x8a: {  	s1 =	srdreg.scid  }
0x8b: {  	s0 =	sand.u32 $0x1, s1  }
0x8c: {  	s17 =	sshll.u32 s0, $0xA;
	s2 =	sadd.s32 s3, s2  }
0x8d: {  	s2 =	sadd.s32 s2, s17  }
0x8e: {  	[smem:$0x3FC0] =	sst s2  }
0x8f: {  	_ = 	snop  }
0x90: {  	s2 =	sld [smem:$0x3FC6];
	(tm) =	ssettm $0x1  }
0x91: {  	s18 =	sld [smem:$0x3FFB];
	_ =	sdelay $0x3  }
0x92: {  	_ =	strace s18  }
0x93: {  	s3 =	sld [smem:$0x3FFC];
	_ =	sdelay $0x3  }
0x94: {  	_ =	strace s3  }
0x95: {  	s3 =	sld [smem:$0x3FFD];
	_ =	sdelay $0x3  }
0x96: {  	_ =	strace s3  }
0x97: {  	_ =	strace $0x8FFFFFFF  }
0x98: {  	s19 =	sld [smem:$0x3FDB];
	_ =	sdelay $0x1  }
0x99: {  	s4 =	simm.s32 $_scs_section_size  }
0x9a: {  	s5 =	simm.s32 $_size__tile_overlayer_lowered;
	s6 =	simm.s32 $_tile_overlayer_lowered  }
0x9b: {  	s22 =	simm.s32 $0x1BFF;
	s21 =	sshll.u32 s6, $0x1;
	s3 =	sadd.s32 s4, s19  }
0x9c: {  	s7 =	simm.s32 $0x0;
	s20 =	sshll.u32 s5, $0x1;
	s5 =	sadd.s32 s21, s3  }
0x9d: {  	[timem:s7], [sflag:s22] =	dma.local [hbm:s5], s20  }
0x9e: {  	_ =	swait.ge [sflag:s22], s20  }
0x9f: {  	s4 =	ssub.s32 $0x0, s20;
	[sflag:s22] =	ssyncset.done $0x0  }
0xa0: {  	[sflag:s22] =	ssyncadd.s32 s4;
	_ =	sdelay $0x1  }
0xa1: {  	s23 =	simm.s32 $0x1B8B  }
0xa2: {  	_ =	swait.ge [sflag:s23], $0x1  }
0xa3: {  	[sflag:s23] =	ssyncset.done $0x0  }
0xa4: {  	s25 =	simm.s32 $0x1B8E;
	s24 =	sld [smem:$0x3FFE];
	[sflag:s23] =	ssyncadd.s32 $0xFFFFFFFF  }
0xa5: {  	s26 =	simm.s32 $execute0_lowered;
	[smem:$0x3FD2] =	sst s25  }
0xa6: {  	s5 =	sshll.u32 s26, $0x1;
	_ =	strace $0x8000004F;
	[dreg:$0x1] =	wrdreg $0xFFFFFFFF  }
0xa7: {  	s28 =	simm.s32 $_size_execute0_lowered;
	s3 =	sadd.s32 s3, s5;
	[dreg:$0x0] =	wrdreg $0x0  }
0xa8: {  	s5 =	sshll.u32 s28, $0x1;
	[dreg:$0x2] =	wrdreg s3  }
0xa9: {  	[dreg:$0x3] =	wrdreg s5  }
0xaa: {  	[dreg:$0x4] =	wrdreg $0xC0  }
0xab: {  	_ =	task [dreg:s7], $0x5FFFF  }
0xac: {  	[dreg:$0x1] =	wrdreg $0xFFFFFFFF  }
0xad: {  	[dreg:$0x0] =	wrdreg $0x60  }
0xae: {  	[dreg:$0x2] =	wrdreg s24  }
0xaf: {  	[dreg:$0x3] =	wrdreg s2  }
0xb0: {  	[dreg:$0x4] =	wrdreg $0xA2000  }
0xb1: {  	[dreg:$0x5] =	wrdreg $0x9  }
0xb2: {  	_ =	task.clear_ibuf [dreg:s7], $0x6FFFF;
	_ =	strace $0x9000004F  }
0xb3: {  	s29 =	simm.s32 $0x9;
	_ =	strace $0x80000051  }
0xb4: {  	_ =	swait.ge [sflag:s29], $0x1  }
0xb5: {  	[sflag:s29] =	ssyncadd.s32 $0xFFFFFFFF  }
0xb6: {  	_ =	strace $0x90000051  }
0xb7: {  	_ =	sfence  }
0xb8: {  	s30 =	sld [smem:$0x0];
	_ =	sdelay $0x2  }
0xb9: {  	s31 =	sshll.u32 s1, $0xD;
	s1 =	sshrl.u32 s1, $0x2  }
0xba: {  	s3 =	sand.u32 $0x4000, s31;
	s1 =	sadd.s32 s1, s30  }
0xbb: {  	s0 =	sor.u32 s3, s0;
	s1 =	sshll.u32 s1, $0x11  }
0xbc: {  	s0 =	sor.u32 s1, s0  }
0xbd: {  	s0 =	sadd.s32 $0x8F2B, s0  }
0xbe: {  	[sflag:s0] =	ssyncadd.remote.s32 $0x1  }
0xbf: {  	_ =	sfence.sel $0xFFFF  }
0xc0: {  	[dreg:$0x0] =	wrdreg $0xFFFFFFFF;
	(pc) =	sbr.abs _section_cstart, $3  }
0xc1: {  	[dreg:$0x1] =	wrdreg $0xFFFFFFFF  }
0xc2: {  	_ =	task.clear_ibuf [dreg:s7], $0x2FFFF;
	_ =	strace $0x9FFFFFFF  }
0xc3: {  	(tm) =	ssettm $0x7FFFFFFF  }
tec
execute0_lowered:
.L_overlay_start_1:
0x0: {  	(tag) =	ssettag $0x1  }
0x1: {  	s0 =	rddreg [dreg:$0x0]  }
0x2: {  	s2 =	rddreg [dreg:$0x1]  }
0x3: {  	s1 =	rddreg [dreg:$0x2];
	s12 =	stileid.u32  }
0x4: {  	s3 =	srdreg.scid;
	s6 =	smul.u32 $0x14000, s12  }
0x5: {  	s28 =	simm.s32 $0x100;
	s29 =	simm.s32 $0x7A00;
	s11 =	smul.u32 $0x50000, s12  }
0x6: {  	s30 =	simm.s32 $0x180;
	s31 =	simm.s32 $0x1;
	s15 =	smul.u32 $0x730, s12  }
0x7: {  	s4 =	sand.u32 $0x1, s3;
	s3 =	simm.s32 $0x0;
	s19 =	smul.u32 $0x7300, s12  }
0x8: {  	s8 =	sadd.s32 $0xA2000, s0;
	s24 =	sshll.u32 s12, $0x6;
	s5 =	smul.u32 $0x140000, s4  }
0x9: {  	[smem:$0x7FF] =	sst s3;
	s7 =	sshll.u32 s4, $0x4;
	s26 =	smul.u32 $0x7300, s4  }
0xa: {  	s21 =	ssub.s32 $0x2, s4;
	s4 =	smul.u32 $0x73000, s4;
	s7 =	sor.u32 s12, s7  }
0xb: {  	_ =	strace $0x80000050;
	s10 =	sshrl.u32 s21, $0x1;
	s9 =	smul.u32 $0x730, s7  }
0xc: {  	s23 =	sshrl.u32 s11, $0x2;
	s11 =	simm.s32 $0x0;
	s22 =	smul.u32 $0x7300, s7  }
0xd: {  	s5 =	sadd.s32 s6, s5;
	s7 =	smul.u32 $0x39800, s7;
	s6 =	sadd.s32 s23, s1  }
0xe: {  	s18 =	sadd.s32 s15, s26;
	s20 =	sadd.s32 s4, s8;
	s5 =	sshrl.u32 s5, $0x3  }
0xf: {  	[dreg:$0x4] =	wrdreg s6;
	s6 =	sor.u32 $0x1C09, s24;
	s23 =	sadd.s32 $0x3FDE0, s18  }
0x10: {  	s24 =	sadd.s32 $0x3FD90, s18;
	s0 =	sadd.s32 s5, s0;
	s5 =	ssub.s32 s21, s10  }
0x11: {  	s10 =	sadd.s32 s8, s22;
	s9 =	sshrl.u32 s9, $0x3;
	s7 =	sshrl.u32 s7, $0x3  }
0x12: {  	s4 =	sshrl.u32 s24, $0x3;
	s24 =	simm.s32 $0x2A00;
	s25 =	sadd.s32 $0x52000, s0  }
0x13: {  	[dreg:$0x6] =	wrdreg s10;
	s9 =	sadd.s32 s2, s9;
	s7 =	sadd.s32 s8, s7  }
0x14: {  	s10 =	sadd.s32 $0x3FE30, s18;
	s0 =	sadd.s32 $0x2000, s0;
	[dreg:$0x5] =	wrdreg s25  }
0x15: {  	s5 =	smax.u32 s5, $0x1;
	s26 =	sadd.s32 s4, s2;
	[dreg:$0xe] =	wrdreg s0  }
0x16: {  	s4 =	simm.s32 $0x2;
	s8 =	simm.s32 $0x7;
	[dreg:$0xf] =	wrdreg s5  }
0x17: {  	s13 =	sadd.s32 $0x7F80, s9;
	s14 =	sadd.s32 $0x500, s7;
	[dreg:$0x12] =	wrdreg s26  }
0x18: {  	s16 =	sadd.s32 $0xA00, s7;
	s17 =	sadd.s32 $0x7F94, s9;
	[dreg:$0x7] =	wrdreg s13  }
0x19: {  	s7 =	sadd.s32 $0xF00, s7;
	s21 =	sshrl.u32 s10, $0x3;
	[dreg:$0x8] =	wrdreg s14  }
0x1a: {  	s25 =	sadd.s32 $0x3FD40, s18;
	s0 =	sshrl.u32 s23, $0x3;
	[dreg:$0xa] =	wrdreg s16  }
0x1b: {  	s23 =	simm.s32 $0x200;
	s26 =	simm.s32 $0x5200;
	[dreg:$0xb] =	wrdreg s17  }
0x1c: {  	s10 =	simm.s32 $0x8;
	s13 =	sadd.s32 $0x7F8A, s9;
	[dreg:$0xc] =	wrdreg s7  }
0x1d: {  	s9 =	sadd.s32 $0x7F9E, s9;
	s17 =	sadd.s32 s19, s20;
	[dreg:$0x9] =	wrdreg s13  }
.Ltmp0:
0x1e: {  	s22 =	sadd.s32 s21, s2;
	[dreg:$0xd] =	wrdreg s9;
	(pc) =	sbr.rel .LBB2_1-.Ltmp0, $4  }
0x1f: {  	s5 =	sshrl.u32 s25, $0x3;
	s0 =	sadd.s32 s0, s2;
	[dreg:$0x10] =	wrdreg s22  }
0x20: {  	s25 =	simm.s32 $0x80;
	s7 =	simm.s32 $0x3;
	[dreg:$0x11] =	wrdreg s0  }
0x21: {  	s13 =	sadd.s32 s5, s2;
	s22 =	simm.s32 $0x9;
	s0 =	simm.s32 $0x5  }
0x22: {  	s2 =	simm.s32 $0x50;
	s5 =	simm.s32 $0x6;
	s9 =	simm.s32 $0x4  }
.LBB2_4:
0x23: {  	_ =	swait.ge [sflag:s31], $0x2800  }
0x24: {  	[sflag:s31] =	ssyncset.done $0x0  }
0x25: {  	[sflag:s31] =	ssyncadd.s32 $0xFFFFD800  }
0x26: {  	_ =	swait.ge [sflag:s0], $0x50  }
0x27: {  	[sflag:s0] =	ssyncset.done $0x0  }
0x28: {  	[sflag:s0] =	ssyncadd.s32 $0xFFFFFFB0  }
0x29: {  	[spmem:s1] =	stream.indirect.scatter.add.f32 [tilespmem:s23], [sflag:$0x9], $0x80, s3, s2, $0xb8;
	[tilespmem:$0x1E200] =	vst v63  }
0x2a: {  	_ =	swait.ge [sflag:s22], $0x2800  }
0x2b: {  	[sflag:s22] =	ssyncset.done $0x0  }
0x2c: {  	[sflag:s22] =	ssyncadd.s32 $0xFFFFD800  }
0x2d: {  	_ =	swait.ge [sflag:s4], $0x2800  }
0x2e: {  	[sflag:s4] =	ssyncset.done $0x0  }
0x2f: {  	[sflag:s4] =	ssyncadd.s32 $0xFFFFD800  }
0x30: {  	_ =	swait.ge [sflag:s5], $0x50  }
0x31: {  	[sflag:s5] =	ssyncset.done $0x0  }
0x32: {  	[sflag:s5] =	ssyncadd.s32 $0xFFFFFFB0  }
0x33: {  	[spmem:s1] =	stream.indirect.scatter.add.f32 [tilespmem:s24], [sflag:$0x9], $0x80, s25, s2, $0xb8;
	[tilespmem:$0x1E200] =	vst v63  }
0x34: {  	_ =	swait.ge [sflag:s22], $0x2800  }
0x35: {  	[sflag:s22] =	ssyncset.done $0x0  }
0x36: {  	[sflag:s22] =	ssyncadd.s32 $0xFFFFD800  }
0x37: {  	_ =	swait.ge [sflag:s7], $0x2800  }
0x38: {  	[sflag:s7] =	ssyncset.done $0x0  }
0x39: {  	[sflag:s7] =	ssyncadd.s32 $0xFFFFD800  }
0x3a: {  	_ =	swait.ge [sflag:s8], $0x50  }
0x3b: {  	[sflag:s8] =	ssyncset.done $0x0  }
0x3c: {  	[sflag:s8] =	ssyncadd.s32 $0xFFFFFFB0  }
0x3d: {  	[spmem:s1] =	stream.indirect.scatter.add.f32 [tilespmem:s26], [sflag:$0x9], $0x80, s28, s2, $0xb8;
	[tilespmem:$0x1E200] =	vst v63  }
0x3e: {  	_ =	swait.ge [sflag:s22], $0x2800  }
0x3f: {  	[sflag:s22] =	ssyncset.done $0x0  }
0x40: {  	[sflag:s22] =	ssyncadd.s32 $0xFFFFD800  }
0x41: {  	[bflag:$0x0] =	sbarrier.arrive $0xFFFF  }
0x42: {  	s14 =	rddreg [dreg:$0xe]  }
0x43: {  	[hbm:s14], [sflag:s6] =	dma.local [spmem:s12], $0x2800  }
0x44: {  	_ =	swait.ge [sflag:s22], $0x2800  }
0x45: {  	s11 =	sadd.s32 $0x1, s11;
	s21 =	rddreg [dreg:$0xf]  }
0x46: {  	p0 =	sne.s32 s11, s21  }
.Ltmp1:
0x47: {  	_ = 	snop;
	(pc) =	sbr.rel @!p0 .LBB2_5-.Ltmp1, $3  }
0x48: {  	_ =	sdelay $0x1  }
0x49: {  	[sflag:s22] =	ssyncset.done $0x0  }
0x4a: {  	[sflag:s22] =	ssyncadd.s32 $0xFFFFD800  }
.LBB2_1:
0x4b: {  	s12 =	rddreg [dreg:$0x4]  }
0x4c: {  	s14 =	rddreg [dreg:$0x5];
	s12 =	sshrl.u32 s12, $0x3  }
0x4d: {  	[spmem:s12], [sflag:s6] =	dma.local [hbm:s14], $0x2800  }
0x4e: {  	_ =	swait.ge [sflag:s22], $0x2800  }
0x4f: {  	[sflag:s22] =	ssyncset.done $0x0  }
0x50: {  	[sflag:s22] =	ssyncadd.s32 $0xFFFFD800  }
0x51: {  	[bflag:$0x0] =	sbarrier.arrive $0xFFFF  }
0x52: {  	s20 =	rddreg [dreg:$0x6]  }
0x53: {  	s21 =	rddreg [dreg:$0x7]  }
0x54: {  	s15 =	rddreg [dreg:$0x8]  }
0x55: {  	[tilespmem:s23], [sflag:$0x1] =	stream.linear.gather [hbm4b:s20+s3], $0x2800, $0x38;
	[tilespmem:$0x1E200] =	vst v63  }
0x56: {  	s16 =	rddreg [dreg:$0x9]  }
0x57: {  	[tilespmem:s3], [sflag:$0x5] =	stream.linear.gather [hbm4b:s21+s3], $0x50, $0x38;
	[tilespmem:$0x1E200] =	vst v63  }
0x58: {  	s18 =	rddreg [dreg:$0xa]  }
0x59: {  	[tilespmem:s24], [sflag:$0x2] =	stream.linear.gather [hbm4b:s15+s3], $0x2800, $0x38;
	[tilespmem:$0x1E200] =	vst v63  }
0x5a: {  	s19 =	rddreg [dreg:$0xb]  }
0x5b: {  	[tilespmem:s25], [sflag:$0x6] =	stream.linear.gather [hbm4b:s16+s3], $0x50, $0x38;
	[tilespmem:$0x1E200] =	vst v63  }
0x5c: {  	s20 =	rddreg [dreg:$0xc]  }
0x5d: {  	[tilespmem:s26], [sflag:$0x3] =	stream.linear.gather [hbm4b:s18+s3], $0x2800, $0x38;
	[tilespmem:$0x1E200] =	vst v63  }
0x5e: {  	s21 =	rddreg [dreg:$0xd]  }
0x5f: {  	[tilespmem:s28], [sflag:$0x7] =	stream.linear.gather [hbm4b:s19+s3], $0x50, $0x38;
	[tilespmem:$0x1E200] =	vst v63  }
0x60: {  	s18 =	rddreg [dreg:$0x10]  }
0x61: {  	[tilespmem:s29], [sflag:$0x4] =	stream.linear.gather [hbm4b:s20+s3], $0x2800, $0x38;
	[tilespmem:$0x1E200] =	vst v63  }
0x62: {  	s19 =	rddreg [dreg:$0x11]  }
0x63: {  	[tilespmem:s30], [sflag:$0x8] =	stream.linear.gather [hbm4b:s21+s3], $0x50, $0x38;
	[tilespmem:$0x1E200] =	vst v63  }
0x64: {  	s16 =	simm.s32 $0x0;
	s20 =	rddreg [dreg:$0x12];
	s21 =	smov.u32 s13  }
.LBB2_2:
0x65: {  	_ =	swait.ge [sflag:s31], $0x2800  }
0x66: {  	[sflag:s31] =	ssyncset.done $0x0  }
0x67: {  	[sflag:s31] =	ssyncadd.s32 $0xFFFFD800  }
0x68: {  	_ =	swait.ge [sflag:s0], $0x50  }
0x69: {  	[sflag:s0] =	ssyncset.done $0x0  }
0x6a: {  	[sflag:s0] =	ssyncadd.s32 $0xFFFFFFB0  }
0x6b: {  	[spmem:s1] =	stream.indirect.scatter.add.f32 [tilespmem:s23], [sflag:$0x9], $0x80, s3, s2, $0xb8;
	[tilespmem:$0x1E200] =	vst v63  }
0x6c: {  	_ =	swait.ge [sflag:s22], $0x2800  }
0x6d: {  	s15 =	sadd.s32 s16, s17;
	[sflag:s22] =	ssyncset.done $0x0  }
0x6e: {  	s14 =	sadd.s32 $0x1400, s15;
	[sflag:s22] =	ssyncadd.s32 $0xFFFFD800  }
0x6f: {  	[tilespmem:s23], [sflag:$0x1] =	stream.linear.gather [hbm4b:s14+s3], $0x2800, $0x38;
	[tilespmem:$0x1E200] =	vst v63  }
0x70: {  	_ = 	snop  }
0x71: {  	[tilespmem:s3], [sflag:$0x5] =	stream.linear.gather [hbm4b:s21+s3], $0x50, $0x38;
	[tilespmem:$0x1E200] =	vst v63  }
0x72: {  	_ =	swait.ge [sflag:s4], $0x2800  }
0x73: {  	[sflag:s4] =	ssyncset.done $0x0  }
0x74: {  	[sflag:s4] =	ssyncadd.s32 $0xFFFFD800  }
0x75: {  	_ =	swait.ge [sflag:s5], $0x50  }
0x76: {  	[sflag:s5] =	ssyncset.done $0x0  }
0x77: {  	[sflag:s5] =	ssyncadd.s32 $0xFFFFFFB0  }
0x78: {  	[spmem:s1] =	stream.indirect.scatter.add.f32 [tilespmem:s24], [sflag:$0x9], $0x80, s25, s2, $0xb8;
	[tilespmem:$0x1E200] =	vst v63  }
0x79: {  	_ =	swait.ge [sflag:s22], $0x2800  }
0x7a: {  	[sflag:s22] =	ssyncset.done $0x0  }
0x7b: {  	s14 =	sadd.s32 $0x1900, s15;
	[sflag:s22] =	ssyncadd.s32 $0xFFFFD800  }
0x7c: {  	[tilespmem:s24], [sflag:$0x2] =	stream.linear.gather [hbm4b:s14+s3], $0x2800, $0x38;
	[tilespmem:$0x1E200] =	vst v63  }
0x7d: {  	_ = 	snop  }
0x7e: {  	[tilespmem:s25], [sflag:$0x6] =	stream.linear.gather [hbm4b:s20+s3], $0x50, $0x38;
	[tilespmem:$0x1E200] =	vst v63  }
0x7f: {  	_ =	swait.ge [sflag:s7], $0x2800  }
0x80: {  	[sflag:s7] =	ssyncset.done $0x0  }
0x81: {  	[sflag:s7] =	ssyncadd.s32 $0xFFFFD800  }
0x82: {  	_ =	swait.ge [sflag:s8], $0x50  }
0x83: {  	[sflag:s8] =	ssyncset.done $0x0  }
0x84: {  	[sflag:s8] =	ssyncadd.s32 $0xFFFFFFB0  }
0x85: {  	[spmem:s1] =	stream.indirect.scatter.add.f32 [tilespmem:s26], [sflag:$0x9], $0x80, s28, s2, $0xb8;
	[tilespmem:$0x1E200] =	vst v63  }
0x86: {  	_ =	swait.ge [sflag:s22], $0x2800  }
0x87: {  	[sflag:s22] =	ssyncset.done $0x0  }
0x88: {  	s14 =	sadd.s32 $0x1E00, s15;
	[sflag:s22] =	ssyncadd.s32 $0xFFFFD800  }
0x89: {  	[tilespmem:s26], [sflag:$0x3] =	stream.linear.gather [hbm4b:s14+s3], $0x2800, $0x38;
	[tilespmem:$0x1E200] =	vst v63  }
0x8a: {  	_ = 	snop  }
0x8b: {  	[tilespmem:s28], [sflag:$0x7] =	stream.linear.gather [hbm4b:s19+s3], $0x50, $0x38;
	[tilespmem:$0x1E200] =	vst v63  }
0x8c: {  	_ =	swait.ge [sflag:s9], $0x2800  }
0x8d: {  	[sflag:s9] =	ssyncset.done $0x0  }
0x8e: {  	[sflag:s9] =	ssyncadd.s32 $0xFFFFD800  }
0x8f: {  	_ =	swait.ge [sflag:s10], $0x50  }
0x90: {  	p0 =	seq.s32 s16, $0x5000;
	[sflag:s10] =	ssyncset.done $0x0  }
.Ltmp2:
0x91: {  	[sflag:s10] =	ssyncadd.s32 $0xFFFFFFB0;
	(pc) =	sbr.rel @p0 .LBB2_4-.Ltmp2, $4  }
0x92: {  	[spmem:s1] =	stream.indirect.scatter.add.f32 [tilespmem:s29], [sflag:$0x9], $0x80, s30, s2, $0xb8;
	[tilespmem:$0x1E200] =	vst v63  }
0x93: {  	_ =	swait.ge [sflag:s22], $0x2800  }
0x94: {  	[sflag:s22] =	ssyncset.done $0x0  }
0x95: {  	[sflag:s22] =	ssyncadd.s32 $0xFFFFD800  }
.Ltmp3:
0x96: {  	s14 =	sadd.s32 $0x2300, s15;
	(pc) =	sbr.rel .LBB2_2-.Ltmp3, $4  }
0x97: {  	[tilespmem:s29], [sflag:$0x4] =	stream.linear.gather [hbm4b:s14+s3], $0x2800, $0x38;
	[tilespmem:$0x1E200] =	vst v63  }
0x98: {  	s16 =	sadd.s32 $0x1400, s16;
	s19 =	sadd.s32 $0x28, s19  }
0x99: {  	[tilespmem:s30], [sflag:$0x8] =	stream.linear.gather [hbm4b:s18+s3], $0x50, $0x38;
	[tilespmem:$0x1E200] =	vst v63  }
0x9a: {  	s20 =	sadd.s32 $0x28, s20;
	s21 =	sadd.s32 $0x28, s21;
	s18 =	sadd.s32 $0x28, s18  }
.LBB2_5:
0x9b: {  	_ =	sfence.sel $0x180000  }
0x9c: {  	[bflag:$0x0] =	sbarrier.arrive $0xFFFF  }
0x9d: {  	_ =	strace $0x90000050  }
0x9e: {  	s0 =	stileid.u32;
	[bflag:$0x2] =	sbarrier.arrive $0xFFFF  }
0x9f: {  	p0 =	sne.s32 s0, $0x0;
	s0 =	rddreg [dreg:$0x3]  }
0xa0: {  	s0 =	sadd.s32 @!p0 $0x100000, s0  }
0xa1: {  	[sflag:s0] =	ssyncadd.tile.s32 @!p0 $0x1;
	_ =	shalt  }
.Lfunc_end2:
_tile_overlayer_lowered:
.L_overlay_start_2:
0xa2: {  	(tag) =	ssettag $0x2  }
0xa3: {  	s0 =	rddreg [dreg:$0x0];
	s2 =	stileid.u32  }
0xa4: {  	s1 =	rddreg [dreg:$0x1];
	p0 =	sne.s32 s2, $0x0  }
0xa5: {  	s3 =	rddreg [dreg:$0x2];
	[bflag:$0x3] =	sbarrier.arrive $0xFFFF;
	s2 =	simm.s32 @!p0 $0x1C09  }
0xa6: {  	[timem:s3], [sflag:s2] =	dma.local @!p0 [hbm:s0], s1  }
0xa7: {  	s0 =	simm.s32 @!p0 $0x9  }
0xa8: {  	_ =	swait.ge @!p0 [sflag:s0], s1  }
0xa9: {  	s1 =	ssub.s32 @!p0 $0x0, s1;
	[sflag:s0] =	ssyncset.done @!p0 $0x0  }
0xaa: {  	[sflag:s0] =	ssyncadd.s32 @!p0 s1  }
0xab: {  	[bflag:$0x3] =	sbarrier.arrive $0xFFFF  }
0xac: {  	_ =	shalt  }

</sc_bundles>
